<compile_context>
chip_gen: v7x
topology: tpu7x:2x2x1
jax: 0.10.2.dev20260603
libtpu: 0.0.44.dev20260713+nightly
codegen_flags: <defaults>
</compile_context>

<pallas_src>
import jax
import jax.numpy as jnp
from jax import lax
from jax.experimental import pallas as pl
from jax.experimental.pallas import tpu as pltpu
from jax.experimental.pallas import tpu_sc as plsc

N = 100000
IN_DIM = 16
F_DIM = 200
NZ = 128
NC = 2
NS = 16
NW = NC * NS

NBT_A = 11520
NBLK_A = 6
NA_ROWS = NBLK_A * NBT_A
NB_ROWS = N - NA_ROWS
NBT = 4608
NBLK_B = -(-NB_ROWS // NBT)

CHUNK = 160
NCHUNK = NB_ROWS // CHUNK
KMAX = -(-NCHUNK // NW)
NGRP = NZ // 16


def _sc_body(x_hbm, sel_hbm, ov_hbm, out_hbm,
             in0, in1, out0, out1, selv, ovv,
             sin0, sin1, sout0, sout1):
    wid = lax.axis_index("s") * NC + lax.axis_index("c")

    pltpu.sync_copy(sel_hbm, selv)
    pltpu.sync_copy(ov_hbm, ovv)
    sel_vecs = [selv[pl.ds(16 * g, 16)] for g in range(NGRP)]
    ov_vecs = [ovv[pl.ds(16 * g, 16)] for g in range(NGRP)]

    lane = lax.iota(jnp.int32, 16)
    col_vecs = [lane + (16 * g) for g in range(NGRP)]

    in_bufs = [in0, in1]
    out_bufs = [out0, out1]
    sins = [sin0, sin1]
    souts = [sout0, sout1]

    def cid(k):
        return wid + NW * k

    def in_copy(k, b):
        return pltpu.make_async_copy(
            x_hbm.at[pl.ds(cid(k) * CHUNK, CHUNK)], in_bufs[b], sins[b])

    def out_copy(k, b):
        return pltpu.make_async_copy(
            out_bufs[b],
            out_hbm.at[pl.ds(cid(k) * CHUNK, CHUNK)], souts[b])

    def when_valid(k, fn):
        if (k + 1) * NW <= NCHUNK:
            fn()
        else:
            pl.when(cid(k) < NCHUNK)(fn)

    when_valid(0, lambda: in_copy(0, 0).start())
    when_valid(1, lambda: in_copy(1, 1).start())

    for k in range(KMAX):
        b = k & 1

        def step(k=k, b=b):
            in_copy(k, b).wait()
            if k >= 2:
                out_copy(k - 2, b).wait()
            ibuf = in_bufs[b]
            obuf = out_bufs[b]

            @plsc.parallel_loop(0, CHUNK, unroll=4)
            def _rows(r):
                rvec = jnp.full((16,), r, jnp.int32)
                for g in range(NGRP):
                    vals = plsc.load_gather(ibuf, [rvec, sel_vecs[g]])
                    plsc.store_scatter(obuf, [rvec, col_vecs[g]],
                                       vals * ov_vecs[g])

            out_copy(k, b).start()
            if k + 2 < KMAX:
                when_valid(k + 2, lambda: in_copy(k + 2, b).start())

        when_valid(k, step)

    when_valid(KMAX - 2, lambda: out_copy(KMAX - 2, (KMAX - 2) & 1).wait())
    when_valid(KMAX - 1, lambda: out_copy(KMAX - 1, (KMAX - 1) & 1).wait())


_sc_call = pl.kernel(
    _sc_body,
    out_type=jax.ShapeDtypeStruct((NB_ROWS, NZ), jnp.float32),
    mesh=plsc.VectorSubcoreMesh(
        core_axis_name="c", subcore_axis_name="s",
        num_cores=NC, num_subcores=NS),
    scratch_types=[
        pltpu.VMEM((CHUNK, IN_DIM), jnp.float32),
        pltpu.VMEM((CHUNK, IN_DIM), jnp.float32),
        pltpu.VMEM((CHUNK, NZ), jnp.float32),
        pltpu.VMEM((CHUNK, NZ), jnp.float32),
        pltpu.VMEM((NZ,), jnp.int32),
        pltpu.VMEM((NZ,), jnp.float32),
        pltpu.SemaphoreType.DMA,
        pltpu.SemaphoreType.DMA,
        pltpu.SemaphoreType.DMA,
        pltpu.SemaphoreType.DMA,
    ],
    compiler_params=pltpu.CompilerParams(needs_layout_passes=False),
)


def _tca_body(sel_ref, ov_ref, xt_ref, o_ref):
    onehot = (sel_ref[...][:, None]
              == lax.broadcasted_iota(jnp.int32, (NZ, IN_DIM), 1))
    w = onehot.astype(jnp.float32) * ov_ref[...][:, None]
    o_ref[0:NZ, :] = jnp.dot(w, xt_ref[...],
                             precision=lax.Precision.HIGHEST,
                             preferred_element_type=jnp.float32)
    o_ref[NZ:F_DIM, :] = jnp.zeros((F_DIM - NZ, NBT_A), jnp.float32)


_tc_a = pl.pallas_call(
    _tca_body,
    grid=(NBLK_A,),
    in_specs=[
        pl.BlockSpec((NZ,), lambda i: (0,)),
        pl.BlockSpec((NZ,), lambda i: (0,)),
        pl.BlockSpec((IN_DIM, NBT_A), lambda i: (0, i)),
    ],
    out_specs=pl.BlockSpec((F_DIM, NBT_A), lambda i: (0, i)),
    out_shape=jax.ShapeDtypeStruct((F_DIM, N), jnp.float32),
)


def _tcb_body(buf_ref, sc_ref, o_ref):
    del buf_ref
    o_ref[0:NZ, :] = sc_ref[...].T
    o_ref[NZ:F_DIM, :] = jnp.zeros((F_DIM - NZ, NBT), jnp.float32)


_tc_b = pl.pallas_call(
    _tcb_body,
    grid=(NBLK_B,),
    in_specs=[
        pl.BlockSpec(memory_space=pl.ANY),
        pl.BlockSpec((NBT, NZ), lambda i: (i, 0)),
    ],
    out_specs=pl.BlockSpec((F_DIM, NBT),
                           lambda i: (0, i + NA_ROWS // NBT)),
    out_shape=jax.ShapeDtypeStruct((F_DIM, N), jnp.float32),
    input_output_aliases={0: 0},
)


@jax.jit
def kernel(charge_density, overlap_constants, select_indices):
    sel = select_indices.astype(jnp.int32)
    ov = overlap_constants.astype(jnp.float32)
    sc_out = _sc_call(charge_density[NA_ROWS:], sel, ov)
    buf = _tc_a(sel, ov, charge_density.T)
    out_t = _tc_b(buf, sc_out)
    return out_t.T

# --- scband reference (transcript-rebuilt; emitter-appended) ---
"""Pipeline reference for scband-gtoself-interaction-block-6373731467890 (READ-ONLY COPY).

The authoritative reference and input builder live on the scoring server;
editing this copy changes nothing except your own understanding.
"""

import jax, jax.numpy as jnp
import numpy as np
import math

FIELD_CONSTANT = 4.0 * np.pi
L_SOURCE = 3
SIGMA_SOURCE = 1.0
L_RECEIVE = 4
SIGMAS_RECEIVE = [0.5, 0.75, 1.0, 1.5, 2.0, 2.5, 3.0, 4.0]
NORM_SOURCE = 'multipoles'
NORM_RECEIVE = 'receiver'
L_MIN = min(L_SOURCE, L_RECEIVE)
NUM_RADIAL = len(SIGMAS_RECEIVE)
NON_ZERO = NUM_RADIAL * (L_MIN + 1) ** 2
FEATURES_DIM = NUM_RADIAL * (L_RECEIVE + 1) ** 2
N_NODES = 100000
IN_DIM = (L_SOURCE + 1) ** 2


def lower_inc_gamma(a, x):
    # lower incomplete gamma gamma(a, x) via power series (float64)
    x = np.asarray(x, dtype=np.float64)
    term = np.full_like(x, 1.0 / a)
    s = term.copy()
    for n in range(1, 1500):
        term = term * x / (a + n)
        s = s + term
    return np.power(x, a) * np.exp(-x) * s


def get_Cl_sigma(l, sigma, normalize):
    if normalize == 'multipoles':
        l_dep = (4 * np.pi / (2 * l + 1)) ** 0.5 * 2 ** ((2 * l + 1) / 2) * math.gamma((2 * l + 3) / 2)
        inv = l_dep * sigma ** (2 * l + 3)
    elif normalize == 'receiver':
        l_dep = 2 ** ((l + 1) / 2) * math.gamma((l + 3) / 2)
        inv = l_dep * sigma ** (l + 3)
    else:
        inv = 1.0
    return 1.0 / inv


def integral_F1(r, l, sigma):
    r_part = np.power(r, -(l + 1))
    # gammainc(a, x) * Gamma(a) == lower incomplete gamma; the gammainc(l+1.5, 0) term is 0
    gammas = lower_inc_gamma((2 * l + 3) / 2, 0.5 * np.power(r, 2) / sigma ** 2)
    return 2 ** (l + 0.5) * sigma ** (2 * l + 3) * gammas * r_part


def integral_F2(r, l, sigma):
    return sigma ** 2 * np.power(r, l) * np.exp(-0.5 * np.power(r, 2) / sigma ** 2)


def _trapz(y, x):
    return float(np.sum(0.5 * (y[1:] + y[:-1]) * (x[1:] - x[:-1])))


def build_constants():
    overlap = np.zeros(NON_ZERO, dtype=np.float64)
    for ll in range(L_MIN + 1):
        for i_s, sigma_2 in enumerate(SIGMAS_RECEIVE):
            grid = np.linspace(0.0001, 10 * max(sigma_2, SIGMA_SOURCE), 10000)
            F_total = integral_F1(grid, ll, sigma_2) + integral_F2(grid, ll, sigma_2)
            integrand = np.power(grid, ll + 2) * np.exp(-0.5 * np.power(grid, 2) / SIGMA_SOURCE ** 2) * F_total
            value = _trapz(integrand, grid)
            prefactor = FIELD_CONSTANT / (2 * ll + 1)
            Cl_s = get_Cl_sigma(ll, SIGMA_SOURCE, NORM_SOURCE)
            Cl_r = get_Cl_sigma(ll, sigma_2, NORM_RECEIVE)
            for m in range(2 * ll + 1):
                overlap[NUM_RADIAL * ll ** 2 + m + i_s * (2 * ll + 1)] = Cl_s * Cl_r * prefactor * value
    indices = []
    for ll in range(L_MIN + 1):
        for s_i in range(NUM_RADIAL):
            for m in range(2 * ll + 1):
                indices.append(ll ** 2 + m)
    return overlap.astype(np.float32), np.array(indices, dtype=np.int64)


def setup_inputs(seed: int = 0) -> dict:
    key = jax.random.key(seed)
    overlap, sel = build_constants()
    charge_density = jax.random.normal(key, (N_NODES, IN_DIM), dtype=jnp.float32)
    return {
        'charge_density': charge_density,
        'overlap_constants': jnp.asarray(overlap),
        'select_indices': jnp.asarray(sel),
    }


def reference(charge_density, overlap_constants, select_indices):
    qs_expanded = jnp.take(charge_density, select_indices, axis=-1)
    scaled = qs_expanded * overlap_constants[None, :]
    features = jnp.zeros((charge_density.shape[0], FEATURES_DIM), dtype=charge_density.dtype)
    features = features.at[..., :NON_ZERO].set(scaled)
    return features

if __name__ == "__main__":
    import jax
    _d = setup_inputs()
    print(jax.jit(kernel)(*tuple(_d.values())))

</pallas_src>

<mosaic_0001>
#map = affine_map<(d0, d1) -> (0, 0)>
#map1 = affine_map<(d0, d1) -> (0)>
module attributes {stable_mosaic.version = 14 : i64} {
  func.func @_sc_body(%arg0: i32, %arg1: i32, %arg2: memref<30880x16xf32, #tpu.memory_space<hbm>>, %arg3: memref<128xi32, #tpu.memory_space<hbm>>, %arg4: memref<128xf32, #tpu.memory_space<hbm>>, %arg5: memref<30880x128xf32, #tpu.memory_space<hbm>>, %arg6: memref<160x16xf32, #tpu.memory_space<vmem>>, %arg7: memref<160x16xf32, #tpu.memory_space<vmem>>, %arg8: memref<160x128xf32, #tpu.memory_space<vmem>>, %arg9: memref<160x128xf32, #tpu.memory_space<vmem>>, %arg10: memref<128xi32, #tpu.memory_space<vmem>>, %arg11: memref<128xf32, #tpu.memory_space<vmem>>, %arg12: memref<!tpu.dma_semaphore, #tpu.memory_space<semaphore_mem>>, %arg13: memref<!tpu.dma_semaphore, #tpu.memory_space<semaphore_mem>>, %arg14: memref<!tpu.dma_semaphore, #tpu.memory_space<semaphore_mem>>, %arg15: memref<!tpu.dma_semaphore, #tpu.memory_space<semaphore_mem>>) attributes {dimension_semantics = [#tpu.dimension_semantics<core_parallel>, #tpu.dimension_semantics<subcore_parallel>], iteration_bounds = array<i64: 2, 16>, scalar_prefetch = 0 : i64, scratch_operands = 10 : i64, tpu.core_type = #tpu.core_type<sc_vector_subcore>, window_params = [{transform_indices = #map}, {transform_indices = #map1}, {transform_indices = #map1}, {transform_indices = #map}]} {
    %mul3A = arith.constant 2 : i32
    %mul3A_0 = arith.muli %arg1, %mul3A : i32
    %add3A = arith.addi %mul3A_0, %arg0 : i32
    "tpu.region"() ({
      %run_scoped3A = tpu.sem_alloc : memref<!tpu.dma_semaphore, #tpu.memory_space<semaphore_mem>>
      tpu.enqueue_dma source(%arg3 : memref<128xi32, #tpu.memory_space<hbm>>) target(%arg10 : memref<128xi32, #tpu.memory_space<vmem>>) target_semaphore(%run_scoped3A : memref<!tpu.dma_semaphore, #tpu.memory_space<semaphore_mem>>)
      tpu.wait_dma2 semaphore(%run_scoped3A : memref<!tpu.dma_semaphore, #tpu.memory_space<semaphore_mem>>) src(%arg3 : memref<128xi32, #tpu.memory_space<hbm>>) dst(%arg10 : memref<128xi32, #tpu.memory_space<vmem>>)
      tpu.yield
    }) : () -> ()
    "tpu.region"() ({
      %run_scoped3A = tpu.sem_alloc : memref<!tpu.dma_semaphore, #tpu.memory_space<semaphore_mem>>
      tpu.enqueue_dma source(%arg4 : memref<128xf32, #tpu.memory_space<hbm>>) target(%arg11 : memref<128xf32, #tpu.memory_space<vmem>>) target_semaphore(%run_scoped3A : memref<!tpu.dma_semaphore, #tpu.memory_space<semaphore_mem>>)
      tpu.wait_dma2 semaphore(%run_scoped3A : memref<!tpu.dma_semaphore, #tpu.memory_space<semaphore_mem>>) src(%arg4 : memref<128xf32, #tpu.memory_space<hbm>>) dst(%arg11 : memref<128xf32, #tpu.memory_space<vmem>>)
      tpu.yield
    }) : () -> ()
    %get3A = arith.constant 0 : index
    %get3A_1 = tpu.vector_load %arg10[%get3A] {strides = array<i32>} : memref<128xi32, #tpu.memory_space<vmem>>, vector<16xi32>,
    %get3A_2 = arith.constant 16 : index
    %get3A_3 = tpu.vector_load %arg10[%get3A_2] {strides = array<i32>} : memref<128xi32, #tpu.memory_space<vmem>>, vector<16xi32>,
    %get3A_4 = arith.constant 32 : index
    %get3A_5 = tpu.vector_load %arg10[%get3A_4] {strides = array<i32>} : memref<128xi32, #tpu.memory_space<vmem>>, vector<16xi32>,
    %get3A_6 = arith.constant 48 : index
    %get3A_7 = tpu.vector_load %arg10[%get3A_6] {strides = array<i32>} : memref<128xi32, #tpu.memory_space<vmem>>, vector<16xi32>,
    %get3A_8 = arith.constant 64 : index
    %get3A_9 = tpu.vector_load %arg10[%get3A_8] {strides = array<i32>} : memref<128xi32, #tpu.memory_space<vmem>>, vector<16xi32>,
    %get3A_10 = arith.constant 80 : index
    %get3A_11 = tpu.vector_load %arg10[%get3A_10] {strides = array<i32>} : memref<128xi32, #tpu.memory_space<vmem>>, vector<16xi32>,
    %get3A_12 = arith.constant 96 : index
    %get3A_13 = tpu.vector_load %arg10[%get3A_12] {strides = array<i32>} : memref<128xi32, #tpu.memory_space<vmem>>, vector<16xi32>,
    %get3A_14 = arith.constant 112 : index
    %get3A_15 = tpu.vector_load %arg10[%get3A_14] {strides = array<i32>} : memref<128xi32, #tpu.memory_space<vmem>>, vector<16xi32>,
    %get3A_16 = arith.constant 0 : index
    %get3A_17 = tpu.vector_load %arg11[%get3A_16] {strides = array<i32>} : memref<128xf32, #tpu.memory_space<vmem>>, vector<16xf32>,
    %get3A_18 = arith.constant 16 : index
    %get3A_19 = tpu.vector_load %arg11[%get3A_18] {strides = array<i32>} : memref<128xf32, #tpu.memory_space<vmem>>, vector<16xf32>,
    %get3A_20 = arith.constant 32 : index
    %get3A_21 = tpu.vector_load %arg11[%get3A_20] {strides = array<i32>} : memref<128xf32, #tpu.memory_space<vmem>>, vector<16xf32>,
    %get3A_22 = arith.constant 48 : index
    %get3A_23 = tpu.vector_load %arg11[%get3A_22] {strides = array<i32>} : memref<128xf32, #tpu.memory_space<vmem>>, vector<16xf32>,
    %get3A_24 = arith.constant 64 : index
    %get3A_25 = tpu.vector_load %arg11[%get3A_24] {strides = array<i32>} : memref<128xf32, #tpu.memory_space<vmem>>, vector<16xf32>,
    %get3A_26 = arith.constant 80 : index
    %get3A_27 = tpu.vector_load %arg11[%get3A_26] {strides = array<i32>} : memref<128xf32, #tpu.memory_space<vmem>>, vector<16xf32>,
    %get3A_28 = arith.constant 96 : index
    %get3A_29 = tpu.vector_load %arg11[%get3A_28] {strides = array<i32>} : memref<128xf32, #tpu.memory_space<vmem>>, vector<16xf32>,
    %get3A_30 = arith.constant 112 : index
    %get3A_31 = tpu.vector_load %arg11[%get3A_30] {strides = array<i32>} : memref<128xf32, #tpu.memory_space<vmem>>, vector<16xf32>,
    %iota3A = tpu.iota {dimensions = array<i32: 0>} : vector<16xi32>
    %add3A_32 = arith.constant 0 : i32
    %add3A_33 = vector.broadcast %add3A_32 : i32 to vector<16xi32>
    %add3A_34 = arith.addi %iota3A, %add3A_33 : vector<16xi32>
    %add3A_35 = arith.constant 16 : i32
    %add3A_36 = vector.broadcast %add3A_35 : i32 to vector<16xi32>
    %add3A_37 = arith.addi %iota3A, %add3A_36 : vector<16xi32>
    %add3A_38 = arith.constant 32 : i32
    %add3A_39 = vector.broadcast %add3A_38 : i32 to vector<16xi32>
    %add3A_40 = arith.addi %iota3A, %add3A_39 : vector<16xi32>
    %add3A_41 = arith.constant 48 : i32
    %add3A_42 = vector.broadcast %add3A_41 : i32 to vector<16xi32>
    %add3A_43 = arith.addi %iota3A, %add3A_42 : vector<16xi32>
    %add3A_44 = arith.constant 64 : i32
    %add3A_45 = vector.broadcast %add3A_44 : i32 to vector<16xi32>
    %add3A_46 = arith.addi %iota3A, %add3A_45 : vector<16xi32>
    %add3A_47 = arith.constant 80 : i32
    %add3A_48 = vector.broadcast %add3A_47 : i32 to vector<16xi32>
    %add3A_49 = arith.addi %iota3A, %add3A_48 : vector<16xi32>
    %add3A_50 = arith.constant 96 : i32
    %add3A_51 = vector.broadcast %add3A_50 : i32 to vector<16xi32>
    %add3A_52 = arith.addi %iota3A, %add3A_51 : vector<16xi32>
    %add3A_53 = arith.constant 112 : i32
    %add3A_54 = vector.broadcast %add3A_53 : i32 to vector<16xi32>
    %add3A_55 = arith.addi %iota3A, %add3A_54 : vector<16xi32>
    %add3A_56 = arith.constant 0 : i32
    %add3A_57 = arith.addi %add3A, %add3A_56 : i32
    %mul3A_58 = arith.constant 160 : i32
    %mul3A_59 = arith.muli %add3A_57, %mul3A_58 : i32
    %dma_start3A = arith.constant 0 : i32
    %dma_start3A_60 = tpu.memref_slice %arg2[%mul3A_59, %dma_start3A] : memref<30880x16xf32, #tpu.memory_space<hbm>> -> memref<160x16xf32, #tpu.memory_space<hbm>>
    %dma_start3A_61 = arith.constant 0 : i32
    %dma_start3A_62 = tpu.memref_slice %arg2[%mul3A_59, %dma_start3A_61] : memref<30880x16xf32, #tpu.memory_space<hbm>> -> memref<160x16xf32, #tpu.memory_space<hbm>>
    tpu.enqueue_dma source(%dma_start3A_62 : memref<160x16xf32, #tpu.memory_space<hbm>>) target(%arg6 : memref<160x16xf32, #tpu.memory_space<vmem>>) target_semaphore(%arg12 : memref<!tpu.dma_semaphore, #tpu.memory_space<semaphore_mem>>)
    %add3A_63 = arith.constant 32 : i32
    %add3A_64 = arith.addi %add3A, %add3A_63 : i32
    %mul3A_65 = arith.constant 160 : i32
    %mul3A_66 = arith.muli %add3A_64, %mul3A_65 : i32
    %dma_start3A_67 = arith.constant 0 : i32
    %dma_start3A_68 = tpu.memref_slice %arg2[%mul3A_66, %dma_start3A_67] : memref<30880x16xf32, #tpu.memory_space<hbm>> -> memref<160x16xf32, #tpu.memory_space<hbm>>
    %dma_start3A_69 = arith.constant 0 : i32
    %dma_start3A_70 = tpu.memref_slice %arg2[%mul3A_66, %dma_start3A_69] : memref<30880x16xf32, #tpu.memory_space<hbm>> -> memref<160x16xf32, #tpu.memory_space<hbm>>
    tpu.enqueue_dma source(%dma_start3A_70 : memref<160x16xf32, #tpu.memory_space<hbm>>) target(%arg7 : memref<160x16xf32, #tpu.memory_space<vmem>>) target_semaphore(%arg13 : memref<!tpu.dma_semaphore, #tpu.memory_space<semaphore_mem>>)
    %add3A_71 = arith.constant 0 : i32
    %add3A_72 = arith.addi %add3A, %add3A_71 : i32
    %mul3A_73 = arith.constant 160 : i32
    %mul3A_74 = arith.muli %add3A_72, %mul3A_73 : i32
    %dma_wait3A = arith.constant 0 : i32
    %dma_wait3A_75 = tpu.memref_slice %arg2[%mul3A_74, %dma_wait3A] : memref<30880x16xf32, #tpu.memory_space<hbm>> -> memref<160x16xf32, #tpu.memory_space<hbm>>
    %dma_wait3A_76 = arith.constant 0 : i32
    %dma_wait3A_77 = tpu.memref_slice %arg2[%mul3A_74, %dma_wait3A_76] : memref<30880x16xf32, #tpu.memory_space<hbm>> -> memref<160x16xf32, #tpu.memory_space<hbm>>
    tpu.wait_dma2 semaphore(%arg12 : memref<!tpu.dma_semaphore, #tpu.memory_space<semaphore_mem>>) src(%dma_wait3A_77 : memref<160x16xf32, #tpu.memory_space<hbm>>) dst(%arg6 : memref<160x16xf32, #tpu.memory_space<vmem>>)
    %parallel_loop3A = arith.constant 0 : i32
    %parallel_loop3A_78 = arith.constant 160 : i32
    %parallel_loop3A_79 = arith.constant 1 : i32
    scf.for %parallel_loop3A_273 = %parallel_loop3A to %parallel_loop3A_78 step %parallel_loop3A_79  : i32 {
      %parallel_loop3A_274 = vector.broadcast %parallel_loop3A_273 : i32 to vector<16xi32>
      %parallel_loop3A_275 = tpu.vector_load_idx %arg6[%parallel_loop3A_274, %get3A_1] : memref<160x16xf32, #tpu.memory_space<vmem>>[vector<16xi32>, vector<16xi32>], vector<16xf32>,
      %parallel_loop3A_276 = arith.mulf %parallel_loop3A_275, %get3A_17 : vector<16xf32>
      tpu.vector_store_idx %arg8[%parallel_loop3A_274, %add3A_34], %parallel_loop3A_276 : memref<160x128xf32, #tpu.memory_space<vmem>>[vector<16xi32>, vector<16xi32>], vector<16xf32>,
      %parallel_loop3A_277 = tpu.vector_load_idx %arg6[%parallel_loop3A_274, %get3A_3] : memref<160x16xf32, #tpu.memory_space<vmem>>[vector<16xi32>, vector<16xi32>], vector<16xf32>,
      %parallel_loop3A_278 = arith.mulf %parallel_loop3A_277, %get3A_19 : vector<16xf32>
      tpu.vector_store_idx %arg8[%parallel_loop3A_274, %add3A_37], %parallel_loop3A_278 : memref<160x128xf32, #tpu.memory_space<vmem>>[vector<16xi32>, vector<16xi32>], vector<16xf32>,
      %parallel_loop3A_279 = tpu.vector_load_idx %arg6[%parallel_loop3A_274, %get3A_5] : memref<160x16xf32, #tpu.memory_space<vmem>>[vector<16xi32>, vector<16xi32>], vector<16xf32>,
      %parallel_loop3A_280 = arith.mulf %parallel_loop3A_279, %get3A_21 : vector<16xf32>
      tpu.vector_store_idx %arg8[%parallel_loop3A_274, %add3A_40], %parallel_loop3A_280 : memref<160x128xf32, #tpu.memory_space<vmem>>[vector<16xi32>, vector<16xi32>], vector<16xf32>,
      %parallel_loop3A_281 = tpu.vector_load_idx %arg6[%parallel_loop3A_274, %get3A_7] : memref<160x16xf32, #tpu.memory_space<vmem>>[vector<16xi32>, vector<16xi32>], vector<16xf32>,
      %parallel_loop3A_282 = arith.mulf %parallel_loop3A_281, %get3A_23 : vector<16xf32>
      tpu.vector_store_idx %arg8[%parallel_loop3A_274, %add3A_43], %parallel_loop3A_282 : memref<160x128xf32, #tpu.memory_space<vmem>>[vector<16xi32>, vector<16xi32>], vector<16xf32>,
      %parallel_loop3A_283 = tpu.vector_load_idx %arg6[%parallel_loop3A_274, %get3A_9] : memref<160x16xf32, #tpu.memory_space<vmem>>[vector<16xi32>, vector<16xi32>], vector<16xf32>,
      %parallel_loop3A_284 = arith.mulf %parallel_loop3A_283, %get3A_25 : vector<16xf32>
      tpu.vector_store_idx %arg8[%parallel_loop3A_274, %add3A_46], %parallel_loop3A_284 : memref<160x128xf32, #tpu.memory_space<vmem>>[vector<16xi32>, vector<16xi32>], vector<16xf32>,
      %parallel_loop3A_285 = tpu.vector_load_idx %arg6[%parallel_loop3A_274, %get3A_11] : memref<160x16xf32, #tpu.memory_space<vmem>>[vector<16xi32>, vector<16xi32>], vector<16xf32>,
      %parallel_loop3A_286 = arith.mulf %parallel_loop3A_285, %get3A_27 : vector<16xf32>
      tpu.vector_store_idx %arg8[%parallel_loop3A_274, %add3A_49], %parallel_loop3A_286 : memref<160x128xf32, #tpu.memory_space<vmem>>[vector<16xi32>, vector<16xi32>], vector<16xf32>,
      %parallel_loop3A_287 = tpu.vector_load_idx %arg6[%parallel_loop3A_274, %get3A_13] : memref<160x16xf32, #tpu.memory_space<vmem>>[vector<16xi32>, vector<16xi32>], vector<16xf32>,
      %parallel_loop3A_288 = arith.mulf %parallel_loop3A_287, %get3A_29 : vector<16xf32>
      tpu.vector_store_idx %arg8[%parallel_loop3A_274, %add3A_52], %parallel_loop3A_288 : memref<160x128xf32, #tpu.memory_space<vmem>>[vector<16xi32>, vector<16xi32>], vector<16xf32>,
      %parallel_loop3A_289 = tpu.vector_load_idx %arg6[%parallel_loop3A_274, %get3A_15] : memref<160x16xf32, #tpu.memory_space<vmem>>[vector<16xi32>, vector<16xi32>], vector<16xf32>,
      %parallel_loop3A_290 = arith.mulf %parallel_loop3A_289, %get3A_31 : vector<16xf32>
      tpu.vector_store_idx %arg8[%parallel_loop3A_274, %add3A_55], %parallel_loop3A_290 : memref<160x128xf32, #tpu.memory_space<vmem>>[vector<16xi32>, vector<16xi32>], vector<16xf32>,
    } {sc.loop_unroll_factor = 4 : i64, sc.parallel_access}
    %add3A_80 = arith.constant 0 : i32
    %add3A_81 = arith.addi %add3A, %add3A_80 : i32
    %mul3A_82 = arith.constant 160 : i32
    %mul3A_83 = arith.muli %add3A_81, %mul3A_82 : i32
    %dma_start3A_84 = arith.constant 0 : i32
    %dma_start3A_85 = tpu.memref_slice %arg5[%mul3A_83, %dma_start3A_84] : memref<30880x128xf32, #tpu.memory_space<hbm>> -> memref<160x128xf32, #tpu.memory_space<hbm>>
    %dma_start3A_86 = arith.constant 0 : i32
    %dma_start3A_87 = tpu.memref_slice %arg5[%mul3A_83, %dma_start3A_86] : memref<30880x128xf32, #tpu.memory_space<hbm>> -> memref<160x128xf32, #tpu.memory_space<hbm>>
    tpu.enqueue_dma source(%arg8 : memref<160x128xf32, #tpu.memory_space<vmem>>) target(%dma_start3A_87 : memref<160x128xf32, #tpu.memory_space<hbm>>) target_semaphore(%arg14 : memref<!tpu.dma_semaphore, #tpu.memory_space<semaphore_mem>>)
    %add3A_88 = arith.constant 64 : i32
    %add3A_89 = arith.addi %add3A, %add3A_88 : i32
    %mul3A_90 = arith.constant 160 : i32
    %mul3A_91 = arith.muli %add3A_89, %mul3A_90 : i32
    %dma_start3A_92 = arith.constant 0 : i32
    %dma_start3A_93 = tpu.memref_slice %arg2[%mul3A_91, %dma_start3A_92] : memref<30880x16xf32, #tpu.memory_space<hbm>> -> memref<160x16xf32, #tpu.memory_space<hbm>>
    %dma_start3A_94 = arith.constant 0 : i32
    %dma_start3A_95 = tpu.memref_slice %arg2[%mul3A_91, %dma_start3A_94] : memref<30880x16xf32, #tpu.memory_space<hbm>> -> memref<160x16xf32, #tpu.memory_space<hbm>>
    tpu.enqueue_dma source(%dma_start3A_95 : memref<160x16xf32, #tpu.memory_space<hbm>>) target(%arg6 : memref<160x16xf32, #tpu.memory_space<vmem>>) target_semaphore(%arg12 : memref<!tpu.dma_semaphore, #tpu.memory_space<semaphore_mem>>)
    %add3A_96 = arith.constant 32 : i32
    %add3A_97 = arith.addi %add3A, %add3A_96 : i32
    %mul3A_98 = arith.constant 160 : i32
    %mul3A_99 = arith.muli %add3A_97, %mul3A_98 : i32
    %dma_wait3A_100 = arith.constant 0 : i32
    %dma_wait3A_101 = tpu.memref_slice %arg2[%mul3A_99, %dma_wait3A_100] : memref<30880x16xf32, #tpu.memory_space<hbm>> -> memref<160x16xf32, #tpu.memory_space<hbm>>
    %dma_wait3A_102 = arith.constant 0 : i32
    %dma_wait3A_103 = tpu.memref_slice %arg2[%mul3A_99, %dma_wait3A_102] : memref<30880x16xf32, #tpu.memory_space<hbm>> -> memref<160x16xf32, #tpu.memory_space<hbm>>
    tpu.wait_dma2 semaphore(%arg13 : memref<!tpu.dma_semaphore, #tpu.memory_space<semaphore_mem>>) src(%dma_wait3A_103 : memref<160x16xf32, #tpu.memory_space<hbm>>) dst(%arg7 : memref<160x16xf32, #tpu.memory_space<vmem>>)
    %parallel_loop3A_104 = arith.constant 0 : i32
    %parallel_loop3A_105 = arith.constant 160 : i32
    %parallel_loop3A_106 = arith.constant 1 : i32
    scf.for %parallel_loop3A_273 = %parallel_loop3A_104 to %parallel_loop3A_105 step %parallel_loop3A_106  : i32 {
      %parallel_loop3A_274 = vector.broadcast %parallel_loop3A_273 : i32 to vector<16xi32>
      %parallel_loop3A_275 = tpu.vector_load_idx %arg7[%parallel_loop3A_274, %get3A_1] : memref<160x16xf32, #tpu.memory_space<vmem>>[vector<16xi32>, vector<16xi32>], vector<16xf32>,
      %parallel_loop3A_276 = arith.mulf %parallel_loop3A_275, %get3A_17 : vector<16xf32>
      tpu.vector_store_idx %arg9[%parallel_loop3A_274, %add3A_34], %parallel_loop3A_276 : memref<160x128xf32, #tpu.memory_space<vmem>>[vector<16xi32>, vector<16xi32>], vector<16xf32>,
      %parallel_loop3A_277 = tpu.vector_load_idx %arg7[%parallel_loop3A_274, %get3A_3] : memref<160x16xf32, #tpu.memory_space<vmem>>[vector<16xi32>, vector<16xi32>], vector<16xf32>,
      %parallel_loop3A_278 = arith.mulf %parallel_loop3A_277, %get3A_19 : vector<16xf32>
      tpu.vector_store_idx %arg9[%parallel_loop3A_274, %add3A_37], %parallel_loop3A_278 : memref<160x128xf32, #tpu.memory_space<vmem>>[vector<16xi32>, vector<16xi32>], vector<16xf32>,
      %parallel_loop3A_279 = tpu.vector_load_idx %arg7[%parallel_loop3A_274, %get3A_5] : memref<160x16xf32, #tpu.memory_space<vmem>>[vector<16xi32>, vector<16xi32>], vector<16xf32>,
      %parallel_loop3A_280 = arith.mulf %parallel_loop3A_279, %get3A_21 : vector<16xf32>
      tpu.vector_store_idx %arg9[%parallel_loop3A_274, %add3A_40], %parallel_loop3A_280 : memref<160x128xf32, #tpu.memory_space<vmem>>[vector<16xi32>, vector<16xi32>], vector<16xf32>,
      %parallel_loop3A_281 = tpu.vector_load_idx %arg7[%parallel_loop3A_274, %get3A_7] : memref<160x16xf32, #tpu.memory_space<vmem>>[vector<16xi32>, vector<16xi32>], vector<16xf32>,
      %parallel_loop3A_282 = arith.mulf %parallel_loop3A_281, %get3A_23 : vector<16xf32>
      tpu.vector_store_idx %arg9[%parallel_loop3A_274, %add3A_43], %parallel_loop3A_282 : memref<160x128xf32, #tpu.memory_space<vmem>>[vector<16xi32>, vector<16xi32>], vector<16xf32>,
      %parallel_loop3A_283 = tpu.vector_load_idx %arg7[%parallel_loop3A_274, %get3A_9] : memref<160x16xf32, #tpu.memory_space<vmem>>[vector<16xi32>, vector<16xi32>], vector<16xf32>,
      %parallel_loop3A_284 = arith.mulf %parallel_loop3A_283, %get3A_25 : vector<16xf32>
      tpu.vector_store_idx %arg9[%parallel_loop3A_274, %add3A_46], %parallel_loop3A_284 : memref<160x128xf32, #tpu.memory_space<vmem>>[vector<16xi32>, vector<16xi32>], vector<16xf32>,
      %parallel_loop3A_285 = tpu.vector_load_idx %arg7[%parallel_loop3A_274, %get3A_11] : memref<160x16xf32, #tpu.memory_space<vmem>>[vector<16xi32>, vector<16xi32>], vector<16xf32>,
      %parallel_loop3A_286 = arith.mulf %parallel_loop3A_285, %get3A_27 : vector<16xf32>
      tpu.vector_store_idx %arg9[%parallel_loop3A_274, %add3A_49], %parallel_loop3A_286 : memref<160x128xf32, #tpu.memory_space<vmem>>[vector<16xi32>, vector<16xi32>], vector<16xf32>,
      %parallel_loop3A_287 = tpu.vector_load_idx %arg7[%parallel_loop3A_274, %get3A_13] : memref<160x16xf32, #tpu.memory_space<vmem>>[vector<16xi32>, vector<16xi32>], vector<16xf32>,
      %parallel_loop3A_288 = arith.mulf %parallel_loop3A_287, %get3A_29 : vector<16xf32>
      tpu.vector_store_idx %arg9[%parallel_loop3A_274, %add3A_52], %parallel_loop3A_288 : memref<160x128xf32, #tpu.memory_space<vmem>>[vector<16xi32>, vector<16xi32>], vector<16xf32>,
      %parallel_loop3A_289 = tpu.vector_load_idx %arg7[%parallel_loop3A_274, %get3A_15] : memref<160x16xf32, #tpu.memory_space<vmem>>[vector<16xi32>, vector<16xi32>], vector<16xf32>,
      %parallel_loop3A_290 = arith.mulf %parallel_loop3A_289, %get3A_31 : vector<16xf32>
      tpu.vector_store_idx %arg9[%parallel_loop3A_274, %add3A_55], %parallel_loop3A_290 : memref<160x128xf32, #tpu.memory_space<vmem>>[vector<16xi32>, vector<16xi32>], vector<16xf32>,
    } {sc.loop_unroll_factor = 4 : i64, sc.parallel_access}
    %add3A_107 = arith.constant 32 : i32
    %add3A_108 = arith.addi %add3A, %add3A_107 : i32
    %mul3A_109 = arith.constant 160 : i32
    %mul3A_110 = arith.muli %add3A_108, %mul3A_109 : i32
    %dma_start3A_111 = arith.constant 0 : i32
    %dma_start3A_112 = tpu.memref_slice %arg5[%mul3A_110, %dma_start3A_111] : memref<30880x128xf32, #tpu.memory_space<hbm>> -> memref<160x128xf32, #tpu.memory_space<hbm>>
    %dma_start3A_113 = arith.constant 0 : i32
    %dma_start3A_114 = tpu.memref_slice %arg5[%mul3A_110, %dma_start3A_113] : memref<30880x128xf32, #tpu.memory_space<hbm>> -> memref<160x128xf32, #tpu.memory_space<hbm>>
    tpu.enqueue_dma source(%arg9 : memref<160x128xf32, #tpu.memory_space<vmem>>) target(%dma_start3A_114 : memref<160x128xf32, #tpu.memory_space<hbm>>) target_semaphore(%arg15 : memref<!tpu.dma_semaphore, #tpu.memory_space<semaphore_mem>>)
    %add3A_115 = arith.constant 96 : i32
    %add3A_116 = arith.addi %add3A, %add3A_115 : i32
    %mul3A_117 = arith.constant 160 : i32
    %mul3A_118 = arith.muli %add3A_116, %mul3A_117 : i32
    %dma_start3A_119 = arith.constant 0 : i32
    %dma_start3A_120 = tpu.memref_slice %arg2[%mul3A_118, %dma_start3A_119] : memref<30880x16xf32, #tpu.memory_space<hbm>> -> memref<160x16xf32, #tpu.memory_space<hbm>>
    %dma_start3A_121 = arith.constant 0 : i32
    %dma_start3A_122 = tpu.memref_slice %arg2[%mul3A_118, %dma_start3A_121] : memref<30880x16xf32, #tpu.memory_space<hbm>> -> memref<160x16xf32, #tpu.memory_space<hbm>>
    tpu.enqueue_dma source(%dma_start3A_122 : memref<160x16xf32, #tpu.memory_space<hbm>>) target(%arg7 : memref<160x16xf32, #tpu.memory_space<vmem>>) target_semaphore(%arg13 : memref<!tpu.dma_semaphore, #tpu.memory_space<semaphore_mem>>)
    %add3A_123 = arith.constant 64 : i32
    %add3A_124 = arith.addi %add3A, %add3A_123 : i32
    %mul3A_125 = arith.constant 160 : i32
    %mul3A_126 = arith.muli %add3A_124, %mul3A_125 : i32
    %dma_wait3A_127 = arith.constant 0 : i32
    %dma_wait3A_128 = tpu.memref_slice %arg2[%mul3A_126, %dma_wait3A_127] : memref<30880x16xf32, #tpu.memory_space<hbm>> -> memref<160x16xf32, #tpu.memory_space<hbm>>
    %dma_wait3A_129 = arith.constant 0 : i32
    %dma_wait3A_130 = tpu.memref_slice %arg2[%mul3A_126, %dma_wait3A_129] : memref<30880x16xf32, #tpu.memory_space<hbm>> -> memref<160x16xf32, #tpu.memory_space<hbm>>
    tpu.wait_dma2 semaphore(%arg12 : memref<!tpu.dma_semaphore, #tpu.memory_space<semaphore_mem>>) src(%dma_wait3A_130 : memref<160x16xf32, #tpu.memory_space<hbm>>) dst(%arg6 : memref<160x16xf32, #tpu.memory_space<vmem>>)
    %add3A_131 = arith.constant 0 : i32
    %add3A_132 = arith.addi %add3A, %add3A_131 : i32
    %mul3A_133 = arith.constant 160 : i32
    %mul3A_134 = arith.muli %add3A_132, %mul3A_133 : i32
    %dma_wait3A_135 = arith.constant 0 : i32
    %dma_wait3A_136 = tpu.memref_slice %arg5[%mul3A_134, %dma_wait3A_135] : memref<30880x128xf32, #tpu.memory_space<hbm>> -> memref<160x128xf32, #tpu.memory_space<hbm>>
    %dma_wait3A_137 = arith.constant 0 : i32
    %dma_wait3A_138 = tpu.memref_slice %arg5[%mul3A_134, %dma_wait3A_137] : memref<30880x128xf32, #tpu.memory_space<hbm>> -> memref<160x128xf32, #tpu.memory_space<hbm>>
    tpu.wait_dma2 semaphore(%arg14 : memref<!tpu.dma_semaphore, #tpu.memory_space<semaphore_mem>>) src(%arg8 : memref<160x128xf32, #tpu.memory_space<vmem>>) dst(%dma_wait3A_138 : memref<160x128xf32, #tpu.memory_space<hbm>>)
    %parallel_loop3A_139 = arith.constant 0 : i32
    %parallel_loop3A_140 = arith.constant 160 : i32
    %parallel_loop3A_141 = arith.constant 1 : i32
    scf.for %parallel_loop3A_273 = %parallel_loop3A_139 to %parallel_loop3A_140 step %parallel_loop3A_141  : i32 {
      %parallel_loop3A_274 = vector.broadcast %parallel_loop3A_273 : i32 to vector<16xi32>
      %parallel_loop3A_275 = tpu.vector_load_idx %arg6[%parallel_loop3A_274, %get3A_1] : memref<160x16xf32, #tpu.memory_space<vmem>>[vector<16xi32>, vector<16xi32>], vector<16xf32>,
      %parallel_loop3A_276 = arith.mulf %parallel_loop3A_275, %get3A_17 : vector<16xf32>
      tpu.vector_store_idx %arg8[%parallel_loop3A_274, %add3A_34], %parallel_loop3A_276 : memref<160x128xf32, #tpu.memory_space<vmem>>[vector<16xi32>, vector<16xi32>], vector<16xf32>,
      %parallel_loop3A_277 = tpu.vector_load_idx %arg6[%parallel_loop3A_274, %get3A_3] : memref<160x16xf32, #tpu.memory_space<vmem>>[vector<16xi32>, vector<16xi32>], vector<16xf32>,
      %parallel_loop3A_278 = arith.mulf %parallel_loop3A_277, %get3A_19 : vector<16xf32>
      tpu.vector_store_idx %arg8[%parallel_loop3A_274, %add3A_37], %parallel_loop3A_278 : memref<160x128xf32, #tpu.memory_space<vmem>>[vector<16xi32>, vector<16xi32>], vector<16xf32>,
      %parallel_loop3A_279 = tpu.vector_load_idx %arg6[%parallel_loop3A_274, %get3A_5] : memref<160x16xf32, #tpu.memory_space<vmem>>[vector<16xi32>, vector<16xi32>], vector<16xf32>,
      %parallel_loop3A_280 = arith.mulf %parallel_loop3A_279, %get3A_21 : vector<16xf32>
      tpu.vector_store_idx %arg8[%parallel_loop3A_274, %add3A_40], %parallel_loop3A_280 : memref<160x128xf32, #tpu.memory_space<vmem>>[vector<16xi32>, vector<16xi32>], vector<16xf32>,
      %parallel_loop3A_281 = tpu.vector_load_idx %arg6[%parallel_loop3A_274, %get3A_7] : memref<160x16xf32, #tpu.memory_space<vmem>>[vector<16xi32>, vector<16xi32>], vector<16xf32>,
      %parallel_loop3A_282 = arith.mulf %parallel_loop3A_281, %get3A_23 : vector<16xf32>
      tpu.vector_store_idx %arg8[%parallel_loop3A_274, %add3A_43], %parallel_loop3A_282 : memref<160x128xf32, #tpu.memory_space<vmem>>[vector<16xi32>, vector<16xi32>], vector<16xf32>,
      %parallel_loop3A_283 = tpu.vector_load_idx %arg6[%parallel_loop3A_274, %get3A_9] : memref<160x16xf32, #tpu.memory_space<vmem>>[vector<16xi32>, vector<16xi32>], vector<16xf32>,
      %parallel_loop3A_284 = arith.mulf %parallel_loop3A_283, %get3A_25 : vector<16xf32>
      tpu.vector_store_idx %arg8[%parallel_loop3A_274, %add3A_46], %parallel_loop3A_284 : memref<160x128xf32, #tpu.memory_space<vmem>>[vector<16xi32>, vector<16xi32>], vector<16xf32>,
      %parallel_loop3A_285 = tpu.vector_load_idx %arg6[%parallel_loop3A_274, %get3A_11] : memref<160x16xf32, #tpu.memory_space<vmem>>[vector<16xi32>, vector<16xi32>], vector<16xf32>,
      %parallel_loop3A_286 = arith.mulf %parallel_loop3A_285, %get3A_27 : vector<16xf32>
      tpu.vector_store_idx %arg8[%parallel_loop3A_274, %add3A_49], %parallel_loop3A_286 : memref<160x128xf32, #tpu.memory_space<vmem>>[vector<16xi32>, vector<16xi32>], vector<16xf32>,
      %parallel_loop3A_287 = tpu.vector_load_idx %arg6[%parallel_loop3A_274, %get3A_13] : memref<160x16xf32, #tpu.memory_space<vmem>>[vector<16xi32>, vector<16xi32>], vector<16xf32>,
      %parallel_loop3A_288 = arith.mulf %parallel_loop3A_287, %get3A_29 : vector<16xf32>
      tpu.vector_store_idx %arg8[%parallel_loop3A_274, %add3A_52], %parallel_loop3A_288 : memref<160x128xf32, #tpu.memory_space<vmem>>[vector<16xi32>, vector<16xi32>], vector<16xf32>,
      %parallel_loop3A_289 = tpu.vector_load_idx %arg6[%parallel_loop3A_274, %get3A_15] : memref<160x16xf32, #tpu.memory_space<vmem>>[vector<16xi32>, vector<16xi32>], vector<16xf32>,
      %parallel_loop3A_290 = arith.mulf %parallel_loop3A_289, %get3A_31 : vector<16xf32>
      tpu.vector_store_idx %arg8[%parallel_loop3A_274, %add3A_55], %parallel_loop3A_290 : memref<160x128xf32, #tpu.memory_space<vmem>>[vector<16xi32>, vector<16xi32>], vector<16xf32>,
    } {sc.loop_unroll_factor = 4 : i64, sc.parallel_access}
    %add3A_142 = arith.constant 64 : i32
    %add3A_143 = arith.addi %add3A, %add3A_142 : i32
    %mul3A_144 = arith.constant 160 : i32
    %mul3A_145 = arith.muli %add3A_143, %mul3A_144 : i32
    %dma_start3A_146 = arith.constant 0 : i32
    %dma_start3A_147 = tpu.memref_slice %arg5[%mul3A_145, %dma_start3A_146] : memref<30880x128xf32, #tpu.memory_space<hbm>> -> memref<160x128xf32, #tpu.memory_space<hbm>>
    %dma_start3A_148 = arith.constant 0 : i32
    %dma_start3A_149 = tpu.memref_slice %arg5[%mul3A_145, %dma_start3A_148] : memref<30880x128xf32, #tpu.memory_space<hbm>> -> memref<160x128xf32, #tpu.memory_space<hbm>>
    tpu.enqueue_dma source(%arg8 : memref<160x128xf32, #tpu.memory_space<vmem>>) target(%dma_start3A_149 : memref<160x128xf32, #tpu.memory_space<hbm>>) target_semaphore(%arg14 : memref<!tpu.dma_semaphore, #tpu.memory_space<semaphore_mem>>)
    %add3A_150 = arith.constant 128 : i32
    %add3A_151 = arith.addi %add3A, %add3A_150 : i32
    %mul3A_152 = arith.constant 160 : i32
    %mul3A_153 = arith.muli %add3A_151, %mul3A_152 : i32
    %dma_start3A_154 = arith.constant 0 : i32
    %dma_start3A_155 = tpu.memref_slice %arg2[%mul3A_153, %dma_start3A_154] : memref<30880x16xf32, #tpu.memory_space<hbm>> -> memref<160x16xf32, #tpu.memory_space<hbm>>
    %dma_start3A_156 = arith.constant 0 : i32
    %dma_start3A_157 = tpu.memref_slice %arg2[%mul3A_153, %dma_start3A_156] : memref<30880x16xf32, #tpu.memory_space<hbm>> -> memref<160x16xf32, #tpu.memory_space<hbm>>
    tpu.enqueue_dma source(%dma_start3A_157 : memref<160x16xf32, #tpu.memory_space<hbm>>) target(%arg6 : memref<160x16xf32, #tpu.memory_space<vmem>>) target_semaphore(%arg12 : memref<!tpu.dma_semaphore, #tpu.memory_space<semaphore_mem>>)
    %add3A_158 = arith.constant 96 : i32
    %add3A_159 = arith.addi %add3A, %add3A_158 : i32
    %mul3A_160 = arith.constant 160 : i32
    %mul3A_161 = arith.muli %add3A_159, %mul3A_160 : i32
    %dma_wait3A_162 = arith.constant 0 : i32
    %dma_wait3A_163 = tpu.memref_slice %arg2[%mul3A_161, %dma_wait3A_162] : memref<30880x16xf32, #tpu.memory_space<hbm>> -> memref<160x16xf32, #tpu.memory_space<hbm>>
    %dma_wait3A_164 = arith.constant 0 : i32
    %dma_wait3A_165 = tpu.memref_slice %arg2[%mul3A_161, %dma_wait3A_164] : memref<30880x16xf32, #tpu.memory_space<hbm>> -> memref<160x16xf32, #tpu.memory_space<hbm>>
    tpu.wait_dma2 semaphore(%arg13 : memref<!tpu.dma_semaphore, #tpu.memory_space<semaphore_mem>>) src(%dma_wait3A_165 : memref<160x16xf32, #tpu.memory_space<hbm>>) dst(%arg7 : memref<160x16xf32, #tpu.memory_space<vmem>>)
    %add3A_166 = arith.constant 32 : i32
    %add3A_167 = arith.addi %add3A, %add3A_166 : i32
    %mul3A_168 = arith.constant 160 : i32
    %mul3A_169 = arith.muli %add3A_167, %mul3A_168 : i32
    %dma_wait3A_170 = arith.constant 0 : i32
    %dma_wait3A_171 = tpu.memref_slice %arg5[%mul3A_169, %dma_wait3A_170] : memref<30880x128xf32, #tpu.memory_space<hbm>> -> memref<160x128xf32, #tpu.memory_space<hbm>>
    %dma_wait3A_172 = arith.constant 0 : i32
    %dma_wait3A_173 = tpu.memref_slice %arg5[%mul3A_169, %dma_wait3A_172] : memref<30880x128xf32, #tpu.memory_space<hbm>> -> memref<160x128xf32, #tpu.memory_space<hbm>>
    tpu.wait_dma2 semaphore(%arg15 : memref<!tpu.dma_semaphore, #tpu.memory_space<semaphore_mem>>) src(%arg9 : memref<160x128xf32, #tpu.memory_space<vmem>>) dst(%dma_wait3A_173 : memref<160x128xf32, #tpu.memory_space<hbm>>)
    %parallel_loop3A_174 = arith.constant 0 : i32
    %parallel_loop3A_175 = arith.constant 160 : i32
    %parallel_loop3A_176 = arith.constant 1 : i32
    scf.for %parallel_loop3A_273 = %parallel_loop3A_174 to %parallel_loop3A_175 step %parallel_loop3A_176  : i32 {
      %parallel_loop3A_274 = vector.broadcast %parallel_loop3A_273 : i32 to vector<16xi32>
      %parallel_loop3A_275 = tpu.vector_load_idx %arg7[%parallel_loop3A_274, %get3A_1] : memref<160x16xf32, #tpu.memory_space<vmem>>[vector<16xi32>, vector<16xi32>], vector<16xf32>,
      %parallel_loop3A_276 = arith.mulf %parallel_loop3A_275, %get3A_17 : vector<16xf32>
      tpu.vector_store_idx %arg9[%parallel_loop3A_274, %add3A_34], %parallel_loop3A_276 : memref<160x128xf32, #tpu.memory_space<vmem>>[vector<16xi32>, vector<16xi32>], vector<16xf32>,
      %parallel_loop3A_277 = tpu.vector_load_idx %arg7[%parallel_loop3A_274, %get3A_3] : memref<160x16xf32, #tpu.memory_space<vmem>>[vector<16xi32>, vector<16xi32>], vector<16xf32>,
      %parallel_loop3A_278 = arith.mulf %parallel_loop3A_277, %get3A_19 : vector<16xf32>
      tpu.vector_store_idx %arg9[%parallel_loop3A_274, %add3A_37], %parallel_loop3A_278 : memref<160x128xf32, #tpu.memory_space<vmem>>[vector<16xi32>, vector<16xi32>], vector<16xf32>,
      %parallel_loop3A_279 = tpu.vector_load_idx %arg7[%parallel_loop3A_274, %get3A_5] : memref<160x16xf32, #tpu.memory_space<vmem>>[vector<16xi32>, vector<16xi32>], vector<16xf32>,
      %parallel_loop3A_280 = arith.mulf %parallel_loop3A_279, %get3A_21 : vector<16xf32>
      tpu.vector_store_idx %arg9[%parallel_loop3A_274, %add3A_40], %parallel_loop3A_280 : memref<160x128xf32, #tpu.memory_space<vmem>>[vector<16xi32>, vector<16xi32>], vector<16xf32>,
      %parallel_loop3A_281 = tpu.vector_load_idx %arg7[%parallel_loop3A_274, %get3A_7] : memref<160x16xf32, #tpu.memory_space<vmem>>[vector<16xi32>, vector<16xi32>], vector<16xf32>,
      %parallel_loop3A_282 = arith.mulf %parallel_loop3A_281, %get3A_23 : vector<16xf32>
      tpu.vector_store_idx %arg9[%parallel_loop3A_274, %add3A_43], %parallel_loop3A_282 : memref<160x128xf32, #tpu.memory_space<vmem>>[vector<16xi32>, vector<16xi32>], vector<16xf32>,
      %parallel_loop3A_283 = tpu.vector_load_idx %arg7[%parallel_loop3A_274, %get3A_9] : memref<160x16xf32, #tpu.memory_space<vmem>>[vector<16xi32>, vector<16xi32>], vector<16xf32>,
      %parallel_loop3A_284 = arith.mulf %parallel_loop3A_283, %get3A_25 : vector<16xf32>
      tpu.vector_store_idx %arg9[%parallel_loop3A_274, %add3A_46], %parallel_loop3A_284 : memref<160x128xf32, #tpu.memory_space<vmem>>[vector<16xi32>, vector<16xi32>], vector<16xf32>,
      %parallel_loop3A_285 = tpu.vector_load_idx %arg7[%parallel_loop3A_274, %get3A_11] : memref<160x16xf32, #tpu.memory_space<vmem>>[vector<16xi32>, vector<16xi32>], vector<16xf32>,
      %parallel_loop3A_286 = arith.mulf %parallel_loop3A_285, %get3A_27 : vector<16xf32>
      tpu.vector_store_idx %arg9[%parallel_loop3A_274, %add3A_49], %parallel_loop3A_286 : memref<160x128xf32, #tpu.memory_space<vmem>>[vector<16xi32>, vector<16xi32>], vector<16xf32>,
      %parallel_loop3A_287 = tpu.vector_load_idx %arg7[%parallel_loop3A_274, %get3A_13] : memref<160x16xf32, #tpu.memory_space<vmem>>[vector<16xi32>, vector<16xi32>], vector<16xf32>,
      %parallel_loop3A_288 = arith.mulf %parallel_loop3A_287, %get3A_29 : vector<16xf32>
      tpu.vector_store_idx %arg9[%parallel_loop3A_274, %add3A_52], %parallel_loop3A_288 : memref<160x128xf32, #tpu.memory_space<vmem>>[vector<16xi32>, vector<16xi32>], vector<16xf32>,
      %parallel_loop3A_289 = tpu.vector_load_idx %arg7[%parallel_loop3A_274, %get3A_15] : memref<160x16xf32, #tpu.memory_space<vmem>>[vector<16xi32>, vector<16xi32>], vector<16xf32>,
      %parallel_loop3A_290 = arith.mulf %parallel_loop3A_289, %get3A_31 : vector<16xf32>
      tpu.vector_store_idx %arg9[%parallel_loop3A_274, %add3A_55], %parallel_loop3A_290 : memref<160x128xf32, #tpu.memory_space<vmem>>[vector<16xi32>, vector<16xi32>], vector<16xf32>,
    } {sc.loop_unroll_factor = 4 : i64, sc.parallel_access}
    %add3A_177 = arith.constant 96 : i32
    %add3A_178 = arith.addi %add3A, %add3A_177 : i32
    %mul3A_179 = arith.constant 160 : i32
    %mul3A_180 = arith.muli %add3A_178, %mul3A_179 : i32
    %dma_start3A_181 = arith.constant 0 : i32
    %dma_start3A_182 = tpu.memref_slice %arg5[%mul3A_180, %dma_start3A_181] : memref<30880x128xf32, #tpu.memory_space<hbm>> -> memref<160x128xf32, #tpu.memory_space<hbm>>
    %dma_start3A_183 = arith.constant 0 : i32
    %dma_start3A_184 = tpu.memref_slice %arg5[%mul3A_180, %dma_start3A_183] : memref<30880x128xf32, #tpu.memory_space<hbm>> -> memref<160x128xf32, #tpu.memory_space<hbm>>
    tpu.enqueue_dma source(%arg9 : memref<160x128xf32, #tpu.memory_space<vmem>>) target(%dma_start3A_184 : memref<160x128xf32, #tpu.memory_space<hbm>>) target_semaphore(%arg15 : memref<!tpu.dma_semaphore, #tpu.memory_space<semaphore_mem>>)
    %add3A_185 = arith.constant 160 : i32
    %add3A_186 = arith.addi %add3A, %add3A_185 : i32
    %mul3A_187 = arith.constant 160 : i32
    %mul3A_188 = arith.muli %add3A_186, %mul3A_187 : i32
    %dma_start3A_189 = arith.constant 0 : i32
    %dma_start3A_190 = tpu.memref_slice %arg2[%mul3A_188, %dma_start3A_189] : memref<30880x16xf32, #tpu.memory_space<hbm>> -> memref<160x16xf32, #tpu.memory_space<hbm>>
    %dma_start3A_191 = arith.constant 0 : i32
    %dma_start3A_192 = tpu.memref_slice %arg2[%mul3A_188, %dma_start3A_191] : memref<30880x16xf32, #tpu.memory_space<hbm>> -> memref<160x16xf32, #tpu.memory_space<hbm>>
    tpu.enqueue_dma source(%dma_start3A_192 : memref<160x16xf32, #tpu.memory_space<hbm>>) target(%arg7 : memref<160x16xf32, #tpu.memory_space<vmem>>) target_semaphore(%arg13 : memref<!tpu.dma_semaphore, #tpu.memory_space<semaphore_mem>>)
    %add3A_193 = arith.constant 128 : i32
    %add3A_194 = arith.addi %add3A, %add3A_193 : i32
    %mul3A_195 = arith.constant 160 : i32
    %mul3A_196 = arith.muli %add3A_194, %mul3A_195 : i32
    %dma_wait3A_197 = arith.constant 0 : i32
    %dma_wait3A_198 = tpu.memref_slice %arg2[%mul3A_196, %dma_wait3A_197] : memref<30880x16xf32, #tpu.memory_space<hbm>> -> memref<160x16xf32, #tpu.memory_space<hbm>>
    %dma_wait3A_199 = arith.constant 0 : i32
    %dma_wait3A_200 = tpu.memref_slice %arg2[%mul3A_196, %dma_wait3A_199] : memref<30880x16xf32, #tpu.memory_space<hbm>> -> memref<160x16xf32, #tpu.memory_space<hbm>>
    tpu.wait_dma2 semaphore(%arg12 : memref<!tpu.dma_semaphore, #tpu.memory_space<semaphore_mem>>) src(%dma_wait3A_200 : memref<160x16xf32, #tpu.memory_space<hbm>>) dst(%arg6 : memref<160x16xf32, #tpu.memory_space<vmem>>)
    %add3A_201 = arith.constant 64 : i32
    %add3A_202 = arith.addi %add3A, %add3A_201 : i32
    %mul3A_203 = arith.constant 160 : i32
    %mul3A_204 = arith.muli %add3A_202, %mul3A_203 : i32
    %dma_wait3A_205 = arith.constant 0 : i32
    %dma_wait3A_206 = tpu.memref_slice %arg5[%mul3A_204, %dma_wait3A_205] : memref<30880x128xf32, #tpu.memory_space<hbm>> -> memref<160x128xf32, #tpu.memory_space<hbm>>
    %dma_wait3A_207 = arith.constant 0 : i32
    %dma_wait3A_208 = tpu.memref_slice %arg5[%mul3A_204, %dma_wait3A_207] : memref<30880x128xf32, #tpu.memory_space<hbm>> -> memref<160x128xf32, #tpu.memory_space<hbm>>
    tpu.wait_dma2 semaphore(%arg14 : memref<!tpu.dma_semaphore, #tpu.memory_space<semaphore_mem>>) src(%arg8 : memref<160x128xf32, #tpu.memory_space<vmem>>) dst(%dma_wait3A_208 : memref<160x128xf32, #tpu.memory_space<hbm>>)
    %parallel_loop3A_209 = arith.constant 0 : i32
    %parallel_loop3A_210 = arith.constant 160 : i32
    %parallel_loop3A_211 = arith.constant 1 : i32
    scf.for %parallel_loop3A_273 = %parallel_loop3A_209 to %parallel_loop3A_210 step %parallel_loop3A_211  : i32 {
      %parallel_loop3A_274 = vector.broadcast %parallel_loop3A_273 : i32 to vector<16xi32>
      %parallel_loop3A_275 = tpu.vector_load_idx %arg6[%parallel_loop3A_274, %get3A_1] : memref<160x16xf32, #tpu.memory_space<vmem>>[vector<16xi32>, vector<16xi32>], vector<16xf32>,
      %parallel_loop3A_276 = arith.mulf %parallel_loop3A_275, %get3A_17 : vector<16xf32>
      tpu.vector_store_idx %arg8[%parallel_loop3A_274, %add3A_34], %parallel_loop3A_276 : memref<160x128xf32, #tpu.memory_space<vmem>>[vector<16xi32>, vector<16xi32>], vector<16xf32>,
      %parallel_loop3A_277 = tpu.vector_load_idx %arg6[%parallel_loop3A_274, %get3A_3] : memref<160x16xf32, #tpu.memory_space<vmem>>[vector<16xi32>, vector<16xi32>], vector<16xf32>,
      %parallel_loop3A_278 = arith.mulf %parallel_loop3A_277, %get3A_19 : vector<16xf32>
      tpu.vector_store_idx %arg8[%parallel_loop3A_274, %add3A_37], %parallel_loop3A_278 : memref<160x128xf32, #tpu.memory_space<vmem>>[vector<16xi32>, vector<16xi32>], vector<16xf32>,
      %parallel_loop3A_279 = tpu.vector_load_idx %arg6[%parallel_loop3A_274, %get3A_5] : memref<160x16xf32, #tpu.memory_space<vmem>>[vector<16xi32>, vector<16xi32>], vector<16xf32>,
      %parallel_loop3A_280 = arith.mulf %parallel_loop3A_279, %get3A_21 : vector<16xf32>
      tpu.vector_store_idx %arg8[%parallel_loop3A_274, %add3A_40], %parallel_loop3A_280 : memref<160x128xf32, #tpu.memory_space<vmem>>[vector<16xi32>, vector<16xi32>], vector<16xf32>,
      %parallel_loop3A_281 = tpu.vector_load_idx %arg6[%parallel_loop3A_274, %get3A_7] : memref<160x16xf32, #tpu.memory_space<vmem>>[vector<16xi32>, vector<16xi32>], vector<16xf32>,
      %parallel_loop3A_282 = arith.mulf %parallel_loop3A_281, %get3A_23 : vector<16xf32>
      tpu.vector_store_idx %arg8[%parallel_loop3A_274, %add3A_43], %parallel_loop3A_282 : memref<160x128xf32, #tpu.memory_space<vmem>>[vector<16xi32>, vector<16xi32>], vector<16xf32>,
      %parallel_loop3A_283 = tpu.vector_load_idx %arg6[%parallel_loop3A_274, %get3A_9] : memref<160x16xf32, #tpu.memory_space<vmem>>[vector<16xi32>, vector<16xi32>], vector<16xf32>,
      %parallel_loop3A_284 = arith.mulf %parallel_loop3A_283, %get3A_25 : vector<16xf32>
      tpu.vector_store_idx %arg8[%parallel_loop3A_274, %add3A_46], %parallel_loop3A_284 : memref<160x128xf32, #tpu.memory_space<vmem>>[vector<16xi32>, vector<16xi32>], vector<16xf32>,
      %parallel_loop3A_285 = tpu.vector_load_idx %arg6[%parallel_loop3A_274, %get3A_11] : memref<160x16xf32, #tpu.memory_space<vmem>>[vector<16xi32>, vector<16xi32>], vector<16xf32>,
      %parallel_loop3A_286 = arith.mulf %parallel_loop3A_285, %get3A_27 : vector<16xf32>
      tpu.vector_store_idx %arg8[%parallel_loop3A_274, %add3A_49], %parallel_loop3A_286 : memref<160x128xf32, #tpu.memory_space<vmem>>[vector<16xi32>, vector<16xi32>], vector<16xf32>,
      %parallel_loop3A_287 = tpu.vector_load_idx %arg6[%parallel_loop3A_274, %get3A_13] : memref<160x16xf32, #tpu.memory_space<vmem>>[vector<16xi32>, vector<16xi32>], vector<16xf32>,
      %parallel_loop3A_288 = arith.mulf %parallel_loop3A_287, %get3A_29 : vector<16xf32>
      tpu.vector_store_idx %arg8[%parallel_loop3A_274, %add3A_52], %parallel_loop3A_288 : memref<160x128xf32, #tpu.memory_space<vmem>>[vector<16xi32>, vector<16xi32>], vector<16xf32>,
      %parallel_loop3A_289 = tpu.vector_load_idx %arg6[%parallel_loop3A_274, %get3A_15] : memref<160x16xf32, #tpu.memory_space<vmem>>[vector<16xi32>, vector<16xi32>], vector<16xf32>,
      %parallel_loop3A_290 = arith.mulf %parallel_loop3A_289, %get3A_31 : vector<16xf32>
      tpu.vector_store_idx %arg8[%parallel_loop3A_274, %add3A_55], %parallel_loop3A_290 : memref<160x128xf32, #tpu.memory_space<vmem>>[vector<16xi32>, vector<16xi32>], vector<16xf32>,
    } {sc.loop_unroll_factor = 4 : i64, sc.parallel_access}
    %add3A_212 = arith.constant 128 : i32
    %add3A_213 = arith.addi %add3A, %add3A_212 : i32
    %mul3A_214 = arith.constant 160 : i32
    %mul3A_215 = arith.muli %add3A_213, %mul3A_214 : i32
    %dma_start3A_216 = arith.constant 0 : i32
    %dma_start3A_217 = tpu.memref_slice %arg5[%mul3A_215, %dma_start3A_216] : memref<30880x128xf32, #tpu.memory_space<hbm>> -> memref<160x128xf32, #tpu.memory_space<hbm>>
    %dma_start3A_218 = arith.constant 0 : i32
    %dma_start3A_219 = tpu.memref_slice %arg5[%mul3A_215, %dma_start3A_218] : memref<30880x128xf32, #tpu.memory_space<hbm>> -> memref<160x128xf32, #tpu.memory_space<hbm>>
    tpu.enqueue_dma source(%arg8 : memref<160x128xf32, #tpu.memory_space<vmem>>) target(%dma_start3A_219 : memref<160x128xf32, #tpu.memory_space<hbm>>) target_semaphore(%arg14 : memref<!tpu.dma_semaphore, #tpu.memory_space<semaphore_mem>>)
    %add3A_220 = arith.constant 192 : i32
    %add3A_221 = arith.addi %add3A, %add3A_220 : i32
    %lt3A = arith.constant 193 : i32
    %lt3A_222 = arith.cmpi slt, %add3A_221, %lt3A : i32
    %convert_element_type3A = arith.extui %lt3A_222 : i1 to i32
    %cond3A = arith.constant 0 : i32
    %cond3A_223 = arith.cmpi ne, %convert_element_type3A, %cond3A : i32
    scf.if %cond3A_223 {
      %add3A_273 = arith.constant 192 : i32
      %add3A_274 = arith.addi %add3A, %add3A_273 : i32
      %mul3A_275 = arith.constant 160 : i32
      %mul3A_276 = arith.muli %add3A_274, %mul3A_275 : i32
      %dma_start3A_277 = arith.constant 0 : i32
      %dma_start3A_278 = tpu.memref_slice %arg2[%mul3A_276, %dma_start3A_277] : memref<30880x16xf32, #tpu.memory_space<hbm>> -> memref<160x16xf32, #tpu.memory_space<hbm>>
      %dma_start3A_279 = arith.constant 0 : i32
      %dma_start3A_280 = tpu.memref_slice %arg2[%mul3A_276, %dma_start3A_279] : memref<30880x16xf32, #tpu.memory_space<hbm>> -> memref<160x16xf32, #tpu.memory_space<hbm>>
      tpu.enqueue_dma source(%dma_start3A_280 : memref<160x16xf32, #tpu.memory_space<hbm>>) target(%arg6 : memref<160x16xf32, #tpu.memory_space<vmem>>) target_semaphore(%arg12 : memref<!tpu.dma_semaphore, #tpu.memory_space<semaphore_mem>>)
    } else {
    }
    %add3A_224 = arith.constant 160 : i32
    %add3A_225 = arith.addi %add3A, %add3A_224 : i32
    %mul3A_226 = arith.constant 160 : i32
    %mul3A_227 = arith.muli %add3A_225, %mul3A_226 : i32
    %dma_wait3A_228 = arith.constant 0 : i32
    %dma_wait3A_229 = tpu.memref_slice %arg2[%mul3A_227, %dma_wait3A_228] : memref<30880x16xf32, #tpu.memory_space<hbm>> -> memref<160x16xf32, #tpu.memory_space<hbm>>
    %dma_wait3A_230 = arith.constant 0 : i32
    %dma_wait3A_231 = tpu.memref_slice %arg2[%mul3A_227, %dma_wait3A_230] : memref<30880x16xf32, #tpu.memory_space<hbm>> -> memref<160x16xf32, #tpu.memory_space<hbm>>
    tpu.wait_dma2 semaphore(%arg13 : memref<!tpu.dma_semaphore, #tpu.memory_space<semaphore_mem>>) src(%dma_wait3A_231 : memref<160x16xf32, #tpu.memory_space<hbm>>) dst(%arg7 : memref<160x16xf32, #tpu.memory_space<vmem>>)
    %add3A_232 = arith.constant 96 : i32
    %add3A_233 = arith.addi %add3A, %add3A_232 : i32
    %mul3A_234 = arith.constant 160 : i32
    %mul3A_235 = arith.muli %add3A_233, %mul3A_234 : i32
    %dma_wait3A_236 = arith.constant 0 : i32
    %dma_wait3A_237 = tpu.memref_slice %arg5[%mul3A_235, %dma_wait3A_236] : memref<30880x128xf32, #tpu.memory_space<hbm>> -> memref<160x128xf32, #tpu.memory_space<hbm>>
    %dma_wait3A_238 = arith.constant 0 : i32
    %dma_wait3A_239 = tpu.memref_slice %arg5[%mul3A_235, %dma_wait3A_238] : memref<30880x128xf32, #tpu.memory_space<hbm>> -> memref<160x128xf32, #tpu.memory_space<hbm>>
    tpu.wait_dma2 semaphore(%arg15 : memref<!tpu.dma_semaphore, #tpu.memory_space<semaphore_mem>>) src(%arg9 : memref<160x128xf32, #tpu.memory_space<vmem>>) dst(%dma_wait3A_239 : memref<160x128xf32, #tpu.memory_space<hbm>>)
    %parallel_loop3A_240 = arith.constant 0 : i32
    %parallel_loop3A_241 = arith.constant 160 : i32
    %parallel_loop3A_242 = arith.constant 1 : i32
    scf.for %parallel_loop3A_273 = %parallel_loop3A_240 to %parallel_loop3A_241 step %parallel_loop3A_242  : i32 {
      %parallel_loop3A_274 = vector.broadcast %parallel_loop3A_273 : i32 to vector<16xi32>
      %parallel_loop3A_275 = tpu.vector_load_idx %arg7[%parallel_loop3A_274, %get3A_1] : memref<160x16xf32, #tpu.memory_space<vmem>>[vector<16xi32>, vector<16xi32>], vector<16xf32>,
      %parallel_loop3A_276 = arith.mulf %parallel_loop3A_275, %get3A_17 : vector<16xf32>
      tpu.vector_store_idx %arg9[%parallel_loop3A_274, %add3A_34], %parallel_loop3A_276 : memref<160x128xf32, #tpu.memory_space<vmem>>[vector<16xi32>, vector<16xi32>], vector<16xf32>,
      %parallel_loop3A_277 = tpu.vector_load_idx %arg7[%parallel_loop3A_274, %get3A_3] : memref<160x16xf32, #tpu.memory_space<vmem>>[vector<16xi32>, vector<16xi32>], vector<16xf32>,
      %parallel_loop3A_278 = arith.mulf %parallel_loop3A_277, %get3A_19 : vector<16xf32>
      tpu.vector_store_idx %arg9[%parallel_loop3A_274, %add3A_37], %parallel_loop3A_278 : memref<160x128xf32, #tpu.memory_space<vmem>>[vector<16xi32>, vector<16xi32>], vector<16xf32>,
      %parallel_loop3A_279 = tpu.vector_load_idx %arg7[%parallel_loop3A_274, %get3A_5] : memref<160x16xf32, #tpu.memory_space<vmem>>[vector<16xi32>, vector<16xi32>], vector<16xf32>,
      %parallel_loop3A_280 = arith.mulf %parallel_loop3A_279, %get3A_21 : vector<16xf32>
      tpu.vector_store_idx %arg9[%parallel_loop3A_274, %add3A_40], %parallel_loop3A_280 : memref<160x128xf32, #tpu.memory_space<vmem>>[vector<16xi32>, vector<16xi32>], vector<16xf32>,
      %parallel_loop3A_281 = tpu.vector_load_idx %arg7[%parallel_loop3A_274, %get3A_7] : memref<160x16xf32, #tpu.memory_space<vmem>>[vector<16xi32>, vector<16xi32>], vector<16xf32>,
      %parallel_loop3A_282 = arith.mulf %parallel_loop3A_281, %get3A_23 : vector<16xf32>
      tpu.vector_store_idx %arg9[%parallel_loop3A_274, %add3A_43], %parallel_loop3A_282 : memref<160x128xf32, #tpu.memory_space<vmem>>[vector<16xi32>, vector<16xi32>], vector<16xf32>,
      %parallel_loop3A_283 = tpu.vector_load_idx %arg7[%parallel_loop3A_274, %get3A_9] : memref<160x16xf32, #tpu.memory_space<vmem>>[vector<16xi32>, vector<16xi32>], vector<16xf32>,
      %parallel_loop3A_284 = arith.mulf %parallel_loop3A_283, %get3A_25 : vector<16xf32>
      tpu.vector_store_idx %arg9[%parallel_loop3A_274, %add3A_46], %parallel_loop3A_284 : memref<160x128xf32, #tpu.memory_space<vmem>>[vector<16xi32>, vector<16xi32>], vector<16xf32>,
      %parallel_loop3A_285 = tpu.vector_load_idx %arg7[%parallel_loop3A_274, %get3A_11] : memref<160x16xf32, #tpu.memory_space<vmem>>[vector<16xi32>, vector<16xi32>], vector<16xf32>,
      %parallel_loop3A_286 = arith.mulf %parallel_loop3A_285, %get3A_27 : vector<16xf32>
      tpu.vector_store_idx %arg9[%parallel_loop3A_274, %add3A_49], %parallel_loop3A_286 : memref<160x128xf32, #tpu.memory_space<vmem>>[vector<16xi32>, vector<16xi32>], vector<16xf32>,
      %parallel_loop3A_287 = tpu.vector_load_idx %arg7[%parallel_loop3A_274, %get3A_13] : memref<160x16xf32, #tpu.memory_space<vmem>>[vector<16xi32>, vector<16xi32>], vector<16xf32>,
      %parallel_loop3A_288 = arith.mulf %parallel_loop3A_287, %get3A_29 : vector<16xf32>
      tpu.vector_store_idx %arg9[%parallel_loop3A_274, %add3A_52], %parallel_loop3A_288 : memref<160x128xf32, #tpu.memory_space<vmem>>[vector<16xi32>, vector<16xi32>], vector<16xf32>,
      %parallel_loop3A_289 = tpu.vector_load_idx %arg7[%parallel_loop3A_274, %get3A_15] : memref<160x16xf32, #tpu.memory_space<vmem>>[vector<16xi32>, vector<16xi32>], vector<16xf32>,
      %parallel_loop3A_290 = arith.mulf %parallel_loop3A_289, %get3A_31 : vector<16xf32>
      tpu.vector_store_idx %arg9[%parallel_loop3A_274, %add3A_55], %parallel_loop3A_290 : memref<160x128xf32, #tpu.memory_space<vmem>>[vector<16xi32>, vector<16xi32>], vector<16xf32>,
    } {sc.loop_unroll_factor = 4 : i64, sc.parallel_access}
    %add3A_243 = arith.constant 160 : i32
    %add3A_244 = arith.addi %add3A, %add3A_243 : i32
    %mul3A_245 = arith.constant 160 : i32
    %mul3A_246 = arith.muli %add3A_244, %mul3A_245 : i32
    %dma_start3A_247 = arith.constant 0 : i32
    %dma_start3A_248 = tpu.memref_slice %arg5[%mul3A_246, %dma_start3A_247] : memref<30880x128xf32, #tpu.memory_space<hbm>> -> memref<160x128xf32, #tpu.memory_space<hbm>>
    %dma_start3A_249 = arith.constant 0 : i32
    %dma_start3A_250 = tpu.memref_slice %arg5[%mul3A_246, %dma_start3A_249] : memref<30880x128xf32, #tpu.memory_space<hbm>> -> memref<160x128xf32, #tpu.memory_space<hbm>>
    tpu.enqueue_dma source(%arg9 : memref<160x128xf32, #tpu.memory_space<vmem>>) target(%dma_start3A_250 : memref<160x128xf32, #tpu.memory_space<hbm>>) target_semaphore(%arg15 : memref<!tpu.dma_semaphore, #tpu.memory_space<semaphore_mem>>)
    %add3A_251 = arith.constant 192 : i32
    %add3A_252 = arith.addi %add3A, %add3A_251 : i32
    %lt3A_253 = arith.constant 193 : i32
    %lt3A_254 = arith.cmpi slt, %add3A_252, %lt3A_253 : i32
    %convert_element_type3A_255 = arith.extui %lt3A_254 : i1 to i32
    %cond3A_256 = arith.constant 0 : i32
    %cond3A_257 = arith.cmpi ne, %convert_element_type3A_255, %cond3A_256 : i32
    scf.if %cond3A_257 {
      %add3A_273 = arith.constant 192 : i32
      %add3A_274 = arith.addi %add3A, %add3A_273 : i32
      %mul3A_275 = arith.constant 160 : i32
      %mul3A_276 = arith.muli %add3A_274, %mul3A_275 : i32
      %dma_wait3A_277 = arith.constant 0 : i32
      %dma_wait3A_278 = tpu.memref_slice %arg2[%mul3A_276, %dma_wait3A_277] : memref<30880x16xf32, #tpu.memory_space<hbm>> -> memref<160x16xf32, #tpu.memory_space<hbm>>
      %dma_wait3A_279 = arith.constant 0 : i32
      %dma_wait3A_280 = tpu.memref_slice %arg2[%mul3A_276, %dma_wait3A_279] : memref<30880x16xf32, #tpu.memory_space<hbm>> -> memref<160x16xf32, #tpu.memory_space<hbm>>
      tpu.wait_dma2 semaphore(%arg12 : memref<!tpu.dma_semaphore, #tpu.memory_space<semaphore_mem>>) src(%dma_wait3A_280 : memref<160x16xf32, #tpu.memory_space<hbm>>) dst(%arg6 : memref<160x16xf32, #tpu.memory_space<vmem>>)
      %add3A_281 = arith.constant 128 : i32
      %add3A_282 = arith.addi %add3A, %add3A_281 : i32
      %mul3A_283 = arith.constant 160 : i32
      %mul3A_284 = arith.muli %add3A_282, %mul3A_283 : i32
      %dma_wait3A_285 = arith.constant 0 : i32
      %dma_wait3A_286 = tpu.memref_slice %arg5[%mul3A_284, %dma_wait3A_285] : memref<30880x128xf32, #tpu.memory_space<hbm>> -> memref<160x128xf32, #tpu.memory_space<hbm>>
      %dma_wait3A_287 = arith.constant 0 : i32
      %dma_wait3A_288 = tpu.memref_slice %arg5[%mul3A_284, %dma_wait3A_287] : memref<30880x128xf32, #tpu.memory_space<hbm>> -> memref<160x128xf32, #tpu.memory_space<hbm>>
      tpu.wait_dma2 semaphore(%arg14 : memref<!tpu.dma_semaphore, #tpu.memory_space<semaphore_mem>>) src(%arg8 : memref<160x128xf32, #tpu.memory_space<vmem>>) dst(%dma_wait3A_288 : memref<160x128xf32, #tpu.memory_space<hbm>>)
      %parallel_loop3A_289 = arith.constant 0 : i32
      %parallel_loop3A_290 = arith.constant 160 : i32
      %parallel_loop3A_291 = arith.constant 1 : i32
      scf.for %parallel_loop3A_300 = %parallel_loop3A_289 to %parallel_loop3A_290 step %parallel_loop3A_291  : i32 {
        %parallel_loop3A_301 = vector.broadcast %parallel_loop3A_300 : i32 to vector<16xi32>
        %parallel_loop3A_302 = tpu.vector_load_idx %arg6[%parallel_loop3A_301, %get3A_1] : memref<160x16xf32, #tpu.memory_space<vmem>>[vector<16xi32>, vector<16xi32>], vector<16xf32>,
        %parallel_loop3A_303 = arith.mulf %parallel_loop3A_302, %get3A_17 : vector<16xf32>
        tpu.vector_store_idx %arg8[%parallel_loop3A_301, %add3A_34], %parallel_loop3A_303 : memref<160x128xf32, #tpu.memory_space<vmem>>[vector<16xi32>, vector<16xi32>], vector<16xf32>,
        %parallel_loop3A_304 = tpu.vector_load_idx %arg6[%parallel_loop3A_301, %get3A_3] : memref<160x16xf32, #tpu.memory_space<vmem>>[vector<16xi32>, vector<16xi32>], vector<16xf32>,
        %parallel_loop3A_305 = arith.mulf %parallel_loop3A_304, %get3A_19 : vector<16xf32>
        tpu.vector_store_idx %arg8[%parallel_loop3A_301, %add3A_37], %parallel_loop3A_305 : memref<160x128xf32, #tpu.memory_space<vmem>>[vector<16xi32>, vector<16xi32>], vector<16xf32>,
        %parallel_loop3A_306 = tpu.vector_load_idx %arg6[%parallel_loop3A_301, %get3A_5] : memref<160x16xf32, #tpu.memory_space<vmem>>[vector<16xi32>, vector<16xi32>], vector<16xf32>,
        %parallel_loop3A_307 = arith.mulf %parallel_loop3A_306, %get3A_21 : vector<16xf32>
        tpu.vector_store_idx %arg8[%parallel_loop3A_301, %add3A_40], %parallel_loop3A_307 : memref<160x128xf32, #tpu.memory_space<vmem>>[vector<16xi32>, vector<16xi32>], vector<16xf32>,
        %parallel_loop3A_308 = tpu.vector_load_idx %arg6[%parallel_loop3A_301, %get3A_7] : memref<160x16xf32, #tpu.memory_space<vmem>>[vector<16xi32>, vector<16xi32>], vector<16xf32>,
        %parallel_loop3A_309 = arith.mulf %parallel_loop3A_308, %get3A_23 : vector<16xf32>
        tpu.vector_store_idx %arg8[%parallel_loop3A_301, %add3A_43], %parallel_loop3A_309 : memref<160x128xf32, #tpu.memory_space<vmem>>[vector<16xi32>, vector<16xi32>], vector<16xf32>,
        %parallel_loop3A_310 = tpu.vector_load_idx %arg6[%parallel_loop3A_301, %get3A_9] : memref<160x16xf32, #tpu.memory_space<vmem>>[vector<16xi32>, vector<16xi32>], vector<16xf32>,
        %parallel_loop3A_311 = arith.mulf %parallel_loop3A_310, %get3A_25 : vector<16xf32>
        tpu.vector_store_idx %arg8[%parallel_loop3A_301, %add3A_46], %parallel_loop3A_311 : memref<160x128xf32, #tpu.memory_space<vmem>>[vector<16xi32>, vector<16xi32>], vector<16xf32>,
        %parallel_loop3A_312 = tpu.vector_load_idx %arg6[%parallel_loop3A_301, %get3A_11] : memref<160x16xf32, #tpu.memory_space<vmem>>[vector<16xi32>, vector<16xi32>], vector<16xf32>,
        %parallel_loop3A_313 = arith.mulf %parallel_loop3A_312, %get3A_27 : vector<16xf32>
        tpu.vector_store_idx %arg8[%parallel_loop3A_301, %add3A_49], %parallel_loop3A_313 : memref<160x128xf32, #tpu.memory_space<vmem>>[vector<16xi32>, vector<16xi32>], vector<16xf32>,
        %parallel_loop3A_314 = tpu.vector_load_idx %arg6[%parallel_loop3A_301, %get3A_13] : memref<160x16xf32, #tpu.memory_space<vmem>>[vector<16xi32>, vector<16xi32>], vector<16xf32>,
        %parallel_loop3A_315 = arith.mulf %parallel_loop3A_314, %get3A_29 : vector<16xf32>
        tpu.vector_store_idx %arg8[%parallel_loop3A_301, %add3A_52], %parallel_loop3A_315 : memref<160x128xf32, #tpu.memory_space<vmem>>[vector<16xi32>, vector<16xi32>], vector<16xf32>,
        %parallel_loop3A_316 = tpu.vector_load_idx %arg6[%parallel_loop3A_301, %get3A_15] : memref<160x16xf32, #tpu.memory_space<vmem>>[vector<16xi32>, vector<16xi32>], vector<16xf32>,
        %parallel_loop3A_317 = arith.mulf %parallel_loop3A_316, %get3A_31 : vector<16xf32>
        tpu.vector_store_idx %arg8[%parallel_loop3A_301, %add3A_55], %parallel_loop3A_317 : memref<160x128xf32, #tpu.memory_space<vmem>>[vector<16xi32>, vector<16xi32>], vector<16xf32>,
      } {sc.loop_unroll_factor = 4 : i64, sc.parallel_access}
      %add3A_292 = arith.constant 192 : i32
      %add3A_293 = arith.addi %add3A, %add3A_292 : i32
      %mul3A_294 = arith.constant 160 : i32
      %mul3A_295 = arith.muli %add3A_293, %mul3A_294 : i32
      %dma_start3A_296 = arith.constant 0 : i32
      %dma_start3A_297 = tpu.memref_slice %arg5[%mul3A_295, %dma_start3A_296] : memref<30880x128xf32, #tpu.memory_space<hbm>> -> memref<160x128xf32, #tpu.memory_space<hbm>>
      %dma_start3A_298 = arith.constant 0 : i32
      %dma_start3A_299 = tpu.memref_slice %arg5[%mul3A_295, %dma_start3A_298] : memref<30880x128xf32, #tpu.memory_space<hbm>> -> memref<160x128xf32, #tpu.memory_space<hbm>>
      tpu.enqueue_dma source(%arg8 : memref<160x128xf32, #tpu.memory_space<vmem>>) target(%dma_start3A_299 : memref<160x128xf32, #tpu.memory_space<hbm>>) target_semaphore(%arg14 : memref<!tpu.dma_semaphore, #tpu.memory_space<semaphore_mem>>)
    } else {
    }
    %add3A_258 = arith.constant 160 : i32
    %add3A_259 = arith.addi %add3A, %add3A_258 : i32
    %mul3A_260 = arith.constant 160 : i32
    %mul3A_261 = arith.muli %add3A_259, %mul3A_260 : i32
    %dma_wait3A_262 = arith.constant 0 : i32
    %dma_wait3A_263 = tpu.memref_slice %arg5[%mul3A_261, %dma_wait3A_262] : memref<30880x128xf32, #tpu.memory_space<hbm>> -> memref<160x128xf32, #tpu.memory_space<hbm>>
    %dma_wait3A_264 = arith.constant 0 : i32
    %dma_wait3A_265 = tpu.memref_slice %arg5[%mul3A_261, %dma_wait3A_264] : memref<30880x128xf32, #tpu.memory_space<hbm>> -> memref<160x128xf32, #tpu.memory_space<hbm>>
    tpu.wait_dma2 semaphore(%arg15 : memref<!tpu.dma_semaphore, #tpu.memory_space<semaphore_mem>>) src(%arg9 : memref<160x128xf32, #tpu.memory_space<vmem>>) dst(%dma_wait3A_265 : memref<160x128xf32, #tpu.memory_space<hbm>>)
    %add3A_266 = arith.constant 192 : i32
    %add3A_267 = arith.addi %add3A, %add3A_266 : i32
    %lt3A_268 = arith.constant 193 : i32
    %lt3A_269 = arith.cmpi slt, %add3A_267, %lt3A_268 : i32
    %convert_element_type3A_270 = arith.extui %lt3A_269 : i1 to i32
    %cond3A_271 = arith.constant 0 : i32
    %cond3A_272 = arith.cmpi ne, %convert_element_type3A_270, %cond3A_271 : i32
    scf.if %cond3A_272 {
      %add3A_273 = arith.constant 192 : i32
      %add3A_274 = arith.addi %add3A, %add3A_273 : i32
      %mul3A_275 = arith.constant 160 : i32
      %mul3A_276 = arith.muli %add3A_274, %mul3A_275 : i32
      %dma_wait3A_277 = arith.constant 0 : i32
      %dma_wait3A_278 = tpu.memref_slice %arg5[%mul3A_276, %dma_wait3A_277] : memref<30880x128xf32, #tpu.memory_space<hbm>> -> memref<160x128xf32, #tpu.memory_space<hbm>>
      %dma_wait3A_279 = arith.constant 0 : i32
      %dma_wait3A_280 = tpu.memref_slice %arg5[%mul3A_276, %dma_wait3A_279] : memref<30880x128xf32, #tpu.memory_space<hbm>> -> memref<160x128xf32, #tpu.memory_space<hbm>>
      tpu.wait_dma2 semaphore(%arg14 : memref<!tpu.dma_semaphore, #tpu.memory_space<semaphore_mem>>) src(%arg8 : memref<160x128xf32, #tpu.memory_space<vmem>>) dst(%dma_wait3A_280 : memref<160x128xf32, #tpu.memory_space<hbm>>)
    } else {
    }
    return
  }
}

module attributes {stable_mosaic.version = 14 : i64} {
  func.func @_tca_body(%arg0: i32, %arg1: memref<128xi32, #tpu.memory_space<vmem>>, %arg2: memref<128xf32, #tpu.memory_space<vmem>>, %arg3: memref<16x11520xf32, #tpu.memory_space<vmem>>, %arg4: memref<200x11520xf32, #tpu.memory_space<vmem>>) attributes {dimension_semantics = [#tpu.dimension_semantics<arbitrary>], iteration_bounds = array<i64: 6>, scalar_prefetch = 0 : i64, scratch_operands = 0 : i64, tpu.core_type = #tpu.core_type<tc>, window_params = [{pipeline_mode = #tpu.pipeline_mode<synchronous>, transform_indices = @transform_0, window_bounds = array<i64: 128>}, {pipeline_mode = #tpu.pipeline_mode<synchronous>, transform_indices = @transform_1, window_bounds = array<i64: 128>}, {transform_indices = @transform_2, window_bounds = array<i64: 16, 11520>}, {transform_indices = @transform_3, window_bounds = array<i64: 200, 11520>}]} {
    %get3A = arith.constant 0 : index
    %get3A_0 = vector.load %arg1[%get3A] : memref<128xi32, #tpu.memory_space<vmem>>, vector<128xi32>
    %broadcast_in_dim3A = vector.shape_cast %get3A_0 : vector<128xi32> to vector<128x1xi32>
    %iota3A = tpu.iota {dimensions = array<i32: 1>} : vector<128x16xi32>
    %eq3A = vector.broadcast %broadcast_in_dim3A : vector<128x1xi32> to vector<128x16xi32>
    %eq3A_1 = arith.cmpi eq, %eq3A, %iota3A : vector<128x16xi32>
    %convert_element_type3A = arith.extui %eq3A_1 : vector<128x16xi1> to vector<128x16xi32>
    %convert_element_type3A_2 = arith.sitofp %convert_element_type3A : vector<128x16xi32> to vector<128x16xf32>
    %get3A_3 = arith.constant 0 : index
    %get3A_4 = vector.load %arg2[%get3A_3] : memref<128xf32, #tpu.memory_space<vmem>>, vector<128xf32>
    %broadcast_in_dim3A_5 = vector.shape_cast %get3A_4 : vector<128xf32> to vector<128x1xf32>
    %mul3A = vector.broadcast %broadcast_in_dim3A_5 : vector<128x1xf32> to vector<128x16xf32>
    %mul3A_6 = arith.mulf %convert_element_type3A_2, %mul3A : vector<128x16xf32>
    %get3A_7 = arith.constant 0 : index
    %get3A_8 = arith.constant 0 : index
    %get3A_9 = vector.load %arg3[%get3A_7, %get3A_8] : memref<16x11520xf32, #tpu.memory_space<vmem>>, vector<16x11520xf32>
    %dot_general3A = arith.constant dense<0.000000e+00> : vector<128x11520xf32>
    %dot_general3A_10 = tpu.matmul %mul3A_6, %get3A_9, %dot_general3A {dimension_numbers = #tpu.dot_dimension_numbers<[1], [0], [0], [1], [0, 0, 1, 1], [], []>, precision = #tpu.contract_precision<fp32>, transpose_lhs_hint = false} : vector<128x16xf32>, vector<16x11520xf32>, vector<128x11520xf32> -> vector<128x11520xf32>
    %swap3A = arith.constant 0 : index
    %swap3A_11 = arith.constant 0 : index
    %swap3A_12 = vector.load %arg4[%swap3A, %swap3A_11] : memref<200x11520xf32, #tpu.memory_space<vmem>>, vector<128x11520xf32>
    tpu.vector_store %arg4[%swap3A, %swap3A_11], %dot_general3A_10 {strides = array<i32>} : memref<200x11520xf32, #tpu.memory_space<vmem>>, vector<128x11520xf32>,
    %broadcast_in_dim3A_13 = arith.constant 0.000000e+00 : f32
    %broadcast_in_dim3A_14 = vector.broadcast %broadcast_in_dim3A_13 : f32 to vector<72x11520xf32>
    %swap3A_15 = arith.constant 128 : index
    %swap3A_16 = arith.constant 0 : index
    %swap3A_17 = vector.load %arg4[%swap3A_15, %swap3A_16] : memref<200x11520xf32, #tpu.memory_space<vmem>>, vector<72x11520xf32>
    tpu.vector_store %arg4[%swap3A_15, %swap3A_16], %broadcast_in_dim3A_14 {strides = array<i32>} : memref<200x11520xf32, #tpu.memory_space<vmem>>, vector<72x11520xf32>,
    return
  }
  func.func @transform_0(%arg0: i32) -> i32 {
    %c0_i32 = arith.constant 0 : i32
    %c0_i32_0 = arith.constant 0 : i32
    return %c0_i32 : i32
  }
  func.func @transform_1(%arg0: i32) -> i32 {
    %c0_i32 = arith.constant 0 : i32
    %c0_i32_0 = arith.constant 0 : i32
    return %c0_i32 : i32
  }
  func.func @transform_2(%arg0: i32) -> (i32, i32) {
    %c0_i32 = arith.constant 0 : i32
    %c0_i32_0 = arith.constant 0 : i32
    return %c0_i32, %arg0 : i32, i32
  }
  func.func @transform_3(%arg0: i32) -> (i32, i32) {
    %c0_i32 = arith.constant 0 : i32
    %c0_i32_0 = arith.constant 0 : i32
    return %c0_i32, %arg0 : i32, i32
  }
}

module attributes {stable_mosaic.version = 14 : i64} {
  func.func @_tcb_body(%arg0: i32, %arg1: memref<200x100000xf32, #tpu.memory_space<any>>, %arg2: memref<4608x128xf32, #tpu.memory_space<vmem>>, %arg3: memref<200x4608xf32, #tpu.memory_space<vmem>>) attributes {dimension_semantics = [#tpu.dimension_semantics<arbitrary>], iteration_bounds = array<i64: 7>, scalar_prefetch = 0 : i64, scratch_operands = 0 : i64, tpu.core_type = #tpu.core_type<tc>, window_params = [{}, {transform_indices = @transform_1, window_bounds = array<i64: 4608, 128>}, {transform_indices = @transform_2, window_bounds = array<i64: 200, 4608>}]} {
    %get3A = arith.constant 0 : index
    %get3A_0 = arith.constant 0 : index
    %get3A_1 = vector.load %arg2[%get3A, %get3A_0] : memref<4608x128xf32, #tpu.memory_space<vmem>>, vector<4608x128xf32>
    %transpose3A = tpu.transpose %get3A_1, [1, 0] : vector<4608x128xf32> -> vector<128x4608xf32>
    %swap3A = arith.constant 0 : index
    %swap3A_2 = arith.constant 0 : index
    %swap3A_3 = vector.load %arg3[%swap3A, %swap3A_2] : memref<200x4608xf32, #tpu.memory_space<vmem>>, vector<128x4608xf32>
    tpu.vector_store %arg3[%swap3A, %swap3A_2], %transpose3A {strides = array<i32>} : memref<200x4608xf32, #tpu.memory_space<vmem>>, vector<128x4608xf32>,
    %broadcast_in_dim3A = arith.constant 0.000000e+00 : f32
    %broadcast_in_dim3A_4 = vector.broadcast %broadcast_in_dim3A : f32 to vector<72x4608xf32>
    %swap3A_5 = arith.constant 128 : index
    %swap3A_6 = arith.constant 0 : index
    %swap3A_7 = vector.load %arg3[%swap3A_5, %swap3A_6] : memref<200x4608xf32, #tpu.memory_space<vmem>>, vector<72x4608xf32>
    tpu.vector_store %arg3[%swap3A_5, %swap3A_6], %broadcast_in_dim3A_4 {strides = array<i32>} : memref<200x4608xf32, #tpu.memory_space<vmem>>, vector<72x4608xf32>,
    return
  }
  func.func @transform_1(%arg0: i32) -> (i32, i32) {
    %c0_i32 = arith.constant 0 : i32
    %c0_i32_0 = arith.constant 0 : i32
    return %arg0, %c0_i32 : i32, i32
  }
  func.func @transform_2(%arg0: i32) -> (i32, i32) {
    %add3A = arith.constant 15 : i32
    %add3A_0 = arith.addi %arg0, %add3A : i32
    %c0_i32 = arith.constant 0 : i32
    %c0_i32_1 = arith.constant 0 : i32
    return %c0_i32, %add3A_0 : i32, i32
  }
}

</mosaic_0001>

<sc_bundles>
// kernel: kernel.5.cloned.1.call-start
scs
__scs_entry_jumppad:
0x0: {  	(pc) =	sbr.rel $0x88, $3  }
0x1: {  	(tag) =	ssettag $0x0;
	lr =	simm.s32 $0x1  }
0x2: {  	[smem:$0x3F9E] =	sst lr;
	_ =	strace $0xD0000000  }
0x3: {  	_ = 	snop  }
0x4: {  	_ = 	snop  }
0x5: {  	_ = 	snop  }
0x6: {  	_ = 	snop  }
0x7: {  	_ = 	snop  }
__scs_overlays_trampoline_lowered:
0x8: {  	[smem:$0x3FAD] =	sst s0  }
0x9: {  	[smem:$0x3FAE] =	sst s1  }
0xa: {  	[smem:$0x3FAF] =	sst s2  }
0xb: {  	[smem:$0x3FB0] =	sst s3  }
0xc: {  	[smem:$0x3FB1] =	sst s4  }
0xd: {  	[smem:$0x3FB2] =	sst s5  }
0xe: {  	[smem:$0x3FB3] =	sst s6  }
0xf: {  	[smem:$0x3FB4] =	sst s7  }
0x10: {  	[smem:$0x3FB5] =	sst s8  }
0x11: {  	[smem:$0x3FB6] =	sst s9;
	s0 =	simm.s32 @!p0 $0x0  }
0x12: {  	s1 =	sld [smem:$0x3F9C];
	s0 =	simm.s32 @p0 $0x1  }
0x13: {  	[smem:$0x3FB7] =	sst s0;
	s0 =	simm.s32 @!p1 $0x0  }
0x14: {  	s2 =	sld [smem:$0x3F9B];
	s0 =	simm.s32 @p1 $0x1  }
0x15: {  	[smem:$0x3FB8] =	sst s0;
	s0 =	simm.s32 @!p2 $0x0  }
0x16: {  	s3 =	sld [smem:$0x3FDB];
	s0 =	simm.s32 @p2 $0x1  }
0x17: {  	s4 =	simm.s32 $0x1BF5;
	[smem:$0x3FBA] =	sst s0  }
0x18: {  	s0 =	sld [smem:$0x3F9D];
	_ =	swait.ge [sflag:s4], $0x0  }
0x19: {  	s7 =	sld [smem:$0x3F9E]  }
0x1a: {  	s8 =	sadd.s32 $0xFFFFE003, lr  }
0x1b: {  	s9 =	sadd.s32 $0xFFFFFEF7, lr;
	s5 =	simm.s32 $0xFFFFFFFF;
	p2 =	slt.u32 s8, $0xFFFFF086  }
0x1c: {  	p1 =	slt.u32 s9, $0xF7A;
	s5 =	simm.s32 @!p2 $0x0  }
0x1d: {  	s5 =	simm.s32 @p1 $0x1;
	p0 =	seq.s32 s7, s2  }
0x1e: {  	s7 =	smul.u32 @!p0 $0xF7A, s2;
	p2 =	seq.s32 @!p0 s5, $0x0  }
0x1f: {  	s9 =	smul.u32 $0xF7A, s1;
	s8 =	simm.s32 @!p0 $0x1BF5;
	p2 =	por !p2, p0  }
0x20: {  	[sflag:s8] =	ssyncset.s32 @!p0 $0xFFFFF086;
	s6 =	sadd.s32 @!p0 s3, s7;
	s7 =	simm.s32 @!p0 $0x108  }
0x21: {  	s3 =	sadd.s32 s3, s9;
	s6 =	sadd.s32 @!p0 $0x88, s6;
	s7 =	simm.s32 @p2 $0x1082  }
0x22: {  	[simem:s7], [sflag:s8] =	dma.local @!p0 [hbm:s6], $0xF7A  }
0x23: {  	s9 =	sor.u32 $0xD0000000, s2;
	s6 =	simm.s32 $0x108;
	_ =	swait.ge @!p0 [sflag:s8], $0x0  }
0x24: {  	s3 =	sadd.s32 $0x88, s3;
	s6 =	simm.s32 @!p1 $0x1082;
	[sflag:s4] =	ssyncset.s32 $0xFFFFF086  }
0x25: {  	[simem:s6], [sflag:s4] =	dma.local [hbm:s3], $0xF7A  }
0x26: {  	[smem:$0x3F9E] =	sst s1;
	(tag) =	ssettag s2;
	_ =	strace s9  }
0x27: {  	s1 =	sld [smem:$0x3FAE]  }
0x28: {  	s2 =	sld [smem:$0x3FAF]  }
0x29: {  	s4 =	sld [smem:$0x3FB1]  }
0x2a: {  	p0 =	seq.s32 s5, $0x0;
	s5 =	sld [smem:$0x3FB2]  }
0x2b: {  	s6 =	sld [smem:$0x3FB3]  }
0x2c: {  	s7 =	sld [smem:$0x3FB4]  }
0x2d: {  	s3 =	simm.s32 $0x108;
	s8 =	sld [smem:$0x3FB5]  }
0x2e: {  	s3 =	simm.s32 @!p0 $0x1082;
	s9 =	sld [smem:$0x3FB6]  }
0x2f: {  	lr =	sadd.s32 s0, s3;
	s0 =	sld [smem:$0x3FAD]  }
0x30: {  	s3 =	sld [smem:$0x3FB0]  }
0x31: {  	[smem:$0x3FB9] =	sst s10  }
0x32: {  	s10 =	sld [smem:$0x3FB7];
	_ =	sdelay $0x3  }
0x33: {  	p0 =	seq.s32 s10, $0x1;
	s10 =	sld [smem:$0x3FB9];
	_ =	sdelay $0x3  }
0x34: {  	[smem:$0x3FB9] =	sst s10  }
0x35: {  	s10 =	sld [smem:$0x3FB8];
	_ =	sdelay $0x3  }
0x36: {  	p1 =	seq.s32 s10, $0x1;
	s10 =	sld [smem:$0x3FB9];
	_ =	sdelay $0x3  }
0x37: {  	[smem:$0x3FB9] =	sst s10  }
0x38: {  	s10 =	sld [smem:$0x3FBA]  }
0x39: {  	_ = 	snop;
	(pc) =	sbr.ind lr, $3  }
0x3a: {  	_ = 	snop  }
0x3b: {  	_ = 	snop  }
0x3c: {  	p2 =	seq.s32 s10, $0x1;
	s10 =	sld [smem:$0x3FB9]  }
0x3d: {  	_ =	shalt  }
0x3e: {  	_ =	shalt  }
0x3f: {  	_ =	shalt  }
0x40: {  	_ =	shalt  }
0x41: {  	_ =	shalt  }
0x42: {  	_ =	shalt  }
0x43: {  	_ =	shalt  }
0x44: {  	_ =	shalt  }
0x45: {  	_ =	shalt  }
0x46: {  	_ =	shalt  }
0x47: {  	_ =	shalt  }
0x48: {  	_ =	shalt  }
0x49: {  	_ =	shalt  }
0x4a: {  	_ =	shalt  }
0x4b: {  	_ =	shalt  }
0x4c: {  	_ =	shalt  }
0x4d: {  	_ =	shalt  }
0x4e: {  	_ =	shalt  }
0x4f: {  	_ =	shalt  }
0x50: {  	_ =	shalt  }
0x51: {  	_ =	shalt  }
0x52: {  	_ =	shalt  }
0x53: {  	_ =	shalt  }
0x54: {  	_ =	shalt  }
0x55: {  	_ =	shalt  }
0x56: {  	_ =	shalt  }
0x57: {  	_ =	shalt  }
0x58: {  	_ =	shalt  }
0x59: {  	_ =	shalt  }
0x5a: {  	_ =	shalt  }
0x5b: {  	_ =	shalt  }
0x5c: {  	_ =	shalt  }
0x5d: {  	_ =	shalt  }
0x5e: {  	_ =	shalt  }
0x5f: {  	_ =	shalt  }
0x60: {  	_ =	shalt  }
0x61: {  	_ =	shalt  }
0x62: {  	_ =	shalt  }
0x63: {  	_ =	shalt  }
0x64: {  	_ =	shalt  }
0x65: {  	_ =	shalt  }
0x66: {  	_ =	shalt  }
0x67: {  	_ =	shalt  }
0x68: {  	_ =	shalt  }
0x69: {  	_ =	shalt  }
0x6a: {  	_ =	shalt  }
0x6b: {  	_ =	shalt  }
0x6c: {  	_ =	shalt  }
0x6d: {  	_ =	shalt  }
0x6e: {  	_ =	shalt  }
0x6f: {  	_ =	shalt  }
0x70: {  	_ =	shalt  }
0x71: {  	_ =	shalt  }
0x72: {  	_ =	shalt  }
0x73: {  	_ =	shalt  }
0x74: {  	_ =	shalt  }
0x75: {  	_ =	shalt  }
0x76: {  	_ =	shalt  }
0x77: {  	_ =	shalt  }
0x78: {  	_ =	shalt  }
0x79: {  	_ =	shalt  }
0x7a: {  	_ =	shalt  }
0x7b: {  	_ =	shalt  }
0x7c: {  	_ =	shalt  }
0x7d: {  	_ =	shalt  }
0x7e: {  	_ =	shalt  }
0x7f: {  	_ =	shalt  }
0x80: {  	_ =	shalt  }
0x81: {  	_ =	shalt  }
0x82: {  	_ =	shalt  }
0x83: {  	_ =	shalt  }
0x84: {  	_ =	shalt  }
0x85: {  	_ =	shalt  }
0x86: {  	_ =	shalt  }
0x87: {  	_ =	shalt  }
.Lfunc_end0:
.L_simem_size_0:
called_computation_lowered:
.L_overlay_start_0:
0x88: {  	s2 =	sld [smem:$0x3FD9]  }
0x89: {  	s3 =	sld [smem:$0x3FFE];
	_ =	sdelay $0x1  }
0x8a: {  	s1 =	srdreg.scid  }
0x8b: {  	s0 =	sand.u32 $0x1, s1  }
0x8c: {  	s17 =	sshll.u32 s0, $0xA;
	s2 =	sadd.s32 s3, s2  }
0x8d: {  	s2 =	sadd.s32 s2, s17  }
0x8e: {  	[smem:$0x3FC5] =	sst s2  }
0x8f: {  	_ = 	snop  }
0x90: {  	s2 =	sld [smem:$0x3FC8]  }
0x91: {  	s18 =	sld [smem:$0x3FC7];
	(tm) =	ssettm $0x1  }
0x92: {  	s4 =	sld [smem:$0x3FFB];
	_ =	sdelay $0x3  }
0x93: {  	_ =	strace s4  }
0x94: {  	s4 =	sld [smem:$0x3FFC];
	_ =	sdelay $0x3  }
0x95: {  	_ =	strace s4  }
0x96: {  	s4 =	sld [smem:$0x3FFD];
	_ =	sdelay $0x3  }
0x97: {  	_ =	strace s4  }
0x98: {  	_ =	strace $0x8FFFFFFF  }
0x99: {  	s19 =	sld [smem:$0x3FDB];
	_ =	sdelay $0x1  }
0x9a: {  	s5 =	simm.s32 $_scs_section_size  }
0x9b: {  	s6 =	simm.s32 $_size__tile_overlayer_lowered;
	s7 =	simm.s32 $_tile_overlayer_lowered  }
0x9c: {  	s22 =	simm.s32 $0x1BFF;
	s21 =	sshll.u32 s7, $0x1;
	s4 =	sadd.s32 s5, s19  }
0x9d: {  	s8 =	simm.s32 $0x0;
	s20 =	sshll.u32 s6, $0x1;
	s6 =	sadd.s32 s21, s4  }
0x9e: {  	[timem:s8], [sflag:s22] =	dma.local [hbm:s6], s20  }
0x9f: {  	_ =	swait.ge [sflag:s22], s20  }
0xa0: {  	s5 =	ssub.s32 $0x0, s20;
	[sflag:s22] =	ssyncset.done $0x0  }
0xa1: {  	[sflag:s22] =	ssyncadd.s32 s5;
	_ =	sdelay $0x1  }
0xa2: {  	s23 =	simm.s32 $0x1B8B  }
0xa3: {  	_ =	swait.ge [sflag:s23], $0x1  }
0xa4: {  	[sflag:s23] =	ssyncset.done $0x0  }
0xa5: {  	s25 =	simm.s32 $0x1B8E;
	s24 =	sld [smem:$0x3FFE];
	[sflag:s23] =	ssyncadd.s32 $0xFFFFFFFF  }
0xa6: {  	s26 =	simm.s32 $execute0_lowered;
	[smem:$0x3FD2] =	sst s25  }
0xa7: {  	s6 =	sshll.u32 s26, $0x1;
	_ =	strace $0x80000046;
	[dreg:$0x1] =	wrdreg $0xFFFFFFFF  }
0xa8: {  	s28 =	simm.s32 $_size_execute0_lowered;
	s4 =	sadd.s32 s4, s6;
	[dreg:$0x0] =	wrdreg $0x0  }
0xa9: {  	s6 =	sshll.u32 s28, $0x1;
	[dreg:$0x2] =	wrdreg s4  }
0xaa: {  	[dreg:$0x3] =	wrdreg s6  }
0xab: {  	[dreg:$0x4] =	wrdreg $0xC0  }
0xac: {  	_ =	task [dreg:s8], $0x5FFFF  }
0xad: {  	[dreg:$0x1] =	wrdreg $0xFFFFFFFF  }
0xae: {  	[dreg:$0x0] =	wrdreg $0x60  }
0xaf: {  	[dreg:$0x2] =	wrdreg s24  }
0xb0: {  	[dreg:$0x3] =	wrdreg s18  }
0xb1: {  	[dreg:$0x4] =	wrdreg s2  }
0xb2: {  	[dreg:$0x5] =	wrdreg $0x9  }
0xb3: {  	_ =	task.clear_ibuf [dreg:s8], $0x6FFFF;
	_ =	strace $0x90000046  }
0xb4: {  	s29 =	simm.s32 $0x9;
	_ =	strace $0x80000048  }
0xb5: {  	_ =	swait.ge [sflag:s29], $0x1  }
0xb6: {  	[sflag:s29] =	ssyncadd.s32 $0xFFFFFFFF  }
0xb7: {  	_ =	strace $0x90000048  }
0xb8: {  	_ =	sfence  }
0xb9: {  	s30 =	sld [smem:$0x0];
	_ =	sdelay $0x2  }
0xba: {  	s31 =	sshll.u32 s1, $0xD;
	s1 =	sshrl.u32 s1, $0x2  }
0xbb: {  	s3 =	sand.u32 $0x4000, s31;
	s1 =	sadd.s32 s1, s30  }
0xbc: {  	s0 =	sor.u32 s3, s0;
	s1 =	sshll.u32 s1, $0x11  }
0xbd: {  	s0 =	sor.u32 s1, s0  }
0xbe: {  	s0 =	sadd.s32 $0x8F2B, s0  }
0xbf: {  	[sflag:s0] =	ssyncadd.remote.s32 $0x1  }
0xc0: {  	_ =	sfence.sel $0xFFFF  }
0xc1: {  	[dreg:$0x0] =	wrdreg $0xFFFFFFFF;
	(pc) =	sbr.abs _section_cstart, $3  }
0xc2: {  	[dreg:$0x1] =	wrdreg $0xFFFFFFFF  }
0xc3: {  	_ =	task.clear_ibuf [dreg:s8], $0x2FFFF;
	_ =	strace $0x9FFFFFFF  }
0xc4: {  	(tm) =	ssettm $0x7FFFFFFF  }
0xc5: {  	_ =	shalt  }
tec
execute0_lowered:
.L_overlay_start_1:
0x0: {  	(tag) =	ssettag $0x1  }
0x1: {  	s0 =	rddreg [dreg:$0x0]  }
0x2: {  	s1 =	srdreg.scid;
	s2 =	stileid.u32  }
0x3: {  	s4 =	simm.s32 $0x0;
	s28 =	simm.s32 $0xF000;
	s29 =	simm.s32 $0x3  }
0x4: {  	s30 =	simm.s32 $0x4;
	s31 =	simm.s32 $0x0;
	s1 =	sand.u32 $0x1, s1  }
0x5: {  	s2 =	sshll.u32 s2, $0x1;
	[smem:$0x7FF] =	sst s4;
	s5 =	sadd.s32 $0x1200, s0  }
0x6: {  	s7 =	sadd.s32 $0x79C00, s0;
	s16 =	sadd.s32 $0x79200, s0;
	s2 =	sor.u32 s1, s2  }
0x7: {  	s0 =	sadd.s32 $0xF1C00, s0;
	_ =	strace $0x80000047;
	s6 =	smul.u32 $0xA00, s2  }
0x8: {  	s1 =	ssub.s32 $0x2, s1;
	[dreg:$0xc] =	wrdreg s0;
	s3 =	smul.u32 $0x5000, s2  }
0x9: {  	s8 =	sshrl.u32 s1, $0x1;
	p0 =	sne.s32 s2, $0x0;
	s19 =	sadd.s32 s5, s6  }
0xa: {  	s3 =	sshrl.u32 s3, $0x3;
	s6 =	sadd.s32 s7, s6;
	[dreg:$0x4] =	wrdreg s19  }
0xb: {  	s1 =	ssub.s32 s1, s8;
	s20 =	sadd.s32 $0x14000, s3;
	[dreg:$0x6] =	wrdreg s6  }
0xc: {  	s21 =	sadd.s32 $0x28000, s3;
	s23 =	sadd.s32 $0x3C000, s3;
	s25 =	sadd.s32 $0x50000, s3  }
0xd: {  	s3 =	sadd.s32 $0x64000, s3;
	s19 =	smax.u32 s1, $0x1;
	s9 =	sadd.s32 s5, s20  }
0xe: {  	s22 =	sadd.s32 s5, s21;
	s8 =	sadd.s32 s7, s20;
	s24 =	sadd.s32 s5, s23  }
0xf: {  	s6 =	sadd.s32 s7, s21;
	s26 =	sadd.s32 s5, s25;
	[dreg:$0x5] =	wrdreg s9  }
.Ltmp0:
0x10: {  	s13 =	sadd.s32 s7, s23;
	[dreg:$0x7] =	wrdreg s22;
	(pc) =	sbr.rel .LBB2_1-.Ltmp0, $4  }
0x11: {  	v0 =	vlaneseq.u32;
	s14 =	sadd.s32 s5, s3;
	s15 =	sadd.s32 s7, s25;
	[dreg:$0x8] =	wrdreg s8  }
0x12: {  	v1 =	vor.u32 $0x10, v0;
	s17 =	sadd.s32 s7, s3;
	s21 =	simm.s32 $0x5;
	[dreg:$0x9] =	wrdreg s24  }
0x13: {  	v2 =	vor.u32 $0x20, v0;
	v3 =	vor.u32 $0x30, v0;
	v4 =	vor.u32 $0x40, v0;
	s23 =	simm.s32 $0x5000;
	s25 =	simm.s32 $0xA000;
	[dreg:$0xa] =	wrdreg s6  }
0x14: {  	v5 =	vor.u32 $0x50, v0;
	v6 =	vor.u32 $0x60, v0;
	v7 =	vor.u32 $0x70, v0;
	[dreg:$0xb] =	wrdreg s26;
	s24 =	simm.s32 $0x1;
	s26 =	simm.s32 $0x2  }
.LBB2_16:
0x15: {  	v20 =	vor.u32 s5, v1  }
0x16: {  	v21 =	vadd.s32 s5, v19  }
0x17: {  	v63 =	vadd.s32 s22, v19;
	_ =	sdelay $0x2  }
0x18: {  	[tilespmem:v20+s25+$0x0] =	vst.idx.msk $0xffff, v36  }
0x19: {  	[tilespmem:v30+s25+$0x0] =	vst.idx.msk $0xffff, v33;
	v20 =	vld.idx.msk [tilespmem:v21+s4+$0x0], $0xffff  }
0x1a: {  	v19 =	vld.idx.msk [tilespmem:v63+s4+$0x0], $0xffff  }
0x1b: {  	v36 =	vor.u32 s5, v2  }
0x1c: {  	v22 =	vadd.s32 s5, v17;
	v23 =	vor.u32 s22, v2;
	[tilespmem:v46+s25+$0x0] =	vst.idx.msk $0xffff, v49  }
0x1d: {  	v50 =	vadd.s32 s22, v17;
	v51 =	vld.idx.msk [tilespmem:v47+s4+$0x0], $0xffff  }
0x1e: {  	v20 =	vmul.f32 v20, v18  }
0x1f: {  	[tilespmem:v45+s25+$0x0] =	vst.idx.msk $0xffff, v48;
	v54 =	vor.u32 s6, v3;
	v52 =	vmul.f32 v19, v18  }
0x20: {  	v56 =	vadd.s32 s6, v16;
	v53 =	vld.idx.msk [tilespmem:v43+s4+$0x0], $0xffff;
	[tilespmem:v36+s25+$0x0] =	vst.idx.msk $0xffff, v20  }
0x21: {  	[tilespmem:v23+s25+$0x0] =	vst.idx.msk $0xffff, v52;
	v21 =	vld.idx.msk [tilespmem:v22+s4+$0x0], $0xffff  }
0x22: {  	v55 =	vor.u32 s7, v3;
	v30 =	vmul.f32 v51, v15;
	v17 =	vld.idx.msk [tilespmem:v50+s4+$0x0], $0xffff  }
0x23: {  	v57 =	vmul.f32 v40, v15;
	v58 =	vadd.s32 s7, v16;
	v59 =	vor.u32 s5, v3;
	[tilespmem:v42+s25+$0x0] =	vst.idx.msk $0xffff, v44  }
0x24: {  	v60 =	vadd.s32 s5, v16;
	v61 =	vor.u32 s22, v3;
	[tilespmem:v54+s25+$0x0] =	vst.idx.msk $0xffff, v30  }
0x25: {  	[tilespmem:v41+s25+$0x0] =	vst.idx.msk $0xffff, v57;
	v41 =	vld.idx.msk [tilespmem:v56+s4+$0x0], $0xffff;
	v19 =	vmul.f32 v53, v15  }
0x26: {  	v38 =	vld.idx.msk [tilespmem:v38+s4+$0x0], $0xffff;
	v62 =	vmul.f32 v21, v15  }
0x27: {  	v49 =	vor.u32 s6, v4;
	v23 =	vld.idx.msk [tilespmem:v26+s4+$0x0], $0xffff;
	[tilespmem:v55+s25+$0x0] =	vst.idx.msk $0xffff, v19;
	v42 =	vmul.f32 v17, v15  }
0x28: {  	v48 =	vmul.f32 v39, v8;
	v63 =	vor.u32 s2, v4;
	v52 =	vadd.s32 s6, v14;
	v46 =	vld.idx.msk [tilespmem:v58+s4+$0x0], $0xffff;
	[tilespmem:v59+s25+$0x0] =	vst.idx.msk $0xffff, v62  }
0x29: {  	v44 =	vor.u32 s1, v4;
	v45 =	vadd.s32 s2, v14;
	v43 =	vmul.f32 v34, v10;
	[tilespmem:v61+s25+$0x0] =	vst.idx.msk $0xffff, v42;
	v16 =	vld.idx.msk [tilespmem:v60+s4+$0x0], $0xffff  }
0x2a: {  	v47 =	vadd.s32 s1, v14;
	[tilespmem:v27+s25+$0x0] =	vst.idx.msk $0xffff, v48;
	v51 =	vor.u32 s7, v4;
	v55 =	vmul.f32 v41, v13;
	v28 =	vld.idx.msk [tilespmem:v28+s4+$0x0], $0xffff  }
0x2b: {  	[tilespmem:v35+s25+$0x0] =	vst.idx.msk $0xffff, v43;
	v54 =	vor.u32 s5, v4;
	v53 =	vadd.s32 s7, v14;
	v50 =	vmul.f32 v38, v13  }
0x2c: {  	v57 =	vadd.s32 s5, v14;
	v56 =	vor.u32 s22, v4;
	[tilespmem:v49+s25+$0x0] =	vst.idx.msk $0xffff, v55;
	v23 =	vmul.f32 v23, v13  }
0x2d: {  	v58 =	vor.u32 s20, v7;
	[tilespmem:v63+s25+$0x0] =	vst.idx.msk $0xffff, v50;
	v39 =	vld.idx.msk [tilespmem:v52+s4+$0x0], $0xffff;
	v61 =	vadd.s32 s22, v14;
	v60 =	vmul.f32 v46, v13  }
0x2e: {  	[tilespmem:v44+s25+$0x0] =	vst.idx.msk $0xffff, v23;
	v59 =	vld.idx.msk [tilespmem:v45+s4+$0x0], $0xffff;
	v62 =	vor.u32 s18, v5;
	v63 =	vmul.f32 v16, v13  }
0x2f: {  	v36 =	vadd.s32 s18, v12;
	v20 =	vld.idx.msk [tilespmem:v47+s4+$0x0], $0xffff;
	v45 =	vor.u32 s6, v5;
	[tilespmem:v51+s25+$0x0] =	vst.idx.msk $0xffff, v60;
	v40 =	vmul.f32 v28, v13  }
0x30: {  	v48 =	vadd.s32 s6, v12;
	v38 =	vor.u32 s2, v5;
	v42 =	vmul.f32 v37, v8;
	v27 =	vld.idx.msk [tilespmem:v53+s4+$0x0], $0xffff;
	[tilespmem:v54+s25+$0x0] =	vst.idx.msk $0xffff, v63  }
0x31: {  	v29 =	vmul.f32 v29, v11;
	v43 =	vor.u32 s1, v5;
	v41 =	vadd.s32 s2, v12;
	[tilespmem:v56+s25+$0x0] =	vst.idx.msk $0xffff, v40;
	v46 =	vld.idx.msk [tilespmem:v57+s4+$0x0], $0xffff  }
0x32: {  	v49 =	vor.u32 s7, v5;
	v44 =	vadd.s32 s1, v12;
	[tilespmem:v58+s25+$0x0] =	vst.idx.msk $0xffff, v42;
	v17 =	vmul.f32 v39, v11;
	v14 =	vld.idx.msk [tilespmem:v61+s4+$0x0], $0xffff  }
0x33: {  	v50 =	vld.idx.msk [tilespmem:v31+s4+$0x0], $0xffff;
	v52 =	vor.u32 s5, v5;
	v51 =	vadd.s32 s7, v12;
	v47 =	vmul.f32 v59, v11;
	[tilespmem:v62+s25+$0x0] =	vst.idx.msk $0xffff, v29  }
0x34: {  	v20 =	vmul.f32 v20, v11;
	v53 =	vadd.s32 s5, v12;
	[tilespmem:v45+s25+$0x0] =	vst.idx.msk $0xffff, v17;
	v16 =	vld.idx.msk [tilespmem:v36+s4+$0x0], $0xffff;
	v54 =	vor.u32 s22, v5  }
0x35: {  	v55 =	vor.u32 s3, v7;
	v19 =	vld.idx.msk [tilespmem:v48+s4+$0x0], $0xffff;
	[tilespmem:v38+s25+$0x0] =	vst.idx.msk $0xffff, v47;
	v57 =	vadd.s32 s22, v12;
	v58 =	vmul.f32 v27, v11  }
0x36: {  	v59 =	vor.u32 s18, v6;
	[tilespmem:v43+s25+$0x0] =	vst.idx.msk $0xffff, v20;
	v56 =	vld.idx.msk [tilespmem:v41+s4+$0x0], $0xffff;
	v13 =	vmul.f32 v46, v11  }
0x37: {  	v60 =	vadd.s32 s18, v9;
	v36 =	vor.u32 s6, v6;
	v15 =	vld.idx.msk [tilespmem:v44+s4+$0x0], $0xffff;
	[tilespmem:v49+s25+$0x0] =	vst.idx.msk $0xffff, v58;
	v62 =	vmul.f32 v14, v11  }
0x38: {  	v39 =	vadd.s32 s6, v9;
	v61 =	vor.u32 s2, v6;
	v63 =	vmul.f32 v50, v8;
	v23 =	vld.idx.msk [tilespmem:v51+s4+$0x0], $0xffff;
	[tilespmem:v52+s25+$0x0] =	vst.idx.msk $0xffff, v13  }
0x39: {  	v33 =	vor.u32 s1, v6;
	v34 =	vadd.s32 s2, v9;
	v16 =	vmul.f32 v16, v10;
	[tilespmem:v54+s25+$0x0] =	vst.idx.msk $0xffff, v62;
	v37 =	vld.idx.msk [tilespmem:v53+s4+$0x0], $0xffff  }
0x3a: {  	v35 =	vadd.s32 s1, v9;
	v40 =	vor.u32 s7, v6;
	[tilespmem:v55+s25+$0x0] =	vst.idx.msk $0xffff, v63;
	v44 =	vmul.f32 v19, v10;
	v12 =	vld.idx.msk [tilespmem:v57+s4+$0x0], $0xffff  }
0x3b: {  	v42 =	vadd.s32 s7, v9;
	v43 =	vor.u32 s5, v6;
	v41 =	vld.idx.msk [tilespmem:v32+s4+$0x0], $0xffff;
	v38 =	vmul.f32 v56, v10;
	[tilespmem:v59+s25+$0x0] =	vst.idx.msk $0xffff, v16  }
0x3c: {  	v45 =	vor.u32 s22, v6;
	v15 =	vmul.f32 v15, v10;
	[tilespmem:v36+s25+$0x0] =	vst.idx.msk $0xffff, v44;
	v17 =	vld.idx.msk [tilespmem:v60+s4+$0x0], $0xffff;
	v46 =	vadd.s32 s5, v9  }
0x3d: {  	v47 =	vor.u32 s0, v7;
	v49 =	vadd.s32 s22, v9;
	v18 =	vld.idx.msk [tilespmem:v39+s4+$0x0], $0xffff;
	[tilespmem:v61+s25+$0x0] =	vst.idx.msk $0xffff, v38;
	v50 =	vmul.f32 v23, v10  }
0x3e: {  	[tilespmem:v33+s25+$0x0] =	vst.idx.msk $0xffff, v15;
	v48 =	vld.idx.msk [tilespmem:v34+s4+$0x0], $0xffff;
	v11 =	vmul.f32 v37, v10  }
0x3f: {  	v56 =	vor.u32 s6, v7;
	v13 =	vld.idx.msk [tilespmem:v35+s4+$0x0], $0xffff;
	[tilespmem:v40+s25+$0x0] =	vst.idx.msk $0xffff, v50;
	v52 =	vmul.f32 v12, v10  }
0x40: {  	v51 =	vor.u32 s2, v7;
	v53 =	vmul.f32 v41, v8;
	v16 =	vld.idx.msk [tilespmem:v42+s4+$0x0], $0xffff;
	[tilespmem:v43+s25+$0x0] =	vst.idx.msk $0xffff, v11  }
0x41: {  	v54 =	vor.u32 s1, v7;
	v55 =	vmul.f32 v17, v8;
	[tilespmem:v45+s25+$0x0] =	vst.idx.msk $0xffff, v52;
	v57 =	vld.idx.msk [tilespmem:v46+s4+$0x0], $0xffff  }
0x42: {  	[tilespmem:v47+s25+$0x0] =	vst.idx.msk $0xffff, v53;
	v61 =	vmul.f32 v18, v8;
	v9 =	vld.idx.msk [tilespmem:v49+s4+$0x0], $0xffff  }
0x43: {  	v60 =	vor.u32 s5, v7;
	v58 =	vmul.f32 v48, v8;
	[tilespmem:v24+s25+$0x0] =	vst.idx.msk $0xffff, v55  }
0x44: {  	v62 =	vor.u32 s22, v7;
	v59 =	vmul.f32 v13, v8;
	[tilespmem:v56+s25+$0x0] =	vst.idx.msk $0xffff, v61  }
0x45: {  	[tilespmem:v51+s25+$0x0] =	vst.idx.msk $0xffff, v58;
	v63 =	vmul.f32 v16, v8  }
0x46: {  	[tilespmem:v54+s25+$0x0] =	vst.idx.msk $0xffff, v59;
	v10 =	vmul.f32 v57, v8  }
0x47: {  	[tilespmem:v25+s25+$0x0] =	vst.idx.msk $0xffff, v63;
	v8 =	vmul.f32 v9, v8  }
0x48: {  	[tilespmem:v60+s25+$0x0] =	vst.idx.msk $0xffff, v10  }
0x49: {  	[tilespmem:v62+s25+$0x0] =	vst.idx.msk $0xffff, v8  }
0x4a: {  	s22 =	rddreg [dreg:$0xc]  }
0x4b: {  	[hbm4b:s22+s4] =	stream.linear.scatter [tilespmem:s25], [sflag:$0x3], $0x5000, $0x38;
	[tilespmem:$0x14100] =	vst v63  }
0x4c: {  	_ =	swait.ge [sflag:s30], $0x5000  }
0x4d: {  	[sflag:s30] =	ssyncset.done $0x0  }
0x4e: {  	s0 =	simm.s32 $0x3;
	[sflag:s30] =	ssyncadd.s32 $0xFFFFB000  }
.LBB2_17:
0x4f: {  	s31 =	sadd.s32 $0x1, s31  }
0x50: {  	p1 =	sne.s32 s31, s19  }
.Ltmp1:
0x51: {  	_ = 	snop;
	(pc) =	sbr.rel @!p1 .LBB2_18-.Ltmp1, $4  }
0x52: {  	_ = 	snop  }
0x53: {  	_ =	swait.ge [sflag:s0], $0x5000  }
0x54: {  	[sflag:s0] =	ssyncset.done $0x0  }
0x55: {  	[sflag:s0] =	ssyncadd.s32 $0xFFFFB000  }
.LBB2_1:
0x56: {  	s0 =	rddreg [dreg:$0x1];
	s1 =	simm.s32 $0x14000  }
0x57: {  	[tilespmem:s1], [sflag:$0x5] =	stream.linear.gather [hbm4b:s0+s4], $0x80, $0x38;
	[tilespmem:$0x14100] =	vst v63  }
0x58: {  	_ =	swait.ge [sflag:s21], $0x80  }
0x59: {  	[sflag:s21] =	ssyncset.done $0x0  }
0x5a: {  	[sflag:s21] =	ssyncadd.s32 $0xFFFFFF80  }
0x5b: {  	s18 =	simm.s32 $0x14080;
	s12 =	rddreg [dreg:$0x2]  }
0x5c: {  	[tilespmem:s18], [sflag:$0x5] =	stream.linear.gather [hbm4b:s12+s4], $0x80, $0x38;
	[tilespmem:$0x14100] =	vst v63  }
0x5d: {  	_ =	swait.ge [sflag:s21], $0x80  }
0x5e: {  	[sflag:s21] =	ssyncset.done $0x0  }
0x5f: {  	[sflag:s21] =	ssyncadd.s32 $0xFFFFFF80  }
0x60: {  	v20 =	vld [tilespmem:$0x14000]  }
0x61: {  	v21 =	vld [tilespmem:$0x14010]  }
0x62: {  	v19 =	vld [tilespmem:$0x14020]  }
0x63: {  	v17 =	vld [tilespmem:$0x14030]  }
0x64: {  	v16 =	vld [tilespmem:$0x14040]  }
0x65: {  	v14 =	vld [tilespmem:$0x14050]  }
0x66: {  	v12 =	vld [tilespmem:$0x14060]  }
0x67: {  	v9 =	vld [tilespmem:$0x14070]  }
0x68: {  	v22 =	vld [tilespmem:$0x14080]  }
0x69: {  	v23 =	vld [tilespmem:$0x14090]  }
0x6a: {  	v18 =	vld [tilespmem:$0x140A0]  }
0x6b: {  	v15 =	vld [tilespmem:$0x140B0]  }
0x6c: {  	v13 =	vld [tilespmem:$0x140C0]  }
0x6d: {  	v11 =	vld [tilespmem:$0x140D0]  }
0x6e: {  	s9 =	simm.s32 $0x180;
	s20 =	rddreg [dreg:$0x4];
	v10 =	vld [tilespmem:$0x140E0]  }
0x6f: {  	v8 =	vld [tilespmem:$0x140F0];
	[tilespmem:s4], [sflag:$0x1] =	stream.linear.gather [hbm4b:s20+s4], $0x5000, $0x38  }
0x70: {  	s22 =	rddreg [dreg:$0x5];
	v24 =	vadd.s32 s9, v20  }
0x71: {  	[tilespmem:s23], [sflag:$0x2] =	stream.linear.gather [hbm4b:s22+s4], $0x5000, $0x38;
	[tilespmem:$0x14100] =	vst v63  }
0x72: {  	_ =	swait.ge [sflag:s24], $0x5000  }
0x73: {  	[sflag:s24] =	ssyncset.done $0x0  }
0x74: {  	[sflag:s24] =	ssyncadd.s32 $0xFFFFB000  }
0x75: {  	v24 =	vld.idx.msk [tilespmem:v24+s4+$0x0], $0xffff;
	_ =	sdelay $0x1  }
0x76: {  	v25 =	vor.u32 s9, v0  }
0x77: {  	v26 =	vadd.s32 s9, v21;
	_ =	sdelay $0x1  }
0x78: {  	v24 =	vmul.f32 v24, v22  }
0x79: {  	s8 =	simm.s32 $0x0  }
0x7a: {  	v27 =	vadd.s32 s8, v20;
	[tilespmem:v25+s25+$0x0] =	vst.idx.msk $0xffff, v24  }
0x7b: {  	v24 =	vld.idx.msk [tilespmem:v26+s4+$0x0], $0xffff;
	_ =	sdelay $0x1  }
0x7c: {  	v25 =	vor.u32 s9, v1  }
0x7d: {  	v26 =	vadd.s32 s9, v19  }
0x7e: {  	v27 =	vld.idx.msk [tilespmem:v27+s4+$0x0], $0xffff  }
0x7f: {  	v24 =	vmul.f32 v24, v23  }
0x80: {  	v28 =	vor.u32 s8, v0  }
0x81: {  	v29 =	vadd.s32 s8, v21;
	[tilespmem:v25+s25+$0x0] =	vst.idx.msk $0xffff, v24  }
0x82: {  	v24 =	vld.idx.msk [tilespmem:v26+s4+$0x0], $0xffff  }
0x83: {  	s20 =	simm.s32 $0x100;
	v25 =	vmul.f32 v27, v22  }
0x84: {  	v27 =	vor.u32 s9, v2;
	v26 =	vadd.s32 s20, v20  }
0x85: {  	s3 =	simm.s32 $0x80;
	[tilespmem:v28+s25+$0x0] =	vst.idx.msk $0xffff, v25;
	v25 =	vadd.s32 s9, v17  }
0x86: {  	v28 =	vadd.s32 s3, v20;
	v29 =	vld.idx.msk [tilespmem:v29+s4+$0x0], $0xffff  }
0x87: {  	v24 =	vmul.f32 v24, v18  }
0x88: {  	v30 =	vor.u32 s8, v1  }
0x89: {  	s18 =	simm.s32 $0x200;
	v31 =	vadd.s32 s8, v19;
	v26 =	vld.idx.msk [tilespmem:v26+s4+$0x0], $0xffff;
	[tilespmem:v27+s25+$0x0] =	vst.idx.msk $0xffff, v24  }
0x8a: {  	s0 =	simm.s32 $0x380;
	v24 =	vadd.s32 s18, v20;
	v25 =	vld.idx.msk [tilespmem:v25+s4+$0x0], $0xffff  }
0x8b: {  	v32 =	vadd.s32 s0, v20;
	v27 =	vld.idx.msk [tilespmem:v28+s4+$0x0], $0xffff;
	v28 =	vor.u32 s20, v0;
	v29 =	vmul.f32 v29, v23  }
0x8c: {  	v34 =	vor.u32 s9, v3;
	v33 =	vadd.s32 s20, v21  }
0x8d: {  	v35 =	vor.u32 s3, v0;
	[tilespmem:v30+s25+$0x0] =	vst.idx.msk $0xffff, v29;
	v29 =	vadd.s32 s9, v16  }
0x8e: {  	v30 =	vadd.s32 s3, v21;
	v26 =	vmul.f32 v26, v22;
	v31 =	vld.idx.msk [tilespmem:v31+s4+$0x0], $0xffff  }
0x8f: {  	v24 =	vld.idx.msk [tilespmem:v24+s4+$0x0], $0xffff;
	v25 =	vmul.f32 v25, v15  }
0x90: {  	v38 =	vor.u32 s9, v4;
	v27 =	vmul.f32 v27, v22;
	[tilespmem:v28+s25+$0x0] =	vst.idx.msk $0xffff, v26;
	v26 =	vor.u32 s8, v2;
	v28 =	vld.idx.msk [tilespmem:v32+s4+$0x0], $0xffff  }
0x91: {  	v36 =	vor.u32 s18, v0;
	v48 =	vadd.s32 s8, v17;
	v47 =	vld.idx.msk [tilespmem:v33+s4+$0x0], $0xffff;
	[tilespmem:v34+s25+$0x0] =	vst.idx.msk $0xffff, v25  }
0x92: {  	[tilespmem:v35+s25+$0x0] =	vst.idx.msk $0xffff, v27;
	v25 =	vadd.s32 s18, v21;
	v27 =	vld.idx.msk [tilespmem:v29+s4+$0x0], $0xffff;
	v29 =	vor.u32 s0, v0  }
0x93: {  	v49 =	vor.u32 s20, v1;
	v50 =	vadd.s32 s0, v21;
	v30 =	vld.idx.msk [tilespmem:v30+s4+$0x0], $0xffff;
	v31 =	vmul.f32 v31, v18  }
0x94: {  	v39 =	vor.u32 s3, v1;
	v37 =	vadd.s32 s20, v19;
	v24 =	vmul.f32 v24, v22  }
0x95: {  	s2 =	simm.s32 $0x300;
	v40 =	vor.u32 s9, v5;
	[tilespmem:v26+s25+$0x0] =	vst.idx.msk $0xffff, v31;
	v26 =	vadd.s32 s9, v14;
	v28 =	vmul.f32 v28, v22  }
0x96: {  	s1 =	simm.s32 $0x280;
	v42 =	vor.u32 s2, v0;
	v52 =	vadd.s32 s3, v19;
	v31 =	vmul.f32 v47, v23;
	v51 =	vld.idx.msk [tilespmem:v48+s4+$0x0], $0xffff;
	[tilespmem:v36+s25+$0x0] =	vst.idx.msk $0xffff, v24  }
0x97: {  	v41 =	vor.u32 s1, v0;
	v24 =	vadd.s32 s1, v20;
	v25 =	vld.idx.msk [tilespmem:v25+s4+$0x0], $0xffff;
	[tilespmem:v29+s25+$0x0] =	vst.idx.msk $0xffff, v28;
	v27 =	vmul.f32 v27, v13  }
0x98: {  	[tilespmem:v49+s25+$0x0] =	vst.idx.msk $0xffff, v31;
	v28 =	vmul.f32 v30, v23;
	v29 =	vadd.s32 s2, v20;
	v30 =	vor.u32 s8, v3;
	v31 =	vld.idx.msk [tilespmem:v50+s4+$0x0], $0xffff  }
0x99: {  	v55 =	vor.u32 s18, v1;
	v53 =	vadd.s32 s8, v16;
	v54 =	vld.idx.msk [tilespmem:v37+s4+$0x0], $0xffff;
	[tilespmem:v38+s25+$0x0] =	vst.idx.msk $0xffff, v27  }
0x9a: {  	[tilespmem:v39+s25+$0x0] =	vst.idx.msk $0xffff, v28;
	v27 =	vadd.s32 s18, v19;
	v28 =	vor.u32 s0, v1;
	v26 =	vld.idx.msk [tilespmem:v26+s4+$0x0], $0xffff  }
0x9b: {  	v56 =	vor.u32 s20, v2;
	v57 =	vadd.s32 s0, v19;
	v32 =	vmul.f32 v51, v15;
	v33 =	vld.idx.msk [tilespmem:v52+s4+$0x0], $0xffff  }
0x9c: {  	v46 =	vor.u32 s0, v2;
	v58 =	vadd.s32 s20, v17;
	v24 =	vld.idx.msk [tilespmem:v24+s4+$0x0], $0xffff;
	v25 =	vmul.f32 v25, v23  }
0x9d: {  	v59 =	vadd.s32 s9, v12;
	v29 =	vld.idx.msk [tilespmem:v29+s4+$0x0], $0xffff;
	[tilespmem:v30+s25+$0x0] =	vst.idx.msk $0xffff, v32;
	v30 =	vor.u32 s3, v2;
	v31 =	vmul.f32 v31, v23  }
0x9e: {  	s22 =	simm.s32 $0x480;
	v60 =	vadd.s32 s1, v21;
	v35 =	vmul.f32 v54, v18;
	v34 =	vld.idx.msk [tilespmem:v53+s4+$0x0], $0xffff;
	[tilespmem:v55+s25+$0x0] =	vst.idx.msk $0xffff, v25;
	v25 =	vadd.s32 s3, v17  }
0x9f: {  	v62 =	vadd.s32 s8, v14;
	v54 =	vadd.s32 s22, v20;
	v27 =	vld.idx.msk [tilespmem:v27+s4+$0x0], $0xffff;
	[tilespmem:v28+s25+$0x0] =	vst.idx.msk $0xffff, v31;
	v26 =	vmul.f32 v26, v11  }
0xa0: {  	[tilespmem:v56+s25+$0x0] =	vst.idx.msk $0xffff, v35;
	v28 =	vor.u32 s8, v4;
	v31 =	vadd.s32 s2, v21;
	v33 =	vmul.f32 v33, v18;
	v61 =	vld.idx.msk [tilespmem:v57+s4+$0x0], $0xffff  }
0xa1: {  	s7 =	simm.s32 $0x400;
	v45 =	vadd.s32 s18, v17;
	v24 =	vmul.f32 v24, v22;
	v63 =	vld.idx.msk [tilespmem:v58+s4+$0x0], $0xffff;
	[tilespmem:v40+s25+$0x0] =	vst.idx.msk $0xffff, v26;
	v26 =	vor.u32 s18, v2  }
0xa2: {  	v43 =	vadd.s32 s7, v20;
	v44 =	vadd.s32 s3, v14;
	v29 =	vmul.f32 v29, v22;
	[tilespmem:v30+s25+$0x0] =	vst.idx.msk $0xffff, v33;
	v30 =	vld.idx.msk [tilespmem:v59+s4+$0x0], $0xffff  }
0xa3: {  	v47 =	vadd.s32 s0, v17;
	v48 =	vor.u32 s20, v3;
	[tilespmem:v41+s25+$0x0] =	vst.idx.msk $0xffff, v24;
	v24 =	vmul.f32 v34, v13;
	v25 =	vld.idx.msk [tilespmem:v25+s4+$0x0], $0xffff  }
0xa4: {  	v49 =	vor.u32 s9, v6;
	v33 =	vld.idx.msk [tilespmem:v54+s4+$0x0], $0xffff;
	[tilespmem:v42+s25+$0x0] =	vst.idx.msk $0xffff, v29;
	v29 =	vadd.s32 s20, v16;
	v50 =	vmul.f32 v27, v18  }
0xa5: {  	v51 =	vadd.s32 s9, v9;
	v31 =	vld.idx.msk [tilespmem:v31+s4+$0x0], $0xffff;
	[tilespmem:v28+s25+$0x0] =	vst.idx.msk $0xffff, v24;
	v28 =	vor.u32 s3, v3;
	v24 =	vmul.f32 v61, v18  }
0xa6: {  	s6 =	simm.s32 $0x580;
	v52 =	vadd.s32 s3, v16;
	v53 =	vor.u32 s1, v1;
	v36 =	vld.idx.msk [tilespmem:v60+s4+$0x0], $0xffff;
	v38 =	vmul.f32 v63, v15;
	[tilespmem:v26+s25+$0x0] =	vst.idx.msk $0xffff, v50  }
0xa7: {  	v55 =	vadd.s32 s6, v20;
	v35 =	vadd.s32 s20, v12;
	v32 =	vld.idx.msk [tilespmem:v45+s4+$0x0], $0xffff;
	[tilespmem:v46+s25+$0x0] =	vst.idx.msk $0xffff, v24;
	v30 =	vmul.f32 v30, v10  }
0xa8: {  	s5 =	simm.s32 $0x500;
	v58 =	vor.u32 s3, v4;
	v57 =	vor.u32 s0, v3;
	[tilespmem:v48+s25+$0x0] =	vst.idx.msk $0xffff, v38;
	v25 =	vmul.f32 v25, v15;
	v34 =	vld.idx.msk [tilespmem:v47+s4+$0x0], $0xffff  }
0xa9: {  	v56 =	vor.u32 s18, v3;
	v40 =	vor.u32 s5, v0;
	v54 =	vor.u32 s18, v4;
	v29 =	vld.idx.msk [tilespmem:v29+s4+$0x0], $0xffff;
	[tilespmem:v49+s25+$0x0] =	vst.idx.msk $0xffff, v30  }
0xaa: {  	v59 =	vadd.s32 s20, v14;
	v30 =	vmul.f32 v31, v23;
	v31 =	vadd.s32 s5, v20;
	[tilespmem:v28+s25+$0x0] =	vst.idx.msk $0xffff, v25;
	v25 =	vld.idx.msk [tilespmem:v51+s4+$0x0], $0xffff  }
0xab: {  	v36 =	vmul.f32 v36, v23;
	v46 =	vor.u32 s20, v4;
	v28 =	vadd.s32 s18, v16;
	v42 =	vld.idx.msk [tilespmem:v52+s4+$0x0], $0xffff  }
0xac: {  	v43 =	vld.idx.msk [tilespmem:v43+s4+$0x0], $0xffff;
	v48 =	vor.u32 s9, v7;
	v45 =	vadd.s32 s0, v16;
	v32 =	vmul.f32 v32, v15  }
0xad: {  	v60 =	vor.u32 s2, v1;
	v37 =	vld.idx.msk [tilespmem:v62+s4+$0x0], $0xffff;
	v47 =	vadd.s32 s1, v19;
	[tilespmem:v53+s25+$0x0] =	vst.idx.msk $0xffff, v36;
	v34 =	vmul.f32 v34, v15  }
0xae: {  	v27 =	vor.u32 s8, v7;
	v36 =	vld.idx.msk [tilespmem:v55+s4+$0x0], $0xffff;
	v49 =	vor.u32 s7, v0;
	v29 =	vmul.f32 v29, v13;
	[tilespmem:v56+s25+$0x0] =	vst.idx.msk $0xffff, v32  }
0xaf: {  	v63 =	vor.u32 s6, v0;
	v50 =	vor.u32 s22, v0;
	v31 =	vld.idx.msk [tilespmem:v31+s4+$0x0], $0xffff;
	[tilespmem:v57+s25+$0x0] =	vst.idx.msk $0xffff, v34;
	v25 =	vmul.f32 v25, v8  }
0xb0: {  	v61 =	vadd.s32 s7, v21;
	v62 =	vadd.s32 s22, v21;
	v28 =	vld.idx.msk [tilespmem:v28+s4+$0x0], $0xffff;
	v42 =	vmul.f32 v42, v13;
	[tilespmem:v46+s25+$0x0] =	vst.idx.msk $0xffff, v29  }
0xb1: {  	v26 =	vadd.s32 s1, v16;
	v24 =	vor.u32 s18, v7;
	v29 =	vmul.f32 v43, v22;
	v45 =	vld.idx.msk [tilespmem:v45+s4+$0x0], $0xffff;
	[tilespmem:v48+s25+$0x0] =	vst.idx.msk $0xffff, v25  }
0xb2: {  	v53 =	vadd.s32 s6, v21;
	v52 =	vadd.s32 s2, v19;
	v46 =	vld.idx.msk [tilespmem:v47+s4+$0x0], $0xffff;
	v25 =	vmul.f32 v33, v22;
	[tilespmem:v58+s25+$0x0] =	vst.idx.msk $0xffff, v42  }
0xb3: {  	v56 =	vor.u32 s0, v4;
	v55 =	vld.idx.msk [tilespmem:v59+s4+$0x0], $0xffff;
	[tilespmem:v49+s25+$0x0] =	vst.idx.msk $0xffff, v29;
	v29 =	vadd.s32 s5, v21  }
0xb4: {  	v44 =	vld.idx.msk [tilespmem:v44+s4+$0x0], $0xffff;
	[tilespmem:v50+s25+$0x0] =	vst.idx.msk $0xffff, v25;
	v25 =	vmul.f32 v31, v22;
	v31 =	vmul.f32 v36, v22  }
0xb5: {  	v51 =	vadd.s32 s8, v9;
	[tilespmem:v60+s25+$0x0] =	vst.idx.msk $0xffff, v30;
	v30 =	vor.u32 s8, v5;
	v57 =	vadd.s32 s0, v14;
	v39 =	vld.idx.msk [tilespmem:v61+s4+$0x0], $0xffff  }
0xb6: {  	v58 =	vadd.s32 s8, v12;
	v61 =	vor.u32 s3, v5;
	v34 =	vld.idx.msk [tilespmem:v62+s4+$0x0], $0xffff;
	[tilespmem:v63+s25+$0x0] =	vst.idx.msk $0xffff, v31;
	v60 =	vmul.f32 v45, v13  }
0xb7: {  	v59 =	vadd.s32 s3, v12;
	v62 =	vor.u32 s20, v5;
	v31 =	vld.idx.msk [tilespmem:v52+s4+$0x0], $0xffff;
	[tilespmem:v40+s25+$0x0] =	vst.idx.msk $0xffff, v25;
	v25 =	vmul.f32 v28, v13  }
0xb8: {  	v43 =	vadd.s32 s7, v17;
	v28 =	vmul.f32 v37, v11;
	v52 =	vor.u32 s7, v1;
	v63 =	vld.idx.msk [tilespmem:v53+s4+$0x0], $0xffff;
	[tilespmem:v56+s25+$0x0] =	vst.idx.msk $0xffff, v60  }
0xb9: {  	v49 =	vld.idx.msk [tilespmem:v29+s4+$0x0], $0xffff;
	v53 =	vadd.s32 s7, v19;
	[tilespmem:v54+s25+$0x0] =	vst.idx.msk $0xffff, v25;
	v54 =	vor.u32 s2, v2;
	v25 =	vmul.f32 v44, v11  }
0xba: {  	v47 =	vadd.s32 s6, v17;
	v38 =	vmul.f32 v55, v11;
	v29 =	vadd.s32 s2, v17;
	[tilespmem:v30+s25+$0x0] =	vst.idx.msk $0xffff, v28;
	v42 =	vld.idx.msk [tilespmem:v57+s4+$0x0], $0xffff  }
0xbb: {  	v55 =	vor.u32 s6, v1;
	v39 =	vmul.f32 v39, v23;
	v32 =	vld.idx.msk [tilespmem:v58+s4+$0x0], $0xffff;
	v57 =	vadd.s32 s18, v14;
	[tilespmem:v61+s25+$0x0] =	vst.idx.msk $0xffff, v25  }
0xbc: {  	v40 =	vor.u32 s1, v2;
	v56 =	vadd.s32 s6, v19;
	[tilespmem:v62+s25+$0x0] =	vst.idx.msk $0xffff, v38;
	v31 =	vmul.f32 v31, v18;
	v36 =	vld.idx.msk [tilespmem:v59+s4+$0x0], $0xffff  }
0xbd: {  	v46 =	vmul.f32 v46, v18;
	v58 =	vor.u32 s0, v5;
	v61 =	vadd.s32 s1, v17;
	[tilespmem:v52+s25+$0x0] =	vst.idx.msk $0xffff, v39;
	v39 =	vld.idx.msk [tilespmem:v35+s4+$0x0], $0xffff  }
0xbe: {  	v45 =	vor.u32 s7, v2;
	v60 =	vadd.s32 s0, v12;
	v59 =	vmul.f32 v63, v23;
	v41 =	vld.idx.msk [tilespmem:v53+s4+$0x0], $0xffff;
	[tilespmem:v54+s25+$0x0] =	vst.idx.msk $0xffff, v31  }
0xbf: {  	v30 =	vor.u32 s22, v1;
	v28 =	vadd.s32 s22, v16;
	v63 =	vor.u32 s8, v6;
	v62 =	vld.idx.msk [tilespmem:v29+s4+$0x0], $0xffff  }
0xc0: {  	v25 =	vor.u32 s7, v7;
	v54 =	vor.u32 s20, v6;
	[tilespmem:v55+s25+$0x0] =	vst.idx.msk $0xffff, v59;
	v42 =	vmul.f32 v42, v11;
	v29 =	vld.idx.msk [tilespmem:v57+s4+$0x0], $0xffff  }
0xc1: {  	v33 =	vmul.f32 v34, v23;
	[tilespmem:v40+s25+$0x0] =	vst.idx.msk $0xffff, v46;
	v53 =	vor.u32 s3, v6;
	v55 =	vadd.s32 s20, v9;
	v52 =	vld.idx.msk [tilespmem:v56+s4+$0x0], $0xffff  }
0xc2: {  	v38 =	vadd.s32 s2, v16;
	v31 =	vadd.s32 s3, v9;
	v32 =	vmul.f32 v32, v10;
	v40 =	vld.idx.msk [tilespmem:v61+s4+$0x0], $0xffff;
	[tilespmem:v58+s25+$0x0] =	vst.idx.msk $0xffff, v42  }
0xc3: {  	v35 =	vor.u32 s0, v6;
	v46 =	vor.u32 s6, v2;
	v57 =	vmul.f32 v39, v10;
	v34 =	vld.idx.msk [tilespmem:v60+s4+$0x0], $0xffff  }
0xc4: {  	v56 =	vmul.f32 v36, v10;
	v42 =	vor.u32 s2, v3;
	v36 =	vmul.f32 v49, v23;
	[tilespmem:v63+s25+$0x0] =	vst.idx.msk $0xffff, v32  }
0xc5: {  	v48 =	vmul.f32 v41, v18;
	v41 =	vor.u32 s1, v3;
	v32 =	vadd.s32 s0, v9;
	v39 =	vld.idx.msk [tilespmem:v51+s4+$0x0], $0xffff;
	[tilespmem:v54+s25+$0x0] =	vst.idx.msk $0xffff, v57  }
0xc6: {  	s8 =	simm.s32 $0xC;
	[tilespmem:v53+s25+$0x0] =	vst.idx.msk $0xffff, v56;
	v44 =	vmul.f32 v62, v15;
	v37 =	vld.idx.msk [tilespmem:v55+s4+$0x0], $0xffff;
	v49 =	vmul.f32 v52, v18  }
.LBB2_2:
0xc7: {  	s9 =	sshll.u32 s8, $0x7;
	p1 =	slt.u32 s8, $0x9C;
	s8 =	sadd.s32 $0x4, s8;
	[tilespmem:v45+s25+$0x0] =	vst.idx.msk $0xffff, v48;
	v45 =	vld.idx.msk [tilespmem:v31+s4+$0x0], $0xffff;
	v48 =	vor.u32 s3, v7;
	v50 =	vor.u32 s20, v7  }
0xc8: {  	v31 =	vadd.s32 s2, v12;
	v51 =	vadd.s32 s9, v20;
	s20 =	sadd.s32 $0x80, s9;
	s10 =	sadd.s32 $0x100, s9;
	s11 =	sadd.s32 $0x180, s9;
	v43 =	vld.idx.msk [tilespmem:v43+s4+$0x0], $0xffff;
	[tilespmem:v46+s25+$0x0] =	vst.idx.msk $0xffff, v49;
	v46 =	vmul.f32 v34, v10  }
0xc9: {  	s3 =	smov.u32 s1;
	s1 =	smov.u32 s22;
	v40 =	vmul.f32 v40, v15;
	v49 =	vadd.s32 s20, v20;
	v52 =	vadd.s32 s10, v20;
	v47 =	vld.idx.msk [tilespmem:v47+s4+$0x0], $0xffff;
	[tilespmem:v42+s25+$0x0] =	vst.idx.msk $0xffff, v44;
	s22 =	smov.u32 s20  }
0xca: {  	v44 =	vadd.s32 s11, v20;
	s20 =	smov.u32 s2;
	s2 =	smov.u32 s5;
	s5 =	smov.u32 s10;
	v42 =	vor.u32 s22, v1;
	v34 =	vadd.s32 s22, v16;
	v38 =	vld.idx.msk [tilespmem:v38+s4+$0x0], $0xffff;
	[tilespmem:v35+s25+$0x0] =	vst.idx.msk $0xffff, v46  }
0xcb: {  	v35 =	vor.u32 s7, v3;
	v39 =	vmul.f32 v39, v8;
	[tilespmem:v41+s25+$0x0] =	vst.idx.msk $0xffff, v40;
	v40 =	vadd.s32 s3, v14;
	v32 =	vld.idx.msk [tilespmem:v32+s4+$0x0], $0xffff  }
0xcc: {  	v41 =	vadd.s32 s7, v16;
	[tilespmem:v30+s25+$0x0] =	vst.idx.msk $0xffff, v33;
	v30 =	vor.u32 s6, v3;
	v26 =	vld.idx.msk [tilespmem:v26+s4+$0x0], $0xffff;
	v33 =	vmul.f32 v37, v8  }
0xcd: {  	v46 =	vadd.s32 s6, v16;
	v37 =	vld.idx.msk [tilespmem:v51+s4+$0x0], $0xffff;
	v51 =	vor.u32 s20, v4;
	[tilespmem:v27+s25+$0x0] =	vst.idx.msk $0xffff, v39;
	v27 =	vmul.f32 v45, v8  }
0xce: {  	v43 =	vmul.f32 v43, v15;
	v45 =	vadd.s32 s1, v19;
	v39 =	vld.idx.msk [tilespmem:v49+s4+$0x0], $0xffff;
	v49 =	vor.u32 s0, v7;
	[tilespmem:v50+s25+$0x0] =	vst.idx.msk $0xffff, v33;
	s0 =	smov.u32 s6;
	s6 =	smov.u32 s11  }
0xcf: {  	v50 =	vadd.s32 s20, v14;
	v33 =	vld.idx.msk [tilespmem:v44+s4+$0x0], $0xffff;
	v44 =	vmul.f32 v47, v15;
	v47 =	vor.u32 s3, v4;
	[tilespmem:v48+s25+$0x0] =	vst.idx.msk $0xffff, v27  }
0xd0: {  	v27 =	vor.u32 s9, v0;
	v38 =	vmul.f32 v38, v13;
	v48 =	vld.idx.msk [tilespmem:v52+s4+$0x0], $0xffff;
	[tilespmem:v35+s25+$0x0] =	vst.idx.msk $0xffff, v43;
	v35 =	vor.u32 s2, v1  }
0xd1: {  	v43 =	vadd.s32 s9, v21;
	v52 =	vor.u32 s22, v0;
	v41 =	vld.idx.msk [tilespmem:v41+s4+$0x0], $0xffff;
	[tilespmem:v30+s25+$0x0] =	vst.idx.msk $0xffff, v44;
	v30 =	vmul.f32 v32, v8  }
0xd2: {  	v32 =	vadd.s32 s22, v21;
	v44 =	vor.u32 s5, v0;
	v26 =	vmul.f32 v26, v13;
	v46 =	vld.idx.msk [tilespmem:v46+s4+$0x0], $0xffff;
	[tilespmem:v51+s25+$0x0] =	vst.idx.msk $0xffff, v38  }
0xd3: {  	v37 =	vmul.f32 v37, v22;
	v38 =	vor.u32 s6, v0;
	v51 =	vadd.s32 s2, v19;
	v45 =	vld.idx.msk [tilespmem:v45+s4+$0x0], $0xffff;
	[tilespmem:v49+s25+$0x0] =	vst.idx.msk $0xffff, v30  }
0xd4: {  	v53 =	vor.u32 s7, v4;
	v39 =	vmul.f32 v39, v22;
	v49 =	vadd.s32 s6, v21;
	[tilespmem:v47+s25+$0x0] =	vst.idx.msk $0xffff, v26;
	v47 =	vld.idx.msk [tilespmem:v50+s4+$0x0], $0xffff  }
0xd5: {  	v50 =	vadd.s32 s0, v14;
	[tilespmem:v27+s25+$0x0] =	vst.idx.msk $0xffff, v37;
	v27 =	vadd.s32 s5, v21;
	v37 =	vor.u32 s0, v4;
	v40 =	vld.idx.msk [tilespmem:v40+s4+$0x0], $0xffff;
	v30 =	vmovc v42  }
0xd6: {  	v33 =	vmul.f32 v33, v22;
	v42 =	vld.idx.msk [tilespmem:v43+s4+$0x0], $0xffff;
	[tilespmem:v52+s25+$0x0] =	vst.idx.msk $0xffff, v39;
	v39 =	vmul.f32 v48, v22  }
0xd7: {  	v26 =	vmovc v28;
	v43 =	vadd.s32 s3, v12;
	v32 =	vld.idx.msk [tilespmem:v32+s4+$0x0], $0xffff;
	[tilespmem:v35+s25+$0x0] =	vst.idx.msk $0xffff, v36;
	v35 =	vor.u32 s18, v5;
	v36 =	vadd.s32 s18, v12  }
0xd8: {  	[tilespmem:v38+s25+$0x0] =	vst.idx.msk $0xffff, v33;
	v28 =	vld.idx.msk [tilespmem:v51+s4+$0x0], $0xffff;
	v33 =	vmul.f32 v46, v13;
	v38 =	vor.u32 s3, v5;
	v46 =	vor.u32 s20, v5  }
0xd9: {  	v29 =	vmul.f32 v29, v11;
	v41 =	vmul.f32 v41, v13;
	[tilespmem:v44+s25+$0x0] =	vst.idx.msk $0xffff, v39;
	v39 =	vld.idx.msk [tilespmem:v49+s4+$0x0], $0xffff  }
0xda: {  	v48 =	vadd.s32 s2, v17;
	v44 =	vor.u32 s9, v1;
	v49 =	vld.idx.msk [tilespmem:v27+s4+$0x0], $0xffff;
	[tilespmem:v37+s25+$0x0] =	vst.idx.msk $0xffff, v33;
	v27 =	vmul.f32 v47, v11  }
0xdb: {  	v37 =	vadd.s32 s9, v19;
	v40 =	vmul.f32 v40, v11;
	[tilespmem:v53+s25+$0x0] =	vst.idx.msk $0xffff, v41;
	v41 =	vor.u32 s2, v2;
	v47 =	vld.idx.msk [tilespmem:v50+s4+$0x0], $0xffff  }
0xdc: {  	v45 =	vmul.f32 v45, v18;
	v42 =	vmul.f32 v42, v23;
	v50 =	vor.u32 s6, v1;
	[tilespmem:v35+s25+$0x0] =	vst.idx.msk $0xffff, v29  }
0xdd: {  	v33 =	vmul.f32 v32, v23;
	v29 =	vadd.s32 s6, v19;
	v32 =	vor.u32 s1, v2;
	v36 =	vld.idx.msk [tilespmem:v36+s4+$0x0], $0xffff;
	[tilespmem:v38+s25+$0x0] =	vst.idx.msk $0xffff, v40  }
0xde: {  	v35 =	vadd.s32 s7, v14;
	v52 =	vmul.f32 v28, v18;
	v40 =	vor.u32 s0, v5;
	v43 =	vld.idx.msk [tilespmem:v43+s4+$0x0], $0xffff;
	[tilespmem:v46+s25+$0x0] =	vst.idx.msk $0xffff, v27  }
0xdf: {  	v38 =	vmul.f32 v39, v23;
	v39 =	vadd.s32 s0, v12;
	[tilespmem:v44+s25+$0x0] =	vst.idx.msk $0xffff, v42;
	v42 =	vor.u32 s9, v7;
	v44 =	vld.idx.msk [tilespmem:v31+s4+$0x0], $0xffff  }
0xe0: {  	v51 =	vadd.s32 s1, v17;
	v28 =	vmovc v34;
	v27 =	vmov v24;
	v31 =	vadd.s32 s3, v9;
	v37 =	vld.idx.msk [tilespmem:v37+s4+$0x0], $0xffff;
	[tilespmem:v41+s25+$0x0] =	vst.idx.msk $0xffff, v52  }
0xe1: {  	v34 =	vmul.f32 v47, v11;
	v52 =	vadd.s32 s18, v9;
	[tilespmem:v50+s25+$0x0] =	vst.idx.msk $0xffff, v38;
	v41 =	vld.idx.msk [tilespmem:v48+s4+$0x0], $0xffff;
	v50 =	vor.u32 s18, v6;
	s18 =	smov.u32 s7;
	s7 =	smov.u32 s9  }
0xe2: {  	v54 =	vor.u32 s3, v6;
	v55 =	vadd.s32 s20, v9;
	v24 =	vmovc v25;
	v53 =	vld.idx.msk [tilespmem:v29+s4+$0x0], $0xffff;
	[tilespmem:v32+s25+$0x0] =	vst.idx.msk $0xffff, v45;
	v32 =	vor.u32 s20, v6  }
0xe3: {  	v25 =	vmov v42;
	v38 =	vadd.s32 s2, v16;
	v29 =	vld.idx.msk [tilespmem:v35+s4+$0x0], $0xffff;
	[tilespmem:v40+s25+$0x0] =	vst.idx.msk $0xffff, v34;
	v35 =	vor.u32 s0, v6  }
.Ltmp2:
0xe4: {  	v45 =	vor.u32 s7, v2;
	v36 =	vmul.f32 v36, v10;
	v56 =	vmul.f32 v43, v10;
	v34 =	vld.idx.msk [tilespmem:v39+s4+$0x0], $0xffff;
	(pc) =	sbr.rel @p1 .LBB2_2-.Ltmp2, $4  }
0xe5: {  	v46 =	vor.u32 s6, v2;
	v43 =	vadd.s32 s7, v17;
	v40 =	vld.idx.msk [tilespmem:v51+s4+$0x0], $0xffff;
	v51 =	vmul.f32 v44, v10  }
0xe6: {  	v47 =	vadd.s32 s6, v17;
	v42 =	vor.u32 s2, v3;
	v48 =	vmul.f32 v37, v18;
	[tilespmem:v50+s25+$0x0] =	vst.idx.msk $0xffff, v36  }
0xe7: {  	v36 =	vmul.f32 v49, v23;
	v44 =	vmul.f32 v41, v15;
	v39 =	vld.idx.msk [tilespmem:v52+s4+$0x0], $0xffff;
	[tilespmem:v32+s25+$0x0] =	vst.idx.msk $0xffff, v51  }
0xe8: {  	v41 =	vor.u32 s1, v3;
	v49 =	vmul.f32 v53, v18;
	v32 =	vadd.s32 s0, v9;
	[tilespmem:v54+s25+$0x0] =	vst.idx.msk $0xffff, v56;
	v37 =	vld.idx.msk [tilespmem:v55+s4+$0x0], $0xffff  }
0xe9: {  	v50 =	vor.u32 s5, v1  }
0xea: {  	v51 =	vadd.s32 s5, v19  }
0xeb: {  	v52 =	vadd.s32 s22, v19;
	_ =	sdelay $0x2  }
0xec: {  	[tilespmem:v50+s25+$0x0] =	vst.idx.msk $0xffff, v36  }
0xed: {  	[tilespmem:v30+s25+$0x0] =	vst.idx.msk $0xffff, v33;
	v30 =	vld.idx.msk [tilespmem:v51+s4+$0x0], $0xffff  }
0xee: {  	v33 =	vld.idx.msk [tilespmem:v52+s4+$0x0], $0xffff  }
0xef: {  	v59 =	vor.u32 s5, v2  }
0xf0: {  	v60 =	vadd.s32 s5, v17;
	v61 =	vor.u32 s22, v2  }
0xf1: {  	v62 =	vadd.s32 s22, v17  }
0xf2: {  	[tilespmem:v46+s25+$0x0] =	vst.idx.msk $0xffff, v49;
	v30 =	vmul.f32 v30, v18  }
0xf3: {  	[tilespmem:v45+s25+$0x0] =	vst.idx.msk $0xffff, v48;
	v63 =	vld.idx.msk [tilespmem:v47+s4+$0x0], $0xffff;
	v33 =	vmul.f32 v33, v18  }
0xf4: {  	v43 =	vld.idx.msk [tilespmem:v43+s4+$0x0], $0xffff;
	[tilespmem:v59+s25+$0x0] =	vst.idx.msk $0xffff, v30  }
0xf5: {  	[tilespmem:v61+s25+$0x0] =	vst.idx.msk $0xffff, v33;
	v30 =	vor.u32 s6, v3;
	v36 =	vld.idx.msk [tilespmem:v60+s4+$0x0], $0xffff  }
0xf6: {  	v53 =	vor.u32 s7, v3;
	v54 =	vadd.s32 s6, v16;
	v55 =	vld.idx.msk [tilespmem:v62+s4+$0x0], $0xffff  }
0xf7: {  	v56 =	vadd.s32 s7, v16;
	v57 =	vor.u32 s5, v3;
	v40 =	vmul.f32 v40, v15  }
0xf8: {  	[tilespmem:v42+s25+$0x0] =	vst.idx.msk $0xffff, v44;
	v58 =	vmul.f32 v63, v15;
	v59 =	vadd.s32 s5, v16;
	v60 =	vor.u32 s22, v3  }
0xf9: {  	v38 =	vld.idx.msk [tilespmem:v38+s4+$0x0], $0xffff;
	[tilespmem:v41+s25+$0x0] =	vst.idx.msk $0xffff, v40;
	v61 =	vmul.f32 v43, v15  }
0xfa: {  	v26 =	vld.idx.msk [tilespmem:v26+s4+$0x0], $0xffff;
	[tilespmem:v30+s25+$0x0] =	vst.idx.msk $0xffff, v58;
	v30 =	vmul.f32 v36, v15  }
0xfb: {  	v62 =	vor.u32 s2, v4;
	[tilespmem:v53+s25+$0x0] =	vst.idx.msk $0xffff, v61;
	v50 =	vmul.f32 v55, v15;
	v63 =	vld.idx.msk [tilespmem:v54+s4+$0x0], $0xffff  }
0xfc: {  	v34 =	vmul.f32 v34, v10;
	v52 =	vadd.s32 s2, v14;
	v51 =	vor.u32 s1, v4;
	v53 =	vld.idx.msk [tilespmem:v56+s4+$0x0], $0xffff;
	[tilespmem:v57+s25+$0x0] =	vst.idx.msk $0xffff, v30  }
0xfd: {  	v39 =	vmul.f32 v39, v8;
	v54 =	vor.u32 s6, v4;
	[tilespmem:v60+s25+$0x0] =	vst.idx.msk $0xffff, v50;
	v30 =	vadd.s32 s1, v14;
	v44 =	vld.idx.msk [tilespmem:v59+s4+$0x0], $0xffff  }
0xfe: {  	[tilespmem:v35+s25+$0x0] =	vst.idx.msk $0xffff, v34;
	v56 =	vor.u32 s7, v4;
	v55 =	vmul.f32 v38, v13;
	v57 =	vadd.s32 s6, v14;
	v28 =	vld.idx.msk [tilespmem:v28+s4+$0x0], $0xffff  }
0xff: {  	[tilespmem:v27+s25+$0x0] =	vst.idx.msk $0xffff, v39;
	v27 =	vadd.s32 s7, v14;
	v26 =	vmul.f32 v26, v13;
	v58 =	vor.u32 s5, v4  }
0x100: {  	[tilespmem:v62+s25+$0x0] =	vst.idx.msk $0xffff, v55;
	v60 =	vadd.s32 s5, v14;
	v59 =	vor.u32 s22, v4;
	v33 =	vmul.f32 v63, v13  }
0x101: {  	v48 =	vor.u32 s18, v5;
	[tilespmem:v51+s25+$0x0] =	vst.idx.msk $0xffff, v26;
	v62 =	vmul.f32 v53, v13;
	v26 =	vld.idx.msk [tilespmem:v52+s4+$0x0], $0xffff;
	v63 =	vadd.s32 s22, v14  }
0x102: {  	v61 =	vor.u32 s20, v7;
	v30 =	vld.idx.msk [tilespmem:v30+s4+$0x0], $0xffff;
	[tilespmem:v54+s25+$0x0] =	vst.idx.msk $0xffff, v33;
	v49 =	vmul.f32 v44, v13  }
0x103: {  	v51 =	vor.u32 s2, v5;
	v50 =	vadd.s32 s18, v12;
	[tilespmem:v56+s25+$0x0] =	vst.idx.msk $0xffff, v62;
	v28 =	vmul.f32 v28, v13;
	v52 =	vld.idx.msk [tilespmem:v57+s4+$0x0], $0xffff  }
0x104: {  	v29 =	vmul.f32 v29, v11;
	v53 =	vadd.s32 s2, v12;
	v27 =	vld.idx.msk [tilespmem:v27+s4+$0x0], $0xffff;
	v54 =	vor.u32 s1, v5;
	[tilespmem:v58+s25+$0x0] =	vst.idx.msk $0xffff, v49  }
0x105: {  	v37 =	vmul.f32 v37, v8;
	v55 =	vadd.s32 s1, v12;
	v56 =	vor.u32 s6, v5;
	[tilespmem:v59+s25+$0x0] =	vst.idx.msk $0xffff, v28;
	v28 =	vld.idx.msk [tilespmem:v60+s4+$0x0], $0xffff  }
0x106: {  	[tilespmem:v48+s25+$0x0] =	vst.idx.msk $0xffff, v29;
	v26 =	vmul.f32 v26, v11;
	v57 =	vadd.s32 s6, v12;
	v59 =	vor.u32 s7, v5;
	v58 =	vld.idx.msk [tilespmem:v63+s4+$0x0], $0xffff  }
0x107: {  	v31 =	vld.idx.msk [tilespmem:v31+s4+$0x0], $0xffff;
	v29 =	vadd.s32 s7, v12;
	[tilespmem:v61+s25+$0x0] =	vst.idx.msk $0xffff, v37;
	v60 =	vor.u32 s5, v5;
	v30 =	vmul.f32 v30, v11  }
0x108: {  	v62 =	vadd.s32 s5, v12;
	v61 =	vld.idx.msk [tilespmem:v50+s4+$0x0], $0xffff;
	[tilespmem:v51+s25+$0x0] =	vst.idx.msk $0xffff, v26;
	v63 =	vor.u32 s22, v5;
	v26 =	vmul.f32 v52, v11  }
0x109: {  	v48 =	vor.u32 s3, v7;
	v27 =	vmul.f32 v27, v11;
	v49 =	vadd.s32 s22, v12;
	[tilespmem:v54+s25+$0x0] =	vst.idx.msk $0xffff, v30;
	v30 =	vld.idx.msk [tilespmem:v53+s4+$0x0], $0xffff  }
0x10a: {  	v50 =	vor.u32 s18, v6;
	v33 =	vld.idx.msk [tilespmem:v55+s4+$0x0], $0xffff;
	[tilespmem:v56+s25+$0x0] =	vst.idx.msk $0xffff, v26;
	v26 =	vmul.f32 v28, v11  }
0x10b: {  	v51 =	vor.u32 s2, v6;
	[tilespmem:v59+s25+$0x0] =	vst.idx.msk $0xffff, v27;
	v36 =	vmul.f32 v58, v11;
	v28 =	vadd.s32 s18, v9;
	v34 =	vld.idx.msk [tilespmem:v57+s4+$0x0], $0xffff  }
0x10c: {  	v52 =	vadd.s32 s2, v9;
	v27 =	vmul.f32 v31, v8;
	v31 =	vor.u32 s1, v6;
	v29 =	vld.idx.msk [tilespmem:v29+s4+$0x0], $0xffff;
	[tilespmem:v60+s25+$0x0] =	vst.idx.msk $0xffff, v26  }
0x10d: {  	v42 =	vmul.f32 v61, v10;
	v53 =	vor.u32 s6, v6;
	[tilespmem:v63+s25+$0x0] =	vst.idx.msk $0xffff, v36;
	v26 =	vadd.s32 s1, v9;
	v35 =	vld.idx.msk [tilespmem:v62+s4+$0x0], $0xffff  }
0x10e: {  	v54 =	vor.u32 s7, v6;
	[tilespmem:v48+s25+$0x0] =	vst.idx.msk $0xffff, v27;
	v36 =	vld.idx.msk [tilespmem:v49+s4+$0x0], $0xffff;
	v27 =	vmul.f32 v30, v10;
	v30 =	vadd.s32 s6, v9  }
0x10f: {  	v32 =	vld.idx.msk [tilespmem:v32+s4+$0x0], $0xffff;
	[tilespmem:v50+s25+$0x0] =	vst.idx.msk $0xffff, v42;
	v55 =	vadd.s32 s7, v9;
	v56 =	vor.u32 s5, v6;
	v33 =	vmul.f32 v33, v10  }
0x110: {  	v58 =	vadd.s32 s5, v9;
	v57 =	vor.u32 s22, v6;
	v28 =	vld.idx.msk [tilespmem:v28+s4+$0x0], $0xffff;
	[tilespmem:v51+s25+$0x0] =	vst.idx.msk $0xffff, v27;
	v27 =	vmul.f32 v34, v10  }
0x111: {  	v59 =	vor.u32 s0, v7;
	v60 =	vadd.s32 s22, v9;
	v29 =	vmul.f32 v29, v10;
	[tilespmem:v31+s25+$0x0] =	vst.idx.msk $0xffff, v33;
	v31 =	vld.idx.msk [tilespmem:v52+s4+$0x0], $0xffff  }
0x112: {  	v26 =	vld.idx.msk [tilespmem:v26+s4+$0x0], $0xffff;
	[tilespmem:v53+s25+$0x0] =	vst.idx.msk $0xffff, v27;
	v27 =	vmul.f32 v35, v10  }
0x113: {  	v61 =	vor.u32 s2, v7;
	[tilespmem:v54+s25+$0x0] =	vst.idx.msk $0xffff, v29;
	v36 =	vmul.f32 v36, v10;
	v30 =	vld.idx.msk [tilespmem:v30+s4+$0x0], $0xffff  }
0x114: {  	v62 =	vor.u32 s1, v7;
	v29 =	vmul.f32 v32, v8;
	v63 =	vld.idx.msk [tilespmem:v55+s4+$0x0], $0xffff;
	[tilespmem:v56+s25+$0x0] =	vst.idx.msk $0xffff, v27  }
0x115: {  	[tilespmem:v57+s25+$0x0] =	vst.idx.msk $0xffff, v36;
	v27 =	vmul.f32 v28, v8;
	v28 =	vor.u32 s6, v7;
	v40 =	vld.idx.msk [tilespmem:v58+s4+$0x0], $0xffff  }
0x116: {  	[tilespmem:v59+s25+$0x0] =	vst.idx.msk $0xffff, v29;
	v29 =	vmul.f32 v31, v8;
	v31 =	vld.idx.msk [tilespmem:v60+s4+$0x0], $0xffff  }
0x117: {  	[tilespmem:v24+s25+$0x0] =	vst.idx.msk $0xffff, v27;
	v24 =	vmul.f32 v26, v8;
	v26 =	vor.u32 s5, v7  }
0x118: {  	[tilespmem:v61+s25+$0x0] =	vst.idx.msk $0xffff, v29;
	v27 =	vmul.f32 v30, v8;
	v29 =	vor.u32 s22, v7  }
0x119: {  	[tilespmem:v62+s25+$0x0] =	vst.idx.msk $0xffff, v24;
	v24 =	vmul.f32 v63, v8  }
0x11a: {  	[tilespmem:v28+s25+$0x0] =	vst.idx.msk $0xffff, v27;
	v27 =	vmul.f32 v40, v8  }
0x11b: {  	[tilespmem:v25+s25+$0x0] =	vst.idx.msk $0xffff, v24;
	v24 =	vmul.f32 v31, v8  }
0x11c: {  	[tilespmem:v26+s25+$0x0] =	vst.idx.msk $0xffff, v27  }
0x11d: {  	[tilespmem:v29+s25+$0x0] =	vst.idx.msk $0xffff, v24  }
0x11e: {  	s9 =	simm.s32 $0x180;
	s18 =	simm.s32 $0x0;
	s20 =	rddreg [dreg:$0x6]  }
0x11f: {  	[hbm4b:s20+s18] =	stream.linear.scatter [tilespmem:s25], [sflag:$0x3], $0x5000, $0x38;
	[tilespmem:$0x14100] =	vst v63  }
0x120: {  	v24 =	vadd.s32 s9, v20;
	s22 =	rddreg [dreg:$0x7]  }
0x121: {  	[tilespmem:s18], [sflag:$0x1] =	stream.linear.gather [hbm4b:s22+s18], $0x5000, $0x38;
	[tilespmem:$0x14100] =	vst v63  }
0x122: {  	_ =	swait.ge [sflag:s26], $0x5000  }
0x123: {  	[sflag:s26] =	ssyncset.done $0x0  }
0x124: {  	[sflag:s26] =	ssyncadd.s32 $0xFFFFB000  }
0x125: {  	v24 =	vld.idx.msk [tilespmem:v24+s23+$0x0], $0xffff;
	_ =	sdelay $0x1  }
0x126: {  	v25 =	vor.u32 s9, v0  }
0x127: {  	v26 =	vadd.s32 s9, v21;
	_ =	sdelay $0x1  }
0x128: {  	s8 =	simm.s32 $0x0;
	v24 =	vmul.f32 v24, v22  }
0x129: {  	v27 =	vadd.s32 s8, v20  }
0x12a: {  	[tilespmem:v25+s28+$0x0] =	vst.idx.msk $0xffff, v24  }
0x12b: {  	v24 =	vld.idx.msk [tilespmem:v26+s23+$0x0], $0xffff;
	_ =	sdelay $0x1  }
0x12c: {  	v25 =	vor.u32 s9, v1  }
0x12d: {  	v27 =	vld.idx.msk [tilespmem:v27+s23+$0x0], $0xffff;
	v26 =	vadd.s32 s9, v19;
	_ =	sdelay $0x1  }
0x12e: {  	v28 =	vor.u32 s8, v0;
	v24 =	vmul.f32 v24, v23;
	_ =	sdelay $0x1  }
0x12f: {  	v29 =	vadd.s32 s8, v21;
	[tilespmem:v25+s28+$0x0] =	vst.idx.msk $0xffff, v24  }
0x130: {  	s20 =	simm.s32 $0x100;
	v25 =	vmul.f32 v27, v22;
	v24 =	vld.idx.msk [tilespmem:v26+s23+$0x0], $0xffff  }
0x131: {  	s3 =	simm.s32 $0x80;
	v26 =	vadd.s32 s20, v20  }
0x132: {  	v27 =	vor.u32 s9, v2;
	[tilespmem:v28+s28+$0x0] =	vst.idx.msk $0xffff, v25;
	v28 =	vadd.s32 s3, v20  }
0x133: {  	v25 =	vadd.s32 s9, v17  }
0x134: {  	v29 =	vld.idx.msk [tilespmem:v29+s23+$0x0], $0xffff  }
0x135: {  	v24 =	vmul.f32 v24, v18  }
0x136: {  	v30 =	vor.u32 s8, v1;
	v26 =	vld.idx.msk [tilespmem:v26+s23+$0x0], $0xffff  }
0x137: {  	v31 =	vadd.s32 s8, v19;
	s18 =	simm.s32 $0x200;
	[tilespmem:v27+s28+$0x0] =	vst.idx.msk $0xffff, v24;
	v27 =	vld.idx.msk [tilespmem:v28+s23+$0x0], $0xffff  }
0x138: {  	v24 =	vadd.s32 s18, v20;
	v28 =	vor.u32 s20, v0;
	v25 =	vld.idx.msk [tilespmem:v25+s23+$0x0], $0xffff  }
0x139: {  	s0 =	simm.s32 $0x380;
	v42 =	vadd.s32 s20, v21;
	v29 =	vmul.f32 v29, v23  }
0x13a: {  	v43 =	vor.u32 s9, v3;
	v41 =	vadd.s32 s0, v20  }
0x13b: {  	v44 =	vor.u32 s3, v0;
	[tilespmem:v30+s28+$0x0] =	vst.idx.msk $0xffff, v29;
	v29 =	vadd.s32 s9, v16;
	v26 =	vmul.f32 v26, v22  }
0x13c: {  	v30 =	vadd.s32 s3, v21;
	v31 =	vld.idx.msk [tilespmem:v31+s23+$0x0], $0xffff  }
0x13d: {  	v24 =	vld.idx.msk [tilespmem:v24+s23+$0x0], $0xffff;
	[tilespmem:v28+s28+$0x0] =	vst.idx.msk $0xffff, v26;
	v25 =	vmul.f32 v25, v15  }
0x13e: {  	v27 =	vmul.f32 v27, v22;
	v26 =	vor.u32 s8, v2;
	v45 =	vld.idx.msk [tilespmem:v42+s23+$0x0], $0xffff  }
0x13f: {  	v46 =	vadd.s32 s8, v17;
	v47 =	vor.u32 s18, v0;
	v28 =	vld.idx.msk [tilespmem:v41+s23+$0x0], $0xffff;
	[tilespmem:v43+s28+$0x0] =	vst.idx.msk $0xffff, v25  }
0x140: {  	v48 =	vor.u32 s20, v1;
	[tilespmem:v44+s28+$0x0] =	vst.idx.msk $0xffff, v27;
	v25 =	vadd.s32 s18, v21;
	v27 =	vld.idx.msk [tilespmem:v29+s23+$0x0], $0xffff  }
0x141: {  	v50 =	vadd.s32 s20, v19;
	v30 =	vld.idx.msk [tilespmem:v30+s23+$0x0], $0xffff;
	v31 =	vmul.f32 v31, v18;
	v29 =	vor.u32 s0, v0  }
0x142: {  	v49 =	vadd.s32 s0, v21;
	v51 =	vor.u32 s9, v4;
	v24 =	vmul.f32 v24, v22  }
0x143: {  	v52 =	vor.u32 s3, v1;
	[tilespmem:v26+s28+$0x0] =	vst.idx.msk $0xffff, v31;
	v26 =	vadd.s32 s9, v14;
	v31 =	vmul.f32 v45, v23  }
0x144: {  	s1 =	simm.s32 $0x280;
	v54 =	vadd.s32 s3, v19;
	v55 =	vadd.s32 s8, v16;
	v28 =	vmul.f32 v28, v22;
	v53 =	vld.idx.msk [tilespmem:v46+s23+$0x0], $0xffff;
	[tilespmem:v47+s28+$0x0] =	vst.idx.msk $0xffff, v24  }
0x145: {  	s2 =	simm.s32 $0x300;
	v59 =	vadd.s32 s0, v19;
	v24 =	vadd.s32 s1, v20;
	v25 =	vld.idx.msk [tilespmem:v25+s23+$0x0], $0xffff;
	[tilespmem:v48+s28+$0x0] =	vst.idx.msk $0xffff, v31;
	v27 =	vmul.f32 v27, v13  }
0x146: {  	[tilespmem:v29+s28+$0x0] =	vst.idx.msk $0xffff, v28;
	v28 =	vmul.f32 v30, v23;
	v29 =	vadd.s32 s2, v20;
	v30 =	vor.u32 s8, v3;
	v56 =	vld.idx.msk [tilespmem:v50+s23+$0x0], $0xffff  }
0x147: {  	v61 =	vor.u32 s9, v5;
	v57 =	vor.u32 s18, v1;
	v31 =	vld.idx.msk [tilespmem:v49+s23+$0x0], $0xffff;
	[tilespmem:v51+s28+$0x0] =	vst.idx.msk $0xffff, v27  }
0x148: {  	v58 =	vor.u32 s20, v2;
	[tilespmem:v52+s28+$0x0] =	vst.idx.msk $0xffff, v28;
	v27 =	vadd.s32 s18, v19;
	v26 =	vld.idx.msk [tilespmem:v26+s23+$0x0], $0xffff  }
0x149: {  	v60 =	vadd.s32 s20, v17;
	v28 =	vor.u32 s0, v1;
	v32 =	vmul.f32 v53, v15;
	v33 =	vld.idx.msk [tilespmem:v54+s23+$0x0], $0xffff  }
0x14a: {  	s5 =	simm.s32 $0x500;
	v62 =	vadd.s32 s9, v12;
	v63 =	vor.u32 s1, v0;
	v24 =	vld.idx.msk [tilespmem:v24+s23+$0x0], $0xffff;
	v25 =	vmul.f32 v25, v23  }
0x14b: {  	v40 =	vor.u32 s5, v0;
	v29 =	vld.idx.msk [tilespmem:v29+s23+$0x0], $0xffff;
	[tilespmem:v30+s28+$0x0] =	vst.idx.msk $0xffff, v32;
	v30 =	vor.u32 s3, v2;
	v35 =	vmul.f32 v56, v18  }
0x14c: {  	v44 =	vadd.s32 s3, v14;
	v31 =	vmul.f32 v31, v23;
	v34 =	vld.idx.msk [tilespmem:v55+s23+$0x0], $0xffff;
	[tilespmem:v57+s28+$0x0] =	vst.idx.msk $0xffff, v25;
	v25 =	vadd.s32 s3, v17  }
0x14d: {  	v45 =	vadd.s32 s1, v21;
	v46 =	vor.u32 s2, v0;
	v27 =	vld.idx.msk [tilespmem:v27+s23+$0x0], $0xffff;
	[tilespmem:v58+s28+$0x0] =	vst.idx.msk $0xffff, v35;
	v26 =	vmul.f32 v26, v11  }
0x14e: {  	s22 =	simm.s32 $0x480;
	v48 =	vadd.s32 s8, v14;
	[tilespmem:v28+s28+$0x0] =	vst.idx.msk $0xffff, v31;
	v31 =	vadd.s32 s2, v21;
	v33 =	vmul.f32 v33, v18;
	v49 =	vld.idx.msk [tilespmem:v60+s23+$0x0], $0xffff  }
0x14f: {  	s7 =	simm.s32 $0x400;
	v28 =	vor.u32 s8, v4;
	v24 =	vmul.f32 v24, v22;
	v60 =	vadd.s32 s22, v20;
	v47 =	vld.idx.msk [tilespmem:v59+s23+$0x0], $0xffff;
	[tilespmem:v61+s28+$0x0] =	vst.idx.msk $0xffff, v26  }
0x150: {  	v59 =	vadd.s32 s7, v20;
	v26 =	vor.u32 s18, v2;
	v29 =	vmul.f32 v29, v22;
	[tilespmem:v30+s28+$0x0] =	vst.idx.msk $0xffff, v33;
	v30 =	vld.idx.msk [tilespmem:v62+s23+$0x0], $0xffff  }
0x151: {  	v50 =	vadd.s32 s18, v17;
	v51 =	vor.u32 s0, v2;
	[tilespmem:v63+s28+$0x0] =	vst.idx.msk $0xffff, v24;
	v25 =	vld.idx.msk [tilespmem:v25+s23+$0x0], $0xffff  }
0x152: {  	v52 =	vadd.s32 s0, v17;
	v53 =	vor.u32 s20, v3;
	v24 =	vmul.f32 v34, v13;
	v36 =	vld.idx.msk [tilespmem:v45+s23+$0x0], $0xffff;
	[tilespmem:v46+s28+$0x0] =	vst.idx.msk $0xffff, v29  }
0x153: {  	v54 =	vor.u32 s9, v6;
	v29 =	vadd.s32 s20, v16;
	v55 =	vmul.f32 v27, v18;
	v31 =	vld.idx.msk [tilespmem:v31+s23+$0x0], $0xffff  }
0x154: {  	v56 =	vadd.s32 s9, v9;
	[tilespmem:v28+s28+$0x0] =	vst.idx.msk $0xffff, v24;
	v28 =	vor.u32 s3, v3;
	v33 =	vld.idx.msk [tilespmem:v60+s23+$0x0], $0xffff;
	v24 =	vmul.f32 v47, v18  }
0x155: {  	s6 =	simm.s32 $0x580;
	v57 =	vadd.s32 s3, v16;
	v58 =	vor.u32 s1, v1;
	v38 =	vmul.f32 v49, v15;
	v43 =	vld.idx.msk [tilespmem:v59+s23+$0x0], $0xffff;
	[tilespmem:v26+s28+$0x0] =	vst.idx.msk $0xffff, v55  }
0x156: {  	v35 =	vadd.s32 s20, v12;
	v61 =	vadd.s32 s6, v20;
	v32 =	vld.idx.msk [tilespmem:v50+s23+$0x0], $0xffff;
	[tilespmem:v51+s28+$0x0] =	vst.idx.msk $0xffff, v24;
	v30 =	vmul.f32 v30, v10  }
0x157: {  	v63 =	vor.u32 s0, v3;
	v62 =	vor.u32 s18, v3;
	[tilespmem:v53+s28+$0x0] =	vst.idx.msk $0xffff, v38;
	v25 =	vmul.f32 v25, v15;
	v34 =	vld.idx.msk [tilespmem:v52+s23+$0x0], $0xffff  }
0x158: {  	v27 =	vor.u32 s8, v7;
	v60 =	vadd.s32 s7, v21;
	v29 =	vld.idx.msk [tilespmem:v29+s23+$0x0], $0xffff;
	[tilespmem:v54+s28+$0x0] =	vst.idx.msk $0xffff, v30  }
0x159: {  	v59 =	vor.u32 s2, v1;
	v30 =	vmul.f32 v31, v23;
	v31 =	vadd.s32 s5, v20;
	[tilespmem:v28+s28+$0x0] =	vst.idx.msk $0xffff, v25;
	v25 =	vld.idx.msk [tilespmem:v56+s23+$0x0], $0xffff  }
0x15a: {  	v53 =	vor.u32 s20, v4;
	v36 =	vmul.f32 v36, v23;
	v54 =	vadd.s32 s1, v19;
	v42 =	vld.idx.msk [tilespmem:v57+s23+$0x0], $0xffff  }
0x15b: {  	v55 =	vor.u32 s9, v7;
	v52 =	vadd.s32 s0, v16;
	v32 =	vmul.f32 v32, v15  }
0x15c: {  	v37 =	vld.idx.msk [tilespmem:v48+s23+$0x0], $0xffff;
	v28 =	vadd.s32 s18, v16;
	[tilespmem:v58+s28+$0x0] =	vst.idx.msk $0xffff, v36;
	v56 =	vor.u32 s3, v4;
	v34 =	vmul.f32 v34, v15  }
0x15d: {  	v36 =	vld.idx.msk [tilespmem:v61+s23+$0x0], $0xffff;
	v58 =	vor.u32 s7, v0;
	v57 =	vadd.s32 s20, v14;
	v29 =	vmul.f32 v29, v13;
	[tilespmem:v62+s28+$0x0] =	vst.idx.msk $0xffff, v32  }
0x15e: {  	v47 =	vadd.s32 s6, v17;
	v61 =	vor.u32 s22, v0;
	v31 =	vld.idx.msk [tilespmem:v31+s23+$0x0], $0xffff;
	[tilespmem:v63+s28+$0x0] =	vst.idx.msk $0xffff, v34;
	v25 =	vmul.f32 v25, v8  }
0x15f: {  	v26 =	vadd.s32 s1, v16;
	v62 =	vadd.s32 s22, v21;
	v46 =	vld.idx.msk [tilespmem:v54+s23+$0x0], $0xffff;
	v42 =	vmul.f32 v42, v13;
	[tilespmem:v53+s28+$0x0] =	vst.idx.msk $0xffff, v29  }
0x160: {  	v54 =	vor.u32 s18, v4;
	v29 =	vmul.f32 v43, v22;
	v63 =	vor.u32 s6, v0;
	v45 =	vld.idx.msk [tilespmem:v52+s23+$0x0], $0xffff;
	[tilespmem:v55+s28+$0x0] =	vst.idx.msk $0xffff, v25  }
0x161: {  	v28 =	vld.idx.msk [tilespmem:v28+s23+$0x0], $0xffff;
	v53 =	vadd.s32 s6, v21;
	v52 =	vadd.s32 s2, v19;
	v25 =	vmul.f32 v33, v22;
	[tilespmem:v56+s28+$0x0] =	vst.idx.msk $0xffff, v42  }
0x162: {  	v55 =	vld.idx.msk [tilespmem:v57+s23+$0x0], $0xffff;
	[tilespmem:v58+s28+$0x0] =	vst.idx.msk $0xffff, v29;
	v29 =	vadd.s32 s5, v21;
	v56 =	vor.u32 s0, v4  }
0x163: {  	v44 =	vld.idx.msk [tilespmem:v44+s23+$0x0], $0xffff;
	[tilespmem:v61+s28+$0x0] =	vst.idx.msk $0xffff, v25;
	v25 =	vmul.f32 v31, v22;
	v31 =	vmul.f32 v36, v22  }
0x164: {  	v48 =	vadd.s32 s0, v12;
	[tilespmem:v59+s28+$0x0] =	vst.idx.msk $0xffff, v30;
	v30 =	vor.u32 s8, v5;
	v57 =	vadd.s32 s0, v14;
	v39 =	vld.idx.msk [tilespmem:v60+s23+$0x0], $0xffff  }
0x165: {  	v58 =	vadd.s32 s8, v12;
	v61 =	vor.u32 s3, v5;
	v34 =	vld.idx.msk [tilespmem:v62+s23+$0x0], $0xffff;
	[tilespmem:v63+s28+$0x0] =	vst.idx.msk $0xffff, v31;
	v60 =	vmul.f32 v45, v13  }
0x166: {  	v59 =	vadd.s32 s3, v12;
	v62 =	vor.u32 s20, v5;
	v31 =	vld.idx.msk [tilespmem:v52+s23+$0x0], $0xffff;
	[tilespmem:v40+s28+$0x0] =	vst.idx.msk $0xffff, v25;
	v25 =	vmul.f32 v28, v13  }
0x167: {  	v24 =	vor.u32 s18, v7;
	v28 =	vmul.f32 v37, v11;
	v52 =	vor.u32 s7, v1;
	v63 =	vld.idx.msk [tilespmem:v53+s23+$0x0], $0xffff;
	[tilespmem:v56+s28+$0x0] =	vst.idx.msk $0xffff, v60  }
0x168: {  	v40 =	vor.u32 s1, v2;
	v49 =	vld.idx.msk [tilespmem:v29+s23+$0x0], $0xffff;
	v53 =	vadd.s32 s7, v19;
	[tilespmem:v54+s28+$0x0] =	vst.idx.msk $0xffff, v25;
	v25 =	vmul.f32 v44, v11  }
0x169: {  	v50 =	vadd.s32 s1, v17;
	v38 =	vmul.f32 v55, v11;
	v54 =	vor.u32 s2, v2;
	[tilespmem:v30+s28+$0x0] =	vst.idx.msk $0xffff, v28;
	v42 =	vld.idx.msk [tilespmem:v57+s23+$0x0], $0xffff  }
0x16a: {  	v29 =	vadd.s32 s2, v17;
	v55 =	vor.u32 s6, v1;
	v39 =	vmul.f32 v39, v23;
	v32 =	vld.idx.msk [tilespmem:v58+s23+$0x0], $0xffff;
	[tilespmem:v61+s28+$0x0] =	vst.idx.msk $0xffff, v25  }
0x16b: {  	v43 =	vadd.s32 s7, v17;
	v46 =	vmul.f32 v46, v18;
	v56 =	vadd.s32 s6, v19;
	[tilespmem:v62+s28+$0x0] =	vst.idx.msk $0xffff, v38;
	v36 =	vld.idx.msk [tilespmem:v59+s23+$0x0], $0xffff  }
0x16c: {  	v57 =	vadd.s32 s18, v14;
	v58 =	vor.u32 s0, v5;
	v31 =	vmul.f32 v31, v18;
	[tilespmem:v52+s28+$0x0] =	vst.idx.msk $0xffff, v39;
	v39 =	vld.idx.msk [tilespmem:v35+s23+$0x0], $0xffff  }
0x16d: {  	v45 =	vor.u32 s7, v2;
	v30 =	vor.u32 s22, v1;
	[tilespmem:v40+s28+$0x0] =	vst.idx.msk $0xffff, v46;
	v59 =	vmul.f32 v63, v23;
	v41 =	vld.idx.msk [tilespmem:v53+s23+$0x0], $0xffff  }
0x16e: {  	v28 =	vadd.s32 s22, v16;
	v33 =	vmul.f32 v34, v23;
	v61 =	vor.u32 s8, v6;
	v40 =	vld.idx.msk [tilespmem:v50+s23+$0x0], $0xffff;
	[tilespmem:v54+s28+$0x0] =	vst.idx.msk $0xffff, v31  }
0x16f: {  	v62 =	vadd.s32 s8, v9;
	v54 =	vor.u32 s20, v6;
	[tilespmem:v55+s28+$0x0] =	vst.idx.msk $0xffff, v59;
	v60 =	vld.idx.msk [tilespmem:v29+s23+$0x0], $0xffff;
	v42 =	vmul.f32 v42, v11  }
0x170: {  	v25 =	vor.u32 s7, v7;
	v53 =	vor.u32 s3, v6;
	v55 =	vadd.s32 s20, v9;
	v63 =	vld.idx.msk [tilespmem:v56+s23+$0x0], $0xffff  }
0x171: {  	v38 =	vadd.s32 s2, v16;
	v31 =	vadd.s32 s3, v9;
	v29 =	vld.idx.msk [tilespmem:v57+s23+$0x0], $0xffff;
	v32 =	vmul.f32 v32, v10;
	[tilespmem:v58+s28+$0x0] =	vst.idx.msk $0xffff, v42  }
0x172: {  	v35 =	vor.u32 s0, v6;
	v46 =	vor.u32 s6, v2;
	v57 =	vmul.f32 v39, v10;
	v34 =	vld.idx.msk [tilespmem:v48+s23+$0x0], $0xffff  }
0x173: {  	v56 =	vmul.f32 v36, v10;
	v42 =	vor.u32 s2, v3;
	[tilespmem:v61+s28+$0x0] =	vst.idx.msk $0xffff, v32;
	v36 =	vmul.f32 v49, v23  }
0x174: {  	v32 =	vadd.s32 s0, v9;
	v48 =	vmul.f32 v41, v18;
	v39 =	vld.idx.msk [tilespmem:v62+s23+$0x0], $0xffff;
	v41 =	vor.u32 s1, v3;
	[tilespmem:v54+s28+$0x0] =	vst.idx.msk $0xffff, v57  }
0x175: {  	s8 =	simm.s32 $0xC;
	[tilespmem:v53+s28+$0x0] =	vst.idx.msk $0xffff, v56;
	v44 =	vmul.f32 v60, v15;
	v37 =	vld.idx.msk [tilespmem:v55+s23+$0x0], $0xffff;
	v49 =	vmul.f32 v63, v18  }
.LBB2_4:
0x176: {  	s9 =	sshll.u32 s8, $0x7;
	p1 =	slt.u32 s8, $0x9C;
	s8 =	sadd.s32 $0x4, s8;
	[tilespmem:v45+s28+$0x0] =	vst.idx.msk $0xffff, v48;
	v45 =	vld.idx.msk [tilespmem:v31+s23+$0x0], $0xffff;
	v48 =	vor.u32 s3, v7;
	v50 =	vor.u32 s20, v7  }
0x177: {  	v31 =	vadd.s32 s2, v12;
	v51 =	vadd.s32 s9, v20;
	s10 =	sadd.s32 $0x80, s9;
	s11 =	sadd.s32 $0x100, s9;
	s12 =	sadd.s32 $0x180, s9;
	v43 =	vld.idx.msk [tilespmem:v43+s23+$0x0], $0xffff;
	[tilespmem:v46+s28+$0x0] =	vst.idx.msk $0xffff, v49;
	v46 =	vmul.f32 v34, v10  }
0x178: {  	s3 =	smov.u32 s1;
	s1 =	smov.u32 s22;
	v40 =	vmul.f32 v40, v15;
	v49 =	vadd.s32 s10, v20;
	v52 =	vadd.s32 s11, v20;
	v47 =	vld.idx.msk [tilespmem:v47+s23+$0x0], $0xffff;
	[tilespmem:v42+s28+$0x0] =	vst.idx.msk $0xffff, v44;
	s22 =	smov.u32 s10  }
0x179: {  	s20 =	smov.u32 s2;
	s2 =	smov.u32 s5;
	v44 =	vadd.s32 s12, v20;
	s5 =	smov.u32 s11;
	v42 =	vor.u32 s22, v1;
	v34 =	vadd.s32 s22, v16;
	v38 =	vld.idx.msk [tilespmem:v38+s23+$0x0], $0xffff;
	[tilespmem:v35+s28+$0x0] =	vst.idx.msk $0xffff, v46  }
0x17a: {  	v35 =	vor.u32 s7, v3;
	v39 =	vmul.f32 v39, v8;
	[tilespmem:v41+s28+$0x0] =	vst.idx.msk $0xffff, v40;
	v40 =	vadd.s32 s3, v14;
	v32 =	vld.idx.msk [tilespmem:v32+s23+$0x0], $0xffff  }
0x17b: {  	v41 =	vadd.s32 s7, v16;
	[tilespmem:v30+s28+$0x0] =	vst.idx.msk $0xffff, v33;
	v30 =	vor.u32 s6, v3;
	v26 =	vld.idx.msk [tilespmem:v26+s23+$0x0], $0xffff;
	v33 =	vmul.f32 v37, v8  }
0x17c: {  	v46 =	vadd.s32 s6, v16;
	v37 =	vld.idx.msk [tilespmem:v51+s23+$0x0], $0xffff;
	v51 =	vor.u32 s20, v4;
	[tilespmem:v27+s28+$0x0] =	vst.idx.msk $0xffff, v39;
	v27 =	vmul.f32 v45, v8  }
0x17d: {  	v43 =	vmul.f32 v43, v15;
	v45 =	vadd.s32 s1, v19;
	v39 =	vld.idx.msk [tilespmem:v49+s23+$0x0], $0xffff;
	v49 =	vor.u32 s0, v7;
	[tilespmem:v50+s28+$0x0] =	vst.idx.msk $0xffff, v33;
	s0 =	smov.u32 s6;
	s6 =	smov.u32 s12  }
0x17e: {  	v50 =	vadd.s32 s20, v14;
	v33 =	vld.idx.msk [tilespmem:v44+s23+$0x0], $0xffff;
	v44 =	vmul.f32 v47, v15;
	v47 =	vor.u32 s3, v4;
	[tilespmem:v48+s28+$0x0] =	vst.idx.msk $0xffff, v27  }
0x17f: {  	v27 =	vor.u32 s9, v0;
	v38 =	vmul.f32 v38, v13;
	v48 =	vld.idx.msk [tilespmem:v52+s23+$0x0], $0xffff;
	[tilespmem:v35+s28+$0x0] =	vst.idx.msk $0xffff, v43;
	v35 =	vor.u32 s2, v1  }
0x180: {  	v43 =	vadd.s32 s9, v21;
	v52 =	vor.u32 s22, v0;
	v41 =	vld.idx.msk [tilespmem:v41+s23+$0x0], $0xffff;
	[tilespmem:v30+s28+$0x0] =	vst.idx.msk $0xffff, v44;
	v30 =	vmul.f32 v32, v8  }
0x181: {  	v32 =	vadd.s32 s22, v21;
	v44 =	vor.u32 s5, v0;
	v26 =	vmul.f32 v26, v13;
	v46 =	vld.idx.msk [tilespmem:v46+s23+$0x0], $0xffff;
	[tilespmem:v51+s28+$0x0] =	vst.idx.msk $0xffff, v38  }
0x182: {  	v37 =	vmul.f32 v37, v22;
	v38 =	vor.u32 s6, v0;
	v51 =	vadd.s32 s2, v19;
	v45 =	vld.idx.msk [tilespmem:v45+s23+$0x0], $0xffff;
	[tilespmem:v49+s28+$0x0] =	vst.idx.msk $0xffff, v30  }
0x183: {  	v53 =	vor.u32 s7, v4;
	v39 =	vmul.f32 v39, v22;
	v49 =	vadd.s32 s6, v21;
	[tilespmem:v47+s28+$0x0] =	vst.idx.msk $0xffff, v26;
	v47 =	vld.idx.msk [tilespmem:v50+s23+$0x0], $0xffff  }
0x184: {  	v50 =	vadd.s32 s0, v14;
	[tilespmem:v27+s28+$0x0] =	vst.idx.msk $0xffff, v37;
	v27 =	vadd.s32 s5, v21;
	v37 =	vor.u32 s0, v4;
	v40 =	vld.idx.msk [tilespmem:v40+s23+$0x0], $0xffff;
	v30 =	vmovc v42  }
0x185: {  	v33 =	vmul.f32 v33, v22;
	v42 =	vld.idx.msk [tilespmem:v43+s23+$0x0], $0xffff;
	[tilespmem:v52+s28+$0x0] =	vst.idx.msk $0xffff, v39;
	v39 =	vmul.f32 v48, v22  }
0x186: {  	v26 =	vmovc v28;
	v43 =	vadd.s32 s3, v12;
	v32 =	vld.idx.msk [tilespmem:v32+s23+$0x0], $0xffff;
	[tilespmem:v35+s28+$0x0] =	vst.idx.msk $0xffff, v36;
	v35 =	vor.u32 s18, v5;
	v36 =	vadd.s32 s18, v12  }
0x187: {  	[tilespmem:v38+s28+$0x0] =	vst.idx.msk $0xffff, v33;
	v28 =	vld.idx.msk [tilespmem:v51+s23+$0x0], $0xffff;
	v33 =	vmul.f32 v46, v13;
	v38 =	vor.u32 s3, v5;
	v46 =	vor.u32 s20, v5  }
0x188: {  	v29 =	vmul.f32 v29, v11;
	v41 =	vmul.f32 v41, v13;
	[tilespmem:v44+s28+$0x0] =	vst.idx.msk $0xffff, v39;
	v39 =	vld.idx.msk [tilespmem:v49+s23+$0x0], $0xffff  }
0x189: {  	v48 =	vadd.s32 s2, v17;
	v44 =	vor.u32 s9, v1;
	v49 =	vld.idx.msk [tilespmem:v27+s23+$0x0], $0xffff;
	[tilespmem:v37+s28+$0x0] =	vst.idx.msk $0xffff, v33;
	v27 =	vmul.f32 v47, v11  }
0x18a: {  	v37 =	vadd.s32 s9, v19;
	v40 =	vmul.f32 v40, v11;
	[tilespmem:v53+s28+$0x0] =	vst.idx.msk $0xffff, v41;
	v41 =	vor.u32 s2, v2;
	v47 =	vld.idx.msk [tilespmem:v50+s23+$0x0], $0xffff  }
0x18b: {  	v45 =	vmul.f32 v45, v18;
	v42 =	vmul.f32 v42, v23;
	v50 =	vor.u32 s6, v1;
	[tilespmem:v35+s28+$0x0] =	vst.idx.msk $0xffff, v29  }
0x18c: {  	v33 =	vmul.f32 v32, v23;
	v29 =	vadd.s32 s6, v19;
	v32 =	vor.u32 s1, v2;
	v36 =	vld.idx.msk [tilespmem:v36+s23+$0x0], $0xffff;
	[tilespmem:v38+s28+$0x0] =	vst.idx.msk $0xffff, v40  }
0x18d: {  	v35 =	vadd.s32 s7, v14;
	v52 =	vmul.f32 v28, v18;
	v40 =	vor.u32 s0, v5;
	v43 =	vld.idx.msk [tilespmem:v43+s23+$0x0], $0xffff;
	[tilespmem:v46+s28+$0x0] =	vst.idx.msk $0xffff, v27  }
0x18e: {  	v38 =	vmul.f32 v39, v23;
	v39 =	vadd.s32 s0, v12;
	[tilespmem:v44+s28+$0x0] =	vst.idx.msk $0xffff, v42;
	v42 =	vor.u32 s9, v7;
	v44 =	vld.idx.msk [tilespmem:v31+s23+$0x0], $0xffff  }
0x18f: {  	v51 =	vadd.s32 s1, v17;
	v28 =	vmovc v34;
	v27 =	vmov v24;
	v31 =	vadd.s32 s3, v9;
	v37 =	vld.idx.msk [tilespmem:v37+s23+$0x0], $0xffff;
	[tilespmem:v41+s28+$0x0] =	vst.idx.msk $0xffff, v52  }
0x190: {  	v34 =	vmul.f32 v47, v11;
	v52 =	vadd.s32 s18, v9;
	[tilespmem:v50+s28+$0x0] =	vst.idx.msk $0xffff, v38;
	v41 =	vld.idx.msk [tilespmem:v48+s23+$0x0], $0xffff;
	v50 =	vor.u32 s18, v6;
	s18 =	smov.u32 s7;
	s7 =	smov.u32 s9  }
0x191: {  	v54 =	vor.u32 s3, v6;
	v55 =	vadd.s32 s20, v9;
	v24 =	vmovc v25;
	v53 =	vld.idx.msk [tilespmem:v29+s23+$0x0], $0xffff;
	[tilespmem:v32+s28+$0x0] =	vst.idx.msk $0xffff, v45;
	v32 =	vor.u32 s20, v6  }
0x192: {  	v25 =	vmov v42;
	v38 =	vadd.s32 s2, v16;
	v29 =	vld.idx.msk [tilespmem:v35+s23+$0x0], $0xffff;
	[tilespmem:v40+s28+$0x0] =	vst.idx.msk $0xffff, v34;
	v35 =	vor.u32 s0, v6  }
.Ltmp3:
0x193: {  	v45 =	vor.u32 s7, v2;
	v36 =	vmul.f32 v36, v10;
	v56 =	vmul.f32 v43, v10;
	v34 =	vld.idx.msk [tilespmem:v39+s23+$0x0], $0xffff;
	(pc) =	sbr.rel @p1 .LBB2_4-.Ltmp3, $4  }
0x194: {  	v46 =	vor.u32 s6, v2;
	v43 =	vadd.s32 s7, v17;
	v40 =	vld.idx.msk [tilespmem:v51+s23+$0x0], $0xffff;
	v51 =	vmul.f32 v44, v10  }
0x195: {  	v47 =	vadd.s32 s6, v17;
	v42 =	vor.u32 s2, v3;
	v48 =	vmul.f32 v37, v18;
	[tilespmem:v50+s28+$0x0] =	vst.idx.msk $0xffff, v36  }
0x196: {  	v36 =	vmul.f32 v49, v23;
	v44 =	vmul.f32 v41, v15;
	v39 =	vld.idx.msk [tilespmem:v52+s23+$0x0], $0xffff;
	[tilespmem:v32+s28+$0x0] =	vst.idx.msk $0xffff, v51  }
0x197: {  	v41 =	vor.u32 s1, v3;
	v49 =	vmul.f32 v53, v18;
	v32 =	vadd.s32 s0, v9;
	[tilespmem:v54+s28+$0x0] =	vst.idx.msk $0xffff, v56;
	v37 =	vld.idx.msk [tilespmem:v55+s23+$0x0], $0xffff  }
0x198: {  	v50 =	vor.u32 s5, v1  }
0x199: {  	v51 =	vadd.s32 s5, v19  }
0x19a: {  	v52 =	vadd.s32 s22, v19;
	_ =	sdelay $0x2  }
0x19b: {  	[tilespmem:v50+s28+$0x0] =	vst.idx.msk $0xffff, v36  }
0x19c: {  	[tilespmem:v30+s28+$0x0] =	vst.idx.msk $0xffff, v33;
	v30 =	vld.idx.msk [tilespmem:v51+s23+$0x0], $0xffff  }
0x19d: {  	v33 =	vld.idx.msk [tilespmem:v52+s23+$0x0], $0xffff  }
0x19e: {  	v59 =	vor.u32 s5, v2  }
0x19f: {  	v60 =	vadd.s32 s5, v17;
	v61 =	vor.u32 s22, v2  }
0x1a0: {  	v62 =	vadd.s32 s22, v17  }
0x1a1: {  	[tilespmem:v46+s28+$0x0] =	vst.idx.msk $0xffff, v49;
	v30 =	vmul.f32 v30, v18  }
0x1a2: {  	[tilespmem:v45+s28+$0x0] =	vst.idx.msk $0xffff, v48;
	v63 =	vld.idx.msk [tilespmem:v47+s23+$0x0], $0xffff;
	v33 =	vmul.f32 v33, v18  }
0x1a3: {  	v43 =	vld.idx.msk [tilespmem:v43+s23+$0x0], $0xffff;
	[tilespmem:v59+s28+$0x0] =	vst.idx.msk $0xffff, v30  }
0x1a4: {  	[tilespmem:v61+s28+$0x0] =	vst.idx.msk $0xffff, v33;
	v30 =	vor.u32 s6, v3;
	v36 =	vld.idx.msk [tilespmem:v60+s23+$0x0], $0xffff  }
0x1a5: {  	v53 =	vor.u32 s7, v3;
	v54 =	vadd.s32 s6, v16;
	v55 =	vld.idx.msk [tilespmem:v62+s23+$0x0], $0xffff  }
0x1a6: {  	v56 =	vadd.s32 s7, v16;
	v57 =	vor.u32 s5, v3;
	v40 =	vmul.f32 v40, v15  }
0x1a7: {  	[tilespmem:v42+s28+$0x0] =	vst.idx.msk $0xffff, v44;
	v58 =	vmul.f32 v63, v15;
	v59 =	vadd.s32 s5, v16;
	v60 =	vor.u32 s22, v3  }
0x1a8: {  	v38 =	vld.idx.msk [tilespmem:v38+s23+$0x0], $0xffff;
	[tilespmem:v41+s28+$0x0] =	vst.idx.msk $0xffff, v40;
	v61 =	vmul.f32 v43, v15  }
0x1a9: {  	v26 =	vld.idx.msk [tilespmem:v26+s23+$0x0], $0xffff;
	[tilespmem:v30+s28+$0x0] =	vst.idx.msk $0xffff, v58;
	v30 =	vmul.f32 v36, v15  }
0x1aa: {  	v62 =	vor.u32 s2, v4;
	[tilespmem:v53+s28+$0x0] =	vst.idx.msk $0xffff, v61;
	v50 =	vmul.f32 v55, v15;
	v63 =	vld.idx.msk [tilespmem:v54+s23+$0x0], $0xffff  }
0x1ab: {  	v34 =	vmul.f32 v34, v10;
	v52 =	vadd.s32 s2, v14;
	v51 =	vor.u32 s1, v4;
	v53 =	vld.idx.msk [tilespmem:v56+s23+$0x0], $0xffff;
	[tilespmem:v57+s28+$0x0] =	vst.idx.msk $0xffff, v30  }
0x1ac: {  	v39 =	vmul.f32 v39, v8;
	v54 =	vor.u32 s6, v4;
	[tilespmem:v60+s28+$0x0] =	vst.idx.msk $0xffff, v50;
	v30 =	vadd.s32 s1, v14;
	v44 =	vld.idx.msk [tilespmem:v59+s23+$0x0], $0xffff  }
0x1ad: {  	[tilespmem:v35+s28+$0x0] =	vst.idx.msk $0xffff, v34;
	v56 =	vor.u32 s7, v4;
	v55 =	vmul.f32 v38, v13;
	v57 =	vadd.s32 s6, v14;
	v28 =	vld.idx.msk [tilespmem:v28+s23+$0x0], $0xffff  }
0x1ae: {  	[tilespmem:v27+s28+$0x0] =	vst.idx.msk $0xffff, v39;
	v27 =	vadd.s32 s7, v14;
	v26 =	vmul.f32 v26, v13;
	v58 =	vor.u32 s5, v4  }
0x1af: {  	[tilespmem:v62+s28+$0x0] =	vst.idx.msk $0xffff, v55;
	v60 =	vadd.s32 s5, v14;
	v59 =	vor.u32 s22, v4;
	v33 =	vmul.f32 v63, v13  }
0x1b0: {  	v48 =	vor.u32 s18, v5;
	[tilespmem:v51+s28+$0x0] =	vst.idx.msk $0xffff, v26;
	v62 =	vmul.f32 v53, v13;
	v26 =	vld.idx.msk [tilespmem:v52+s23+$0x0], $0xffff;
	v63 =	vadd.s32 s22, v14  }
0x1b1: {  	v61 =	vor.u32 s20, v7;
	v30 =	vld.idx.msk [tilespmem:v30+s23+$0x0], $0xffff;
	[tilespmem:v54+s28+$0x0] =	vst.idx.msk $0xffff, v33;
	v49 =	vmul.f32 v44, v13  }
0x1b2: {  	v51 =	vor.u32 s2, v5;
	v50 =	vadd.s32 s18, v12;
	[tilespmem:v56+s28+$0x0] =	vst.idx.msk $0xffff, v62;
	v28 =	vmul.f32 v28, v13;
	v52 =	vld.idx.msk [tilespmem:v57+s23+$0x0], $0xffff  }
0x1b3: {  	v29 =	vmul.f32 v29, v11;
	v53 =	vadd.s32 s2, v12;
	v27 =	vld.idx.msk [tilespmem:v27+s23+$0x0], $0xffff;
	v54 =	vor.u32 s1, v5;
	[tilespmem:v58+s28+$0x0] =	vst.idx.msk $0xffff, v49  }
0x1b4: {  	v37 =	vmul.f32 v37, v8;
	v55 =	vadd.s32 s1, v12;
	v56 =	vor.u32 s6, v5;
	[tilespmem:v59+s28+$0x0] =	vst.idx.msk $0xffff, v28;
	v28 =	vld.idx.msk [tilespmem:v60+s23+$0x0], $0xffff  }
0x1b5: {  	[tilespmem:v48+s28+$0x0] =	vst.idx.msk $0xffff, v29;
	v26 =	vmul.f32 v26, v11;
	v57 =	vadd.s32 s6, v12;
	v59 =	vor.u32 s7, v5;
	v58 =	vld.idx.msk [tilespmem:v63+s23+$0x0], $0xffff  }
0x1b6: {  	v31 =	vld.idx.msk [tilespmem:v31+s23+$0x0], $0xffff;
	v29 =	vadd.s32 s7, v12;
	[tilespmem:v61+s28+$0x0] =	vst.idx.msk $0xffff, v37;
	v60 =	vor.u32 s5, v5;
	v30 =	vmul.f32 v30, v11  }
0x1b7: {  	v62 =	vadd.s32 s5, v12;
	v61 =	vld.idx.msk [tilespmem:v50+s23+$0x0], $0xffff;
	[tilespmem:v51+s28+$0x0] =	vst.idx.msk $0xffff, v26;
	v63 =	vor.u32 s22, v5;
	v26 =	vmul.f32 v52, v11  }
0x1b8: {  	v48 =	vor.u32 s3, v7;
	v27 =	vmul.f32 v27, v11;
	v49 =	vadd.s32 s22, v12;
	[tilespmem:v54+s28+$0x0] =	vst.idx.msk $0xffff, v30;
	v30 =	vld.idx.msk [tilespmem:v53+s23+$0x0], $0xffff  }
0x1b9: {  	v50 =	vor.u32 s18, v6;
	v33 =	vld.idx.msk [tilespmem:v55+s23+$0x0], $0xffff;
	[tilespmem:v56+s28+$0x0] =	vst.idx.msk $0xffff, v26;
	v26 =	vmul.f32 v28, v11  }
0x1ba: {  	v51 =	vor.u32 s2, v6;
	[tilespmem:v59+s28+$0x0] =	vst.idx.msk $0xffff, v27;
	v36 =	vmul.f32 v58, v11;
	v28 =	vadd.s32 s18, v9;
	v34 =	vld.idx.msk [tilespmem:v57+s23+$0x0], $0xffff  }
0x1bb: {  	v52 =	vadd.s32 s2, v9;
	v27 =	vmul.f32 v31, v8;
	v31 =	vor.u32 s1, v6;
	v29 =	vld.idx.msk [tilespmem:v29+s23+$0x0], $0xffff;
	[tilespmem:v60+s28+$0x0] =	vst.idx.msk $0xffff, v26  }
0x1bc: {  	v42 =	vmul.f32 v61, v10;
	v53 =	vor.u32 s6, v6;
	[tilespmem:v63+s28+$0x0] =	vst.idx.msk $0xffff, v36;
	v26 =	vadd.s32 s1, v9;
	v35 =	vld.idx.msk [tilespmem:v62+s23+$0x0], $0xffff  }
0x1bd: {  	v54 =	vor.u32 s7, v6;
	[tilespmem:v48+s28+$0x0] =	vst.idx.msk $0xffff, v27;
	v36 =	vld.idx.msk [tilespmem:v49+s23+$0x0], $0xffff;
	v27 =	vmul.f32 v30, v10;
	v30 =	vadd.s32 s6, v9  }
0x1be: {  	v32 =	vld.idx.msk [tilespmem:v32+s23+$0x0], $0xffff;
	[tilespmem:v50+s28+$0x0] =	vst.idx.msk $0xffff, v42;
	v55 =	vadd.s32 s7, v9;
	v56 =	vor.u32 s5, v6;
	v33 =	vmul.f32 v33, v10  }
0x1bf: {  	v58 =	vadd.s32 s5, v9;
	v57 =	vor.u32 s22, v6;
	v28 =	vld.idx.msk [tilespmem:v28+s23+$0x0], $0xffff;
	[tilespmem:v51+s28+$0x0] =	vst.idx.msk $0xffff, v27;
	v27 =	vmul.f32 v34, v10  }
0x1c0: {  	v59 =	vor.u32 s0, v7;
	v60 =	vadd.s32 s22, v9;
	v29 =	vmul.f32 v29, v10;
	[tilespmem:v31+s28+$0x0] =	vst.idx.msk $0xffff, v33;
	v31 =	vld.idx.msk [tilespmem:v52+s23+$0x0], $0xffff  }
0x1c1: {  	v26 =	vld.idx.msk [tilespmem:v26+s23+$0x0], $0xffff;
	[tilespmem:v53+s28+$0x0] =	vst.idx.msk $0xffff, v27;
	v27 =	vmul.f32 v35, v10  }
0x1c2: {  	v61 =	vor.u32 s2, v7;
	[tilespmem:v54+s28+$0x0] =	vst.idx.msk $0xffff, v29;
	v36 =	vmul.f32 v36, v10;
	v30 =	vld.idx.msk [tilespmem:v30+s23+$0x0], $0xffff  }
0x1c3: {  	v62 =	vor.u32 s1, v7;
	v29 =	vmul.f32 v32, v8;
	v63 =	vld.idx.msk [tilespmem:v55+s23+$0x0], $0xffff;
	[tilespmem:v56+s28+$0x0] =	vst.idx.msk $0xffff, v27  }
0x1c4: {  	[tilespmem:v57+s28+$0x0] =	vst.idx.msk $0xffff, v36;
	v27 =	vmul.f32 v28, v8;
	v28 =	vor.u32 s6, v7;
	v40 =	vld.idx.msk [tilespmem:v58+s23+$0x0], $0xffff  }
0x1c5: {  	[tilespmem:v59+s28+$0x0] =	vst.idx.msk $0xffff, v29;
	v29 =	vmul.f32 v31, v8;
	v31 =	vld.idx.msk [tilespmem:v60+s23+$0x0], $0xffff  }
0x1c6: {  	[tilespmem:v24+s28+$0x0] =	vst.idx.msk $0xffff, v27;
	v24 =	vmul.f32 v26, v8;
	v26 =	vor.u32 s5, v7  }
0x1c7: {  	[tilespmem:v61+s28+$0x0] =	vst.idx.msk $0xffff, v29;
	v27 =	vmul.f32 v30, v8;
	v29 =	vor.u32 s22, v7  }
0x1c8: {  	[tilespmem:v62+s28+$0x0] =	vst.idx.msk $0xffff, v24;
	v24 =	vmul.f32 v63, v8  }
0x1c9: {  	[tilespmem:v28+s28+$0x0] =	vst.idx.msk $0xffff, v27;
	v27 =	vmul.f32 v40, v8  }
0x1ca: {  	[tilespmem:v25+s28+$0x0] =	vst.idx.msk $0xffff, v24;
	v24 =	vmul.f32 v31, v8  }
0x1cb: {  	[tilespmem:v26+s28+$0x0] =	vst.idx.msk $0xffff, v27  }
0x1cc: {  	[tilespmem:v29+s28+$0x0] =	vst.idx.msk $0xffff, v24  }
0x1cd: {  	s18 =	simm.s32 $0x0;
	s20 =	rddreg [dreg:$0x8]  }
0x1ce: {  	[hbm4b:s20+s18] =	stream.linear.scatter [tilespmem:s28], [sflag:$0x4], $0x5000, $0x38;
	[tilespmem:$0x14100] =	vst v63  }
0x1cf: {  	s22 =	rddreg [dreg:$0x9]  }
0x1d0: {  	[tilespmem:s23], [sflag:$0x2] =	stream.linear.gather [hbm4b:s22+s18], $0x5000, $0x38;
	[tilespmem:$0x14100] =	vst v63  }
0x1d1: {  	s9 =	simm.s32 $0x180;
	_ =	swait.ge [sflag:s24], $0x5000  }
0x1d2: {  	v24 =	vadd.s32 s9, v20;
	[sflag:s24] =	ssyncset.done $0x0  }
0x1d3: {  	[sflag:s24] =	ssyncadd.s32 $0xFFFFB000  }
0x1d4: {  	_ =	swait.ge [sflag:s29], $0x5000  }
0x1d5: {  	[sflag:s29] =	ssyncset.done $0x0  }
0x1d6: {  	[sflag:s29] =	ssyncadd.s32 $0xFFFFB000  }
0x1d7: {  	v24 =	vld.idx.msk [tilespmem:v24+s4+$0x0], $0xffff;
	_ =	sdelay $0x1  }
0x1d8: {  	v25 =	vor.u32 s9, v0  }
0x1d9: {  	v26 =	vadd.s32 s9, v21;
	_ =	sdelay $0x1  }
0x1da: {  	s8 =	simm.s32 $0x0;
	v24 =	vmul.f32 v24, v22  }
0x1db: {  	v27 =	vadd.s32 s8, v20  }
0x1dc: {  	[tilespmem:v25+s25+$0x0] =	vst.idx.msk $0xffff, v24  }
0x1dd: {  	v24 =	vld.idx.msk [tilespmem:v26+s4+$0x0], $0xffff;
	_ =	sdelay $0x1  }
0x1de: {  	v25 =	vor.u32 s9, v1  }
0x1df: {  	v27 =	vld.idx.msk [tilespmem:v27+s4+$0x0], $0xffff;
	v26 =	vadd.s32 s9, v19;
	_ =	sdelay $0x1  }
0x1e0: {  	v28 =	vor.u32 s8, v0;
	v24 =	vmul.f32 v24, v23;
	_ =	sdelay $0x1  }
0x1e1: {  	v29 =	vadd.s32 s8, v21;
	[tilespmem:v25+s25+$0x0] =	vst.idx.msk $0xffff, v24  }
0x1e2: {  	s20 =	simm.s32 $0x100;
	v25 =	vmul.f32 v27, v22;
	v24 =	vld.idx.msk [tilespmem:v26+s4+$0x0], $0xffff  }
0x1e3: {  	s3 =	simm.s32 $0x80;
	v26 =	vadd.s32 s20, v20  }
0x1e4: {  	v27 =	vor.u32 s9, v2;
	[tilespmem:v28+s25+$0x0] =	vst.idx.msk $0xffff, v25;
	v28 =	vadd.s32 s3, v20  }
0x1e5: {  	v25 =	vadd.s32 s9, v17  }
0x1e6: {  	v29 =	vld.idx.msk [tilespmem:v29+s4+$0x0], $0xffff  }
0x1e7: {  	v24 =	vmul.f32 v24, v18  }
0x1e8: {  	v30 =	vor.u32 s8, v1;
	v26 =	vld.idx.msk [tilespmem:v26+s4+$0x0], $0xffff  }
0x1e9: {  	v31 =	vadd.s32 s8, v19;
	s18 =	simm.s32 $0x200;
	[tilespmem:v27+s25+$0x0] =	vst.idx.msk $0xffff, v24;
	v27 =	vld.idx.msk [tilespmem:v28+s4+$0x0], $0xffff  }
0x1ea: {  	v24 =	vadd.s32 s18, v20;
	v28 =	vor.u32 s20, v0;
	v25 =	vld.idx.msk [tilespmem:v25+s4+$0x0], $0xffff  }
0x1eb: {  	s0 =	simm.s32 $0x380;
	v42 =	vadd.s32 s20, v21;
	v29 =	vmul.f32 v29, v23  }
0x1ec: {  	v43 =	vor.u32 s9, v3;
	v41 =	vadd.s32 s0, v20  }
0x1ed: {  	v44 =	vor.u32 s3, v0;
	[tilespmem:v30+s25+$0x0] =	vst.idx.msk $0xffff, v29;
	v29 =	vadd.s32 s9, v16;
	v26 =	vmul.f32 v26, v22  }
0x1ee: {  	v30 =	vadd.s32 s3, v21;
	v31 =	vld.idx.msk [tilespmem:v31+s4+$0x0], $0xffff  }
0x1ef: {  	v24 =	vld.idx.msk [tilespmem:v24+s4+$0x0], $0xffff;
	[tilespmem:v28+s25+$0x0] =	vst.idx.msk $0xffff, v26;
	v25 =	vmul.f32 v25, v15  }
0x1f0: {  	v27 =	vmul.f32 v27, v22;
	v26 =	vor.u32 s8, v2;
	v45 =	vld.idx.msk [tilespmem:v42+s4+$0x0], $0xffff  }
0x1f1: {  	v46 =	vadd.s32 s8, v17;
	v47 =	vor.u32 s18, v0;
	v28 =	vld.idx.msk [tilespmem:v41+s4+$0x0], $0xffff;
	[tilespmem:v43+s25+$0x0] =	vst.idx.msk $0xffff, v25  }
0x1f2: {  	v48 =	vor.u32 s20, v1;
	[tilespmem:v44+s25+$0x0] =	vst.idx.msk $0xffff, v27;
	v25 =	vadd.s32 s18, v21;
	v27 =	vld.idx.msk [tilespmem:v29+s4+$0x0], $0xffff  }
0x1f3: {  	v50 =	vadd.s32 s20, v19;
	v30 =	vld.idx.msk [tilespmem:v30+s4+$0x0], $0xffff;
	v31 =	vmul.f32 v31, v18;
	v29 =	vor.u32 s0, v0  }
0x1f4: {  	v49 =	vadd.s32 s0, v21;
	v51 =	vor.u32 s9, v4;
	v24 =	vmul.f32 v24, v22  }
0x1f5: {  	v52 =	vor.u32 s3, v1;
	[tilespmem:v26+s25+$0x0] =	vst.idx.msk $0xffff, v31;
	v26 =	vadd.s32 s9, v14;
	v31 =	vmul.f32 v45, v23  }
0x1f6: {  	s1 =	simm.s32 $0x280;
	v54 =	vadd.s32 s3, v19;
	v55 =	vadd.s32 s8, v16;
	v28 =	vmul.f32 v28, v22;
	v53 =	vld.idx.msk [tilespmem:v46+s4+$0x0], $0xffff;
	[tilespmem:v47+s25+$0x0] =	vst.idx.msk $0xffff, v24  }
0x1f7: {  	s2 =	simm.s32 $0x300;
	v59 =	vadd.s32 s0, v19;
	v24 =	vadd.s32 s1, v20;
	v25 =	vld.idx.msk [tilespmem:v25+s4+$0x0], $0xffff;
	[tilespmem:v48+s25+$0x0] =	vst.idx.msk $0xffff, v31;
	v27 =	vmul.f32 v27, v13  }
0x1f8: {  	[tilespmem:v29+s25+$0x0] =	vst.idx.msk $0xffff, v28;
	v28 =	vmul.f32 v30, v23;
	v29 =	vadd.s32 s2, v20;
	v30 =	vor.u32 s8, v3;
	v56 =	vld.idx.msk [tilespmem:v50+s4+$0x0], $0xffff  }
0x1f9: {  	v61 =	vor.u32 s9, v5;
	v57 =	vor.u32 s18, v1;
	v31 =	vld.idx.msk [tilespmem:v49+s4+$0x0], $0xffff;
	[tilespmem:v51+s25+$0x0] =	vst.idx.msk $0xffff, v27  }
0x1fa: {  	v58 =	vor.u32 s20, v2;
	[tilespmem:v52+s25+$0x0] =	vst.idx.msk $0xffff, v28;
	v27 =	vadd.s32 s18, v19;
	v26 =	vld.idx.msk [tilespmem:v26+s4+$0x0], $0xffff  }
0x1fb: {  	v60 =	vadd.s32 s20, v17;
	v28 =	vor.u32 s0, v1;
	v32 =	vmul.f32 v53, v15;
	v33 =	vld.idx.msk [tilespmem:v54+s4+$0x0], $0xffff  }
0x1fc: {  	s5 =	simm.s32 $0x500;
	v62 =	vadd.s32 s9, v12;
	v63 =	vor.u32 s1, v0;
	v24 =	vld.idx.msk [tilespmem:v24+s4+$0x0], $0xffff;
	v25 =	vmul.f32 v25, v23  }
0x1fd: {  	v40 =	vor.u32 s5, v0;
	v29 =	vld.idx.msk [tilespmem:v29+s4+$0x0], $0xffff;
	[tilespmem:v30+s25+$0x0] =	vst.idx.msk $0xffff, v32;
	v30 =	vor.u32 s3, v2;
	v35 =	vmul.f32 v56, v18  }
0x1fe: {  	v44 =	vadd.s32 s3, v14;
	v31 =	vmul.f32 v31, v23;
	v34 =	vld.idx.msk [tilespmem:v55+s4+$0x0], $0xffff;
	[tilespmem:v57+s25+$0x0] =	vst.idx.msk $0xffff, v25;
	v25 =	vadd.s32 s3, v17  }
0x1ff: {  	v45 =	vadd.s32 s1, v21;
	v46 =	vor.u32 s2, v0;
	v27 =	vld.idx.msk [tilespmem:v27+s4+$0x0], $0xffff;
	[tilespmem:v58+s25+$0x0] =	vst.idx.msk $0xffff, v35;
	v26 =	vmul.f32 v26, v11  }
0x200: {  	s22 =	simm.s32 $0x480;
	v48 =	vadd.s32 s8, v14;
	[tilespmem:v28+s25+$0x0] =	vst.idx.msk $0xffff, v31;
	v31 =	vadd.s32 s2, v21;
	v33 =	vmul.f32 v33, v18;
	v49 =	vld.idx.msk [tilespmem:v60+s4+$0x0], $0xffff  }
0x201: {  	s7 =	simm.s32 $0x400;
	v28 =	vor.u32 s8, v4;
	v24 =	vmul.f32 v24, v22;
	v60 =	vadd.s32 s22, v20;
	v47 =	vld.idx.msk [tilespmem:v59+s4+$0x0], $0xffff;
	[tilespmem:v61+s25+$0x0] =	vst.idx.msk $0xffff, v26  }
0x202: {  	v59 =	vadd.s32 s7, v20;
	v26 =	vor.u32 s18, v2;
	v29 =	vmul.f32 v29, v22;
	[tilespmem:v30+s25+$0x0] =	vst.idx.msk $0xffff, v33;
	v30 =	vld.idx.msk [tilespmem:v62+s4+$0x0], $0xffff  }
0x203: {  	v50 =	vadd.s32 s18, v17;
	v51 =	vor.u32 s0, v2;
	[tilespmem:v63+s25+$0x0] =	vst.idx.msk $0xffff, v24;
	v25 =	vld.idx.msk [tilespmem:v25+s4+$0x0], $0xffff  }
0x204: {  	v52 =	vadd.s32 s0, v17;
	v53 =	vor.u32 s20, v3;
	v24 =	vmul.f32 v34, v13;
	v36 =	vld.idx.msk [tilespmem:v45+s4+$0x0], $0xffff;
	[tilespmem:v46+s25+$0x0] =	vst.idx.msk $0xffff, v29  }
0x205: {  	v54 =	vor.u32 s9, v6;
	v29 =	vadd.s32 s20, v16;
	v55 =	vmul.f32 v27, v18;
	v31 =	vld.idx.msk [tilespmem:v31+s4+$0x0], $0xffff  }
0x206: {  	v56 =	vadd.s32 s9, v9;
	[tilespmem:v28+s25+$0x0] =	vst.idx.msk $0xffff, v24;
	v28 =	vor.u32 s3, v3;
	v33 =	vld.idx.msk [tilespmem:v60+s4+$0x0], $0xffff;
	v24 =	vmul.f32 v47, v18  }
0x207: {  	s6 =	simm.s32 $0x580;
	v57 =	vadd.s32 s3, v16;
	v58 =	vor.u32 s1, v1;
	v38 =	vmul.f32 v49, v15;
	v43 =	vld.idx.msk [tilespmem:v59+s4+$0x0], $0xffff;
	[tilespmem:v26+s25+$0x0] =	vst.idx.msk $0xffff, v55  }
0x208: {  	v35 =	vadd.s32 s20, v12;
	v61 =	vadd.s32 s6, v20;
	v32 =	vld.idx.msk [tilespmem:v50+s4+$0x0], $0xffff;
	[tilespmem:v51+s25+$0x0] =	vst.idx.msk $0xffff, v24;
	v30 =	vmul.f32 v30, v10  }
0x209: {  	v63 =	vor.u32 s0, v3;
	v62 =	vor.u32 s18, v3;
	[tilespmem:v53+s25+$0x0] =	vst.idx.msk $0xffff, v38;
	v25 =	vmul.f32 v25, v15;
	v34 =	vld.idx.msk [tilespmem:v52+s4+$0x0], $0xffff  }
0x20a: {  	v27 =	vor.u32 s8, v7;
	v60 =	vadd.s32 s7, v21;
	v29 =	vld.idx.msk [tilespmem:v29+s4+$0x0], $0xffff;
	[tilespmem:v54+s25+$0x0] =	vst.idx.msk $0xffff, v30  }
0x20b: {  	v59 =	vor.u32 s2, v1;
	v30 =	vmul.f32 v31, v23;
	v31 =	vadd.s32 s5, v20;
	[tilespmem:v28+s25+$0x0] =	vst.idx.msk $0xffff, v25;
	v25 =	vld.idx.msk [tilespmem:v56+s4+$0x0], $0xffff  }
0x20c: {  	v53 =	vor.u32 s20, v4;
	v36 =	vmul.f32 v36, v23;
	v54 =	vadd.s32 s1, v19;
	v42 =	vld.idx.msk [tilespmem:v57+s4+$0x0], $0xffff  }
0x20d: {  	v55 =	vor.u32 s9, v7;
	v52 =	vadd.s32 s0, v16;
	v32 =	vmul.f32 v32, v15  }
0x20e: {  	v37 =	vld.idx.msk [tilespmem:v48+s4+$0x0], $0xffff;
	v28 =	vadd.s32 s18, v16;
	[tilespmem:v58+s25+$0x0] =	vst.idx.msk $0xffff, v36;
	v56 =	vor.u32 s3, v4;
	v34 =	vmul.f32 v34, v15  }
0x20f: {  	v36 =	vld.idx.msk [tilespmem:v61+s4+$0x0], $0xffff;
	v58 =	vor.u32 s7, v0;
	v57 =	vadd.s32 s20, v14;
	v29 =	vmul.f32 v29, v13;
	[tilespmem:v62+s25+$0x0] =	vst.idx.msk $0xffff, v32  }
0x210: {  	v47 =	vadd.s32 s6, v17;
	v61 =	vor.u32 s22, v0;
	v31 =	vld.idx.msk [tilespmem:v31+s4+$0x0], $0xffff;
	[tilespmem:v63+s25+$0x0] =	vst.idx.msk $0xffff, v34;
	v25 =	vmul.f32 v25, v8  }
0x211: {  	v26 =	vadd.s32 s1, v16;
	v62 =	vadd.s32 s22, v21;
	v46 =	vld.idx.msk [tilespmem:v54+s4+$0x0], $0xffff;
	v42 =	vmul.f32 v42, v13;
	[tilespmem:v53+s25+$0x0] =	vst.idx.msk $0xffff, v29  }
0x212: {  	v54 =	vor.u32 s18, v4;
	v29 =	vmul.f32 v43, v22;
	v63 =	vor.u32 s6, v0;
	v45 =	vld.idx.msk [tilespmem:v52+s4+$0x0], $0xffff;
	[tilespmem:v55+s25+$0x0] =	vst.idx.msk $0xffff, v25  }
0x213: {  	v28 =	vld.idx.msk [tilespmem:v28+s4+$0x0], $0xffff;
	v53 =	vadd.s32 s6, v21;
	v52 =	vadd.s32 s2, v19;
	v25 =	vmul.f32 v33, v22;
	[tilespmem:v56+s25+$0x0] =	vst.idx.msk $0xffff, v42  }
0x214: {  	v55 =	vld.idx.msk [tilespmem:v57+s4+$0x0], $0xffff;
	[tilespmem:v58+s25+$0x0] =	vst.idx.msk $0xffff, v29;
	v29 =	vadd.s32 s5, v21;
	v56 =	vor.u32 s0, v4  }
0x215: {  	v44 =	vld.idx.msk [tilespmem:v44+s4+$0x0], $0xffff;
	[tilespmem:v61+s25+$0x0] =	vst.idx.msk $0xffff, v25;
	v25 =	vmul.f32 v31, v22;
	v31 =	vmul.f32 v36, v22  }
0x216: {  	v48 =	vadd.s32 s0, v12;
	[tilespmem:v59+s25+$0x0] =	vst.idx.msk $0xffff, v30;
	v30 =	vor.u32 s8, v5;
	v57 =	vadd.s32 s0, v14;
	v39 =	vld.idx.msk [tilespmem:v60+s4+$0x0], $0xffff  }
0x217: {  	v58 =	vadd.s32 s8, v12;
	v61 =	vor.u32 s3, v5;
	v34 =	vld.idx.msk [tilespmem:v62+s4+$0x0], $0xffff;
	[tilespmem:v63+s25+$0x0] =	vst.idx.msk $0xffff, v31;
	v60 =	vmul.f32 v45, v13  }
0x218: {  	v59 =	vadd.s32 s3, v12;
	v62 =	vor.u32 s20, v5;
	v31 =	vld.idx.msk [tilespmem:v52+s4+$0x0], $0xffff;
	[tilespmem:v40+s25+$0x0] =	vst.idx.msk $0xffff, v25;
	v25 =	vmul.f32 v28, v13  }
0x219: {  	v24 =	vor.u32 s18, v7;
	v28 =	vmul.f32 v37, v11;
	v52 =	vor.u32 s7, v1;
	v63 =	vld.idx.msk [tilespmem:v53+s4+$0x0], $0xffff;
	[tilespmem:v56+s25+$0x0] =	vst.idx.msk $0xffff, v60  }
0x21a: {  	v40 =	vor.u32 s1, v2;
	v49 =	vld.idx.msk [tilespmem:v29+s4+$0x0], $0xffff;
	v53 =	vadd.s32 s7, v19;
	[tilespmem:v54+s25+$0x0] =	vst.idx.msk $0xffff, v25;
	v25 =	vmul.f32 v44, v11  }
0x21b: {  	v50 =	vadd.s32 s1, v17;
	v38 =	vmul.f32 v55, v11;
	v54 =	vor.u32 s2, v2;
	[tilespmem:v30+s25+$0x0] =	vst.idx.msk $0xffff, v28;
	v42 =	vld.idx.msk [tilespmem:v57+s4+$0x0], $0xffff  }
0x21c: {  	v29 =	vadd.s32 s2, v17;
	v55 =	vor.u32 s6, v1;
	v39 =	vmul.f32 v39, v23;
	v32 =	vld.idx.msk [tilespmem:v58+s4+$0x0], $0xffff;
	[tilespmem:v61+s25+$0x0] =	vst.idx.msk $0xffff, v25  }
0x21d: {  	v43 =	vadd.s32 s7, v17;
	v46 =	vmul.f32 v46, v18;
	v56 =	vadd.s32 s6, v19;
	[tilespmem:v62+s25+$0x0] =	vst.idx.msk $0xffff, v38;
	v36 =	vld.idx.msk [tilespmem:v59+s4+$0x0], $0xffff  }
0x21e: {  	v57 =	vadd.s32 s18, v14;
	v58 =	vor.u32 s0, v5;
	v31 =	vmul.f32 v31, v18;
	[tilespmem:v52+s25+$0x0] =	vst.idx.msk $0xffff, v39;
	v39 =	vld.idx.msk [tilespmem:v35+s4+$0x0], $0xffff  }
0x21f: {  	v45 =	vor.u32 s7, v2;
	v30 =	vor.u32 s22, v1;
	[tilespmem:v40+s25+$0x0] =	vst.idx.msk $0xffff, v46;
	v59 =	vmul.f32 v63, v23;
	v41 =	vld.idx.msk [tilespmem:v53+s4+$0x0], $0xffff  }
0x220: {  	v28 =	vadd.s32 s22, v16;
	v33 =	vmul.f32 v34, v23;
	v61 =	vor.u32 s8, v6;
	v40 =	vld.idx.msk [tilespmem:v50+s4+$0x0], $0xffff;
	[tilespmem:v54+s25+$0x0] =	vst.idx.msk $0xffff, v31  }
0x221: {  	v62 =	vadd.s32 s8, v9;
	v54 =	vor.u32 s20, v6;
	[tilespmem:v55+s25+$0x0] =	vst.idx.msk $0xffff, v59;
	v60 =	vld.idx.msk [tilespmem:v29+s4+$0x0], $0xffff;
	v42 =	vmul.f32 v42, v11  }
0x222: {  	v25 =	vor.u32 s7, v7;
	v53 =	vor.u32 s3, v6;
	v55 =	vadd.s32 s20, v9;
	v63 =	vld.idx.msk [tilespmem:v56+s4+$0x0], $0xffff  }
0x223: {  	v38 =	vadd.s32 s2, v16;
	v31 =	vadd.s32 s3, v9;
	v29 =	vld.idx.msk [tilespmem:v57+s4+$0x0], $0xffff;
	v32 =	vmul.f32 v32, v10;
	[tilespmem:v58+s25+$0x0] =	vst.idx.msk $0xffff, v42  }
0x224: {  	v35 =	vor.u32 s0, v6;
	v46 =	vor.u32 s6, v2;
	v57 =	vmul.f32 v39, v10;
	v34 =	vld.idx.msk [tilespmem:v48+s4+$0x0], $0xffff  }
0x225: {  	v56 =	vmul.f32 v36, v10;
	v42 =	vor.u32 s2, v3;
	[tilespmem:v61+s25+$0x0] =	vst.idx.msk $0xffff, v32;
	v36 =	vmul.f32 v49, v23  }
0x226: {  	v32 =	vadd.s32 s0, v9;
	v48 =	vmul.f32 v41, v18;
	v39 =	vld.idx.msk [tilespmem:v62+s4+$0x0], $0xffff;
	v41 =	vor.u32 s1, v3;
	[tilespmem:v54+s25+$0x0] =	vst.idx.msk $0xffff, v57  }
0x227: {  	s8 =	simm.s32 $0xC;
	[tilespmem:v53+s25+$0x0] =	vst.idx.msk $0xffff, v56;
	v44 =	vmul.f32 v60, v15;
	v37 =	vld.idx.msk [tilespmem:v55+s4+$0x0], $0xffff;
	v49 =	vmul.f32 v63, v18  }
.LBB2_6:
0x228: {  	s9 =	sshll.u32 s8, $0x7;
	p1 =	slt.u32 s8, $0x9C;
	s8 =	sadd.s32 $0x4, s8;
	[tilespmem:v45+s25+$0x0] =	vst.idx.msk $0xffff, v48;
	v45 =	vld.idx.msk [tilespmem:v31+s4+$0x0], $0xffff;
	v48 =	vor.u32 s3, v7;
	v50 =	vor.u32 s20, v7  }
0x229: {  	v31 =	vadd.s32 s2, v12;
	v51 =	vadd.s32 s9, v20;
	s10 =	sadd.s32 $0x80, s9;
	s11 =	sadd.s32 $0x100, s9;
	s12 =	sadd.s32 $0x180, s9;
	v43 =	vld.idx.msk [tilespmem:v43+s4+$0x0], $0xffff;
	[tilespmem:v46+s25+$0x0] =	vst.idx.msk $0xffff, v49;
	v46 =	vmul.f32 v34, v10  }
0x22a: {  	s3 =	smov.u32 s1;
	s1 =	smov.u32 s22;
	v40 =	vmul.f32 v40, v15;
	v49 =	vadd.s32 s10, v20;
	v52 =	vadd.s32 s11, v20;
	v47 =	vld.idx.msk [tilespmem:v47+s4+$0x0], $0xffff;
	[tilespmem:v42+s25+$0x0] =	vst.idx.msk $0xffff, v44;
	s22 =	smov.u32 s10  }
0x22b: {  	s20 =	smov.u32 s2;
	s2 =	smov.u32 s5;
	v44 =	vadd.s32 s12, v20;
	s5 =	smov.u32 s11;
	v42 =	vor.u32 s22, v1;
	v34 =	vadd.s32 s22, v16;
	v38 =	vld.idx.msk [tilespmem:v38+s4+$0x0], $0xffff;
	[tilespmem:v35+s25+$0x0] =	vst.idx.msk $0xffff, v46  }
0x22c: {  	v35 =	vor.u32 s7, v3;
	v39 =	vmul.f32 v39, v8;
	[tilespmem:v41+s25+$0x0] =	vst.idx.msk $0xffff, v40;
	v40 =	vadd.s32 s3, v14;
	v32 =	vld.idx.msk [tilespmem:v32+s4+$0x0], $0xffff  }
0x22d: {  	v41 =	vadd.s32 s7, v16;
	[tilespmem:v30+s25+$0x0] =	vst.idx.msk $0xffff, v33;
	v30 =	vor.u32 s6, v3;
	v26 =	vld.idx.msk [tilespmem:v26+s4+$0x0], $0xffff;
	v33 =	vmul.f32 v37, v8  }
0x22e: {  	v46 =	vadd.s32 s6, v16;
	v37 =	vld.idx.msk [tilespmem:v51+s4+$0x0], $0xffff;
	v51 =	vor.u32 s20, v4;
	[tilespmem:v27+s25+$0x0] =	vst.idx.msk $0xffff, v39;
	v27 =	vmul.f32 v45, v8  }
0x22f: {  	v43 =	vmul.f32 v43, v15;
	v45 =	vadd.s32 s1, v19;
	v39 =	vld.idx.msk [tilespmem:v49+s4+$0x0], $0xffff;
	v49 =	vor.u32 s0, v7;
	[tilespmem:v50+s25+$0x0] =	vst.idx.msk $0xffff, v33;
	s0 =	smov.u32 s6;
	s6 =	smov.u32 s12  }
0x230: {  	v50 =	vadd.s32 s20, v14;
	v33 =	vld.idx.msk [tilespmem:v44+s4+$0x0], $0xffff;
	v44 =	vmul.f32 v47, v15;
	v47 =	vor.u32 s3, v4;
	[tilespmem:v48+s25+$0x0] =	vst.idx.msk $0xffff, v27  }
0x231: {  	v27 =	vor.u32 s9, v0;
	v38 =	vmul.f32 v38, v13;
	v48 =	vld.idx.msk [tilespmem:v52+s4+$0x0], $0xffff;
	[tilespmem:v35+s25+$0x0] =	vst.idx.msk $0xffff, v43;
	v35 =	vor.u32 s2, v1  }
0x232: {  	v43 =	vadd.s32 s9, v21;
	v52 =	vor.u32 s22, v0;
	v41 =	vld.idx.msk [tilespmem:v41+s4+$0x0], $0xffff;
	[tilespmem:v30+s25+$0x0] =	vst.idx.msk $0xffff, v44;
	v30 =	vmul.f32 v32, v8  }
0x233: {  	v32 =	vadd.s32 s22, v21;
	v44 =	vor.u32 s5, v0;
	v26 =	vmul.f32 v26, v13;
	v46 =	vld.idx.msk [tilespmem:v46+s4+$0x0], $0xffff;
	[tilespmem:v51+s25+$0x0] =	vst.idx.msk $0xffff, v38  }
0x234: {  	v37 =	vmul.f32 v37, v22;
	v38 =	vor.u32 s6, v0;
	v51 =	vadd.s32 s2, v19;
	v45 =	vld.idx.msk [tilespmem:v45+s4+$0x0], $0xffff;
	[tilespmem:v49+s25+$0x0] =	vst.idx.msk $0xffff, v30  }
0x235: {  	v53 =	vor.u32 s7, v4;
	v39 =	vmul.f32 v39, v22;
	v49 =	vadd.s32 s6, v21;
	[tilespmem:v47+s25+$0x0] =	vst.idx.msk $0xffff, v26;
	v47 =	vld.idx.msk [tilespmem:v50+s4+$0x0], $0xffff  }
0x236: {  	v50 =	vadd.s32 s0, v14;
	[tilespmem:v27+s25+$0x0] =	vst.idx.msk $0xffff, v37;
	v27 =	vadd.s32 s5, v21;
	v37 =	vor.u32 s0, v4;
	v40 =	vld.idx.msk [tilespmem:v40+s4+$0x0], $0xffff;
	v30 =	vmovc v42  }
0x237: {  	v33 =	vmul.f32 v33, v22;
	v42 =	vld.idx.msk [tilespmem:v43+s4+$0x0], $0xffff;
	[tilespmem:v52+s25+$0x0] =	vst.idx.msk $0xffff, v39;
	v39 =	vmul.f32 v48, v22  }
0x238: {  	v26 =	vmovc v28;
	v43 =	vadd.s32 s3, v12;
	v32 =	vld.idx.msk [tilespmem:v32+s4+$0x0], $0xffff;
	[tilespmem:v35+s25+$0x0] =	vst.idx.msk $0xffff, v36;
	v35 =	vor.u32 s18, v5;
	v36 =	vadd.s32 s18, v12  }
0x239: {  	[tilespmem:v38+s25+$0x0] =	vst.idx.msk $0xffff, v33;
	v28 =	vld.idx.msk [tilespmem:v51+s4+$0x0], $0xffff;
	v33 =	vmul.f32 v46, v13;
	v38 =	vor.u32 s3, v5;
	v46 =	vor.u32 s20, v5  }
0x23a: {  	v29 =	vmul.f32 v29, v11;
	v41 =	vmul.f32 v41, v13;
	[tilespmem:v44+s25+$0x0] =	vst.idx.msk $0xffff, v39;
	v39 =	vld.idx.msk [tilespmem:v49+s4+$0x0], $0xffff  }
0x23b: {  	v48 =	vadd.s32 s2, v17;
	v44 =	vor.u32 s9, v1;
	v49 =	vld.idx.msk [tilespmem:v27+s4+$0x0], $0xffff;
	[tilespmem:v37+s25+$0x0] =	vst.idx.msk $0xffff, v33;
	v27 =	vmul.f32 v47, v11  }
0x23c: {  	v37 =	vadd.s32 s9, v19;
	v40 =	vmul.f32 v40, v11;
	[tilespmem:v53+s25+$0x0] =	vst.idx.msk $0xffff, v41;
	v41 =	vor.u32 s2, v2;
	v47 =	vld.idx.msk [tilespmem:v50+s4+$0x0], $0xffff  }
0x23d: {  	v45 =	vmul.f32 v45, v18;
	v42 =	vmul.f32 v42, v23;
	v50 =	vor.u32 s6, v1;
	[tilespmem:v35+s25+$0x0] =	vst.idx.msk $0xffff, v29  }
0x23e: {  	v33 =	vmul.f32 v32, v23;
	v29 =	vadd.s32 s6, v19;
	v32 =	vor.u32 s1, v2;
	v36 =	vld.idx.msk [tilespmem:v36+s4+$0x0], $0xffff;
	[tilespmem:v38+s25+$0x0] =	vst.idx.msk $0xffff, v40  }
0x23f: {  	v35 =	vadd.s32 s7, v14;
	v52 =	vmul.f32 v28, v18;
	v40 =	vor.u32 s0, v5;
	v43 =	vld.idx.msk [tilespmem:v43+s4+$0x0], $0xffff;
	[tilespmem:v46+s25+$0x0] =	vst.idx.msk $0xffff, v27  }
0x240: {  	v38 =	vmul.f32 v39, v23;
	v39 =	vadd.s32 s0, v12;
	[tilespmem:v44+s25+$0x0] =	vst.idx.msk $0xffff, v42;
	v42 =	vor.u32 s9, v7;
	v44 =	vld.idx.msk [tilespmem:v31+s4+$0x0], $0xffff  }
0x241: {  	v51 =	vadd.s32 s1, v17;
	v28 =	vmovc v34;
	v27 =	vmov v24;
	v31 =	vadd.s32 s3, v9;
	v37 =	vld.idx.msk [tilespmem:v37+s4+$0x0], $0xffff;
	[tilespmem:v41+s25+$0x0] =	vst.idx.msk $0xffff, v52  }
0x242: {  	v34 =	vmul.f32 v47, v11;
	v52 =	vadd.s32 s18, v9;
	[tilespmem:v50+s25+$0x0] =	vst.idx.msk $0xffff, v38;
	v41 =	vld.idx.msk [tilespmem:v48+s4+$0x0], $0xffff;
	v50 =	vor.u32 s18, v6;
	s18 =	smov.u32 s7;
	s7 =	smov.u32 s9  }
0x243: {  	v54 =	vor.u32 s3, v6;
	v55 =	vadd.s32 s20, v9;
	v24 =	vmovc v25;
	v53 =	vld.idx.msk [tilespmem:v29+s4+$0x0], $0xffff;
	[tilespmem:v32+s25+$0x0] =	vst.idx.msk $0xffff, v45;
	v32 =	vor.u32 s20, v6  }
0x244: {  	v25 =	vmov v42;
	v38 =	vadd.s32 s2, v16;
	v29 =	vld.idx.msk [tilespmem:v35+s4+$0x0], $0xffff;
	[tilespmem:v40+s25+$0x0] =	vst.idx.msk $0xffff, v34;
	v35 =	vor.u32 s0, v6  }
.Ltmp4:
0x245: {  	v45 =	vor.u32 s7, v2;
	v36 =	vmul.f32 v36, v10;
	v56 =	vmul.f32 v43, v10;
	v34 =	vld.idx.msk [tilespmem:v39+s4+$0x0], $0xffff;
	(pc) =	sbr.rel @p1 .LBB2_6-.Ltmp4, $4  }
0x246: {  	v46 =	vor.u32 s6, v2;
	v43 =	vadd.s32 s7, v17;
	v40 =	vld.idx.msk [tilespmem:v51+s4+$0x0], $0xffff;
	v51 =	vmul.f32 v44, v10  }
0x247: {  	v47 =	vadd.s32 s6, v17;
	v42 =	vor.u32 s2, v3;
	v48 =	vmul.f32 v37, v18;
	[tilespmem:v50+s25+$0x0] =	vst.idx.msk $0xffff, v36  }
0x248: {  	v36 =	vmul.f32 v49, v23;
	v44 =	vmul.f32 v41, v15;
	v39 =	vld.idx.msk [tilespmem:v52+s4+$0x0], $0xffff;
	[tilespmem:v32+s25+$0x0] =	vst.idx.msk $0xffff, v51  }
0x249: {  	v41 =	vor.u32 s1, v3;
	v49 =	vmul.f32 v53, v18;
	v32 =	vadd.s32 s0, v9;
	[tilespmem:v54+s25+$0x0] =	vst.idx.msk $0xffff, v56;
	v37 =	vld.idx.msk [tilespmem:v55+s4+$0x0], $0xffff  }
0x24a: {  	v50 =	vor.u32 s5, v1  }
0x24b: {  	v51 =	vadd.s32 s5, v19  }
0x24c: {  	v52 =	vadd.s32 s22, v19;
	_ =	sdelay $0x2  }
0x24d: {  	[tilespmem:v50+s25+$0x0] =	vst.idx.msk $0xffff, v36  }
0x24e: {  	[tilespmem:v30+s25+$0x0] =	vst.idx.msk $0xffff, v33;
	v30 =	vld.idx.msk [tilespmem:v51+s4+$0x0], $0xffff  }
0x24f: {  	v33 =	vld.idx.msk [tilespmem:v52+s4+$0x0], $0xffff  }
0x250: {  	v59 =	vor.u32 s5, v2  }
0x251: {  	v60 =	vadd.s32 s5, v17;
	v61 =	vor.u32 s22, v2  }
0x252: {  	v62 =	vadd.s32 s22, v17  }
0x253: {  	[tilespmem:v46+s25+$0x0] =	vst.idx.msk $0xffff, v49;
	v30 =	vmul.f32 v30, v18  }
0x254: {  	[tilespmem:v45+s25+$0x0] =	vst.idx.msk $0xffff, v48;
	v63 =	vld.idx.msk [tilespmem:v47+s4+$0x0], $0xffff;
	v33 =	vmul.f32 v33, v18  }
0x255: {  	v43 =	vld.idx.msk [tilespmem:v43+s4+$0x0], $0xffff;
	[tilespmem:v59+s25+$0x0] =	vst.idx.msk $0xffff, v30  }
0x256: {  	[tilespmem:v61+s25+$0x0] =	vst.idx.msk $0xffff, v33;
	v30 =	vor.u32 s6, v3;
	v36 =	vld.idx.msk [tilespmem:v60+s4+$0x0], $0xffff  }
0x257: {  	v53 =	vor.u32 s7, v3;
	v54 =	vadd.s32 s6, v16;
	v55 =	vld.idx.msk [tilespmem:v62+s4+$0x0], $0xffff  }
0x258: {  	v56 =	vadd.s32 s7, v16;
	v57 =	vor.u32 s5, v3;
	v40 =	vmul.f32 v40, v15  }
0x259: {  	[tilespmem:v42+s25+$0x0] =	vst.idx.msk $0xffff, v44;
	v58 =	vmul.f32 v63, v15;
	v59 =	vadd.s32 s5, v16;
	v60 =	vor.u32 s22, v3  }
0x25a: {  	v38 =	vld.idx.msk [tilespmem:v38+s4+$0x0], $0xffff;
	[tilespmem:v41+s25+$0x0] =	vst.idx.msk $0xffff, v40;
	v61 =	vmul.f32 v43, v15  }
0x25b: {  	v26 =	vld.idx.msk [tilespmem:v26+s4+$0x0], $0xffff;
	[tilespmem:v30+s25+$0x0] =	vst.idx.msk $0xffff, v58;
	v30 =	vmul.f32 v36, v15  }
0x25c: {  	v62 =	vor.u32 s2, v4;
	[tilespmem:v53+s25+$0x0] =	vst.idx.msk $0xffff, v61;
	v50 =	vmul.f32 v55, v15;
	v63 =	vld.idx.msk [tilespmem:v54+s4+$0x0], $0xffff  }
0x25d: {  	v34 =	vmul.f32 v34, v10;
	v52 =	vadd.s32 s2, v14;
	v51 =	vor.u32 s1, v4;
	v53 =	vld.idx.msk [tilespmem:v56+s4+$0x0], $0xffff;
	[tilespmem:v57+s25+$0x0] =	vst.idx.msk $0xffff, v30  }
0x25e: {  	v39 =	vmul.f32 v39, v8;
	v54 =	vor.u32 s6, v4;
	[tilespmem:v60+s25+$0x0] =	vst.idx.msk $0xffff, v50;
	v30 =	vadd.s32 s1, v14;
	v44 =	vld.idx.msk [tilespmem:v59+s4+$0x0], $0xffff  }
0x25f: {  	[tilespmem:v35+s25+$0x0] =	vst.idx.msk $0xffff, v34;
	v56 =	vor.u32 s7, v4;
	v55 =	vmul.f32 v38, v13;
	v57 =	vadd.s32 s6, v14;
	v28 =	vld.idx.msk [tilespmem:v28+s4+$0x0], $0xffff  }
0x260: {  	[tilespmem:v27+s25+$0x0] =	vst.idx.msk $0xffff, v39;
	v27 =	vadd.s32 s7, v14;
	v26 =	vmul.f32 v26, v13;
	v58 =	vor.u32 s5, v4  }
0x261: {  	[tilespmem:v62+s25+$0x0] =	vst.idx.msk $0xffff, v55;
	v60 =	vadd.s32 s5, v14;
	v59 =	vor.u32 s22, v4;
	v33 =	vmul.f32 v63, v13  }
0x262: {  	v48 =	vor.u32 s18, v5;
	[tilespmem:v51+s25+$0x0] =	vst.idx.msk $0xffff, v26;
	v62 =	vmul.f32 v53, v13;
	v26 =	vld.idx.msk [tilespmem:v52+s4+$0x0], $0xffff;
	v63 =	vadd.s32 s22, v14  }
0x263: {  	v61 =	vor.u32 s20, v7;
	v30 =	vld.idx.msk [tilespmem:v30+s4+$0x0], $0xffff;
	[tilespmem:v54+s25+$0x0] =	vst.idx.msk $0xffff, v33;
	v49 =	vmul.f32 v44, v13  }
0x264: {  	v51 =	vor.u32 s2, v5;
	v50 =	vadd.s32 s18, v12;
	[tilespmem:v56+s25+$0x0] =	vst.idx.msk $0xffff, v62;
	v28 =	vmul.f32 v28, v13;
	v52 =	vld.idx.msk [tilespmem:v57+s4+$0x0], $0xffff  }
0x265: {  	v29 =	vmul.f32 v29, v11;
	v53 =	vadd.s32 s2, v12;
	v27 =	vld.idx.msk [tilespmem:v27+s4+$0x0], $0xffff;
	v54 =	vor.u32 s1, v5;
	[tilespmem:v58+s25+$0x0] =	vst.idx.msk $0xffff, v49  }
0x266: {  	v37 =	vmul.f32 v37, v8;
	v55 =	vadd.s32 s1, v12;
	v56 =	vor.u32 s6, v5;
	[tilespmem:v59+s25+$0x0] =	vst.idx.msk $0xffff, v28;
	v28 =	vld.idx.msk [tilespmem:v60+s4+$0x0], $0xffff  }
0x267: {  	[tilespmem:v48+s25+$0x0] =	vst.idx.msk $0xffff, v29;
	v26 =	vmul.f32 v26, v11;
	v57 =	vadd.s32 s6, v12;
	v59 =	vor.u32 s7, v5;
	v58 =	vld.idx.msk [tilespmem:v63+s4+$0x0], $0xffff  }
0x268: {  	v31 =	vld.idx.msk [tilespmem:v31+s4+$0x0], $0xffff;
	v29 =	vadd.s32 s7, v12;
	[tilespmem:v61+s25+$0x0] =	vst.idx.msk $0xffff, v37;
	v60 =	vor.u32 s5, v5;
	v30 =	vmul.f32 v30, v11  }
0x269: {  	v62 =	vadd.s32 s5, v12;
	v61 =	vld.idx.msk [tilespmem:v50+s4+$0x0], $0xffff;
	[tilespmem:v51+s25+$0x0] =	vst.idx.msk $0xffff, v26;
	v63 =	vor.u32 s22, v5;
	v26 =	vmul.f32 v52, v11  }
0x26a: {  	v48 =	vor.u32 s3, v7;
	v27 =	vmul.f32 v27, v11;
	v49 =	vadd.s32 s22, v12;
	[tilespmem:v54+s25+$0x0] =	vst.idx.msk $0xffff, v30;
	v30 =	vld.idx.msk [tilespmem:v53+s4+$0x0], $0xffff  }
0x26b: {  	v50 =	vor.u32 s18, v6;
	v33 =	vld.idx.msk [tilespmem:v55+s4+$0x0], $0xffff;
	[tilespmem:v56+s25+$0x0] =	vst.idx.msk $0xffff, v26;
	v26 =	vmul.f32 v28, v11  }
0x26c: {  	v51 =	vor.u32 s2, v6;
	[tilespmem:v59+s25+$0x0] =	vst.idx.msk $0xffff, v27;
	v36 =	vmul.f32 v58, v11;
	v28 =	vadd.s32 s18, v9;
	v34 =	vld.idx.msk [tilespmem:v57+s4+$0x0], $0xffff  }
0x26d: {  	v52 =	vadd.s32 s2, v9;
	v27 =	vmul.f32 v31, v8;
	v31 =	vor.u32 s1, v6;
	v29 =	vld.idx.msk [tilespmem:v29+s4+$0x0], $0xffff;
	[tilespmem:v60+s25+$0x0] =	vst.idx.msk $0xffff, v26  }
0x26e: {  	v42 =	vmul.f32 v61, v10;
	v53 =	vor.u32 s6, v6;
	[tilespmem:v63+s25+$0x0] =	vst.idx.msk $0xffff, v36;
	v26 =	vadd.s32 s1, v9;
	v35 =	vld.idx.msk [tilespmem:v62+s4+$0x0], $0xffff  }
0x26f: {  	v54 =	vor.u32 s7, v6;
	[tilespmem:v48+s25+$0x0] =	vst.idx.msk $0xffff, v27;
	v36 =	vld.idx.msk [tilespmem:v49+s4+$0x0], $0xffff;
	v27 =	vmul.f32 v30, v10;
	v30 =	vadd.s32 s6, v9  }
0x270: {  	v32 =	vld.idx.msk [tilespmem:v32+s4+$0x0], $0xffff;
	[tilespmem:v50+s25+$0x0] =	vst.idx.msk $0xffff, v42;
	v55 =	vadd.s32 s7, v9;
	v56 =	vor.u32 s5, v6;
	v33 =	vmul.f32 v33, v10  }
0x271: {  	v58 =	vadd.s32 s5, v9;
	v57 =	vor.u32 s22, v6;
	v28 =	vld.idx.msk [tilespmem:v28+s4+$0x0], $0xffff;
	[tilespmem:v51+s25+$0x0] =	vst.idx.msk $0xffff, v27;
	v27 =	vmul.f32 v34, v10  }
0x272: {  	v59 =	vor.u32 s0, v7;
	v60 =	vadd.s32 s22, v9;
	v29 =	vmul.f32 v29, v10;
	[tilespmem:v31+s25+$0x0] =	vst.idx.msk $0xffff, v33;
	v31 =	vld.idx.msk [tilespmem:v52+s4+$0x0], $0xffff  }
0x273: {  	v26 =	vld.idx.msk [tilespmem:v26+s4+$0x0], $0xffff;
	[tilespmem:v53+s25+$0x0] =	vst.idx.msk $0xffff, v27;
	v27 =	vmul.f32 v35, v10  }
0x274: {  	v61 =	vor.u32 s2, v7;
	[tilespmem:v54+s25+$0x0] =	vst.idx.msk $0xffff, v29;
	v36 =	vmul.f32 v36, v10;
	v30 =	vld.idx.msk [tilespmem:v30+s4+$0x0], $0xffff  }
0x275: {  	v62 =	vor.u32 s1, v7;
	v29 =	vmul.f32 v32, v8;
	v63 =	vld.idx.msk [tilespmem:v55+s4+$0x0], $0xffff;
	[tilespmem:v56+s25+$0x0] =	vst.idx.msk $0xffff, v27  }
0x276: {  	[tilespmem:v57+s25+$0x0] =	vst.idx.msk $0xffff, v36;
	v27 =	vmul.f32 v28, v8;
	v28 =	vor.u32 s6, v7;
	v40 =	vld.idx.msk [tilespmem:v58+s4+$0x0], $0xffff  }
0x277: {  	[tilespmem:v59+s25+$0x0] =	vst.idx.msk $0xffff, v29;
	v29 =	vmul.f32 v31, v8;
	v31 =	vld.idx.msk [tilespmem:v60+s4+$0x0], $0xffff  }
0x278: {  	[tilespmem:v24+s25+$0x0] =	vst.idx.msk $0xffff, v27;
	v24 =	vmul.f32 v26, v8;
	v26 =	vor.u32 s5, v7  }
0x279: {  	[tilespmem:v61+s25+$0x0] =	vst.idx.msk $0xffff, v29;
	v27 =	vmul.f32 v30, v8;
	v29 =	vor.u32 s22, v7  }
0x27a: {  	[tilespmem:v62+s25+$0x0] =	vst.idx.msk $0xffff, v24;
	v24 =	vmul.f32 v63, v8  }
0x27b: {  	[tilespmem:v28+s25+$0x0] =	vst.idx.msk $0xffff, v27;
	v27 =	vmul.f32 v40, v8  }
0x27c: {  	[tilespmem:v25+s25+$0x0] =	vst.idx.msk $0xffff, v24;
	v24 =	vmul.f32 v31, v8  }
0x27d: {  	[tilespmem:v26+s25+$0x0] =	vst.idx.msk $0xffff, v27  }
0x27e: {  	[tilespmem:v29+s25+$0x0] =	vst.idx.msk $0xffff, v24  }
0x27f: {  	s18 =	simm.s32 $0x0;
	s20 =	rddreg [dreg:$0xa]  }
0x280: {  	[hbm4b:s20+s18] =	stream.linear.scatter [tilespmem:s25], [sflag:$0x3], $0x5000, $0x38;
	[tilespmem:$0x14100] =	vst v63  }
0x281: {  	s22 =	rddreg [dreg:$0xb]  }
0x282: {  	[tilespmem:s18], [sflag:$0x1] =	stream.linear.gather [hbm4b:s22+s18], $0x5000, $0x38;
	[tilespmem:$0x14100] =	vst v63  }
0x283: {  	s9 =	simm.s32 $0x180;
	_ =	swait.ge [sflag:s26], $0x5000  }
0x284: {  	v24 =	vadd.s32 s9, v20;
	[sflag:s26] =	ssyncset.done $0x0  }
0x285: {  	[sflag:s26] =	ssyncadd.s32 $0xFFFFB000  }
0x286: {  	_ =	swait.ge [sflag:s30], $0x5000  }
0x287: {  	[sflag:s30] =	ssyncset.done $0x0  }
0x288: {  	[sflag:s30] =	ssyncadd.s32 $0xFFFFB000  }
0x289: {  	v24 =	vld.idx.msk [tilespmem:v24+s23+$0x0], $0xffff;
	_ =	sdelay $0x1  }
0x28a: {  	v25 =	vor.u32 s9, v0  }
0x28b: {  	v26 =	vadd.s32 s9, v21;
	_ =	sdelay $0x1  }
0x28c: {  	s8 =	simm.s32 $0x0;
	v24 =	vmul.f32 v24, v22  }
0x28d: {  	v27 =	vadd.s32 s8, v20  }
0x28e: {  	[tilespmem:v25+s28+$0x0] =	vst.idx.msk $0xffff, v24  }
0x28f: {  	v24 =	vld.idx.msk [tilespmem:v26+s23+$0x0], $0xffff;
	_ =	sdelay $0x1  }
0x290: {  	v25 =	vor.u32 s9, v1  }
0x291: {  	v27 =	vld.idx.msk [tilespmem:v27+s23+$0x0], $0xffff;
	v26 =	vadd.s32 s9, v19;
	_ =	sdelay $0x1  }
0x292: {  	v28 =	vor.u32 s8, v0;
	v24 =	vmul.f32 v24, v23;
	_ =	sdelay $0x1  }
0x293: {  	v29 =	vadd.s32 s8, v21;
	[tilespmem:v25+s28+$0x0] =	vst.idx.msk $0xffff, v24  }
0x294: {  	s20 =	simm.s32 $0x100;
	v25 =	vmul.f32 v27, v22;
	v24 =	vld.idx.msk [tilespmem:v26+s23+$0x0], $0xffff  }
0x295: {  	s3 =	simm.s32 $0x80;
	v26 =	vadd.s32 s20, v20  }
0x296: {  	v27 =	vor.u32 s9, v2;
	[tilespmem:v28+s28+$0x0] =	vst.idx.msk $0xffff, v25;
	v28 =	vadd.s32 s3, v20  }
0x297: {  	v25 =	vadd.s32 s9, v17  }
0x298: {  	v29 =	vld.idx.msk [tilespmem:v29+s23+$0x0], $0xffff  }
0x299: {  	v24 =	vmul.f32 v24, v18  }
0x29a: {  	v30 =	vor.u32 s8, v1;
	v26 =	vld.idx.msk [tilespmem:v26+s23+$0x0], $0xffff  }
0x29b: {  	v31 =	vadd.s32 s8, v19;
	s18 =	simm.s32 $0x200;
	[tilespmem:v27+s28+$0x0] =	vst.idx.msk $0xffff, v24;
	v27 =	vld.idx.msk [tilespmem:v28+s23+$0x0], $0xffff  }
0x29c: {  	v24 =	vadd.s32 s18, v20;
	v28 =	vor.u32 s20, v0;
	v25 =	vld.idx.msk [tilespmem:v25+s23+$0x0], $0xffff  }
0x29d: {  	s0 =	simm.s32 $0x380;
	v42 =	vadd.s32 s20, v21;
	v29 =	vmul.f32 v29, v23  }
0x29e: {  	v43 =	vor.u32 s9, v3;
	v41 =	vadd.s32 s0, v20  }
0x29f: {  	v44 =	vor.u32 s3, v0;
	[tilespmem:v30+s28+$0x0] =	vst.idx.msk $0xffff, v29;
	v29 =	vadd.s32 s9, v16;
	v26 =	vmul.f32 v26, v22  }
0x2a0: {  	v30 =	vadd.s32 s3, v21;
	v31 =	vld.idx.msk [tilespmem:v31+s23+$0x0], $0xffff  }
0x2a1: {  	v24 =	vld.idx.msk [tilespmem:v24+s23+$0x0], $0xffff;
	[tilespmem:v28+s28+$0x0] =	vst.idx.msk $0xffff, v26;
	v25 =	vmul.f32 v25, v15  }
0x2a2: {  	v27 =	vmul.f32 v27, v22;
	v26 =	vor.u32 s8, v2;
	v45 =	vld.idx.msk [tilespmem:v42+s23+$0x0], $0xffff  }
0x2a3: {  	v46 =	vadd.s32 s8, v17;
	v47 =	vor.u32 s18, v0;
	v28 =	vld.idx.msk [tilespmem:v41+s23+$0x0], $0xffff;
	[tilespmem:v43+s28+$0x0] =	vst.idx.msk $0xffff, v25  }
0x2a4: {  	v48 =	vor.u32 s20, v1;
	[tilespmem:v44+s28+$0x0] =	vst.idx.msk $0xffff, v27;
	v25 =	vadd.s32 s18, v21;
	v27 =	vld.idx.msk [tilespmem:v29+s23+$0x0], $0xffff  }
0x2a5: {  	v50 =	vadd.s32 s20, v19;
	v30 =	vld.idx.msk [tilespmem:v30+s23+$0x0], $0xffff;
	v31 =	vmul.f32 v31, v18;
	v29 =	vor.u32 s0, v0  }
0x2a6: {  	v49 =	vadd.s32 s0, v21;
	v51 =	vor.u32 s9, v4;
	v24 =	vmul.f32 v24, v22  }
0x2a7: {  	v52 =	vor.u32 s3, v1;
	[tilespmem:v26+s28+$0x0] =	vst.idx.msk $0xffff, v31;
	v26 =	vadd.s32 s9, v14;
	v31 =	vmul.f32 v45, v23  }
0x2a8: {  	s1 =	simm.s32 $0x280;
	v54 =	vadd.s32 s3, v19;
	v55 =	vadd.s32 s8, v16;
	v28 =	vmul.f32 v28, v22;
	v53 =	vld.idx.msk [tilespmem:v46+s23+$0x0], $0xffff;
	[tilespmem:v47+s28+$0x0] =	vst.idx.msk $0xffff, v24  }
0x2a9: {  	s2 =	simm.s32 $0x300;
	v59 =	vadd.s32 s0, v19;
	v24 =	vadd.s32 s1, v20;
	v25 =	vld.idx.msk [tilespmem:v25+s23+$0x0], $0xffff;
	[tilespmem:v48+s28+$0x0] =	vst.idx.msk $0xffff, v31;
	v27 =	vmul.f32 v27, v13  }
0x2aa: {  	[tilespmem:v29+s28+$0x0] =	vst.idx.msk $0xffff, v28;
	v28 =	vmul.f32 v30, v23;
	v29 =	vadd.s32 s2, v20;
	v30 =	vor.u32 s8, v3;
	v56 =	vld.idx.msk [tilespmem:v50+s23+$0x0], $0xffff  }
0x2ab: {  	v61 =	vor.u32 s9, v5;
	v57 =	vor.u32 s18, v1;
	v31 =	vld.idx.msk [tilespmem:v49+s23+$0x0], $0xffff;
	[tilespmem:v51+s28+$0x0] =	vst.idx.msk $0xffff, v27  }
0x2ac: {  	v58 =	vor.u32 s20, v2;
	[tilespmem:v52+s28+$0x0] =	vst.idx.msk $0xffff, v28;
	v27 =	vadd.s32 s18, v19;
	v26 =	vld.idx.msk [tilespmem:v26+s23+$0x0], $0xffff  }
0x2ad: {  	v60 =	vadd.s32 s20, v17;
	v28 =	vor.u32 s0, v1;
	v32 =	vmul.f32 v53, v15;
	v33 =	vld.idx.msk [tilespmem:v54+s23+$0x0], $0xffff  }
0x2ae: {  	s5 =	simm.s32 $0x500;
	v62 =	vadd.s32 s9, v12;
	v63 =	vor.u32 s1, v0;
	v24 =	vld.idx.msk [tilespmem:v24+s23+$0x0], $0xffff;
	v25 =	vmul.f32 v25, v23  }
0x2af: {  	v40 =	vor.u32 s5, v0;
	v29 =	vld.idx.msk [tilespmem:v29+s23+$0x0], $0xffff;
	[tilespmem:v30+s28+$0x0] =	vst.idx.msk $0xffff, v32;
	v30 =	vor.u32 s3, v2;
	v35 =	vmul.f32 v56, v18  }
0x2b0: {  	v44 =	vadd.s32 s3, v14;
	v31 =	vmul.f32 v31, v23;
	v34 =	vld.idx.msk [tilespmem:v55+s23+$0x0], $0xffff;
	[tilespmem:v57+s28+$0x0] =	vst.idx.msk $0xffff, v25;
	v25 =	vadd.s32 s3, v17  }
0x2b1: {  	v45 =	vadd.s32 s1, v21;
	v46 =	vor.u32 s2, v0;
	v27 =	vld.idx.msk [tilespmem:v27+s23+$0x0], $0xffff;
	[tilespmem:v58+s28+$0x0] =	vst.idx.msk $0xffff, v35;
	v26 =	vmul.f32 v26, v11  }
0x2b2: {  	s22 =	simm.s32 $0x480;
	v48 =	vadd.s32 s8, v14;
	[tilespmem:v28+s28+$0x0] =	vst.idx.msk $0xffff, v31;
	v31 =	vadd.s32 s2, v21;
	v33 =	vmul.f32 v33, v18;
	v49 =	vld.idx.msk [tilespmem:v60+s23+$0x0], $0xffff  }
0x2b3: {  	s7 =	simm.s32 $0x400;
	v28 =	vor.u32 s8, v4;
	v24 =	vmul.f32 v24, v22;
	v60 =	vadd.s32 s22, v20;
	v47 =	vld.idx.msk [tilespmem:v59+s23+$0x0], $0xffff;
	[tilespmem:v61+s28+$0x0] =	vst.idx.msk $0xffff, v26  }
0x2b4: {  	v59 =	vadd.s32 s7, v20;
	v26 =	vor.u32 s18, v2;
	v29 =	vmul.f32 v29, v22;
	[tilespmem:v30+s28+$0x0] =	vst.idx.msk $0xffff, v33;
	v30 =	vld.idx.msk [tilespmem:v62+s23+$0x0], $0xffff  }
0x2b5: {  	v50 =	vadd.s32 s18, v17;
	v51 =	vor.u32 s0, v2;
	[tilespmem:v63+s28+$0x0] =	vst.idx.msk $0xffff, v24;
	v25 =	vld.idx.msk [tilespmem:v25+s23+$0x0], $0xffff  }
0x2b6: {  	v52 =	vadd.s32 s0, v17;
	v53 =	vor.u32 s20, v3;
	v24 =	vmul.f32 v34, v13;
	v36 =	vld.idx.msk [tilespmem:v45+s23+$0x0], $0xffff;
	[tilespmem:v46+s28+$0x0] =	vst.idx.msk $0xffff, v29  }
0x2b7: {  	v54 =	vor.u32 s9, v6;
	v29 =	vadd.s32 s20, v16;
	v55 =	vmul.f32 v27, v18;
	v31 =	vld.idx.msk [tilespmem:v31+s23+$0x0], $0xffff  }
0x2b8: {  	v56 =	vadd.s32 s9, v9;
	[tilespmem:v28+s28+$0x0] =	vst.idx.msk $0xffff, v24;
	v28 =	vor.u32 s3, v3;
	v33 =	vld.idx.msk [tilespmem:v60+s23+$0x0], $0xffff;
	v24 =	vmul.f32 v47, v18  }
0x2b9: {  	s6 =	simm.s32 $0x580;
	v57 =	vadd.s32 s3, v16;
	v58 =	vor.u32 s1, v1;
	v38 =	vmul.f32 v49, v15;
	v43 =	vld.idx.msk [tilespmem:v59+s23+$0x0], $0xffff;
	[tilespmem:v26+s28+$0x0] =	vst.idx.msk $0xffff, v55  }
0x2ba: {  	v35 =	vadd.s32 s20, v12;
	v61 =	vadd.s32 s6, v20;
	v32 =	vld.idx.msk [tilespmem:v50+s23+$0x0], $0xffff;
	[tilespmem:v51+s28+$0x0] =	vst.idx.msk $0xffff, v24;
	v30 =	vmul.f32 v30, v10  }
0x2bb: {  	v63 =	vor.u32 s0, v3;
	v62 =	vor.u32 s18, v3;
	[tilespmem:v53+s28+$0x0] =	vst.idx.msk $0xffff, v38;
	v25 =	vmul.f32 v25, v15;
	v34 =	vld.idx.msk [tilespmem:v52+s23+$0x0], $0xffff  }
0x2bc: {  	v27 =	vor.u32 s8, v7;
	v60 =	vadd.s32 s7, v21;
	v29 =	vld.idx.msk [tilespmem:v29+s23+$0x0], $0xffff;
	[tilespmem:v54+s28+$0x0] =	vst.idx.msk $0xffff, v30  }
0x2bd: {  	v59 =	vor.u32 s2, v1;
	v30 =	vmul.f32 v31, v23;
	v31 =	vadd.s32 s5, v20;
	[tilespmem:v28+s28+$0x0] =	vst.idx.msk $0xffff, v25;
	v25 =	vld.idx.msk [tilespmem:v56+s23+$0x0], $0xffff  }
0x2be: {  	v53 =	vor.u32 s20, v4;
	v36 =	vmul.f32 v36, v23;
	v54 =	vadd.s32 s1, v19;
	v42 =	vld.idx.msk [tilespmem:v57+s23+$0x0], $0xffff  }
0x2bf: {  	v55 =	vor.u32 s9, v7;
	v52 =	vadd.s32 s0, v16;
	v32 =	vmul.f32 v32, v15  }
0x2c0: {  	v37 =	vld.idx.msk [tilespmem:v48+s23+$0x0], $0xffff;
	v28 =	vadd.s32 s18, v16;
	[tilespmem:v58+s28+$0x0] =	vst.idx.msk $0xffff, v36;
	v56 =	vor.u32 s3, v4;
	v34 =	vmul.f32 v34, v15  }
0x2c1: {  	v36 =	vld.idx.msk [tilespmem:v61+s23+$0x0], $0xffff;
	v58 =	vor.u32 s7, v0;
	v57 =	vadd.s32 s20, v14;
	v29 =	vmul.f32 v29, v13;
	[tilespmem:v62+s28+$0x0] =	vst.idx.msk $0xffff, v32  }
0x2c2: {  	v47 =	vadd.s32 s6, v17;
	v61 =	vor.u32 s22, v0;
	v31 =	vld.idx.msk [tilespmem:v31+s23+$0x0], $0xffff;
	[tilespmem:v63+s28+$0x0] =	vst.idx.msk $0xffff, v34;
	v25 =	vmul.f32 v25, v8  }
0x2c3: {  	v26 =	vadd.s32 s1, v16;
	v62 =	vadd.s32 s22, v21;
	v46 =	vld.idx.msk [tilespmem:v54+s23+$0x0], $0xffff;
	v42 =	vmul.f32 v42, v13;
	[tilespmem:v53+s28+$0x0] =	vst.idx.msk $0xffff, v29  }
0x2c4: {  	v54 =	vor.u32 s18, v4;
	v29 =	vmul.f32 v43, v22;
	v63 =	vor.u32 s6, v0;
	v45 =	vld.idx.msk [tilespmem:v52+s23+$0x0], $0xffff;
	[tilespmem:v55+s28+$0x0] =	vst.idx.msk $0xffff, v25  }
0x2c5: {  	v28 =	vld.idx.msk [tilespmem:v28+s23+$0x0], $0xffff;
	v53 =	vadd.s32 s6, v21;
	v52 =	vadd.s32 s2, v19;
	v25 =	vmul.f32 v33, v22;
	[tilespmem:v56+s28+$0x0] =	vst.idx.msk $0xffff, v42  }
0x2c6: {  	v55 =	vld.idx.msk [tilespmem:v57+s23+$0x0], $0xffff;
	[tilespmem:v58+s28+$0x0] =	vst.idx.msk $0xffff, v29;
	v29 =	vadd.s32 s5, v21;
	v56 =	vor.u32 s0, v4  }
0x2c7: {  	v44 =	vld.idx.msk [tilespmem:v44+s23+$0x0], $0xffff;
	[tilespmem:v61+s28+$0x0] =	vst.idx.msk $0xffff, v25;
	v25 =	vmul.f32 v31, v22;
	v31 =	vmul.f32 v36, v22  }
0x2c8: {  	v48 =	vadd.s32 s0, v12;
	[tilespmem:v59+s28+$0x0] =	vst.idx.msk $0xffff, v30;
	v30 =	vor.u32 s8, v5;
	v57 =	vadd.s32 s0, v14;
	v39 =	vld.idx.msk [tilespmem:v60+s23+$0x0], $0xffff  }
0x2c9: {  	v58 =	vadd.s32 s8, v12;
	v61 =	vor.u32 s3, v5;
	v34 =	vld.idx.msk [tilespmem:v62+s23+$0x0], $0xffff;
	[tilespmem:v63+s28+$0x0] =	vst.idx.msk $0xffff, v31;
	v60 =	vmul.f32 v45, v13  }
0x2ca: {  	v59 =	vadd.s32 s3, v12;
	v62 =	vor.u32 s20, v5;
	v31 =	vld.idx.msk [tilespmem:v52+s23+$0x0], $0xffff;
	[tilespmem:v40+s28+$0x0] =	vst.idx.msk $0xffff, v25;
	v25 =	vmul.f32 v28, v13  }
0x2cb: {  	v24 =	vor.u32 s18, v7;
	v28 =	vmul.f32 v37, v11;
	v52 =	vor.u32 s7, v1;
	v63 =	vld.idx.msk [tilespmem:v53+s23+$0x0], $0xffff;
	[tilespmem:v56+s28+$0x0] =	vst.idx.msk $0xffff, v60  }
0x2cc: {  	v40 =	vor.u32 s1, v2;
	v49 =	vld.idx.msk [tilespmem:v29+s23+$0x0], $0xffff;
	v53 =	vadd.s32 s7, v19;
	[tilespmem:v54+s28+$0x0] =	vst.idx.msk $0xffff, v25;
	v25 =	vmul.f32 v44, v11  }
0x2cd: {  	v50 =	vadd.s32 s1, v17;
	v38 =	vmul.f32 v55, v11;
	v54 =	vor.u32 s2, v2;
	[tilespmem:v30+s28+$0x0] =	vst.idx.msk $0xffff, v28;
	v42 =	vld.idx.msk [tilespmem:v57+s23+$0x0], $0xffff  }
0x2ce: {  	v29 =	vadd.s32 s2, v17;
	v55 =	vor.u32 s6, v1;
	v39 =	vmul.f32 v39, v23;
	v32 =	vld.idx.msk [tilespmem:v58+s23+$0x0], $0xffff;
	[tilespmem:v61+s28+$0x0] =	vst.idx.msk $0xffff, v25  }
0x2cf: {  	v43 =	vadd.s32 s7, v17;
	v46 =	vmul.f32 v46, v18;
	v56 =	vadd.s32 s6, v19;
	[tilespmem:v62+s28+$0x0] =	vst.idx.msk $0xffff, v38;
	v36 =	vld.idx.msk [tilespmem:v59+s23+$0x0], $0xffff  }
0x2d0: {  	v57 =	vadd.s32 s18, v14;
	v58 =	vor.u32 s0, v5;
	v31 =	vmul.f32 v31, v18;
	[tilespmem:v52+s28+$0x0] =	vst.idx.msk $0xffff, v39;
	v39 =	vld.idx.msk [tilespmem:v35+s23+$0x0], $0xffff  }
0x2d1: {  	v45 =	vor.u32 s7, v2;
	v30 =	vor.u32 s22, v1;
	[tilespmem:v40+s28+$0x0] =	vst.idx.msk $0xffff, v46;
	v59 =	vmul.f32 v63, v23;
	v41 =	vld.idx.msk [tilespmem:v53+s23+$0x0], $0xffff  }
0x2d2: {  	v28 =	vadd.s32 s22, v16;
	v33 =	vmul.f32 v34, v23;
	v61 =	vor.u32 s8, v6;
	v40 =	vld.idx.msk [tilespmem:v50+s23+$0x0], $0xffff;
	[tilespmem:v54+s28+$0x0] =	vst.idx.msk $0xffff, v31  }
0x2d3: {  	v62 =	vadd.s32 s8, v9;
	v54 =	vor.u32 s20, v6;
	[tilespmem:v55+s28+$0x0] =	vst.idx.msk $0xffff, v59;
	v60 =	vld.idx.msk [tilespmem:v29+s23+$0x0], $0xffff;
	v42 =	vmul.f32 v42, v11  }
0x2d4: {  	v25 =	vor.u32 s7, v7;
	v53 =	vor.u32 s3, v6;
	v55 =	vadd.s32 s20, v9;
	v63 =	vld.idx.msk [tilespmem:v56+s23+$0x0], $0xffff  }
0x2d5: {  	v38 =	vadd.s32 s2, v16;
	v31 =	vadd.s32 s3, v9;
	v29 =	vld.idx.msk [tilespmem:v57+s23+$0x0], $0xffff;
	v32 =	vmul.f32 v32, v10;
	[tilespmem:v58+s28+$0x0] =	vst.idx.msk $0xffff, v42  }
0x2d6: {  	v35 =	vor.u32 s0, v6;
	v46 =	vor.u32 s6, v2;
	v57 =	vmul.f32 v39, v10;
	v34 =	vld.idx.msk [tilespmem:v48+s23+$0x0], $0xffff  }
0x2d7: {  	v56 =	vmul.f32 v36, v10;
	v42 =	vor.u32 s2, v3;
	[tilespmem:v61+s28+$0x0] =	vst.idx.msk $0xffff, v32;
	v36 =	vmul.f32 v49, v23  }
0x2d8: {  	v32 =	vadd.s32 s0, v9;
	v48 =	vmul.f32 v41, v18;
	v39 =	vld.idx.msk [tilespmem:v62+s23+$0x0], $0xffff;
	v41 =	vor.u32 s1, v3;
	[tilespmem:v54+s28+$0x0] =	vst.idx.msk $0xffff, v57  }
0x2d9: {  	s8 =	simm.s32 $0xC;
	[tilespmem:v53+s28+$0x0] =	vst.idx.msk $0xffff, v56;
	v44 =	vmul.f32 v60, v15;
	v37 =	vld.idx.msk [tilespmem:v55+s23+$0x0], $0xffff;
	v49 =	vmul.f32 v63, v18  }
.LBB2_8:
0x2da: {  	s9 =	sshll.u32 s8, $0x7;
	p1 =	slt.u32 s8, $0x9C;
	s8 =	sadd.s32 $0x4, s8;
	[tilespmem:v45+s28+$0x0] =	vst.idx.msk $0xffff, v48;
	v45 =	vld.idx.msk [tilespmem:v31+s23+$0x0], $0xffff;
	v48 =	vor.u32 s3, v7;
	v50 =	vor.u32 s20, v7  }
0x2db: {  	v31 =	vadd.s32 s2, v12;
	v51 =	vadd.s32 s9, v20;
	s10 =	sadd.s32 $0x80, s9;
	s11 =	sadd.s32 $0x100, s9;
	s12 =	sadd.s32 $0x180, s9;
	v43 =	vld.idx.msk [tilespmem:v43+s23+$0x0], $0xffff;
	[tilespmem:v46+s28+$0x0] =	vst.idx.msk $0xffff, v49;
	v46 =	vmul.f32 v34, v10  }
0x2dc: {  	s3 =	smov.u32 s1;
	s1 =	smov.u32 s22;
	v40 =	vmul.f32 v40, v15;
	v49 =	vadd.s32 s10, v20;
	v52 =	vadd.s32 s11, v20;
	v47 =	vld.idx.msk [tilespmem:v47+s23+$0x0], $0xffff;
	[tilespmem:v42+s28+$0x0] =	vst.idx.msk $0xffff, v44;
	s22 =	smov.u32 s10  }
0x2dd: {  	s20 =	smov.u32 s2;
	s2 =	smov.u32 s5;
	v44 =	vadd.s32 s12, v20;
	s5 =	smov.u32 s11;
	v42 =	vor.u32 s22, v1;
	v34 =	vadd.s32 s22, v16;
	v38 =	vld.idx.msk [tilespmem:v38+s23+$0x0], $0xffff;
	[tilespmem:v35+s28+$0x0] =	vst.idx.msk $0xffff, v46  }
0x2de: {  	v35 =	vor.u32 s7, v3;
	v39 =	vmul.f32 v39, v8;
	[tilespmem:v41+s28+$0x0] =	vst.idx.msk $0xffff, v40;
	v40 =	vadd.s32 s3, v14;
	v32 =	vld.idx.msk [tilespmem:v32+s23+$0x0], $0xffff  }
0x2df: {  	v41 =	vadd.s32 s7, v16;
	[tilespmem:v30+s28+$0x0] =	vst.idx.msk $0xffff, v33;
	v30 =	vor.u32 s6, v3;
	v26 =	vld.idx.msk [tilespmem:v26+s23+$0x0], $0xffff;
	v33 =	vmul.f32 v37, v8  }
0x2e0: {  	v46 =	vadd.s32 s6, v16;
	v37 =	vld.idx.msk [tilespmem:v51+s23+$0x0], $0xffff;
	v51 =	vor.u32 s20, v4;
	[tilespmem:v27+s28+$0x0] =	vst.idx.msk $0xffff, v39;
	v27 =	vmul.f32 v45, v8  }
0x2e1: {  	v43 =	vmul.f32 v43, v15;
	v45 =	vadd.s32 s1, v19;
	v39 =	vld.idx.msk [tilespmem:v49+s23+$0x0], $0xffff;
	v49 =	vor.u32 s0, v7;
	[tilespmem:v50+s28+$0x0] =	vst.idx.msk $0xffff, v33;
	s0 =	smov.u32 s6;
	s6 =	smov.u32 s12  }
0x2e2: {  	v50 =	vadd.s32 s20, v14;
	v33 =	vld.idx.msk [tilespmem:v44+s23+$0x0], $0xffff;
	v44 =	vmul.f32 v47, v15;
	v47 =	vor.u32 s3, v4;
	[tilespmem:v48+s28+$0x0] =	vst.idx.msk $0xffff, v27  }
0x2e3: {  	v27 =	vor.u32 s9, v0;
	v38 =	vmul.f32 v38, v13;
	v48 =	vld.idx.msk [tilespmem:v52+s23+$0x0], $0xffff;
	[tilespmem:v35+s28+$0x0] =	vst.idx.msk $0xffff, v43;
	v35 =	vor.u32 s2, v1  }
0x2e4: {  	v43 =	vadd.s32 s9, v21;
	v52 =	vor.u32 s22, v0;
	v41 =	vld.idx.msk [tilespmem:v41+s23+$0x0], $0xffff;
	[tilespmem:v30+s28+$0x0] =	vst.idx.msk $0xffff, v44;
	v30 =	vmul.f32 v32, v8  }
0x2e5: {  	v32 =	vadd.s32 s22, v21;
	v44 =	vor.u32 s5, v0;
	v26 =	vmul.f32 v26, v13;
	v46 =	vld.idx.msk [tilespmem:v46+s23+$0x0], $0xffff;
	[tilespmem:v51+s28+$0x0] =	vst.idx.msk $0xffff, v38  }
0x2e6: {  	v37 =	vmul.f32 v37, v22;
	v38 =	vor.u32 s6, v0;
	v51 =	vadd.s32 s2, v19;
	v45 =	vld.idx.msk [tilespmem:v45+s23+$0x0], $0xffff;
	[tilespmem:v49+s28+$0x0] =	vst.idx.msk $0xffff, v30  }
0x2e7: {  	v53 =	vor.u32 s7, v4;
	v39 =	vmul.f32 v39, v22;
	v49 =	vadd.s32 s6, v21;
	[tilespmem:v47+s28+$0x0] =	vst.idx.msk $0xffff, v26;
	v47 =	vld.idx.msk [tilespmem:v50+s23+$0x0], $0xffff  }
0x2e8: {  	v50 =	vadd.s32 s0, v14;
	[tilespmem:v27+s28+$0x0] =	vst.idx.msk $0xffff, v37;
	v27 =	vadd.s32 s5, v21;
	v37 =	vor.u32 s0, v4;
	v40 =	vld.idx.msk [tilespmem:v40+s23+$0x0], $0xffff;
	v30 =	vmovc v42  }
0x2e9: {  	v33 =	vmul.f32 v33, v22;
	v42 =	vld.idx.msk [tilespmem:v43+s23+$0x0], $0xffff;
	[tilespmem:v52+s28+$0x0] =	vst.idx.msk $0xffff, v39;
	v39 =	vmul.f32 v48, v22  }
0x2ea: {  	v26 =	vmovc v28;
	v43 =	vadd.s32 s3, v12;
	v32 =	vld.idx.msk [tilespmem:v32+s23+$0x0], $0xffff;
	[tilespmem:v35+s28+$0x0] =	vst.idx.msk $0xffff, v36;
	v35 =	vor.u32 s18, v5;
	v36 =	vadd.s32 s18, v12  }
0x2eb: {  	[tilespmem:v38+s28+$0x0] =	vst.idx.msk $0xffff, v33;
	v28 =	vld.idx.msk [tilespmem:v51+s23+$0x0], $0xffff;
	v33 =	vmul.f32 v46, v13;
	v38 =	vor.u32 s3, v5;
	v46 =	vor.u32 s20, v5  }
0x2ec: {  	v29 =	vmul.f32 v29, v11;
	v41 =	vmul.f32 v41, v13;
	[tilespmem:v44+s28+$0x0] =	vst.idx.msk $0xffff, v39;
	v39 =	vld.idx.msk [tilespmem:v49+s23+$0x0], $0xffff  }
0x2ed: {  	v48 =	vadd.s32 s2, v17;
	v44 =	vor.u32 s9, v1;
	v49 =	vld.idx.msk [tilespmem:v27+s23+$0x0], $0xffff;
	[tilespmem:v37+s28+$0x0] =	vst.idx.msk $0xffff, v33;
	v27 =	vmul.f32 v47, v11  }
0x2ee: {  	v37 =	vadd.s32 s9, v19;
	v40 =	vmul.f32 v40, v11;
	[tilespmem:v53+s28+$0x0] =	vst.idx.msk $0xffff, v41;
	v41 =	vor.u32 s2, v2;
	v47 =	vld.idx.msk [tilespmem:v50+s23+$0x0], $0xffff  }
0x2ef: {  	v45 =	vmul.f32 v45, v18;
	v42 =	vmul.f32 v42, v23;
	v50 =	vor.u32 s6, v1;
	[tilespmem:v35+s28+$0x0] =	vst.idx.msk $0xffff, v29  }
0x2f0: {  	v33 =	vmul.f32 v32, v23;
	v29 =	vadd.s32 s6, v19;
	v32 =	vor.u32 s1, v2;
	v36 =	vld.idx.msk [tilespmem:v36+s23+$0x0], $0xffff;
	[tilespmem:v38+s28+$0x0] =	vst.idx.msk $0xffff, v40  }
0x2f1: {  	v35 =	vadd.s32 s7, v14;
	v52 =	vmul.f32 v28, v18;
	v40 =	vor.u32 s0, v5;
	v43 =	vld.idx.msk [tilespmem:v43+s23+$0x0], $0xffff;
	[tilespmem:v46+s28+$0x0] =	vst.idx.msk $0xffff, v27  }
0x2f2: {  	v38 =	vmul.f32 v39, v23;
	v39 =	vadd.s32 s0, v12;
	[tilespmem:v44+s28+$0x0] =	vst.idx.msk $0xffff, v42;
	v42 =	vor.u32 s9, v7;
	v44 =	vld.idx.msk [tilespmem:v31+s23+$0x0], $0xffff  }
0x2f3: {  	v51 =	vadd.s32 s1, v17;
	v28 =	vmovc v34;
	v27 =	vmov v24;
	v31 =	vadd.s32 s3, v9;
	v37 =	vld.idx.msk [tilespmem:v37+s23+$0x0], $0xffff;
	[tilespmem:v41+s28+$0x0] =	vst.idx.msk $0xffff, v52  }
0x2f4: {  	v34 =	vmul.f32 v47, v11;
	v52 =	vadd.s32 s18, v9;
	[tilespmem:v50+s28+$0x0] =	vst.idx.msk $0xffff, v38;
	v41 =	vld.idx.msk [tilespmem:v48+s23+$0x0], $0xffff;
	v50 =	vor.u32 s18, v6;
	s18 =	smov.u32 s7;
	s7 =	smov.u32 s9  }
0x2f5: {  	v54 =	vor.u32 s3, v6;
	v55 =	vadd.s32 s20, v9;
	v24 =	vmovc v25;
	v53 =	vld.idx.msk [tilespmem:v29+s23+$0x0], $0xffff;
	[tilespmem:v32+s28+$0x0] =	vst.idx.msk $0xffff, v45;
	v32 =	vor.u32 s20, v6  }
0x2f6: {  	v25 =	vmov v42;
	v38 =	vadd.s32 s2, v16;
	v29 =	vld.idx.msk [tilespmem:v35+s23+$0x0], $0xffff;
	[tilespmem:v40+s28+$0x0] =	vst.idx.msk $0xffff, v34;
	v35 =	vor.u32 s0, v6  }
.Ltmp5:
0x2f7: {  	v45 =	vor.u32 s7, v2;
	v36 =	vmul.f32 v36, v10;
	v56 =	vmul.f32 v43, v10;
	v34 =	vld.idx.msk [tilespmem:v39+s23+$0x0], $0xffff;
	(pc) =	sbr.rel @p1 .LBB2_8-.Ltmp5, $4  }
0x2f8: {  	v46 =	vor.u32 s6, v2;
	v43 =	vadd.s32 s7, v17;
	v40 =	vld.idx.msk [tilespmem:v51+s23+$0x0], $0xffff;
	v51 =	vmul.f32 v44, v10  }
0x2f9: {  	v47 =	vadd.s32 s6, v17;
	v42 =	vor.u32 s2, v3;
	v48 =	vmul.f32 v37, v18;
	[tilespmem:v50+s28+$0x0] =	vst.idx.msk $0xffff, v36  }
0x2fa: {  	v36 =	vmul.f32 v49, v23;
	v44 =	vmul.f32 v41, v15;
	v39 =	vld.idx.msk [tilespmem:v52+s23+$0x0], $0xffff;
	[tilespmem:v32+s28+$0x0] =	vst.idx.msk $0xffff, v51  }
0x2fb: {  	v41 =	vor.u32 s1, v3;
	v49 =	vmul.f32 v53, v18;
	v32 =	vadd.s32 s0, v9;
	[tilespmem:v54+s28+$0x0] =	vst.idx.msk $0xffff, v56;
	v37 =	vld.idx.msk [tilespmem:v55+s23+$0x0], $0xffff  }
0x2fc: {  	v50 =	vor.u32 s5, v1  }
0x2fd: {  	v51 =	vadd.s32 s5, v19  }
0x2fe: {  	v52 =	vadd.s32 s22, v19;
	_ =	sdelay $0x2  }
0x2ff: {  	[tilespmem:v50+s28+$0x0] =	vst.idx.msk $0xffff, v36  }
0x300: {  	[tilespmem:v30+s28+$0x0] =	vst.idx.msk $0xffff, v33;
	v30 =	vld.idx.msk [tilespmem:v51+s23+$0x0], $0xffff  }
0x301: {  	v33 =	vld.idx.msk [tilespmem:v52+s23+$0x0], $0xffff  }
0x302: {  	v59 =	vor.u32 s5, v2  }
0x303: {  	v60 =	vadd.s32 s5, v17;
	v61 =	vor.u32 s22, v2  }
0x304: {  	v62 =	vadd.s32 s22, v17  }
0x305: {  	[tilespmem:v46+s28+$0x0] =	vst.idx.msk $0xffff, v49;
	v30 =	vmul.f32 v30, v18  }
0x306: {  	[tilespmem:v45+s28+$0x0] =	vst.idx.msk $0xffff, v48;
	v63 =	vld.idx.msk [tilespmem:v47+s23+$0x0], $0xffff;
	v33 =	vmul.f32 v33, v18  }
0x307: {  	v43 =	vld.idx.msk [tilespmem:v43+s23+$0x0], $0xffff;
	[tilespmem:v59+s28+$0x0] =	vst.idx.msk $0xffff, v30  }
0x308: {  	[tilespmem:v61+s28+$0x0] =	vst.idx.msk $0xffff, v33;
	v30 =	vor.u32 s6, v3;
	v36 =	vld.idx.msk [tilespmem:v60+s23+$0x0], $0xffff  }
0x309: {  	v53 =	vor.u32 s7, v3;
	v54 =	vadd.s32 s6, v16;
	v55 =	vld.idx.msk [tilespmem:v62+s23+$0x0], $0xffff  }
0x30a: {  	v56 =	vadd.s32 s7, v16;
	v57 =	vor.u32 s5, v3;
	v40 =	vmul.f32 v40, v15  }
0x30b: {  	[tilespmem:v42+s28+$0x0] =	vst.idx.msk $0xffff, v44;
	v58 =	vmul.f32 v63, v15;
	v59 =	vadd.s32 s5, v16;
	v60 =	vor.u32 s22, v3  }
0x30c: {  	v38 =	vld.idx.msk [tilespmem:v38+s23+$0x0], $0xffff;
	[tilespmem:v41+s28+$0x0] =	vst.idx.msk $0xffff, v40;
	v61 =	vmul.f32 v43, v15  }
0x30d: {  	v26 =	vld.idx.msk [tilespmem:v26+s23+$0x0], $0xffff;
	[tilespmem:v30+s28+$0x0] =	vst.idx.msk $0xffff, v58;
	v30 =	vmul.f32 v36, v15  }
0x30e: {  	v62 =	vor.u32 s2, v4;
	[tilespmem:v53+s28+$0x0] =	vst.idx.msk $0xffff, v61;
	v50 =	vmul.f32 v55, v15;
	v63 =	vld.idx.msk [tilespmem:v54+s23+$0x0], $0xffff  }
0x30f: {  	v34 =	vmul.f32 v34, v10;
	v52 =	vadd.s32 s2, v14;
	v51 =	vor.u32 s1, v4;
	v53 =	vld.idx.msk [tilespmem:v56+s23+$0x0], $0xffff;
	[tilespmem:v57+s28+$0x0] =	vst.idx.msk $0xffff, v30  }
0x310: {  	v39 =	vmul.f32 v39, v8;
	v54 =	vor.u32 s6, v4;
	[tilespmem:v60+s28+$0x0] =	vst.idx.msk $0xffff, v50;
	v30 =	vadd.s32 s1, v14;
	v44 =	vld.idx.msk [tilespmem:v59+s23+$0x0], $0xffff  }
0x311: {  	[tilespmem:v35+s28+$0x0] =	vst.idx.msk $0xffff, v34;
	v56 =	vor.u32 s7, v4;
	v55 =	vmul.f32 v38, v13;
	v57 =	vadd.s32 s6, v14;
	v28 =	vld.idx.msk [tilespmem:v28+s23+$0x0], $0xffff  }
0x312: {  	[tilespmem:v27+s28+$0x0] =	vst.idx.msk $0xffff, v39;
	v27 =	vadd.s32 s7, v14;
	v26 =	vmul.f32 v26, v13;
	v58 =	vor.u32 s5, v4  }
0x313: {  	[tilespmem:v62+s28+$0x0] =	vst.idx.msk $0xffff, v55;
	v60 =	vadd.s32 s5, v14;
	v59 =	vor.u32 s22, v4;
	v33 =	vmul.f32 v63, v13  }
0x314: {  	v48 =	vor.u32 s18, v5;
	[tilespmem:v51+s28+$0x0] =	vst.idx.msk $0xffff, v26;
	v62 =	vmul.f32 v53, v13;
	v26 =	vld.idx.msk [tilespmem:v52+s23+$0x0], $0xffff;
	v63 =	vadd.s32 s22, v14  }
0x315: {  	v61 =	vor.u32 s20, v7;
	v30 =	vld.idx.msk [tilespmem:v30+s23+$0x0], $0xffff;
	[tilespmem:v54+s28+$0x0] =	vst.idx.msk $0xffff, v33;
	v49 =	vmul.f32 v44, v13  }
0x316: {  	v51 =	vor.u32 s2, v5;
	v50 =	vadd.s32 s18, v12;
	[tilespmem:v56+s28+$0x0] =	vst.idx.msk $0xffff, v62;
	v28 =	vmul.f32 v28, v13;
	v52 =	vld.idx.msk [tilespmem:v57+s23+$0x0], $0xffff  }
0x317: {  	v29 =	vmul.f32 v29, v11;
	v53 =	vadd.s32 s2, v12;
	v27 =	vld.idx.msk [tilespmem:v27+s23+$0x0], $0xffff;
	v54 =	vor.u32 s1, v5;
	[tilespmem:v58+s28+$0x0] =	vst.idx.msk $0xffff, v49  }
0x318: {  	v37 =	vmul.f32 v37, v8;
	v55 =	vadd.s32 s1, v12;
	v56 =	vor.u32 s6, v5;
	[tilespmem:v59+s28+$0x0] =	vst.idx.msk $0xffff, v28;
	v28 =	vld.idx.msk [tilespmem:v60+s23+$0x0], $0xffff  }
0x319: {  	[tilespmem:v48+s28+$0x0] =	vst.idx.msk $0xffff, v29;
	v26 =	vmul.f32 v26, v11;
	v57 =	vadd.s32 s6, v12;
	v59 =	vor.u32 s7, v5;
	v58 =	vld.idx.msk [tilespmem:v63+s23+$0x0], $0xffff  }
0x31a: {  	v31 =	vld.idx.msk [tilespmem:v31+s23+$0x0], $0xffff;
	v29 =	vadd.s32 s7, v12;
	[tilespmem:v61+s28+$0x0] =	vst.idx.msk $0xffff, v37;
	v60 =	vor.u32 s5, v5;
	v30 =	vmul.f32 v30, v11  }
0x31b: {  	v62 =	vadd.s32 s5, v12;
	v61 =	vld.idx.msk [tilespmem:v50+s23+$0x0], $0xffff;
	[tilespmem:v51+s28+$0x0] =	vst.idx.msk $0xffff, v26;
	v63 =	vor.u32 s22, v5;
	v26 =	vmul.f32 v52, v11  }
0x31c: {  	v48 =	vor.u32 s3, v7;
	v27 =	vmul.f32 v27, v11;
	v49 =	vadd.s32 s22, v12;
	[tilespmem:v54+s28+$0x0] =	vst.idx.msk $0xffff, v30;
	v30 =	vld.idx.msk [tilespmem:v53+s23+$0x0], $0xffff  }
0x31d: {  	v50 =	vor.u32 s18, v6;
	v33 =	vld.idx.msk [tilespmem:v55+s23+$0x0], $0xffff;
	[tilespmem:v56+s28+$0x0] =	vst.idx.msk $0xffff, v26;
	v26 =	vmul.f32 v28, v11  }
0x31e: {  	v51 =	vor.u32 s2, v6;
	[tilespmem:v59+s28+$0x0] =	vst.idx.msk $0xffff, v27;
	v36 =	vmul.f32 v58, v11;
	v28 =	vadd.s32 s18, v9;
	v34 =	vld.idx.msk [tilespmem:v57+s23+$0x0], $0xffff  }
0x31f: {  	v52 =	vadd.s32 s2, v9;
	v27 =	vmul.f32 v31, v8;
	v31 =	vor.u32 s1, v6;
	v29 =	vld.idx.msk [tilespmem:v29+s23+$0x0], $0xffff;
	[tilespmem:v60+s28+$0x0] =	vst.idx.msk $0xffff, v26  }
0x320: {  	v42 =	vmul.f32 v61, v10;
	v53 =	vor.u32 s6, v6;
	[tilespmem:v63+s28+$0x0] =	vst.idx.msk $0xffff, v36;
	v26 =	vadd.s32 s1, v9;
	v35 =	vld.idx.msk [tilespmem:v62+s23+$0x0], $0xffff  }
0x321: {  	v54 =	vor.u32 s7, v6;
	[tilespmem:v48+s28+$0x0] =	vst.idx.msk $0xffff, v27;
	v36 =	vld.idx.msk [tilespmem:v49+s23+$0x0], $0xffff;
	v27 =	vmul.f32 v30, v10;
	v30 =	vadd.s32 s6, v9  }
0x322: {  	v32 =	vld.idx.msk [tilespmem:v32+s23+$0x0], $0xffff;
	[tilespmem:v50+s28+$0x0] =	vst.idx.msk $0xffff, v42;
	v55 =	vadd.s32 s7, v9;
	v56 =	vor.u32 s5, v6;
	v33 =	vmul.f32 v33, v10  }
0x323: {  	v58 =	vadd.s32 s5, v9;
	v57 =	vor.u32 s22, v6;
	v28 =	vld.idx.msk [tilespmem:v28+s23+$0x0], $0xffff;
	[tilespmem:v51+s28+$0x0] =	vst.idx.msk $0xffff, v27;
	v27 =	vmul.f32 v34, v10  }
0x324: {  	v59 =	vor.u32 s0, v7;
	v60 =	vadd.s32 s22, v9;
	v29 =	vmul.f32 v29, v10;
	[tilespmem:v31+s28+$0x0] =	vst.idx.msk $0xffff, v33;
	v31 =	vld.idx.msk [tilespmem:v52+s23+$0x0], $0xffff  }
0x325: {  	v26 =	vld.idx.msk [tilespmem:v26+s23+$0x0], $0xffff;
	[tilespmem:v53+s28+$0x0] =	vst.idx.msk $0xffff, v27;
	v27 =	vmul.f32 v35, v10  }
0x326: {  	v61 =	vor.u32 s2, v7;
	[tilespmem:v54+s28+$0x0] =	vst.idx.msk $0xffff, v29;
	v36 =	vmul.f32 v36, v10;
	v30 =	vld.idx.msk [tilespmem:v30+s23+$0x0], $0xffff  }
0x327: {  	v62 =	vor.u32 s1, v7;
	v29 =	vmul.f32 v32, v8;
	v63 =	vld.idx.msk [tilespmem:v55+s23+$0x0], $0xffff;
	[tilespmem:v56+s28+$0x0] =	vst.idx.msk $0xffff, v27  }
0x328: {  	[tilespmem:v57+s28+$0x0] =	vst.idx.msk $0xffff, v36;
	v27 =	vmul.f32 v28, v8;
	v28 =	vor.u32 s6, v7;
	v40 =	vld.idx.msk [tilespmem:v58+s23+$0x0], $0xffff  }
0x329: {  	[tilespmem:v59+s28+$0x0] =	vst.idx.msk $0xffff, v29;
	v29 =	vmul.f32 v31, v8;
	v31 =	vld.idx.msk [tilespmem:v60+s23+$0x0], $0xffff  }
0x32a: {  	[tilespmem:v24+s28+$0x0] =	vst.idx.msk $0xffff, v27;
	v24 =	vmul.f32 v26, v8;
	v26 =	vor.u32 s5, v7  }
0x32b: {  	[tilespmem:v61+s28+$0x0] =	vst.idx.msk $0xffff, v29;
	v27 =	vmul.f32 v30, v8;
	v29 =	vor.u32 s22, v7  }
0x32c: {  	[tilespmem:v62+s28+$0x0] =	vst.idx.msk $0xffff, v24;
	v24 =	vmul.f32 v63, v8  }
0x32d: {  	[tilespmem:v28+s28+$0x0] =	vst.idx.msk $0xffff, v27;
	v27 =	vmul.f32 v40, v8  }
0x32e: {  	[tilespmem:v25+s28+$0x0] =	vst.idx.msk $0xffff, v24;
	v24 =	vmul.f32 v31, v8  }
0x32f: {  	[tilespmem:v26+s28+$0x0] =	vst.idx.msk $0xffff, v27  }
0x330: {  	s22 =	simm.s32 $0x0;
	[tilespmem:v29+s28+$0x0] =	vst.idx.msk $0xffff, v24  }
0x331: {  	[hbm4b:s13+s22] =	stream.linear.scatter [tilespmem:s28], [sflag:$0x4], $0x5000, $0x38;
	[tilespmem:$0x14100] =	vst v63  }
0x332: {  	_ = 	snop  }
0x333: {  	[tilespmem:s23], [sflag:$0x2] =	stream.linear.gather [hbm4b:s14+s22], $0x5000, $0x38;
	[tilespmem:$0x14100] =	vst v63  }
0x334: {  	s9 =	simm.s32 $0x180;
	_ =	swait.ge [sflag:s24], $0x5000  }
0x335: {  	v24 =	vadd.s32 s9, v20;
	[sflag:s24] =	ssyncset.done $0x0  }
0x336: {  	[sflag:s24] =	ssyncadd.s32 $0xFFFFB000  }
0x337: {  	_ =	swait.ge [sflag:s29], $0x5000  }
0x338: {  	[sflag:s29] =	ssyncset.done $0x0  }
0x339: {  	[sflag:s29] =	ssyncadd.s32 $0xFFFFB000  }
0x33a: {  	v24 =	vld.idx.msk [tilespmem:v24+s4+$0x0], $0xffff;
	_ =	sdelay $0x1  }
0x33b: {  	v25 =	vor.u32 s9, v0  }
0x33c: {  	v26 =	vadd.s32 s9, v21;
	_ =	sdelay $0x1  }
0x33d: {  	s8 =	simm.s32 $0x0;
	v24 =	vmul.f32 v24, v22  }
0x33e: {  	v27 =	vadd.s32 s8, v20  }
0x33f: {  	[tilespmem:v25+s25+$0x0] =	vst.idx.msk $0xffff, v24  }
0x340: {  	v24 =	vld.idx.msk [tilespmem:v26+s4+$0x0], $0xffff;
	_ =	sdelay $0x1  }
0x341: {  	v25 =	vor.u32 s9, v1  }
0x342: {  	v27 =	vld.idx.msk [tilespmem:v27+s4+$0x0], $0xffff;
	v26 =	vadd.s32 s9, v19;
	_ =	sdelay $0x1  }
0x343: {  	v28 =	vor.u32 s8, v0;
	v24 =	vmul.f32 v24, v23;
	_ =	sdelay $0x1  }
0x344: {  	v29 =	vadd.s32 s8, v21;
	[tilespmem:v25+s25+$0x0] =	vst.idx.msk $0xffff, v24  }
0x345: {  	s20 =	simm.s32 $0x100;
	v25 =	vmul.f32 v27, v22;
	v24 =	vld.idx.msk [tilespmem:v26+s4+$0x0], $0xffff  }
0x346: {  	s3 =	simm.s32 $0x80;
	v26 =	vadd.s32 s20, v20  }
0x347: {  	v27 =	vor.u32 s9, v2;
	[tilespmem:v28+s25+$0x0] =	vst.idx.msk $0xffff, v25;
	v28 =	vadd.s32 s3, v20  }
0x348: {  	v25 =	vadd.s32 s9, v17  }
0x349: {  	v29 =	vld.idx.msk [tilespmem:v29+s4+$0x0], $0xffff  }
0x34a: {  	v24 =	vmul.f32 v24, v18  }
0x34b: {  	v30 =	vor.u32 s8, v1;
	v26 =	vld.idx.msk [tilespmem:v26+s4+$0x0], $0xffff  }
0x34c: {  	s18 =	simm.s32 $0x200;
	v31 =	vadd.s32 s8, v19;
	[tilespmem:v27+s25+$0x0] =	vst.idx.msk $0xffff, v24;
	v27 =	vld.idx.msk [tilespmem:v28+s4+$0x0], $0xffff  }
0x34d: {  	v24 =	vadd.s32 s18, v20;
	v28 =	vor.u32 s20, v0;
	v25 =	vld.idx.msk [tilespmem:v25+s4+$0x0], $0xffff  }
0x34e: {  	v42 =	vadd.s32 s20, v21;
	s0 =	simm.s32 $0x380;
	v29 =	vmul.f32 v29, v23  }
0x34f: {  	v43 =	vor.u32 s9, v3;
	v41 =	vadd.s32 s0, v20  }
0x350: {  	v44 =	vor.u32 s3, v0;
	[tilespmem:v30+s25+$0x0] =	vst.idx.msk $0xffff, v29;
	v29 =	vadd.s32 s9, v16;
	v26 =	vmul.f32 v26, v22  }
0x351: {  	v30 =	vadd.s32 s3, v21;
	v31 =	vld.idx.msk [tilespmem:v31+s4+$0x0], $0xffff  }
0x352: {  	v24 =	vld.idx.msk [tilespmem:v24+s4+$0x0], $0xffff;
	[tilespmem:v28+s25+$0x0] =	vst.idx.msk $0xffff, v26;
	v25 =	vmul.f32 v25, v15  }
0x353: {  	v27 =	vmul.f32 v27, v22;
	v26 =	vor.u32 s8, v2;
	v45 =	vld.idx.msk [tilespmem:v42+s4+$0x0], $0xffff  }
0x354: {  	v46 =	vadd.s32 s8, v17;
	v47 =	vor.u32 s18, v0;
	v28 =	vld.idx.msk [tilespmem:v41+s4+$0x0], $0xffff;
	[tilespmem:v43+s25+$0x0] =	vst.idx.msk $0xffff, v25  }
0x355: {  	v48 =	vor.u32 s20, v1;
	[tilespmem:v44+s25+$0x0] =	vst.idx.msk $0xffff, v27;
	v25 =	vadd.s32 s18, v21;
	v27 =	vld.idx.msk [tilespmem:v29+s4+$0x0], $0xffff  }
0x356: {  	v50 =	vadd.s32 s20, v19;
	v30 =	vld.idx.msk [tilespmem:v30+s4+$0x0], $0xffff;
	v31 =	vmul.f32 v31, v18;
	v29 =	vor.u32 s0, v0  }
0x357: {  	v49 =	vadd.s32 s0, v21;
	v51 =	vor.u32 s9, v4;
	v24 =	vmul.f32 v24, v22  }
0x358: {  	v52 =	vor.u32 s3, v1;
	[tilespmem:v26+s25+$0x0] =	vst.idx.msk $0xffff, v31;
	v26 =	vadd.s32 s9, v14;
	v31 =	vmul.f32 v45, v23  }
0x359: {  	s1 =	simm.s32 $0x280;
	v54 =	vadd.s32 s3, v19;
	v28 =	vmul.f32 v28, v22;
	v53 =	vld.idx.msk [tilespmem:v46+s4+$0x0], $0xffff;
	[tilespmem:v47+s25+$0x0] =	vst.idx.msk $0xffff, v24  }
0x35a: {  	s2 =	simm.s32 $0x300;
	v55 =	vadd.s32 s8, v16;
	v24 =	vadd.s32 s1, v20;
	v25 =	vld.idx.msk [tilespmem:v25+s4+$0x0], $0xffff;
	[tilespmem:v48+s25+$0x0] =	vst.idx.msk $0xffff, v31;
	v27 =	vmul.f32 v27, v13  }
0x35b: {  	[tilespmem:v29+s25+$0x0] =	vst.idx.msk $0xffff, v28;
	v28 =	vmul.f32 v30, v23;
	v29 =	vadd.s32 s2, v20;
	v30 =	vor.u32 s8, v3;
	v56 =	vld.idx.msk [tilespmem:v50+s4+$0x0], $0xffff  }
0x35c: {  	v59 =	vadd.s32 s0, v19;
	v57 =	vor.u32 s18, v1;
	v31 =	vld.idx.msk [tilespmem:v49+s4+$0x0], $0xffff;
	[tilespmem:v51+s25+$0x0] =	vst.idx.msk $0xffff, v27  }
0x35d: {  	v58 =	vor.u32 s20, v2;
	v60 =	vadd.s32 s20, v17;
	[tilespmem:v52+s25+$0x0] =	vst.idx.msk $0xffff, v28;
	v27 =	vadd.s32 s18, v19;
	v26 =	vld.idx.msk [tilespmem:v26+s4+$0x0], $0xffff  }
0x35e: {  	v61 =	vor.u32 s9, v5;
	v28 =	vor.u32 s0, v1;
	v32 =	vmul.f32 v53, v15;
	v33 =	vld.idx.msk [tilespmem:v54+s4+$0x0], $0xffff  }
0x35f: {  	s5 =	simm.s32 $0x500;
	v62 =	vadd.s32 s9, v12;
	v63 =	vor.u32 s1, v0;
	v24 =	vld.idx.msk [tilespmem:v24+s4+$0x0], $0xffff;
	v25 =	vmul.f32 v25, v23  }
0x360: {  	v40 =	vor.u32 s5, v0;
	v29 =	vld.idx.msk [tilespmem:v29+s4+$0x0], $0xffff;
	[tilespmem:v30+s25+$0x0] =	vst.idx.msk $0xffff, v32;
	v30 =	vor.u32 s3, v2;
	v35 =	vmul.f32 v56, v18  }
0x361: {  	v44 =	vadd.s32 s3, v14;
	v31 =	vmul.f32 v31, v23;
	v34 =	vld.idx.msk [tilespmem:v55+s4+$0x0], $0xffff;
	[tilespmem:v57+s25+$0x0] =	vst.idx.msk $0xffff, v25;
	v25 =	vadd.s32 s3, v17  }
0x362: {  	v45 =	vadd.s32 s1, v21;
	v46 =	vor.u32 s2, v0;
	v27 =	vld.idx.msk [tilespmem:v27+s4+$0x0], $0xffff;
	[tilespmem:v58+s25+$0x0] =	vst.idx.msk $0xffff, v35;
	v26 =	vmul.f32 v26, v11  }
0x363: {  	s22 =	simm.s32 $0x480;
	v48 =	vadd.s32 s8, v14;
	[tilespmem:v28+s25+$0x0] =	vst.idx.msk $0xffff, v31;
	v31 =	vadd.s32 s2, v21;
	v33 =	vmul.f32 v33, v18;
	v49 =	vld.idx.msk [tilespmem:v60+s4+$0x0], $0xffff  }
0x364: {  	s7 =	simm.s32 $0x400;
	v28 =	vor.u32 s8, v4;
	v24 =	vmul.f32 v24, v22;
	v60 =	vadd.s32 s22, v20;
	v47 =	vld.idx.msk [tilespmem:v59+s4+$0x0], $0xffff;
	[tilespmem:v61+s25+$0x0] =	vst.idx.msk $0xffff, v26  }
0x365: {  	v59 =	vadd.s32 s7, v20;
	v26 =	vor.u32 s18, v2;
	v29 =	vmul.f32 v29, v22;
	[tilespmem:v30+s25+$0x0] =	vst.idx.msk $0xffff, v33;
	v30 =	vld.idx.msk [tilespmem:v62+s4+$0x0], $0xffff  }
0x366: {  	v50 =	vadd.s32 s18, v17;
	v51 =	vor.u32 s0, v2;
	[tilespmem:v63+s25+$0x0] =	vst.idx.msk $0xffff, v24;
	v25 =	vld.idx.msk [tilespmem:v25+s4+$0x0], $0xffff  }
0x367: {  	v52 =	vadd.s32 s0, v17;
	v53 =	vor.u32 s20, v3;
	v24 =	vmul.f32 v34, v13;
	v36 =	vld.idx.msk [tilespmem:v45+s4+$0x0], $0xffff;
	[tilespmem:v46+s25+$0x0] =	vst.idx.msk $0xffff, v29  }
0x368: {  	v54 =	vor.u32 s9, v6;
	v29 =	vadd.s32 s20, v16;
	v55 =	vmul.f32 v27, v18;
	v31 =	vld.idx.msk [tilespmem:v31+s4+$0x0], $0xffff  }
0x369: {  	v56 =	vadd.s32 s9, v9;
	[tilespmem:v28+s25+$0x0] =	vst.idx.msk $0xffff, v24;
	v28 =	vor.u32 s3, v3;
	v33 =	vld.idx.msk [tilespmem:v60+s4+$0x0], $0xffff;
	v24 =	vmul.f32 v47, v18  }
0x36a: {  	s6 =	simm.s32 $0x580;
	v57 =	vadd.s32 s3, v16;
	v58 =	vor.u32 s1, v1;
	v38 =	vmul.f32 v49, v15;
	v43 =	vld.idx.msk [tilespmem:v59+s4+$0x0], $0xffff;
	[tilespmem:v26+s25+$0x0] =	vst.idx.msk $0xffff, v55  }
0x36b: {  	v35 =	vadd.s32 s20, v12;
	v61 =	vadd.s32 s6, v20;
	v32 =	vld.idx.msk [tilespmem:v50+s4+$0x0], $0xffff;
	[tilespmem:v51+s25+$0x0] =	vst.idx.msk $0xffff, v24;
	v30 =	vmul.f32 v30, v10  }
0x36c: {  	v63 =	vor.u32 s0, v3;
	v62 =	vor.u32 s18, v3;
	[tilespmem:v53+s25+$0x0] =	vst.idx.msk $0xffff, v38;
	v25 =	vmul.f32 v25, v15;
	v34 =	vld.idx.msk [tilespmem:v52+s4+$0x0], $0xffff  }
0x36d: {  	v27 =	vor.u32 s8, v7;
	v60 =	vadd.s32 s7, v21;
	v29 =	vld.idx.msk [tilespmem:v29+s4+$0x0], $0xffff;
	[tilespmem:v54+s25+$0x0] =	vst.idx.msk $0xffff, v30  }
0x36e: {  	v59 =	vor.u32 s2, v1;
	v30 =	vmul.f32 v31, v23;
	v31 =	vadd.s32 s5, v20;
	[tilespmem:v28+s25+$0x0] =	vst.idx.msk $0xffff, v25;
	v25 =	vld.idx.msk [tilespmem:v56+s4+$0x0], $0xffff  }
0x36f: {  	v53 =	vor.u32 s20, v4;
	v36 =	vmul.f32 v36, v23;
	v54 =	vadd.s32 s1, v19;
	v42 =	vld.idx.msk [tilespmem:v57+s4+$0x0], $0xffff  }
0x370: {  	v55 =	vor.u32 s9, v7;
	v52 =	vadd.s32 s0, v16;
	v32 =	vmul.f32 v32, v15  }
0x371: {  	v37 =	vld.idx.msk [tilespmem:v48+s4+$0x0], $0xffff;
	v28 =	vadd.s32 s18, v16;
	[tilespmem:v58+s25+$0x0] =	vst.idx.msk $0xffff, v36;
	v56 =	vor.u32 s3, v4;
	v34 =	vmul.f32 v34, v15  }
0x372: {  	v36 =	vld.idx.msk [tilespmem:v61+s4+$0x0], $0xffff;
	v58 =	vor.u32 s7, v0;
	v57 =	vadd.s32 s20, v14;
	v29 =	vmul.f32 v29, v13;
	[tilespmem:v62+s25+$0x0] =	vst.idx.msk $0xffff, v32  }
0x373: {  	v47 =	vadd.s32 s6, v17;
	v61 =	vor.u32 s22, v0;
	v31 =	vld.idx.msk [tilespmem:v31+s4+$0x0], $0xffff;
	[tilespmem:v63+s25+$0x0] =	vst.idx.msk $0xffff, v34;
	v25 =	vmul.f32 v25, v8  }
0x374: {  	v26 =	vadd.s32 s1, v16;
	v62 =	vadd.s32 s22, v21;
	v46 =	vld.idx.msk [tilespmem:v54+s4+$0x0], $0xffff;
	v42 =	vmul.f32 v42, v13;
	[tilespmem:v53+s25+$0x0] =	vst.idx.msk $0xffff, v29  }
0x375: {  	v54 =	vor.u32 s18, v4;
	v29 =	vmul.f32 v43, v22;
	v63 =	vor.u32 s6, v0;
	v45 =	vld.idx.msk [tilespmem:v52+s4+$0x0], $0xffff;
	[tilespmem:v55+s25+$0x0] =	vst.idx.msk $0xffff, v25  }
0x376: {  	v28 =	vld.idx.msk [tilespmem:v28+s4+$0x0], $0xffff;
	v53 =	vadd.s32 s6, v21;
	v52 =	vadd.s32 s2, v19;
	v25 =	vmul.f32 v33, v22;
	[tilespmem:v56+s25+$0x0] =	vst.idx.msk $0xffff, v42  }
0x377: {  	v55 =	vld.idx.msk [tilespmem:v57+s4+$0x0], $0xffff;
	[tilespmem:v58+s25+$0x0] =	vst.idx.msk $0xffff, v29;
	v29 =	vadd.s32 s5, v21;
	v56 =	vor.u32 s0, v4  }
0x378: {  	v44 =	vld.idx.msk [tilespmem:v44+s4+$0x0], $0xffff;
	[tilespmem:v61+s25+$0x0] =	vst.idx.msk $0xffff, v25;
	v25 =	vmul.f32 v31, v22;
	v31 =	vmul.f32 v36, v22  }
0x379: {  	v48 =	vadd.s32 s0, v12;
	[tilespmem:v59+s25+$0x0] =	vst.idx.msk $0xffff, v30;
	v30 =	vor.u32 s8, v5;
	v57 =	vadd.s32 s0, v14;
	v39 =	vld.idx.msk [tilespmem:v60+s4+$0x0], $0xffff  }
0x37a: {  	v58 =	vadd.s32 s8, v12;
	v61 =	vor.u32 s3, v5;
	v34 =	vld.idx.msk [tilespmem:v62+s4+$0x0], $0xffff;
	[tilespmem:v63+s25+$0x0] =	vst.idx.msk $0xffff, v31;
	v60 =	vmul.f32 v45, v13  }
0x37b: {  	v59 =	vadd.s32 s3, v12;
	v62 =	vor.u32 s20, v5;
	v31 =	vld.idx.msk [tilespmem:v52+s4+$0x0], $0xffff;
	[tilespmem:v40+s25+$0x0] =	vst.idx.msk $0xffff, v25;
	v25 =	vmul.f32 v28, v13  }
0x37c: {  	v24 =	vor.u32 s18, v7;
	v28 =	vmul.f32 v37, v11;
	v52 =	vor.u32 s7, v1;
	v63 =	vld.idx.msk [tilespmem:v53+s4+$0x0], $0xffff;
	[tilespmem:v56+s25+$0x0] =	vst.idx.msk $0xffff, v60  }
0x37d: {  	v40 =	vor.u32 s1, v2;
	v49 =	vld.idx.msk [tilespmem:v29+s4+$0x0], $0xffff;
	v53 =	vadd.s32 s7, v19;
	[tilespmem:v54+s25+$0x0] =	vst.idx.msk $0xffff, v25;
	v25 =	vmul.f32 v44, v11  }
0x37e: {  	v50 =	vadd.s32 s1, v17;
	v38 =	vmul.f32 v55, v11;
	v54 =	vor.u32 s2, v2;
	[tilespmem:v30+s25+$0x0] =	vst.idx.msk $0xffff, v28;
	v42 =	vld.idx.msk [tilespmem:v57+s4+$0x0], $0xffff  }
0x37f: {  	v29 =	vadd.s32 s2, v17;
	v55 =	vor.u32 s6, v1;
	v39 =	vmul.f32 v39, v23;
	v32 =	vld.idx.msk [tilespmem:v58+s4+$0x0], $0xffff;
	[tilespmem:v61+s25+$0x0] =	vst.idx.msk $0xffff, v25  }
0x380: {  	v43 =	vadd.s32 s7, v17;
	v46 =	vmul.f32 v46, v18;
	v56 =	vadd.s32 s6, v19;
	[tilespmem:v62+s25+$0x0] =	vst.idx.msk $0xffff, v38;
	v36 =	vld.idx.msk [tilespmem:v59+s4+$0x0], $0xffff  }
0x381: {  	v57 =	vadd.s32 s18, v14;
	v58 =	vor.u32 s0, v5;
	v31 =	vmul.f32 v31, v18;
	[tilespmem:v52+s25+$0x0] =	vst.idx.msk $0xffff, v39;
	v39 =	vld.idx.msk [tilespmem:v35+s4+$0x0], $0xffff  }
0x382: {  	v45 =	vor.u32 s7, v2;
	v30 =	vor.u32 s22, v1;
	[tilespmem:v40+s25+$0x0] =	vst.idx.msk $0xffff, v46;
	v59 =	vmul.f32 v63, v23;
	v41 =	vld.idx.msk [tilespmem:v53+s4+$0x0], $0xffff  }
0x383: {  	v28 =	vadd.s32 s22, v16;
	v33 =	vmul.f32 v34, v23;
	v61 =	vor.u32 s8, v6;
	v40 =	vld.idx.msk [tilespmem:v50+s4+$0x0], $0xffff;
	[tilespmem:v54+s25+$0x0] =	vst.idx.msk $0xffff, v31  }
0x384: {  	v62 =	vadd.s32 s8, v9;
	v54 =	vor.u32 s20, v6;
	[tilespmem:v55+s25+$0x0] =	vst.idx.msk $0xffff, v59;
	v60 =	vld.idx.msk [tilespmem:v29+s4+$0x0], $0xffff;
	v42 =	vmul.f32 v42, v11  }
0x385: {  	v25 =	vor.u32 s7, v7;
	v53 =	vor.u32 s3, v6;
	v55 =	vadd.s32 s20, v9;
	v63 =	vld.idx.msk [tilespmem:v56+s4+$0x0], $0xffff  }
0x386: {  	v38 =	vadd.s32 s2, v16;
	v31 =	vadd.s32 s3, v9;
	v29 =	vld.idx.msk [tilespmem:v57+s4+$0x0], $0xffff;
	v32 =	vmul.f32 v32, v10;
	[tilespmem:v58+s25+$0x0] =	vst.idx.msk $0xffff, v42  }
0x387: {  	v35 =	vor.u32 s0, v6;
	v46 =	vor.u32 s6, v2;
	v57 =	vmul.f32 v39, v10;
	v34 =	vld.idx.msk [tilespmem:v48+s4+$0x0], $0xffff  }
0x388: {  	v56 =	vmul.f32 v36, v10;
	v42 =	vor.u32 s2, v3;
	[tilespmem:v61+s25+$0x0] =	vst.idx.msk $0xffff, v32;
	v36 =	vmul.f32 v49, v23  }
0x389: {  	v32 =	vadd.s32 s0, v9;
	v48 =	vmul.f32 v41, v18;
	v39 =	vld.idx.msk [tilespmem:v62+s4+$0x0], $0xffff;
	v41 =	vor.u32 s1, v3;
	[tilespmem:v54+s25+$0x0] =	vst.idx.msk $0xffff, v57  }
0x38a: {  	s8 =	simm.s32 $0xC;
	[tilespmem:v53+s25+$0x0] =	vst.idx.msk $0xffff, v56;
	v44 =	vmul.f32 v60, v15;
	v37 =	vld.idx.msk [tilespmem:v55+s4+$0x0], $0xffff;
	v49 =	vmul.f32 v63, v18  }
.LBB2_10:
0x38b: {  	s9 =	sshll.u32 s8, $0x7;
	p1 =	slt.u32 s8, $0x9C;
	s8 =	sadd.s32 $0x4, s8;
	[tilespmem:v45+s25+$0x0] =	vst.idx.msk $0xffff, v48;
	v45 =	vld.idx.msk [tilespmem:v31+s4+$0x0], $0xffff;
	v48 =	vor.u32 s3, v7;
	v50 =	vor.u32 s20, v7  }
0x38c: {  	v31 =	vadd.s32 s2, v12;
	v51 =	vadd.s32 s9, v20;
	s10 =	sadd.s32 $0x80, s9;
	s11 =	sadd.s32 $0x100, s9;
	s12 =	sadd.s32 $0x180, s9;
	v43 =	vld.idx.msk [tilespmem:v43+s4+$0x0], $0xffff;
	[tilespmem:v46+s25+$0x0] =	vst.idx.msk $0xffff, v49;
	v46 =	vmul.f32 v34, v10  }
0x38d: {  	s3 =	smov.u32 s1;
	s1 =	smov.u32 s22;
	v40 =	vmul.f32 v40, v15;
	v49 =	vadd.s32 s10, v20;
	v52 =	vadd.s32 s11, v20;
	v47 =	vld.idx.msk [tilespmem:v47+s4+$0x0], $0xffff;
	[tilespmem:v42+s25+$0x0] =	vst.idx.msk $0xffff, v44;
	s22 =	smov.u32 s10  }
0x38e: {  	s20 =	smov.u32 s2;
	s2 =	smov.u32 s5;
	v44 =	vadd.s32 s12, v20;
	s5 =	smov.u32 s11;
	v42 =	vor.u32 s22, v1;
	v34 =	vadd.s32 s22, v16;
	v38 =	vld.idx.msk [tilespmem:v38+s4+$0x0], $0xffff;
	[tilespmem:v35+s25+$0x0] =	vst.idx.msk $0xffff, v46  }
0x38f: {  	v35 =	vor.u32 s7, v3;
	v39 =	vmul.f32 v39, v8;
	[tilespmem:v41+s25+$0x0] =	vst.idx.msk $0xffff, v40;
	v40 =	vadd.s32 s3, v14;
	v32 =	vld.idx.msk [tilespmem:v32+s4+$0x0], $0xffff  }
0x390: {  	v41 =	vadd.s32 s7, v16;
	[tilespmem:v30+s25+$0x0] =	vst.idx.msk $0xffff, v33;
	v30 =	vor.u32 s6, v3;
	v26 =	vld.idx.msk [tilespmem:v26+s4+$0x0], $0xffff;
	v33 =	vmul.f32 v37, v8  }
0x391: {  	v46 =	vadd.s32 s6, v16;
	v37 =	vld.idx.msk [tilespmem:v51+s4+$0x0], $0xffff;
	v51 =	vor.u32 s20, v4;
	[tilespmem:v27+s25+$0x0] =	vst.idx.msk $0xffff, v39;
	v27 =	vmul.f32 v45, v8  }
0x392: {  	v43 =	vmul.f32 v43, v15;
	v45 =	vadd.s32 s1, v19;
	v39 =	vld.idx.msk [tilespmem:v49+s4+$0x0], $0xffff;
	v49 =	vor.u32 s0, v7;
	[tilespmem:v50+s25+$0x0] =	vst.idx.msk $0xffff, v33;
	s0 =	smov.u32 s6;
	s6 =	smov.u32 s12  }
0x393: {  	v50 =	vadd.s32 s20, v14;
	v33 =	vld.idx.msk [tilespmem:v44+s4+$0x0], $0xffff;
	v44 =	vmul.f32 v47, v15;
	v47 =	vor.u32 s3, v4;
	[tilespmem:v48+s25+$0x0] =	vst.idx.msk $0xffff, v27  }
0x394: {  	v27 =	vor.u32 s9, v0;
	v38 =	vmul.f32 v38, v13;
	v48 =	vld.idx.msk [tilespmem:v52+s4+$0x0], $0xffff;
	[tilespmem:v35+s25+$0x0] =	vst.idx.msk $0xffff, v43;
	v35 =	vor.u32 s2, v1  }
0x395: {  	v43 =	vadd.s32 s9, v21;
	v52 =	vor.u32 s22, v0;
	v41 =	vld.idx.msk [tilespmem:v41+s4+$0x0], $0xffff;
	[tilespmem:v30+s25+$0x0] =	vst.idx.msk $0xffff, v44;
	v30 =	vmul.f32 v32, v8  }
0x396: {  	v32 =	vadd.s32 s22, v21;
	v44 =	vor.u32 s5, v0;
	v26 =	vmul.f32 v26, v13;
	v46 =	vld.idx.msk [tilespmem:v46+s4+$0x0], $0xffff;
	[tilespmem:v51+s25+$0x0] =	vst.idx.msk $0xffff, v38  }
0x397: {  	v37 =	vmul.f32 v37, v22;
	v38 =	vor.u32 s6, v0;
	v51 =	vadd.s32 s2, v19;
	v45 =	vld.idx.msk [tilespmem:v45+s4+$0x0], $0xffff;
	[tilespmem:v49+s25+$0x0] =	vst.idx.msk $0xffff, v30  }
0x398: {  	v53 =	vor.u32 s7, v4;
	v39 =	vmul.f32 v39, v22;
	v49 =	vadd.s32 s6, v21;
	[tilespmem:v47+s25+$0x0] =	vst.idx.msk $0xffff, v26;
	v47 =	vld.idx.msk [tilespmem:v50+s4+$0x0], $0xffff  }
0x399: {  	v50 =	vadd.s32 s0, v14;
	[tilespmem:v27+s25+$0x0] =	vst.idx.msk $0xffff, v37;
	v27 =	vadd.s32 s5, v21;
	v37 =	vor.u32 s0, v4;
	v40 =	vld.idx.msk [tilespmem:v40+s4+$0x0], $0xffff;
	v30 =	vmovc v42  }
0x39a: {  	v33 =	vmul.f32 v33, v22;
	v42 =	vld.idx.msk [tilespmem:v43+s4+$0x0], $0xffff;
	[tilespmem:v52+s25+$0x0] =	vst.idx.msk $0xffff, v39;
	v39 =	vmul.f32 v48, v22  }
0x39b: {  	v26 =	vmovc v28;
	v43 =	vadd.s32 s3, v12;
	v32 =	vld.idx.msk [tilespmem:v32+s4+$0x0], $0xffff;
	[tilespmem:v35+s25+$0x0] =	vst.idx.msk $0xffff, v36;
	v35 =	vor.u32 s18, v5;
	v36 =	vadd.s32 s18, v12  }
0x39c: {  	[tilespmem:v38+s25+$0x0] =	vst.idx.msk $0xffff, v33;
	v28 =	vld.idx.msk [tilespmem:v51+s4+$0x0], $0xffff;
	v33 =	vmul.f32 v46, v13;
	v38 =	vor.u32 s3, v5;
	v46 =	vor.u32 s20, v5  }
0x39d: {  	v29 =	vmul.f32 v29, v11;
	v41 =	vmul.f32 v41, v13;
	[tilespmem:v44+s25+$0x0] =	vst.idx.msk $0xffff, v39;
	v39 =	vld.idx.msk [tilespmem:v49+s4+$0x0], $0xffff  }
0x39e: {  	v48 =	vadd.s32 s2, v17;
	v44 =	vor.u32 s9, v1;
	v49 =	vld.idx.msk [tilespmem:v27+s4+$0x0], $0xffff;
	[tilespmem:v37+s25+$0x0] =	vst.idx.msk $0xffff, v33;
	v27 =	vmul.f32 v47, v11  }
0x39f: {  	v37 =	vadd.s32 s9, v19;
	v40 =	vmul.f32 v40, v11;
	[tilespmem:v53+s25+$0x0] =	vst.idx.msk $0xffff, v41;
	v41 =	vor.u32 s2, v2;
	v47 =	vld.idx.msk [tilespmem:v50+s4+$0x0], $0xffff  }
0x3a0: {  	v45 =	vmul.f32 v45, v18;
	v42 =	vmul.f32 v42, v23;
	v50 =	vor.u32 s6, v1;
	[tilespmem:v35+s25+$0x0] =	vst.idx.msk $0xffff, v29  }
0x3a1: {  	v33 =	vmul.f32 v32, v23;
	v29 =	vadd.s32 s6, v19;
	v32 =	vor.u32 s1, v2;
	v36 =	vld.idx.msk [tilespmem:v36+s4+$0x0], $0xffff;
	[tilespmem:v38+s25+$0x0] =	vst.idx.msk $0xffff, v40  }
0x3a2: {  	v35 =	vadd.s32 s7, v14;
	v52 =	vmul.f32 v28, v18;
	v40 =	vor.u32 s0, v5;
	v43 =	vld.idx.msk [tilespmem:v43+s4+$0x0], $0xffff;
	[tilespmem:v46+s25+$0x0] =	vst.idx.msk $0xffff, v27  }
0x3a3: {  	v38 =	vmul.f32 v39, v23;
	v39 =	vadd.s32 s0, v12;
	[tilespmem:v44+s25+$0x0] =	vst.idx.msk $0xffff, v42;
	v42 =	vor.u32 s9, v7;
	v44 =	vld.idx.msk [tilespmem:v31+s4+$0x0], $0xffff  }
0x3a4: {  	v51 =	vadd.s32 s1, v17;
	v28 =	vmovc v34;
	v27 =	vmov v24;
	v31 =	vadd.s32 s3, v9;
	v37 =	vld.idx.msk [tilespmem:v37+s4+$0x0], $0xffff;
	[tilespmem:v41+s25+$0x0] =	vst.idx.msk $0xffff, v52  }
0x3a5: {  	v34 =	vmul.f32 v47, v11;
	v52 =	vadd.s32 s18, v9;
	[tilespmem:v50+s25+$0x0] =	vst.idx.msk $0xffff, v38;
	v41 =	vld.idx.msk [tilespmem:v48+s4+$0x0], $0xffff;
	v50 =	vor.u32 s18, v6;
	s18 =	smov.u32 s7;
	s7 =	smov.u32 s9  }
0x3a6: {  	v54 =	vor.u32 s3, v6;
	v55 =	vadd.s32 s20, v9;
	v24 =	vmovc v25;
	v53 =	vld.idx.msk [tilespmem:v29+s4+$0x0], $0xffff;
	[tilespmem:v32+s25+$0x0] =	vst.idx.msk $0xffff, v45;
	v32 =	vor.u32 s20, v6  }
0x3a7: {  	v25 =	vmov v42;
	v38 =	vadd.s32 s2, v16;
	v29 =	vld.idx.msk [tilespmem:v35+s4+$0x0], $0xffff;
	[tilespmem:v40+s25+$0x0] =	vst.idx.msk $0xffff, v34;
	v35 =	vor.u32 s0, v6  }
.Ltmp6:
0x3a8: {  	v45 =	vor.u32 s7, v2;
	v36 =	vmul.f32 v36, v10;
	v56 =	vmul.f32 v43, v10;
	v34 =	vld.idx.msk [tilespmem:v39+s4+$0x0], $0xffff;
	(pc) =	sbr.rel @p1 .LBB2_10-.Ltmp6, $4  }
0x3a9: {  	v46 =	vor.u32 s6, v2;
	v43 =	vadd.s32 s7, v17;
	v40 =	vld.idx.msk [tilespmem:v51+s4+$0x0], $0xffff;
	v51 =	vmul.f32 v44, v10  }
0x3aa: {  	v47 =	vadd.s32 s6, v17;
	v42 =	vor.u32 s2, v3;
	v48 =	vmul.f32 v37, v18;
	[tilespmem:v50+s25+$0x0] =	vst.idx.msk $0xffff, v36  }
0x3ab: {  	v36 =	vmul.f32 v49, v23;
	v44 =	vmul.f32 v41, v15;
	v39 =	vld.idx.msk [tilespmem:v52+s4+$0x0], $0xffff;
	[tilespmem:v32+s25+$0x0] =	vst.idx.msk $0xffff, v51  }
0x3ac: {  	v41 =	vor.u32 s1, v3;
	v49 =	vmul.f32 v53, v18;
	v32 =	vadd.s32 s0, v9;
	[tilespmem:v54+s25+$0x0] =	vst.idx.msk $0xffff, v56;
	v37 =	vld.idx.msk [tilespmem:v55+s4+$0x0], $0xffff  }
0x3ad: {  	v50 =	vor.u32 s5, v1  }
0x3ae: {  	v51 =	vadd.s32 s5, v19  }
0x3af: {  	v52 =	vadd.s32 s22, v19;
	_ =	sdelay $0x2  }
0x3b0: {  	[tilespmem:v50+s25+$0x0] =	vst.idx.msk $0xffff, v36  }
0x3b1: {  	[tilespmem:v30+s25+$0x0] =	vst.idx.msk $0xffff, v33;
	v30 =	vld.idx.msk [tilespmem:v51+s4+$0x0], $0xffff  }
0x3b2: {  	v33 =	vld.idx.msk [tilespmem:v52+s4+$0x0], $0xffff  }
0x3b3: {  	v59 =	vor.u32 s5, v2  }
0x3b4: {  	v60 =	vadd.s32 s5, v17;
	v61 =	vor.u32 s22, v2  }
0x3b5: {  	v62 =	vadd.s32 s22, v17  }
0x3b6: {  	[tilespmem:v46+s25+$0x0] =	vst.idx.msk $0xffff, v49;
	v30 =	vmul.f32 v30, v18  }
0x3b7: {  	[tilespmem:v45+s25+$0x0] =	vst.idx.msk $0xffff, v48;
	v63 =	vld.idx.msk [tilespmem:v47+s4+$0x0], $0xffff;
	v33 =	vmul.f32 v33, v18  }
0x3b8: {  	v43 =	vld.idx.msk [tilespmem:v43+s4+$0x0], $0xffff;
	[tilespmem:v59+s25+$0x0] =	vst.idx.msk $0xffff, v30  }
0x3b9: {  	[tilespmem:v61+s25+$0x0] =	vst.idx.msk $0xffff, v33;
	v30 =	vor.u32 s6, v3;
	v36 =	vld.idx.msk [tilespmem:v60+s4+$0x0], $0xffff  }
0x3ba: {  	v53 =	vor.u32 s7, v3;
	v54 =	vadd.s32 s6, v16;
	v55 =	vld.idx.msk [tilespmem:v62+s4+$0x0], $0xffff  }
0x3bb: {  	v56 =	vadd.s32 s7, v16;
	v57 =	vor.u32 s5, v3;
	v40 =	vmul.f32 v40, v15  }
0x3bc: {  	[tilespmem:v42+s25+$0x0] =	vst.idx.msk $0xffff, v44;
	v58 =	vmul.f32 v63, v15;
	v59 =	vadd.s32 s5, v16;
	v60 =	vor.u32 s22, v3  }
0x3bd: {  	v38 =	vld.idx.msk [tilespmem:v38+s4+$0x0], $0xffff;
	[tilespmem:v41+s25+$0x0] =	vst.idx.msk $0xffff, v40;
	v61 =	vmul.f32 v43, v15  }
0x3be: {  	v26 =	vld.idx.msk [tilespmem:v26+s4+$0x0], $0xffff;
	[tilespmem:v30+s25+$0x0] =	vst.idx.msk $0xffff, v58;
	v30 =	vmul.f32 v36, v15  }
0x3bf: {  	v62 =	vor.u32 s2, v4;
	[tilespmem:v53+s25+$0x0] =	vst.idx.msk $0xffff, v61;
	v50 =	vmul.f32 v55, v15;
	v63 =	vld.idx.msk [tilespmem:v54+s4+$0x0], $0xffff  }
0x3c0: {  	v34 =	vmul.f32 v34, v10;
	v52 =	vadd.s32 s2, v14;
	v51 =	vor.u32 s1, v4;
	v53 =	vld.idx.msk [tilespmem:v56+s4+$0x0], $0xffff;
	[tilespmem:v57+s25+$0x0] =	vst.idx.msk $0xffff, v30  }
0x3c1: {  	v39 =	vmul.f32 v39, v8;
	v54 =	vor.u32 s6, v4;
	[tilespmem:v60+s25+$0x0] =	vst.idx.msk $0xffff, v50;
	v30 =	vadd.s32 s1, v14;
	v44 =	vld.idx.msk [tilespmem:v59+s4+$0x0], $0xffff  }
0x3c2: {  	[tilespmem:v35+s25+$0x0] =	vst.idx.msk $0xffff, v34;
	v56 =	vor.u32 s7, v4;
	v55 =	vmul.f32 v38, v13;
	v57 =	vadd.s32 s6, v14;
	v28 =	vld.idx.msk [tilespmem:v28+s4+$0x0], $0xffff  }
0x3c3: {  	[tilespmem:v27+s25+$0x0] =	vst.idx.msk $0xffff, v39;
	v27 =	vadd.s32 s7, v14;
	v26 =	vmul.f32 v26, v13;
	v58 =	vor.u32 s5, v4  }
0x3c4: {  	[tilespmem:v62+s25+$0x0] =	vst.idx.msk $0xffff, v55;
	v60 =	vadd.s32 s5, v14;
	v59 =	vor.u32 s22, v4;
	v33 =	vmul.f32 v63, v13  }
0x3c5: {  	v48 =	vor.u32 s18, v5;
	[tilespmem:v51+s25+$0x0] =	vst.idx.msk $0xffff, v26;
	v62 =	vmul.f32 v53, v13;
	v26 =	vld.idx.msk [tilespmem:v52+s4+$0x0], $0xffff;
	v63 =	vadd.s32 s22, v14  }
0x3c6: {  	v61 =	vor.u32 s20, v7;
	v30 =	vld.idx.msk [tilespmem:v30+s4+$0x0], $0xffff;
	[tilespmem:v54+s25+$0x0] =	vst.idx.msk $0xffff, v33;
	v49 =	vmul.f32 v44, v13  }
0x3c7: {  	v51 =	vor.u32 s2, v5;
	v50 =	vadd.s32 s18, v12;
	[tilespmem:v56+s25+$0x0] =	vst.idx.msk $0xffff, v62;
	v28 =	vmul.f32 v28, v13;
	v52 =	vld.idx.msk [tilespmem:v57+s4+$0x0], $0xffff  }
0x3c8: {  	v29 =	vmul.f32 v29, v11;
	v53 =	vadd.s32 s2, v12;
	v27 =	vld.idx.msk [tilespmem:v27+s4+$0x0], $0xffff;
	v54 =	vor.u32 s1, v5;
	[tilespmem:v58+s25+$0x0] =	vst.idx.msk $0xffff, v49  }
0x3c9: {  	v37 =	vmul.f32 v37, v8;
	v55 =	vadd.s32 s1, v12;
	v56 =	vor.u32 s6, v5;
	[tilespmem:v59+s25+$0x0] =	vst.idx.msk $0xffff, v28;
	v28 =	vld.idx.msk [tilespmem:v60+s4+$0x0], $0xffff  }
0x3ca: {  	[tilespmem:v48+s25+$0x0] =	vst.idx.msk $0xffff, v29;
	v26 =	vmul.f32 v26, v11;
	v57 =	vadd.s32 s6, v12;
	v59 =	vor.u32 s7, v5;
	v58 =	vld.idx.msk [tilespmem:v63+s4+$0x0], $0xffff  }
0x3cb: {  	v31 =	vld.idx.msk [tilespmem:v31+s4+$0x0], $0xffff;
	v29 =	vadd.s32 s7, v12;
	[tilespmem:v61+s25+$0x0] =	vst.idx.msk $0xffff, v37;
	v60 =	vor.u32 s5, v5;
	v30 =	vmul.f32 v30, v11  }
0x3cc: {  	v62 =	vadd.s32 s5, v12;
	v61 =	vld.idx.msk [tilespmem:v50+s4+$0x0], $0xffff;
	[tilespmem:v51+s25+$0x0] =	vst.idx.msk $0xffff, v26;
	v63 =	vor.u32 s22, v5;
	v26 =	vmul.f32 v52, v11  }
0x3cd: {  	v48 =	vor.u32 s3, v7;
	v27 =	vmul.f32 v27, v11;
	v49 =	vadd.s32 s22, v12;
	[tilespmem:v54+s25+$0x0] =	vst.idx.msk $0xffff, v30;
	v30 =	vld.idx.msk [tilespmem:v53+s4+$0x0], $0xffff  }
0x3ce: {  	v50 =	vor.u32 s18, v6;
	v33 =	vld.idx.msk [tilespmem:v55+s4+$0x0], $0xffff;
	[tilespmem:v56+s25+$0x0] =	vst.idx.msk $0xffff, v26;
	v26 =	vmul.f32 v28, v11  }
0x3cf: {  	v51 =	vor.u32 s2, v6;
	[tilespmem:v59+s25+$0x0] =	vst.idx.msk $0xffff, v27;
	v36 =	vmul.f32 v58, v11;
	v28 =	vadd.s32 s18, v9;
	v34 =	vld.idx.msk [tilespmem:v57+s4+$0x0], $0xffff  }
0x3d0: {  	v52 =	vadd.s32 s2, v9;
	v27 =	vmul.f32 v31, v8;
	v31 =	vor.u32 s1, v6;
	v29 =	vld.idx.msk [tilespmem:v29+s4+$0x0], $0xffff;
	[tilespmem:v60+s25+$0x0] =	vst.idx.msk $0xffff, v26  }
0x3d1: {  	v42 =	vmul.f32 v61, v10;
	v53 =	vor.u32 s6, v6;
	[tilespmem:v63+s25+$0x0] =	vst.idx.msk $0xffff, v36;
	v26 =	vadd.s32 s1, v9;
	v35 =	vld.idx.msk [tilespmem:v62+s4+$0x0], $0xffff  }
0x3d2: {  	v54 =	vor.u32 s7, v6;
	[tilespmem:v48+s25+$0x0] =	vst.idx.msk $0xffff, v27;
	v36 =	vld.idx.msk [tilespmem:v49+s4+$0x0], $0xffff;
	v27 =	vmul.f32 v30, v10;
	v30 =	vadd.s32 s6, v9  }
0x3d3: {  	v32 =	vld.idx.msk [tilespmem:v32+s4+$0x0], $0xffff;
	[tilespmem:v50+s25+$0x0] =	vst.idx.msk $0xffff, v42;
	v55 =	vadd.s32 s7, v9;
	v56 =	vor.u32 s5, v6;
	v33 =	vmul.f32 v33, v10  }
0x3d4: {  	v58 =	vadd.s32 s5, v9;
	v57 =	vor.u32 s22, v6;
	v28 =	vld.idx.msk [tilespmem:v28+s4+$0x0], $0xffff;
	[tilespmem:v51+s25+$0x0] =	vst.idx.msk $0xffff, v27;
	v27 =	vmul.f32 v34, v10  }
0x3d5: {  	v59 =	vor.u32 s0, v7;
	v60 =	vadd.s32 s22, v9;
	v29 =	vmul.f32 v29, v10;
	[tilespmem:v31+s25+$0x0] =	vst.idx.msk $0xffff, v33;
	v31 =	vld.idx.msk [tilespmem:v52+s4+$0x0], $0xffff  }
0x3d6: {  	v26 =	vld.idx.msk [tilespmem:v26+s4+$0x0], $0xffff;
	[tilespmem:v53+s25+$0x0] =	vst.idx.msk $0xffff, v27;
	v27 =	vmul.f32 v35, v10  }
0x3d7: {  	v61 =	vor.u32 s2, v7;
	[tilespmem:v54+s25+$0x0] =	vst.idx.msk $0xffff, v29;
	v36 =	vmul.f32 v36, v10;
	v30 =	vld.idx.msk [tilespmem:v30+s4+$0x0], $0xffff  }
0x3d8: {  	v62 =	vor.u32 s1, v7;
	v29 =	vmul.f32 v32, v8;
	v63 =	vld.idx.msk [tilespmem:v55+s4+$0x0], $0xffff;
	[tilespmem:v56+s25+$0x0] =	vst.idx.msk $0xffff, v27  }
0x3d9: {  	[tilespmem:v57+s25+$0x0] =	vst.idx.msk $0xffff, v36;
	v27 =	vmul.f32 v28, v8;
	v28 =	vor.u32 s6, v7;
	v40 =	vld.idx.msk [tilespmem:v58+s4+$0x0], $0xffff  }
0x3da: {  	[tilespmem:v59+s25+$0x0] =	vst.idx.msk $0xffff, v29;
	v29 =	vmul.f32 v31, v8;
	v31 =	vld.idx.msk [tilespmem:v60+s4+$0x0], $0xffff  }
0x3db: {  	[tilespmem:v24+s25+$0x0] =	vst.idx.msk $0xffff, v27;
	v24 =	vmul.f32 v26, v8;
	v26 =	vor.u32 s5, v7  }
0x3dc: {  	[tilespmem:v61+s25+$0x0] =	vst.idx.msk $0xffff, v29;
	v27 =	vmul.f32 v30, v8;
	v29 =	vor.u32 s22, v7  }
0x3dd: {  	[tilespmem:v62+s25+$0x0] =	vst.idx.msk $0xffff, v24;
	v24 =	vmul.f32 v63, v8  }
0x3de: {  	[tilespmem:v28+s25+$0x0] =	vst.idx.msk $0xffff, v27;
	v27 =	vmul.f32 v40, v8  }
0x3df: {  	[tilespmem:v25+s25+$0x0] =	vst.idx.msk $0xffff, v24;
	v24 =	vmul.f32 v31, v8  }
0x3e0: {  	[tilespmem:v26+s25+$0x0] =	vst.idx.msk $0xffff, v27  }
0x3e1: {  	[tilespmem:v29+s25+$0x0] =	vst.idx.msk $0xffff, v24  }
0x3e2: {  	[hbm4b:s15+s4] =	stream.linear.scatter [tilespmem:s25], [sflag:$0x3], $0x5000, $0x38;
	[tilespmem:$0x14100] =	vst v63  }
0x3e3: {  	s0 =	simm.s32 @!p0 $0x0  }
0x3e4: {  	[tilespmem:s0], [sflag:$0x1] =	stream.linear.gather @!p0 [hbm4b:s16+s0], $0x5000, $0x38;
	[tilespmem:$0x14100] =	vst v63  }
0x3e5: {  	s9 =	simm.s32 $0x180;
	_ =	swait.ge [sflag:s26], $0x5000  }
0x3e6: {  	v24 =	vadd.s32 s9, v20;
	[sflag:s26] =	ssyncset.done $0x0  }
0x3e7: {  	[sflag:s26] =	ssyncadd.s32 $0xFFFFB000  }
0x3e8: {  	_ =	swait.ge [sflag:s30], $0x5000  }
0x3e9: {  	[sflag:s30] =	ssyncset.done $0x0  }
0x3ea: {  	[sflag:s30] =	ssyncadd.s32 $0xFFFFB000  }
0x3eb: {  	v24 =	vld.idx.msk [tilespmem:v24+s23+$0x0], $0xffff;
	_ =	sdelay $0x1  }
0x3ec: {  	v25 =	vor.u32 s9, v0  }
0x3ed: {  	v26 =	vadd.s32 s9, v21;
	_ =	sdelay $0x1  }
0x3ee: {  	s8 =	simm.s32 $0x0;
	v24 =	vmul.f32 v24, v22  }
0x3ef: {  	v27 =	vadd.s32 s8, v20  }
0x3f0: {  	[tilespmem:v25+s28+$0x0] =	vst.idx.msk $0xffff, v24  }
0x3f1: {  	v24 =	vld.idx.msk [tilespmem:v26+s23+$0x0], $0xffff;
	_ =	sdelay $0x1  }
0x3f2: {  	v25 =	vor.u32 s9, v1  }
0x3f3: {  	v27 =	vld.idx.msk [tilespmem:v27+s23+$0x0], $0xffff;
	v26 =	vadd.s32 s9, v19;
	_ =	sdelay $0x1  }
0x3f4: {  	v28 =	vor.u32 s8, v0;
	v24 =	vmul.f32 v24, v23;
	_ =	sdelay $0x1  }
0x3f5: {  	v29 =	vadd.s32 s8, v21;
	[tilespmem:v25+s28+$0x0] =	vst.idx.msk $0xffff, v24  }
0x3f6: {  	s20 =	simm.s32 $0x100;
	v25 =	vmul.f32 v27, v22;
	v24 =	vld.idx.msk [tilespmem:v26+s23+$0x0], $0xffff  }
0x3f7: {  	s3 =	simm.s32 $0x80;
	v26 =	vadd.s32 s20, v20  }
0x3f8: {  	v27 =	vor.u32 s9, v2;
	[tilespmem:v28+s28+$0x0] =	vst.idx.msk $0xffff, v25;
	v28 =	vadd.s32 s3, v20  }
0x3f9: {  	v25 =	vadd.s32 s9, v17  }
0x3fa: {  	v29 =	vld.idx.msk [tilespmem:v29+s23+$0x0], $0xffff  }
0x3fb: {  	v24 =	vmul.f32 v24, v18  }
0x3fc: {  	v30 =	vor.u32 s8, v1;
	v26 =	vld.idx.msk [tilespmem:v26+s23+$0x0], $0xffff  }
0x3fd: {  	s18 =	simm.s32 $0x200;
	v31 =	vadd.s32 s8, v19;
	[tilespmem:v27+s28+$0x0] =	vst.idx.msk $0xffff, v24;
	v27 =	vld.idx.msk [tilespmem:v28+s23+$0x0], $0xffff  }
0x3fe: {  	v24 =	vadd.s32 s18, v20;
	v28 =	vor.u32 s20, v0;
	v25 =	vld.idx.msk [tilespmem:v25+s23+$0x0], $0xffff  }
0x3ff: {  	v42 =	vadd.s32 s20, v21;
	s0 =	simm.s32 $0x380;
	v29 =	vmul.f32 v29, v23  }
0x400: {  	v43 =	vor.u32 s9, v3;
	v41 =	vadd.s32 s0, v20  }
0x401: {  	v44 =	vor.u32 s3, v0;
	[tilespmem:v30+s28+$0x0] =	vst.idx.msk $0xffff, v29;
	v29 =	vadd.s32 s9, v16;
	v26 =	vmul.f32 v26, v22  }
0x402: {  	v30 =	vadd.s32 s3, v21;
	v31 =	vld.idx.msk [tilespmem:v31+s23+$0x0], $0xffff  }
0x403: {  	v24 =	vld.idx.msk [tilespmem:v24+s23+$0x0], $0xffff;
	[tilespmem:v28+s28+$0x0] =	vst.idx.msk $0xffff, v26;
	v25 =	vmul.f32 v25, v15  }
0x404: {  	v27 =	vmul.f32 v27, v22;
	v26 =	vor.u32 s8, v2;
	v45 =	vld.idx.msk [tilespmem:v42+s23+$0x0], $0xffff  }
0x405: {  	v46 =	vadd.s32 s8, v17;
	v47 =	vor.u32 s18, v0;
	v28 =	vld.idx.msk [tilespmem:v41+s23+$0x0], $0xffff;
	[tilespmem:v43+s28+$0x0] =	vst.idx.msk $0xffff, v25  }
0x406: {  	v48 =	vor.u32 s20, v1;
	[tilespmem:v44+s28+$0x0] =	vst.idx.msk $0xffff, v27;
	v25 =	vadd.s32 s18, v21;
	v27 =	vld.idx.msk [tilespmem:v29+s23+$0x0], $0xffff  }
0x407: {  	v50 =	vadd.s32 s20, v19;
	v30 =	vld.idx.msk [tilespmem:v30+s23+$0x0], $0xffff;
	v31 =	vmul.f32 v31, v18;
	v29 =	vor.u32 s0, v0  }
0x408: {  	v51 =	vor.u32 s9, v4;
	v49 =	vadd.s32 s0, v21;
	v24 =	vmul.f32 v24, v22  }
0x409: {  	v52 =	vor.u32 s3, v1;
	[tilespmem:v26+s28+$0x0] =	vst.idx.msk $0xffff, v31;
	v26 =	vadd.s32 s9, v14;
	v31 =	vmul.f32 v45, v23  }
0x40a: {  	s1 =	simm.s32 $0x280;
	v54 =	vadd.s32 s3, v19;
	v28 =	vmul.f32 v28, v22;
	v53 =	vld.idx.msk [tilespmem:v46+s23+$0x0], $0xffff;
	[tilespmem:v47+s28+$0x0] =	vst.idx.msk $0xffff, v24  }
0x40b: {  	s2 =	simm.s32 $0x300;
	v55 =	vadd.s32 s8, v16;
	v24 =	vadd.s32 s1, v20;
	v25 =	vld.idx.msk [tilespmem:v25+s23+$0x0], $0xffff;
	[tilespmem:v48+s28+$0x0] =	vst.idx.msk $0xffff, v31;
	v27 =	vmul.f32 v27, v13  }
0x40c: {  	[tilespmem:v29+s28+$0x0] =	vst.idx.msk $0xffff, v28;
	v28 =	vmul.f32 v30, v23;
	v29 =	vadd.s32 s2, v20;
	v30 =	vor.u32 s8, v3;
	v56 =	vld.idx.msk [tilespmem:v50+s23+$0x0], $0xffff  }
0x40d: {  	v57 =	vor.u32 s18, v1;
	v58 =	vor.u32 s20, v2;
	v60 =	vadd.s32 s20, v17;
	v31 =	vld.idx.msk [tilespmem:v49+s23+$0x0], $0xffff;
	[tilespmem:v51+s28+$0x0] =	vst.idx.msk $0xffff, v27  }
0x40e: {  	v61 =	vor.u32 s9, v5;
	[tilespmem:v52+s28+$0x0] =	vst.idx.msk $0xffff, v28;
	v27 =	vadd.s32 s18, v19;
	v26 =	vld.idx.msk [tilespmem:v26+s23+$0x0], $0xffff  }
0x40f: {  	v62 =	vadd.s32 s9, v12;
	v28 =	vor.u32 s0, v1;
	v32 =	vmul.f32 v53, v15;
	v33 =	vld.idx.msk [tilespmem:v54+s23+$0x0], $0xffff  }
0x410: {  	s5 =	simm.s32 $0x500;
	v63 =	vor.u32 s1, v0;
	v59 =	vadd.s32 s0, v19;
	v24 =	vld.idx.msk [tilespmem:v24+s23+$0x0], $0xffff;
	v25 =	vmul.f32 v25, v23  }
0x411: {  	v40 =	vor.u32 s5, v0;
	v29 =	vld.idx.msk [tilespmem:v29+s23+$0x0], $0xffff;
	[tilespmem:v30+s28+$0x0] =	vst.idx.msk $0xffff, v32;
	v30 =	vor.u32 s3, v2;
	v35 =	vmul.f32 v56, v18  }
0x412: {  	v44 =	vadd.s32 s3, v14;
	v31 =	vmul.f32 v31, v23;
	v34 =	vld.idx.msk [tilespmem:v55+s23+$0x0], $0xffff;
	[tilespmem:v57+s28+$0x0] =	vst.idx.msk $0xffff, v25;
	v25 =	vadd.s32 s3, v17  }
0x413: {  	v45 =	vadd.s32 s1, v21;
	v46 =	vor.u32 s2, v0;
	v27 =	vld.idx.msk [tilespmem:v27+s23+$0x0], $0xffff;
	[tilespmem:v58+s28+$0x0] =	vst.idx.msk $0xffff, v35;
	v26 =	vmul.f32 v26, v11  }
0x414: {  	s22 =	simm.s32 $0x480;
	v48 =	vadd.s32 s8, v14;
	[tilespmem:v28+s28+$0x0] =	vst.idx.msk $0xffff, v31;
	v31 =	vadd.s32 s2, v21;
	v33 =	vmul.f32 v33, v18;
	v49 =	vld.idx.msk [tilespmem:v60+s23+$0x0], $0xffff  }
0x415: {  	s7 =	simm.s32 $0x400;
	v28 =	vor.u32 s8, v4;
	v24 =	vmul.f32 v24, v22;
	v60 =	vadd.s32 s22, v20;
	v47 =	vld.idx.msk [tilespmem:v59+s23+$0x0], $0xffff;
	[tilespmem:v61+s28+$0x0] =	vst.idx.msk $0xffff, v26  }
0x416: {  	v59 =	vadd.s32 s7, v20;
	v26 =	vor.u32 s18, v2;
	v29 =	vmul.f32 v29, v22;
	[tilespmem:v30+s28+$0x0] =	vst.idx.msk $0xffff, v33;
	v30 =	vld.idx.msk [tilespmem:v62+s23+$0x0], $0xffff  }
0x417: {  	v50 =	vadd.s32 s18, v17;
	v51 =	vor.u32 s0, v2;
	[tilespmem:v63+s28+$0x0] =	vst.idx.msk $0xffff, v24;
	v25 =	vld.idx.msk [tilespmem:v25+s23+$0x0], $0xffff  }
0x418: {  	v52 =	vadd.s32 s0, v17;
	v53 =	vor.u32 s20, v3;
	v24 =	vmul.f32 v34, v13;
	v36 =	vld.idx.msk [tilespmem:v45+s23+$0x0], $0xffff;
	[tilespmem:v46+s28+$0x0] =	vst.idx.msk $0xffff, v29  }
0x419: {  	v54 =	vor.u32 s9, v6;
	v29 =	vadd.s32 s20, v16;
	v55 =	vmul.f32 v27, v18;
	v31 =	vld.idx.msk [tilespmem:v31+s23+$0x0], $0xffff  }
0x41a: {  	v56 =	vadd.s32 s9, v9;
	[tilespmem:v28+s28+$0x0] =	vst.idx.msk $0xffff, v24;
	v28 =	vor.u32 s3, v3;
	v33 =	vld.idx.msk [tilespmem:v60+s23+$0x0], $0xffff;
	v24 =	vmul.f32 v47, v18  }
0x41b: {  	s6 =	simm.s32 $0x580;
	v57 =	vadd.s32 s3, v16;
	v58 =	vor.u32 s1, v1;
	v38 =	vmul.f32 v49, v15;
	v43 =	vld.idx.msk [tilespmem:v59+s23+$0x0], $0xffff;
	[tilespmem:v26+s28+$0x0] =	vst.idx.msk $0xffff, v55  }
0x41c: {  	v35 =	vadd.s32 s20, v12;
	v61 =	vadd.s32 s6, v20;
	v32 =	vld.idx.msk [tilespmem:v50+s23+$0x0], $0xffff;
	[tilespmem:v51+s28+$0x0] =	vst.idx.msk $0xffff, v24;
	v30 =	vmul.f32 v30, v10  }
0x41d: {  	v63 =	vor.u32 s0, v3;
	v62 =	vor.u32 s18, v3;
	[tilespmem:v53+s28+$0x0] =	vst.idx.msk $0xffff, v38;
	v25 =	vmul.f32 v25, v15;
	v34 =	vld.idx.msk [tilespmem:v52+s23+$0x0], $0xffff  }
0x41e: {  	v27 =	vor.u32 s8, v7;
	v60 =	vadd.s32 s7, v21;
	v29 =	vld.idx.msk [tilespmem:v29+s23+$0x0], $0xffff;
	[tilespmem:v54+s28+$0x0] =	vst.idx.msk $0xffff, v30  }
0x41f: {  	v59 =	vor.u32 s2, v1;
	v30 =	vmul.f32 v31, v23;
	v31 =	vadd.s32 s5, v20;
	[tilespmem:v28+s28+$0x0] =	vst.idx.msk $0xffff, v25;
	v25 =	vld.idx.msk [tilespmem:v56+s23+$0x0], $0xffff  }
0x420: {  	v53 =	vor.u32 s20, v4;
	v36 =	vmul.f32 v36, v23;
	v54 =	vadd.s32 s1, v19;
	v42 =	vld.idx.msk [tilespmem:v57+s23+$0x0], $0xffff  }
0x421: {  	v55 =	vor.u32 s9, v7;
	v52 =	vadd.s32 s0, v16;
	v32 =	vmul.f32 v32, v15  }
0x422: {  	v37 =	vld.idx.msk [tilespmem:v48+s23+$0x0], $0xffff;
	v28 =	vadd.s32 s18, v16;
	[tilespmem:v58+s28+$0x0] =	vst.idx.msk $0xffff, v36;
	v56 =	vor.u32 s3, v4;
	v34 =	vmul.f32 v34, v15  }
0x423: {  	v36 =	vld.idx.msk [tilespmem:v61+s23+$0x0], $0xffff;
	v58 =	vor.u32 s7, v0;
	v57 =	vadd.s32 s20, v14;
	v29 =	vmul.f32 v29, v13;
	[tilespmem:v62+s28+$0x0] =	vst.idx.msk $0xffff, v32  }
0x424: {  	v47 =	vadd.s32 s6, v17;
	v61 =	vor.u32 s22, v0;
	v31 =	vld.idx.msk [tilespmem:v31+s23+$0x0], $0xffff;
	[tilespmem:v63+s28+$0x0] =	vst.idx.msk $0xffff, v34;
	v25 =	vmul.f32 v25, v8  }
0x425: {  	v26 =	vadd.s32 s1, v16;
	v62 =	vadd.s32 s22, v21;
	v46 =	vld.idx.msk [tilespmem:v54+s23+$0x0], $0xffff;
	v42 =	vmul.f32 v42, v13;
	[tilespmem:v53+s28+$0x0] =	vst.idx.msk $0xffff, v29  }
0x426: {  	v54 =	vor.u32 s18, v4;
	v29 =	vmul.f32 v43, v22;
	v63 =	vor.u32 s6, v0;
	v45 =	vld.idx.msk [tilespmem:v52+s23+$0x0], $0xffff;
	[tilespmem:v55+s28+$0x0] =	vst.idx.msk $0xffff, v25  }
0x427: {  	v28 =	vld.idx.msk [tilespmem:v28+s23+$0x0], $0xffff;
	v53 =	vadd.s32 s6, v21;
	v52 =	vadd.s32 s2, v19;
	v25 =	vmul.f32 v33, v22;
	[tilespmem:v56+s28+$0x0] =	vst.idx.msk $0xffff, v42  }
0x428: {  	v55 =	vld.idx.msk [tilespmem:v57+s23+$0x0], $0xffff;
	[tilespmem:v58+s28+$0x0] =	vst.idx.msk $0xffff, v29;
	v29 =	vadd.s32 s5, v21;
	v56 =	vor.u32 s0, v4  }
0x429: {  	v44 =	vld.idx.msk [tilespmem:v44+s23+$0x0], $0xffff;
	[tilespmem:v61+s28+$0x0] =	vst.idx.msk $0xffff, v25;
	v25 =	vmul.f32 v31, v22;
	v31 =	vmul.f32 v36, v22  }
0x42a: {  	v48 =	vadd.s32 s0, v12;
	[tilespmem:v59+s28+$0x0] =	vst.idx.msk $0xffff, v30;
	v30 =	vor.u32 s8, v5;
	v57 =	vadd.s32 s0, v14;
	v39 =	vld.idx.msk [tilespmem:v60+s23+$0x0], $0xffff  }
0x42b: {  	v58 =	vadd.s32 s8, v12;
	v61 =	vor.u32 s3, v5;
	v34 =	vld.idx.msk [tilespmem:v62+s23+$0x0], $0xffff;
	[tilespmem:v63+s28+$0x0] =	vst.idx.msk $0xffff, v31;
	v60 =	vmul.f32 v45, v13  }
0x42c: {  	v59 =	vadd.s32 s3, v12;
	v62 =	vor.u32 s20, v5;
	v31 =	vld.idx.msk [tilespmem:v52+s23+$0x0], $0xffff;
	[tilespmem:v40+s28+$0x0] =	vst.idx.msk $0xffff, v25;
	v25 =	vmul.f32 v28, v13  }
0x42d: {  	v24 =	vor.u32 s18, v7;
	v28 =	vmul.f32 v37, v11;
	v52 =	vor.u32 s7, v1;
	v63 =	vld.idx.msk [tilespmem:v53+s23+$0x0], $0xffff;
	[tilespmem:v56+s28+$0x0] =	vst.idx.msk $0xffff, v60  }
0x42e: {  	v40 =	vor.u32 s1, v2;
	v49 =	vld.idx.msk [tilespmem:v29+s23+$0x0], $0xffff;
	v53 =	vadd.s32 s7, v19;
	[tilespmem:v54+s28+$0x0] =	vst.idx.msk $0xffff, v25;
	v25 =	vmul.f32 v44, v11  }
0x42f: {  	v50 =	vadd.s32 s1, v17;
	v38 =	vmul.f32 v55, v11;
	v54 =	vor.u32 s2, v2;
	[tilespmem:v30+s28+$0x0] =	vst.idx.msk $0xffff, v28;
	v42 =	vld.idx.msk [tilespmem:v57+s23+$0x0], $0xffff  }
0x430: {  	v29 =	vadd.s32 s2, v17;
	v55 =	vor.u32 s6, v1;
	v39 =	vmul.f32 v39, v23;
	v32 =	vld.idx.msk [tilespmem:v58+s23+$0x0], $0xffff;
	[tilespmem:v61+s28+$0x0] =	vst.idx.msk $0xffff, v25  }
0x431: {  	v43 =	vadd.s32 s7, v17;
	v46 =	vmul.f32 v46, v18;
	v56 =	vadd.s32 s6, v19;
	[tilespmem:v62+s28+$0x0] =	vst.idx.msk $0xffff, v38;
	v36 =	vld.idx.msk [tilespmem:v59+s23+$0x0], $0xffff  }
0x432: {  	v57 =	vadd.s32 s18, v14;
	v58 =	vor.u32 s0, v5;
	v31 =	vmul.f32 v31, v18;
	[tilespmem:v52+s28+$0x0] =	vst.idx.msk $0xffff, v39;
	v39 =	vld.idx.msk [tilespmem:v35+s23+$0x0], $0xffff  }
0x433: {  	v45 =	vor.u32 s7, v2;
	v30 =	vor.u32 s22, v1;
	[tilespmem:v40+s28+$0x0] =	vst.idx.msk $0xffff, v46;
	v59 =	vmul.f32 v63, v23;
	v41 =	vld.idx.msk [tilespmem:v53+s23+$0x0], $0xffff  }
0x434: {  	v28 =	vadd.s32 s22, v16;
	v33 =	vmul.f32 v34, v23;
	v61 =	vor.u32 s8, v6;
	v40 =	vld.idx.msk [tilespmem:v50+s23+$0x0], $0xffff;
	[tilespmem:v54+s28+$0x0] =	vst.idx.msk $0xffff, v31  }
0x435: {  	v62 =	vadd.s32 s8, v9;
	v54 =	vor.u32 s20, v6;
	[tilespmem:v55+s28+$0x0] =	vst.idx.msk $0xffff, v59;
	v60 =	vld.idx.msk [tilespmem:v29+s23+$0x0], $0xffff;
	v42 =	vmul.f32 v42, v11  }
0x436: {  	v25 =	vor.u32 s7, v7;
	v53 =	vor.u32 s3, v6;
	v55 =	vadd.s32 s20, v9;
	v63 =	vld.idx.msk [tilespmem:v56+s23+$0x0], $0xffff  }
0x437: {  	v38 =	vadd.s32 s2, v16;
	v31 =	vadd.s32 s3, v9;
	v29 =	vld.idx.msk [tilespmem:v57+s23+$0x0], $0xffff;
	v32 =	vmul.f32 v32, v10;
	[tilespmem:v58+s28+$0x0] =	vst.idx.msk $0xffff, v42  }
0x438: {  	v35 =	vor.u32 s0, v6;
	v46 =	vor.u32 s6, v2;
	v57 =	vmul.f32 v39, v10;
	v34 =	vld.idx.msk [tilespmem:v48+s23+$0x0], $0xffff  }
0x439: {  	v56 =	vmul.f32 v36, v10;
	v42 =	vor.u32 s2, v3;
	[tilespmem:v61+s28+$0x0] =	vst.idx.msk $0xffff, v32;
	v36 =	vmul.f32 v49, v23  }
0x43a: {  	v32 =	vadd.s32 s0, v9;
	v48 =	vmul.f32 v41, v18;
	v39 =	vld.idx.msk [tilespmem:v62+s23+$0x0], $0xffff;
	v41 =	vor.u32 s1, v3;
	[tilespmem:v54+s28+$0x0] =	vst.idx.msk $0xffff, v57  }
0x43b: {  	s8 =	simm.s32 $0xC;
	[tilespmem:v53+s28+$0x0] =	vst.idx.msk $0xffff, v56;
	v44 =	vmul.f32 v60, v15;
	v37 =	vld.idx.msk [tilespmem:v55+s23+$0x0], $0xffff;
	v49 =	vmul.f32 v63, v18  }
.LBB2_12:
0x43c: {  	s9 =	sshll.u32 s8, $0x7;
	p1 =	slt.u32 s8, $0x9C;
	s8 =	sadd.s32 $0x4, s8;
	[tilespmem:v45+s28+$0x0] =	vst.idx.msk $0xffff, v48;
	v45 =	vld.idx.msk [tilespmem:v31+s23+$0x0], $0xffff;
	v48 =	vor.u32 s3, v7;
	v50 =	vor.u32 s20, v7  }
0x43d: {  	v31 =	vadd.s32 s2, v12;
	v51 =	vadd.s32 s9, v20;
	s10 =	sadd.s32 $0x80, s9;
	s11 =	sadd.s32 $0x100, s9;
	s12 =	sadd.s32 $0x180, s9;
	v43 =	vld.idx.msk [tilespmem:v43+s23+$0x0], $0xffff;
	[tilespmem:v46+s28+$0x0] =	vst.idx.msk $0xffff, v49;
	v46 =	vmul.f32 v34, v10  }
0x43e: {  	s3 =	smov.u32 s1;
	s1 =	smov.u32 s22;
	v40 =	vmul.f32 v40, v15;
	v49 =	vadd.s32 s10, v20;
	v52 =	vadd.s32 s11, v20;
	v47 =	vld.idx.msk [tilespmem:v47+s23+$0x0], $0xffff;
	[tilespmem:v42+s28+$0x0] =	vst.idx.msk $0xffff, v44;
	s22 =	smov.u32 s10  }
0x43f: {  	s20 =	smov.u32 s2;
	s2 =	smov.u32 s5;
	v44 =	vadd.s32 s12, v20;
	s5 =	smov.u32 s11;
	v42 =	vor.u32 s22, v1;
	v34 =	vadd.s32 s22, v16;
	v38 =	vld.idx.msk [tilespmem:v38+s23+$0x0], $0xffff;
	[tilespmem:v35+s28+$0x0] =	vst.idx.msk $0xffff, v46  }
0x440: {  	v35 =	vor.u32 s7, v3;
	v39 =	vmul.f32 v39, v8;
	[tilespmem:v41+s28+$0x0] =	vst.idx.msk $0xffff, v40;
	v40 =	vadd.s32 s3, v14;
	v32 =	vld.idx.msk [tilespmem:v32+s23+$0x0], $0xffff  }
0x441: {  	v41 =	vadd.s32 s7, v16;
	[tilespmem:v30+s28+$0x0] =	vst.idx.msk $0xffff, v33;
	v30 =	vor.u32 s6, v3;
	v26 =	vld.idx.msk [tilespmem:v26+s23+$0x0], $0xffff;
	v33 =	vmul.f32 v37, v8  }
0x442: {  	v46 =	vadd.s32 s6, v16;
	v37 =	vld.idx.msk [tilespmem:v51+s23+$0x0], $0xffff;
	v51 =	vor.u32 s20, v4;
	[tilespmem:v27+s28+$0x0] =	vst.idx.msk $0xffff, v39;
	v27 =	vmul.f32 v45, v8  }
0x443: {  	v43 =	vmul.f32 v43, v15;
	v45 =	vadd.s32 s1, v19;
	v39 =	vld.idx.msk [tilespmem:v49+s23+$0x0], $0xffff;
	v49 =	vor.u32 s0, v7;
	[tilespmem:v50+s28+$0x0] =	vst.idx.msk $0xffff, v33;
	s0 =	smov.u32 s6;
	s6 =	smov.u32 s12  }
0x444: {  	v50 =	vadd.s32 s20, v14;
	v33 =	vld.idx.msk [tilespmem:v44+s23+$0x0], $0xffff;
	v44 =	vmul.f32 v47, v15;
	v47 =	vor.u32 s3, v4;
	[tilespmem:v48+s28+$0x0] =	vst.idx.msk $0xffff, v27  }
0x445: {  	v27 =	vor.u32 s9, v0;
	v38 =	vmul.f32 v38, v13;
	v48 =	vld.idx.msk [tilespmem:v52+s23+$0x0], $0xffff;
	[tilespmem:v35+s28+$0x0] =	vst.idx.msk $0xffff, v43;
	v35 =	vor.u32 s2, v1  }
0x446: {  	v43 =	vadd.s32 s9, v21;
	v52 =	vor.u32 s22, v0;
	v41 =	vld.idx.msk [tilespmem:v41+s23+$0x0], $0xffff;
	[tilespmem:v30+s28+$0x0] =	vst.idx.msk $0xffff, v44;
	v30 =	vmul.f32 v32, v8  }
0x447: {  	v32 =	vadd.s32 s22, v21;
	v44 =	vor.u32 s5, v0;
	v26 =	vmul.f32 v26, v13;
	v46 =	vld.idx.msk [tilespmem:v46+s23+$0x0], $0xffff;
	[tilespmem:v51+s28+$0x0] =	vst.idx.msk $0xffff, v38  }
0x448: {  	v37 =	vmul.f32 v37, v22;
	v38 =	vor.u32 s6, v0;
	v51 =	vadd.s32 s2, v19;
	v45 =	vld.idx.msk [tilespmem:v45+s23+$0x0], $0xffff;
	[tilespmem:v49+s28+$0x0] =	vst.idx.msk $0xffff, v30  }
0x449: {  	v53 =	vor.u32 s7, v4;
	v39 =	vmul.f32 v39, v22;
	v49 =	vadd.s32 s6, v21;
	[tilespmem:v47+s28+$0x0] =	vst.idx.msk $0xffff, v26;
	v47 =	vld.idx.msk [tilespmem:v50+s23+$0x0], $0xffff  }
0x44a: {  	v50 =	vadd.s32 s0, v14;
	[tilespmem:v27+s28+$0x0] =	vst.idx.msk $0xffff, v37;
	v27 =	vadd.s32 s5, v21;
	v37 =	vor.u32 s0, v4;
	v40 =	vld.idx.msk [tilespmem:v40+s23+$0x0], $0xffff;
	v30 =	vmovc v42  }
0x44b: {  	v33 =	vmul.f32 v33, v22;
	v42 =	vld.idx.msk [tilespmem:v43+s23+$0x0], $0xffff;
	[tilespmem:v52+s28+$0x0] =	vst.idx.msk $0xffff, v39;
	v39 =	vmul.f32 v48, v22  }
0x44c: {  	v26 =	vmovc v28;
	v43 =	vadd.s32 s3, v12;
	v32 =	vld.idx.msk [tilespmem:v32+s23+$0x0], $0xffff;
	[tilespmem:v35+s28+$0x0] =	vst.idx.msk $0xffff, v36;
	v35 =	vor.u32 s18, v5;
	v36 =	vadd.s32 s18, v12  }
0x44d: {  	[tilespmem:v38+s28+$0x0] =	vst.idx.msk $0xffff, v33;
	v28 =	vld.idx.msk [tilespmem:v51+s23+$0x0], $0xffff;
	v33 =	vmul.f32 v46, v13;
	v38 =	vor.u32 s3, v5;
	v46 =	vor.u32 s20, v5  }
0x44e: {  	v29 =	vmul.f32 v29, v11;
	v41 =	vmul.f32 v41, v13;
	[tilespmem:v44+s28+$0x0] =	vst.idx.msk $0xffff, v39;
	v39 =	vld.idx.msk [tilespmem:v49+s23+$0x0], $0xffff  }
0x44f: {  	v48 =	vadd.s32 s2, v17;
	v44 =	vor.u32 s9, v1;
	v49 =	vld.idx.msk [tilespmem:v27+s23+$0x0], $0xffff;
	[tilespmem:v37+s28+$0x0] =	vst.idx.msk $0xffff, v33;
	v27 =	vmul.f32 v47, v11  }
0x450: {  	v37 =	vadd.s32 s9, v19;
	v40 =	vmul.f32 v40, v11;
	[tilespmem:v53+s28+$0x0] =	vst.idx.msk $0xffff, v41;
	v41 =	vor.u32 s2, v2;
	v47 =	vld.idx.msk [tilespmem:v50+s23+$0x0], $0xffff  }
0x451: {  	v45 =	vmul.f32 v45, v18;
	v42 =	vmul.f32 v42, v23;
	v50 =	vor.u32 s6, v1;
	[tilespmem:v35+s28+$0x0] =	vst.idx.msk $0xffff, v29  }
0x452: {  	v33 =	vmul.f32 v32, v23;
	v29 =	vadd.s32 s6, v19;
	v32 =	vor.u32 s1, v2;
	v36 =	vld.idx.msk [tilespmem:v36+s23+$0x0], $0xffff;
	[tilespmem:v38+s28+$0x0] =	vst.idx.msk $0xffff, v40  }
0x453: {  	v35 =	vadd.s32 s7, v14;
	v52 =	vmul.f32 v28, v18;
	v40 =	vor.u32 s0, v5;
	v43 =	vld.idx.msk [tilespmem:v43+s23+$0x0], $0xffff;
	[tilespmem:v46+s28+$0x0] =	vst.idx.msk $0xffff, v27  }
0x454: {  	v38 =	vmul.f32 v39, v23;
	v39 =	vadd.s32 s0, v12;
	[tilespmem:v44+s28+$0x0] =	vst.idx.msk $0xffff, v42;
	v42 =	vor.u32 s9, v7;
	v44 =	vld.idx.msk [tilespmem:v31+s23+$0x0], $0xffff  }
0x455: {  	v51 =	vadd.s32 s1, v17;
	v28 =	vmovc v34;
	v27 =	vmov v24;
	v31 =	vadd.s32 s3, v9;
	v37 =	vld.idx.msk [tilespmem:v37+s23+$0x0], $0xffff;
	[tilespmem:v41+s28+$0x0] =	vst.idx.msk $0xffff, v52  }
0x456: {  	v34 =	vmul.f32 v47, v11;
	v52 =	vadd.s32 s18, v9;
	[tilespmem:v50+s28+$0x0] =	vst.idx.msk $0xffff, v38;
	v41 =	vld.idx.msk [tilespmem:v48+s23+$0x0], $0xffff;
	v50 =	vor.u32 s18, v6;
	s18 =	smov.u32 s7;
	s7 =	smov.u32 s9  }
0x457: {  	v54 =	vor.u32 s3, v6;
	v55 =	vadd.s32 s20, v9;
	v24 =	vmovc v25;
	v53 =	vld.idx.msk [tilespmem:v29+s23+$0x0], $0xffff;
	[tilespmem:v32+s28+$0x0] =	vst.idx.msk $0xffff, v45;
	v32 =	vor.u32 s20, v6  }
0x458: {  	v25 =	vmov v42;
	v38 =	vadd.s32 s2, v16;
	v29 =	vld.idx.msk [tilespmem:v35+s23+$0x0], $0xffff;
	[tilespmem:v40+s28+$0x0] =	vst.idx.msk $0xffff, v34;
	v35 =	vor.u32 s0, v6  }
.Ltmp7:
0x459: {  	v45 =	vor.u32 s7, v2;
	v36 =	vmul.f32 v36, v10;
	v56 =	vmul.f32 v43, v10;
	v34 =	vld.idx.msk [tilespmem:v39+s23+$0x0], $0xffff;
	(pc) =	sbr.rel @p1 .LBB2_12-.Ltmp7, $4  }
0x45a: {  	v46 =	vor.u32 s6, v2;
	v43 =	vadd.s32 s7, v17;
	v40 =	vld.idx.msk [tilespmem:v51+s23+$0x0], $0xffff;
	v51 =	vmul.f32 v44, v10  }
0x45b: {  	v47 =	vadd.s32 s6, v17;
	v42 =	vor.u32 s2, v3;
	v48 =	vmul.f32 v37, v18;
	[tilespmem:v50+s28+$0x0] =	vst.idx.msk $0xffff, v36  }
0x45c: {  	v36 =	vmul.f32 v49, v23;
	v44 =	vmul.f32 v41, v15;
	v39 =	vld.idx.msk [tilespmem:v52+s23+$0x0], $0xffff;
	[tilespmem:v32+s28+$0x0] =	vst.idx.msk $0xffff, v51  }
0x45d: {  	v41 =	vor.u32 s1, v3;
	v49 =	vmul.f32 v53, v18;
	v32 =	vadd.s32 s0, v9;
	[tilespmem:v54+s28+$0x0] =	vst.idx.msk $0xffff, v56;
	v37 =	vld.idx.msk [tilespmem:v55+s23+$0x0], $0xffff  }
0x45e: {  	v50 =	vor.u32 s5, v1;
	v52 =	vadd.s32 s22, v19  }
0x45f: {  	v51 =	vadd.s32 s5, v19;
	_ =	sdelay $0x2  }
0x460: {  	[tilespmem:v30+s28+$0x0] =	vst.idx.msk $0xffff, v33  }
0x461: {  	[tilespmem:v50+s28+$0x0] =	vst.idx.msk $0xffff, v36;
	v33 =	vld.idx.msk [tilespmem:v52+s23+$0x0], $0xffff  }
0x462: {  	v60 =	vld.idx.msk [tilespmem:v51+s23+$0x0], $0xffff  }
0x463: {  	v63 =	vor.u32 s22, v2  }
0x464: {  	v61 =	vor.u32 s5, v2;
	v56 =	vadd.s32 s22, v17  }
0x465: {  	v62 =	vadd.s32 s5, v17;
	[tilespmem:v45+s28+$0x0] =	vst.idx.msk $0xffff, v48  }
0x466: {  	[tilespmem:v46+s28+$0x0] =	vst.idx.msk $0xffff, v49;
	v43 =	vld.idx.msk [tilespmem:v43+s23+$0x0], $0xffff;
	v33 =	vmul.f32 v33, v18  }
0x467: {  	v57 =	vld.idx.msk [tilespmem:v47+s23+$0x0], $0xffff;
	v30 =	vmul.f32 v60, v18  }
0x468: {  	v59 =	vor.u32 s7, v3;
	[tilespmem:v63+s28+$0x0] =	vst.idx.msk $0xffff, v33  }
0x469: {  	v58 =	vor.u32 s6, v3;
	[tilespmem:v61+s28+$0x0] =	vst.idx.msk $0xffff, v30;
	v61 =	vld.idx.msk [tilespmem:v56+s23+$0x0], $0xffff  }
0x46a: {  	v40 =	vmul.f32 v40, v15;
	v60 =	vadd.s32 s6, v16;
	v36 =	vld.idx.msk [tilespmem:v62+s23+$0x0], $0xffff  }
0x46b: {  	[tilespmem:v42+s28+$0x0] =	vst.idx.msk $0xffff, v44;
	v54 =	vor.u32 s22, v3;
	v55 =	vmul.f32 v43, v15;
	v62 =	vadd.s32 s7, v16  }
0x46c: {  	[tilespmem:v41+s28+$0x0] =	vst.idx.msk $0xffff, v40;
	v52 =	vmul.f32 v57, v15;
	v63 =	vor.u32 s5, v3  }
0x46d: {  	v53 =	vadd.s32 s5, v16;
	v38 =	vld.idx.msk [tilespmem:v38+s23+$0x0], $0xffff;
	[tilespmem:v59+s28+$0x0] =	vst.idx.msk $0xffff, v55  }
0x46e: {  	v26 =	vld.idx.msk [tilespmem:v26+s23+$0x0], $0xffff;
	[tilespmem:v58+s28+$0x0] =	vst.idx.msk $0xffff, v52;
	v59 =	vmul.f32 v61, v15  }
0x46f: {  	v57 =	vor.u32 s2, v4;
	v58 =	vld.idx.msk [tilespmem:v60+s23+$0x0], $0xffff;
	v56 =	vmul.f32 v36, v15  }
0x470: {  	v34 =	vmul.f32 v34, v10;
	v60 =	vor.u32 s1, v4;
	v61 =	vadd.s32 s2, v14;
	v62 =	vld.idx.msk [tilespmem:v62+s23+$0x0], $0xffff;
	[tilespmem:v54+s28+$0x0] =	vst.idx.msk $0xffff, v59  }
0x471: {  	v48 =	vor.u32 s6, v4;
	v39 =	vmul.f32 v39, v8;
	[tilespmem:v63+s28+$0x0] =	vst.idx.msk $0xffff, v56;
	v63 =	vadd.s32 s1, v14;
	v28 =	vld.idx.msk [tilespmem:v28+s23+$0x0], $0xffff  }
0x472: {  	[tilespmem:v35+s28+$0x0] =	vst.idx.msk $0xffff, v34;
	v50 =	vor.u32 s7, v4;
	v49 =	vmul.f32 v38, v13;
	v51 =	vadd.s32 s6, v14;
	v44 =	vld.idx.msk [tilespmem:v53+s23+$0x0], $0xffff  }
0x473: {  	[tilespmem:v27+s28+$0x0] =	vst.idx.msk $0xffff, v39;
	v26 =	vmul.f32 v26, v13;
	v52 =	vadd.s32 s7, v14;
	v54 =	vor.u32 s22, v4  }
0x474: {  	[tilespmem:v57+s28+$0x0] =	vst.idx.msk $0xffff, v49;
	v59 =	vadd.s32 s22, v14;
	v33 =	vmul.f32 v58, v13;
	v53 =	vor.u32 s5, v4  }
0x475: {  	v55 =	vadd.s32 s5, v14;
	v56 =	vor.u32 s20, v7;
	[tilespmem:v60+s28+$0x0] =	vst.idx.msk $0xffff, v26;
	v57 =	vld.idx.msk [tilespmem:v61+s23+$0x0], $0xffff;
	v58 =	vmul.f32 v62, v13  }
0x476: {  	v60 =	vor.u32 s18, v5;
	[tilespmem:v48+s28+$0x0] =	vst.idx.msk $0xffff, v33;
	v30 =	vld.idx.msk [tilespmem:v63+s23+$0x0], $0xffff;
	v28 =	vmul.f32 v28, v13  }
0x477: {  	v62 =	vadd.s32 s18, v12;
	v47 =	vld.idx.msk [tilespmem:v51+s23+$0x0], $0xffff;
	v63 =	vor.u32 s2, v5;
	[tilespmem:v50+s28+$0x0] =	vst.idx.msk $0xffff, v58;
	v61 =	vmul.f32 v44, v13  }
0x478: {  	v37 =	vmul.f32 v37, v8;
	v49 =	vor.u32 s1, v5;
	v48 =	vadd.s32 s2, v12;
	v27 =	vld.idx.msk [tilespmem:v52+s23+$0x0], $0xffff;
	[tilespmem:v54+s28+$0x0] =	vst.idx.msk $0xffff, v28  }
0x479: {  	v29 =	vmul.f32 v29, v11;
	v51 =	vor.u32 s6, v5;
	v50 =	vadd.s32 s1, v12;
	[tilespmem:v53+s28+$0x0] =	vst.idx.msk $0xffff, v61;
	v54 =	vld.idx.msk [tilespmem:v59+s23+$0x0], $0xffff  }
0x47a: {  	[tilespmem:v56+s28+$0x0] =	vst.idx.msk $0xffff, v37;
	v26 =	vmul.f32 v57, v11;
	v53 =	vadd.s32 s6, v12;
	v52 =	vld.idx.msk [tilespmem:v55+s23+$0x0], $0xffff;
	v55 =	vor.u32 s7, v5  }
0x47b: {  	v31 =	vld.idx.msk [tilespmem:v31+s23+$0x0], $0xffff;
	[tilespmem:v60+s28+$0x0] =	vst.idx.msk $0xffff, v29;
	v56 =	vadd.s32 s7, v12;
	v61 =	vor.u32 s22, v5;
	v30 =	vmul.f32 v30, v11  }
0x47c: {  	v45 =	vadd.s32 s22, v12;
	v57 =	vor.u32 s5, v5;
	v58 =	vld.idx.msk [tilespmem:v62+s23+$0x0], $0xffff;
	v59 =	vmul.f32 v47, v11;
	[tilespmem:v63+s28+$0x0] =	vst.idx.msk $0xffff, v26  }
0x47d: {  	v60 =	vadd.s32 s5, v12;
	v62 =	vor.u32 s3, v7;
	v63 =	vld.idx.msk [tilespmem:v48+s23+$0x0], $0xffff;
	v27 =	vmul.f32 v27, v11;
	[tilespmem:v49+s28+$0x0] =	vst.idx.msk $0xffff, v30  }
0x47e: {  	v46 =	vor.u32 s18, v6;
	[tilespmem:v51+s28+$0x0] =	vst.idx.msk $0xffff, v59;
	v33 =	vld.idx.msk [tilespmem:v50+s23+$0x0], $0xffff;
	v36 =	vmul.f32 v54, v11  }
0x47f: {  	v48 =	vadd.s32 s18, v9;
	v49 =	vor.u32 s2, v6;
	v34 =	vld.idx.msk [tilespmem:v53+s23+$0x0], $0xffff;
	v47 =	vmul.f32 v52, v11;
	[tilespmem:v55+s28+$0x0] =	vst.idx.msk $0xffff, v27  }
0x480: {  	v51 =	vor.u32 s1, v6;
	v50 =	vmul.f32 v31, v8;
	v52 =	vadd.s32 s2, v9;
	v29 =	vld.idx.msk [tilespmem:v56+s23+$0x0], $0xffff;
	[tilespmem:v61+s28+$0x0] =	vst.idx.msk $0xffff, v36  }
0x481: {  	v53 =	vadd.s32 s1, v9;
	v54 =	vor.u32 s6, v6;
	v42 =	vmul.f32 v58, v10;
	[tilespmem:v57+s28+$0x0] =	vst.idx.msk $0xffff, v47;
	v36 =	vld.idx.msk [tilespmem:v45+s23+$0x0], $0xffff  }
0x482: {  	[tilespmem:v62+s28+$0x0] =	vst.idx.msk $0xffff, v50;
	v56 =	vadd.s32 s6, v9;
	v55 =	vmul.f32 v63, v10;
	v57 =	vor.u32 s7, v6;
	v35 =	vld.idx.msk [tilespmem:v60+s23+$0x0], $0xffff  }
0x483: {  	v32 =	vld.idx.msk [tilespmem:v32+s23+$0x0], $0xffff;
	v58 =	vadd.s32 s7, v9;
	[tilespmem:v46+s28+$0x0] =	vst.idx.msk $0xffff, v42;
	v61 =	vor.u32 s22, v6;
	v33 =	vmul.f32 v33, v10  }
0x484: {  	v59 =	vor.u32 s5, v6;
	v46 =	vadd.s32 s22, v9;
	v28 =	vld.idx.msk [tilespmem:v48+s23+$0x0], $0xffff;
	[tilespmem:v49+s28+$0x0] =	vst.idx.msk $0xffff, v55;
	v60 =	vmul.f32 v34, v10  }
0x485: {  	v62 =	vadd.s32 s5, v9;
	v63 =	vor.u32 s0, v7;
	v45 =	vld.idx.msk [tilespmem:v52+s23+$0x0], $0xffff;
	[tilespmem:v51+s28+$0x0] =	vst.idx.msk $0xffff, v33;
	v29 =	vmul.f32 v29, v10  }
0x486: {  	[tilespmem:v54+s28+$0x0] =	vst.idx.msk $0xffff, v60;
	v26 =	vld.idx.msk [tilespmem:v53+s23+$0x0], $0xffff;
	v36 =	vmul.f32 v36, v10  }
0x487: {  	v48 =	vor.u32 s2, v7;
	v30 =	vld.idx.msk [tilespmem:v56+s23+$0x0], $0xffff;
	v47 =	vmul.f32 v35, v10;
	[tilespmem:v57+s28+$0x0] =	vst.idx.msk $0xffff, v29  }
0x488: {  	v50 =	vor.u32 s1, v7;
	v49 =	vmul.f32 v32, v8;
	v51 =	vld.idx.msk [tilespmem:v58+s23+$0x0], $0xffff;
	[tilespmem:v61+s28+$0x0] =	vst.idx.msk $0xffff, v36  }
0x489: {  	v52 =	vmul.f32 v28, v8;
	v53 =	vor.u32 s6, v7;
	[tilespmem:v59+s28+$0x0] =	vst.idx.msk $0xffff, v47;
	v56 =	vld.idx.msk [tilespmem:v46+s23+$0x0], $0xffff  }
0x48a: {  	[tilespmem:v63+s28+$0x0] =	vst.idx.msk $0xffff, v49;
	v55 =	vmul.f32 v45, v8;
	v54 =	vld.idx.msk [tilespmem:v62+s23+$0x0], $0xffff  }
0x48b: {  	v60 =	vor.u32 s22, v7;
	[tilespmem:v24+s28+$0x0] =	vst.idx.msk $0xffff, v52;
	v57 =	vmul.f32 v26, v8  }
0x48c: {  	v58 =	vor.u32 s5, v7;
	[tilespmem:v48+s28+$0x0] =	vst.idx.msk $0xffff, v55;
	v59 =	vmul.f32 v30, v8  }
0x48d: {  	[tilespmem:v50+s28+$0x0] =	vst.idx.msk $0xffff, v57;
	v61 =	vmul.f32 v51, v8  }
.Ltmp8:
0x48e: {  	[tilespmem:v53+s28+$0x0] =	vst.idx.msk $0xffff, v59;
	v63 =	vmul.f32 v56, v8;
	(pc) =	sbr.rel @p0 .LBB2_17-.Ltmp8, $4  }
0x48f: {  	v62 =	vmul.f32 v54, v8;
	[tilespmem:v25+s28+$0x0] =	vst.idx.msk $0xffff, v61  }
0x490: {  	[tilespmem:v60+s28+$0x0] =	vst.idx.msk $0xffff, v63  }
0x491: {  	s0 =	simm.s32 $0x4;
	[tilespmem:v58+s28+$0x0] =	vst.idx.msk $0xffff, v62  }
0x492: {  	[hbm4b:s17+s4] =	stream.linear.scatter [tilespmem:s28], [sflag:$0x4], $0x5000, $0x38;
	[tilespmem:$0x14100] =	vst v63  }
0x493: {  	_ =	swait.ge [sflag:s24], $0x5000;
	s9 =	simm.s32 $0x180  }
0x494: {  	[sflag:s24] =	ssyncset.done $0x0;
	v24 =	vadd.s32 s9, v20  }
0x495: {  	[sflag:s24] =	ssyncadd.s32 $0xFFFFB000  }
0x496: {  	_ =	swait.ge [sflag:s29], $0x5000  }
0x497: {  	[sflag:s29] =	ssyncset.done $0x0  }
0x498: {  	[sflag:s29] =	ssyncadd.s32 $0xFFFFB000  }
0x499: {  	v24 =	vld.idx.msk [tilespmem:v24+s4+$0x0], $0xffff;
	_ =	sdelay $0x1  }
0x49a: {  	v25 =	vor.u32 s9, v0  }
0x49b: {  	v26 =	vadd.s32 s9, v21;
	_ =	sdelay $0x1  }
0x49c: {  	v24 =	vmul.f32 v24, v22  }
0x49d: {  	s8 =	simm.s32 $0x0  }
0x49e: {  	v27 =	vadd.s32 s8, v20;
	[tilespmem:v25+s25+$0x0] =	vst.idx.msk $0xffff, v24  }
0x49f: {  	v24 =	vld.idx.msk [tilespmem:v26+s4+$0x0], $0xffff;
	_ =	sdelay $0x1  }
0x4a0: {  	v25 =	vor.u32 s9, v1  }
0x4a1: {  	v26 =	vadd.s32 s9, v19  }
0x4a2: {  	v27 =	vld.idx.msk [tilespmem:v27+s4+$0x0], $0xffff  }
0x4a3: {  	v24 =	vmul.f32 v24, v23  }
0x4a4: {  	v28 =	vor.u32 s8, v0  }
0x4a5: {  	v29 =	vadd.s32 s8, v21;
	[tilespmem:v25+s25+$0x0] =	vst.idx.msk $0xffff, v24  }
0x4a6: {  	v24 =	vld.idx.msk [tilespmem:v26+s4+$0x0], $0xffff  }
0x4a7: {  	s20 =	simm.s32 $0x100;
	v25 =	vmul.f32 v27, v22  }
0x4a8: {  	v27 =	vor.u32 s9, v2;
	v26 =	vadd.s32 s20, v20  }
0x4a9: {  	s3 =	simm.s32 $0x80;
	[tilespmem:v28+s25+$0x0] =	vst.idx.msk $0xffff, v25;
	v25 =	vadd.s32 s9, v17  }
0x4aa: {  	v28 =	vadd.s32 s3, v20;
	v29 =	vld.idx.msk [tilespmem:v29+s4+$0x0], $0xffff  }
0x4ab: {  	v24 =	vmul.f32 v24, v18  }
0x4ac: {  	v30 =	vor.u32 s8, v1  }
0x4ad: {  	s18 =	simm.s32 $0x200;
	v31 =	vadd.s32 s8, v19;
	v26 =	vld.idx.msk [tilespmem:v26+s4+$0x0], $0xffff;
	[tilespmem:v27+s25+$0x0] =	vst.idx.msk $0xffff, v24  }
0x4ae: {  	s0 =	simm.s32 $0x380;
	v24 =	vadd.s32 s18, v20;
	v25 =	vld.idx.msk [tilespmem:v25+s4+$0x0], $0xffff  }
0x4af: {  	v32 =	vadd.s32 s0, v20;
	v27 =	vld.idx.msk [tilespmem:v28+s4+$0x0], $0xffff;
	v28 =	vor.u32 s20, v0;
	v29 =	vmul.f32 v29, v23  }
0x4b0: {  	v33 =	vadd.s32 s20, v21;
	v34 =	vor.u32 s9, v3  }
0x4b1: {  	v35 =	vor.u32 s3, v0;
	[tilespmem:v30+s25+$0x0] =	vst.idx.msk $0xffff, v29;
	v29 =	vadd.s32 s9, v16  }
0x4b2: {  	v30 =	vadd.s32 s3, v21;
	v26 =	vmul.f32 v26, v22;
	v31 =	vld.idx.msk [tilespmem:v31+s4+$0x0], $0xffff  }
0x4b3: {  	v24 =	vld.idx.msk [tilespmem:v24+s4+$0x0], $0xffff;
	v25 =	vmul.f32 v25, v15  }
0x4b4: {  	v27 =	vmul.f32 v27, v22;
	[tilespmem:v28+s25+$0x0] =	vst.idx.msk $0xffff, v26;
	v26 =	vor.u32 s8, v2;
	v28 =	vld.idx.msk [tilespmem:v32+s4+$0x0], $0xffff  }
0x4b5: {  	v48 =	vadd.s32 s8, v17;
	v36 =	vor.u32 s18, v0;
	v47 =	vld.idx.msk [tilespmem:v33+s4+$0x0], $0xffff;
	[tilespmem:v34+s25+$0x0] =	vst.idx.msk $0xffff, v25  }
0x4b6: {  	[tilespmem:v35+s25+$0x0] =	vst.idx.msk $0xffff, v27;
	v25 =	vadd.s32 s18, v21;
	v27 =	vld.idx.msk [tilespmem:v29+s4+$0x0], $0xffff;
	v29 =	vor.u32 s0, v0  }
0x4b7: {  	v49 =	vor.u32 s20, v1;
	v50 =	vadd.s32 s0, v21;
	v30 =	vld.idx.msk [tilespmem:v30+s4+$0x0], $0xffff;
	v31 =	vmul.f32 v31, v18  }
0x4b8: {  	v37 =	vadd.s32 s20, v19;
	v38 =	vor.u32 s9, v4;
	v24 =	vmul.f32 v24, v22  }
0x4b9: {  	v39 =	vor.u32 s3, v1;
	[tilespmem:v26+s25+$0x0] =	vst.idx.msk $0xffff, v31;
	v26 =	vadd.s32 s9, v14;
	v28 =	vmul.f32 v28, v22  }
0x4ba: {  	s1 =	simm.s32 $0x280;
	v52 =	vadd.s32 s3, v19;
	v31 =	vmul.f32 v47, v23;
	v51 =	vld.idx.msk [tilespmem:v48+s4+$0x0], $0xffff;
	[tilespmem:v36+s25+$0x0] =	vst.idx.msk $0xffff, v24  }
0x4bb: {  	s2 =	simm.s32 $0x300;
	v53 =	vadd.s32 s8, v16;
	v24 =	vadd.s32 s1, v20;
	v25 =	vld.idx.msk [tilespmem:v25+s4+$0x0], $0xffff;
	[tilespmem:v29+s25+$0x0] =	vst.idx.msk $0xffff, v28;
	v27 =	vmul.f32 v27, v13  }
0x4bc: {  	[tilespmem:v49+s25+$0x0] =	vst.idx.msk $0xffff, v31;
	v28 =	vmul.f32 v30, v23;
	v29 =	vadd.s32 s2, v20;
	v30 =	vor.u32 s8, v3;
	v31 =	vld.idx.msk [tilespmem:v50+s4+$0x0], $0xffff  }
0x4bd: {  	v55 =	vor.u32 s18, v1;
	v56 =	vor.u32 s20, v2;
	v58 =	vadd.s32 s20, v17;
	v54 =	vld.idx.msk [tilespmem:v37+s4+$0x0], $0xffff;
	[tilespmem:v38+s25+$0x0] =	vst.idx.msk $0xffff, v27  }
0x4be: {  	v57 =	vadd.s32 s0, v19;
	[tilespmem:v39+s25+$0x0] =	vst.idx.msk $0xffff, v28;
	v27 =	vadd.s32 s18, v19;
	v28 =	vor.u32 s0, v1;
	v26 =	vld.idx.msk [tilespmem:v26+s4+$0x0], $0xffff  }
0x4bf: {  	v40 =	vor.u32 s9, v5;
	v59 =	vadd.s32 s9, v12;
	v32 =	vmul.f32 v51, v15;
	v33 =	vld.idx.msk [tilespmem:v52+s4+$0x0], $0xffff  }
0x4c0: {  	v41 =	vor.u32 s1, v0;
	v60 =	vadd.s32 s1, v21;
	v24 =	vld.idx.msk [tilespmem:v24+s4+$0x0], $0xffff;
	v25 =	vmul.f32 v25, v23  }
0x4c1: {  	v42 =	vor.u32 s2, v0;
	v29 =	vld.idx.msk [tilespmem:v29+s4+$0x0], $0xffff;
	[tilespmem:v30+s25+$0x0] =	vst.idx.msk $0xffff, v32;
	v30 =	vor.u32 s3, v2;
	v31 =	vmul.f32 v31, v23  }
0x4c2: {  	s22 =	simm.s32 $0x480;
	v62 =	vadd.s32 s8, v14;
	v35 =	vmul.f32 v54, v18;
	v34 =	vld.idx.msk [tilespmem:v53+s4+$0x0], $0xffff;
	[tilespmem:v55+s25+$0x0] =	vst.idx.msk $0xffff, v25;
	v25 =	vadd.s32 s3, v17  }
0x4c3: {  	v45 =	vadd.s32 s18, v17;
	v54 =	vadd.s32 s22, v20;
	v27 =	vld.idx.msk [tilespmem:v27+s4+$0x0], $0xffff;
	[tilespmem:v28+s25+$0x0] =	vst.idx.msk $0xffff, v31;
	v26 =	vmul.f32 v26, v11  }
0x4c4: {  	[tilespmem:v56+s25+$0x0] =	vst.idx.msk $0xffff, v35;
	v28 =	vor.u32 s8, v4;
	v31 =	vadd.s32 s2, v21;
	v33 =	vmul.f32 v33, v18;
	v61 =	vld.idx.msk [tilespmem:v57+s4+$0x0], $0xffff  }
0x4c5: {  	s7 =	simm.s32 $0x400;
	v46 =	vor.u32 s0, v2;
	v24 =	vmul.f32 v24, v22;
	v63 =	vld.idx.msk [tilespmem:v58+s4+$0x0], $0xffff;
	[tilespmem:v40+s25+$0x0] =	vst.idx.msk $0xffff, v26;
	v26 =	vor.u32 s18, v2  }
0x4c6: {  	v43 =	vadd.s32 s7, v20;
	v44 =	vadd.s32 s3, v14;
	v29 =	vmul.f32 v29, v22;
	[tilespmem:v30+s25+$0x0] =	vst.idx.msk $0xffff, v33;
	v30 =	vld.idx.msk [tilespmem:v59+s4+$0x0], $0xffff  }
0x4c7: {  	v47 =	vadd.s32 s0, v17;
	v48 =	vor.u32 s20, v3;
	[tilespmem:v41+s25+$0x0] =	vst.idx.msk $0xffff, v24;
	v24 =	vmul.f32 v34, v13;
	v25 =	vld.idx.msk [tilespmem:v25+s4+$0x0], $0xffff  }
0x4c8: {  	v49 =	vor.u32 s9, v6;
	v33 =	vld.idx.msk [tilespmem:v54+s4+$0x0], $0xffff;
	[tilespmem:v42+s25+$0x0] =	vst.idx.msk $0xffff, v29;
	v29 =	vadd.s32 s20, v16;
	v50 =	vmul.f32 v27, v18  }
0x4c9: {  	v51 =	vadd.s32 s9, v9;
	v31 =	vld.idx.msk [tilespmem:v31+s4+$0x0], $0xffff;
	[tilespmem:v28+s25+$0x0] =	vst.idx.msk $0xffff, v24;
	v28 =	vor.u32 s3, v3;
	v24 =	vmul.f32 v61, v18  }
0x4ca: {  	s6 =	simm.s32 $0x580;
	v52 =	vadd.s32 s3, v16;
	v53 =	vor.u32 s1, v1;
	v36 =	vld.idx.msk [tilespmem:v60+s4+$0x0], $0xffff;
	v38 =	vmul.f32 v63, v15;
	[tilespmem:v26+s25+$0x0] =	vst.idx.msk $0xffff, v50  }
0x4cb: {  	v55 =	vadd.s32 s6, v20;
	v35 =	vadd.s32 s20, v12;
	v32 =	vld.idx.msk [tilespmem:v45+s4+$0x0], $0xffff;
	[tilespmem:v46+s25+$0x0] =	vst.idx.msk $0xffff, v24;
	v30 =	vmul.f32 v30, v10  }
0x4cc: {  	s5 =	simm.s32 $0x500;
	v58 =	vor.u32 s3, v4;
	v57 =	vor.u32 s0, v3;
	[tilespmem:v48+s25+$0x0] =	vst.idx.msk $0xffff, v38;
	v25 =	vmul.f32 v25, v15;
	v34 =	vld.idx.msk [tilespmem:v47+s4+$0x0], $0xffff  }
0x4cd: {  	v56 =	vor.u32 s18, v3;
	v40 =	vor.u32 s5, v0;
	v54 =	vor.u32 s18, v4;
	v29 =	vld.idx.msk [tilespmem:v29+s4+$0x0], $0xffff;
	[tilespmem:v49+s25+$0x0] =	vst.idx.msk $0xffff, v30  }
0x4ce: {  	v59 =	vadd.s32 s20, v14;
	v30 =	vmul.f32 v31, v23;
	v31 =	vadd.s32 s5, v20;
	[tilespmem:v28+s25+$0x0] =	vst.idx.msk $0xffff, v25;
	v25 =	vld.idx.msk [tilespmem:v51+s4+$0x0], $0xffff  }
0x4cf: {  	v36 =	vmul.f32 v36, v23;
	v46 =	vor.u32 s20, v4;
	v28 =	vadd.s32 s18, v16;
	v42 =	vld.idx.msk [tilespmem:v52+s4+$0x0], $0xffff  }
0x4d0: {  	v43 =	vld.idx.msk [tilespmem:v43+s4+$0x0], $0xffff;
	v48 =	vor.u32 s9, v7;
	v45 =	vadd.s32 s0, v16;
	v32 =	vmul.f32 v32, v15  }
0x4d1: {  	v60 =	vor.u32 s2, v1;
	v37 =	vld.idx.msk [tilespmem:v62+s4+$0x0], $0xffff;
	v47 =	vadd.s32 s1, v19;
	[tilespmem:v53+s25+$0x0] =	vst.idx.msk $0xffff, v36;
	v34 =	vmul.f32 v34, v15  }
0x4d2: {  	v27 =	vor.u32 s8, v7;
	v36 =	vld.idx.msk [tilespmem:v55+s4+$0x0], $0xffff;
	v49 =	vor.u32 s7, v0;
	v29 =	vmul.f32 v29, v13;
	[tilespmem:v56+s25+$0x0] =	vst.idx.msk $0xffff, v32  }
0x4d3: {  	v63 =	vor.u32 s6, v0;
	v50 =	vor.u32 s22, v0;
	v31 =	vld.idx.msk [tilespmem:v31+s4+$0x0], $0xffff;
	[tilespmem:v57+s25+$0x0] =	vst.idx.msk $0xffff, v34;
	v25 =	vmul.f32 v25, v8  }
0x4d4: {  	v61 =	vadd.s32 s7, v21;
	v62 =	vadd.s32 s22, v21;
	v28 =	vld.idx.msk [tilespmem:v28+s4+$0x0], $0xffff;
	v42 =	vmul.f32 v42, v13;
	[tilespmem:v46+s25+$0x0] =	vst.idx.msk $0xffff, v29  }
0x4d5: {  	v26 =	vadd.s32 s1, v16;
	v24 =	vor.u32 s18, v7;
	v29 =	vmul.f32 v43, v22;
	v45 =	vld.idx.msk [tilespmem:v45+s4+$0x0], $0xffff;
	[tilespmem:v48+s25+$0x0] =	vst.idx.msk $0xffff, v25  }
0x4d6: {  	v53 =	vadd.s32 s6, v21;
	v52 =	vadd.s32 s2, v19;
	v46 =	vld.idx.msk [tilespmem:v47+s4+$0x0], $0xffff;
	v25 =	vmul.f32 v33, v22;
	[tilespmem:v58+s25+$0x0] =	vst.idx.msk $0xffff, v42  }
0x4d7: {  	v56 =	vor.u32 s0, v4;
	v55 =	vld.idx.msk [tilespmem:v59+s4+$0x0], $0xffff;
	[tilespmem:v49+s25+$0x0] =	vst.idx.msk $0xffff, v29;
	v29 =	vadd.s32 s5, v21  }
0x4d8: {  	v44 =	vld.idx.msk [tilespmem:v44+s4+$0x0], $0xffff;
	[tilespmem:v50+s25+$0x0] =	vst.idx.msk $0xffff, v25;
	v25 =	vmul.f32 v31, v22;
	v31 =	vmul.f32 v36, v22  }
0x4d9: {  	v51 =	vadd.s32 s8, v9;
	[tilespmem:v60+s25+$0x0] =	vst.idx.msk $0xffff, v30;
	v30 =	vor.u32 s8, v5;
	v57 =	vadd.s32 s0, v14;
	v39 =	vld.idx.msk [tilespmem:v61+s4+$0x0], $0xffff  }
0x4da: {  	v58 =	vadd.s32 s8, v12;
	v61 =	vor.u32 s3, v5;
	v34 =	vld.idx.msk [tilespmem:v62+s4+$0x0], $0xffff;
	[tilespmem:v63+s25+$0x0] =	vst.idx.msk $0xffff, v31;
	v60 =	vmul.f32 v45, v13  }
0x4db: {  	v59 =	vadd.s32 s3, v12;
	v62 =	vor.u32 s20, v5;
	v31 =	vld.idx.msk [tilespmem:v52+s4+$0x0], $0xffff;
	[tilespmem:v40+s25+$0x0] =	vst.idx.msk $0xffff, v25;
	v25 =	vmul.f32 v28, v13  }
0x4dc: {  	v43 =	vadd.s32 s7, v17;
	v28 =	vmul.f32 v37, v11;
	v52 =	vor.u32 s7, v1;
	v63 =	vld.idx.msk [tilespmem:v53+s4+$0x0], $0xffff;
	[tilespmem:v56+s25+$0x0] =	vst.idx.msk $0xffff, v60  }
0x4dd: {  	v49 =	vld.idx.msk [tilespmem:v29+s4+$0x0], $0xffff;
	v53 =	vadd.s32 s7, v19;
	[tilespmem:v54+s25+$0x0] =	vst.idx.msk $0xffff, v25;
	v54 =	vor.u32 s2, v2;
	v25 =	vmul.f32 v44, v11  }
0x4de: {  	v47 =	vadd.s32 s6, v17;
	v38 =	vmul.f32 v55, v11;
	v29 =	vadd.s32 s2, v17;
	[tilespmem:v30+s25+$0x0] =	vst.idx.msk $0xffff, v28;
	v42 =	vld.idx.msk [tilespmem:v57+s4+$0x0], $0xffff  }
0x4df: {  	v55 =	vor.u32 s6, v1;
	v39 =	vmul.f32 v39, v23;
	v32 =	vld.idx.msk [tilespmem:v58+s4+$0x0], $0xffff;
	v57 =	vadd.s32 s18, v14;
	[tilespmem:v61+s25+$0x0] =	vst.idx.msk $0xffff, v25  }
0x4e0: {  	v40 =	vor.u32 s1, v2;
	v56 =	vadd.s32 s6, v19;
	[tilespmem:v62+s25+$0x0] =	vst.idx.msk $0xffff, v38;
	v31 =	vmul.f32 v31, v18;
	v36 =	vld.idx.msk [tilespmem:v59+s4+$0x0], $0xffff  }
0x4e1: {  	v46 =	vmul.f32 v46, v18;
	v58 =	vor.u32 s0, v5;
	v61 =	vadd.s32 s1, v17;
	[tilespmem:v52+s25+$0x0] =	vst.idx.msk $0xffff, v39;
	v39 =	vld.idx.msk [tilespmem:v35+s4+$0x0], $0xffff  }
0x4e2: {  	v45 =	vor.u32 s7, v2;
	v60 =	vadd.s32 s0, v12;
	v59 =	vmul.f32 v63, v23;
	v41 =	vld.idx.msk [tilespmem:v53+s4+$0x0], $0xffff;
	[tilespmem:v54+s25+$0x0] =	vst.idx.msk $0xffff, v31  }
0x4e3: {  	v30 =	vor.u32 s22, v1;
	v28 =	vadd.s32 s22, v16;
	v63 =	vor.u32 s8, v6;
	v62 =	vld.idx.msk [tilespmem:v29+s4+$0x0], $0xffff  }
0x4e4: {  	v25 =	vor.u32 s7, v7;
	v54 =	vor.u32 s20, v6;
	[tilespmem:v55+s25+$0x0] =	vst.idx.msk $0xffff, v59;
	v42 =	vmul.f32 v42, v11;
	v29 =	vld.idx.msk [tilespmem:v57+s4+$0x0], $0xffff  }
0x4e5: {  	v33 =	vmul.f32 v34, v23;
	[tilespmem:v40+s25+$0x0] =	vst.idx.msk $0xffff, v46;
	v53 =	vor.u32 s3, v6;
	v55 =	vadd.s32 s20, v9;
	v52 =	vld.idx.msk [tilespmem:v56+s4+$0x0], $0xffff  }
0x4e6: {  	v38 =	vadd.s32 s2, v16;
	v31 =	vadd.s32 s3, v9;
	v32 =	vmul.f32 v32, v10;
	v40 =	vld.idx.msk [tilespmem:v61+s4+$0x0], $0xffff;
	[tilespmem:v58+s25+$0x0] =	vst.idx.msk $0xffff, v42  }
0x4e7: {  	v35 =	vor.u32 s0, v6;
	v46 =	vor.u32 s6, v2;
	v57 =	vmul.f32 v39, v10;
	v34 =	vld.idx.msk [tilespmem:v60+s4+$0x0], $0xffff  }
0x4e8: {  	v56 =	vmul.f32 v36, v10;
	v42 =	vor.u32 s2, v3;
	v36 =	vmul.f32 v49, v23;
	[tilespmem:v63+s25+$0x0] =	vst.idx.msk $0xffff, v32  }
0x4e9: {  	v48 =	vmul.f32 v41, v18;
	v41 =	vor.u32 s1, v3;
	v32 =	vadd.s32 s0, v9;
	v39 =	vld.idx.msk [tilespmem:v51+s4+$0x0], $0xffff;
	[tilespmem:v54+s25+$0x0] =	vst.idx.msk $0xffff, v57  }
0x4ea: {  	s8 =	simm.s32 $0xC;
	[tilespmem:v53+s25+$0x0] =	vst.idx.msk $0xffff, v56;
	v44 =	vmul.f32 v62, v15;
	v37 =	vld.idx.msk [tilespmem:v55+s4+$0x0], $0xffff;
	v49 =	vmul.f32 v52, v18  }
.LBB2_15:
0x4eb: {  	s9 =	sshll.u32 s8, $0x7;
	p1 =	slt.u32 s8, $0x9C;
	s8 =	sadd.s32 $0x4, s8;
	[tilespmem:v45+s25+$0x0] =	vst.idx.msk $0xffff, v48;
	v45 =	vld.idx.msk [tilespmem:v31+s4+$0x0], $0xffff;
	v48 =	vor.u32 s3, v7;
	v50 =	vor.u32 s20, v7  }
0x4ec: {  	v31 =	vadd.s32 s2, v12;
	v51 =	vadd.s32 s9, v20;
	s10 =	sadd.s32 $0x80, s9;
	s11 =	sadd.s32 $0x100, s9;
	s12 =	sadd.s32 $0x180, s9;
	v43 =	vld.idx.msk [tilespmem:v43+s4+$0x0], $0xffff;
	[tilespmem:v46+s25+$0x0] =	vst.idx.msk $0xffff, v49;
	v46 =	vmul.f32 v34, v10  }
0x4ed: {  	v40 =	vmul.f32 v40, v15;
	s3 =	smov.u32 s1;
	s1 =	smov.u32 s22;
	v49 =	vadd.s32 s10, v20;
	v52 =	vadd.s32 s11, v20;
	v47 =	vld.idx.msk [tilespmem:v47+s4+$0x0], $0xffff;
	[tilespmem:v42+s25+$0x0] =	vst.idx.msk $0xffff, v44;
	s22 =	smov.u32 s10  }
0x4ee: {  	s20 =	smov.u32 s2;
	s2 =	smov.u32 s5;
	v44 =	vadd.s32 s12, v20;
	s5 =	smov.u32 s11;
	v42 =	vor.u32 s22, v1;
	v34 =	vadd.s32 s22, v16;
	v38 =	vld.idx.msk [tilespmem:v38+s4+$0x0], $0xffff;
	[tilespmem:v35+s25+$0x0] =	vst.idx.msk $0xffff, v46  }
0x4ef: {  	v39 =	vmul.f32 v39, v8;
	v35 =	vor.u32 s7, v3;
	[tilespmem:v41+s25+$0x0] =	vst.idx.msk $0xffff, v40;
	v40 =	vadd.s32 s3, v14;
	v32 =	vld.idx.msk [tilespmem:v32+s4+$0x0], $0xffff  }
0x4f0: {  	v41 =	vadd.s32 s7, v16;
	[tilespmem:v30+s25+$0x0] =	vst.idx.msk $0xffff, v33;
	v30 =	vor.u32 s6, v3;
	v26 =	vld.idx.msk [tilespmem:v26+s4+$0x0], $0xffff;
	v33 =	vmul.f32 v37, v8  }
0x4f1: {  	v46 =	vadd.s32 s6, v16;
	v37 =	vld.idx.msk [tilespmem:v51+s4+$0x0], $0xffff;
	v51 =	vor.u32 s20, v4;
	[tilespmem:v27+s25+$0x0] =	vst.idx.msk $0xffff, v39;
	v27 =	vmul.f32 v45, v8  }
0x4f2: {  	v43 =	vmul.f32 v43, v15;
	v45 =	vadd.s32 s1, v19;
	v39 =	vld.idx.msk [tilespmem:v49+s4+$0x0], $0xffff;
	v49 =	vor.u32 s0, v7;
	[tilespmem:v50+s25+$0x0] =	vst.idx.msk $0xffff, v33;
	s0 =	smov.u32 s6;
	s6 =	smov.u32 s12  }
0x4f3: {  	v50 =	vadd.s32 s20, v14;
	v33 =	vld.idx.msk [tilespmem:v44+s4+$0x0], $0xffff;
	v44 =	vmul.f32 v47, v15;
	v47 =	vor.u32 s3, v4;
	[tilespmem:v48+s25+$0x0] =	vst.idx.msk $0xffff, v27  }
0x4f4: {  	v27 =	vor.u32 s9, v0;
	v38 =	vmul.f32 v38, v13;
	v48 =	vld.idx.msk [tilespmem:v52+s4+$0x0], $0xffff;
	[tilespmem:v35+s25+$0x0] =	vst.idx.msk $0xffff, v43;
	v35 =	vor.u32 s2, v1  }
0x4f5: {  	v43 =	vadd.s32 s9, v21;
	v52 =	vor.u32 s22, v0;
	v41 =	vld.idx.msk [tilespmem:v41+s4+$0x0], $0xffff;
	[tilespmem:v30+s25+$0x0] =	vst.idx.msk $0xffff, v44;
	v30 =	vmul.f32 v32, v8  }
0x4f6: {  	v32 =	vadd.s32 s22, v21;
	v44 =	vor.u32 s5, v0;
	v26 =	vmul.f32 v26, v13;
	v46 =	vld.idx.msk [tilespmem:v46+s4+$0x0], $0xffff;
	[tilespmem:v51+s25+$0x0] =	vst.idx.msk $0xffff, v38  }
0x4f7: {  	v37 =	vmul.f32 v37, v22;
	v38 =	vor.u32 s6, v0;
	v51 =	vadd.s32 s2, v19;
	v45 =	vld.idx.msk [tilespmem:v45+s4+$0x0], $0xffff;
	[tilespmem:v49+s25+$0x0] =	vst.idx.msk $0xffff, v30  }
0x4f8: {  	v53 =	vor.u32 s7, v4;
	v39 =	vmul.f32 v39, v22;
	v49 =	vadd.s32 s6, v21;
	[tilespmem:v47+s25+$0x0] =	vst.idx.msk $0xffff, v26;
	v47 =	vld.idx.msk [tilespmem:v50+s4+$0x0], $0xffff  }
0x4f9: {  	v50 =	vadd.s32 s0, v14;
	[tilespmem:v27+s25+$0x0] =	vst.idx.msk $0xffff, v37;
	v27 =	vadd.s32 s5, v21;
	v37 =	vor.u32 s0, v4;
	v40 =	vld.idx.msk [tilespmem:v40+s4+$0x0], $0xffff;
	v30 =	vmovc v42  }
0x4fa: {  	v33 =	vmul.f32 v33, v22;
	v42 =	vld.idx.msk [tilespmem:v43+s4+$0x0], $0xffff;
	[tilespmem:v52+s25+$0x0] =	vst.idx.msk $0xffff, v39;
	v39 =	vmul.f32 v48, v22  }
0x4fb: {  	v26 =	vmovc v28;
	v43 =	vadd.s32 s3, v12;
	v32 =	vld.idx.msk [tilespmem:v32+s4+$0x0], $0xffff;
	[tilespmem:v35+s25+$0x0] =	vst.idx.msk $0xffff, v36;
	v35 =	vor.u32 s18, v5;
	v36 =	vadd.s32 s18, v12  }
0x4fc: {  	[tilespmem:v38+s25+$0x0] =	vst.idx.msk $0xffff, v33;
	v28 =	vld.idx.msk [tilespmem:v51+s4+$0x0], $0xffff;
	v33 =	vmul.f32 v46, v13;
	v38 =	vor.u32 s3, v5;
	v46 =	vor.u32 s20, v5  }
0x4fd: {  	v29 =	vmul.f32 v29, v11;
	v41 =	vmul.f32 v41, v13;
	[tilespmem:v44+s25+$0x0] =	vst.idx.msk $0xffff, v39;
	v39 =	vld.idx.msk [tilespmem:v49+s4+$0x0], $0xffff  }
0x4fe: {  	v48 =	vadd.s32 s2, v17;
	v44 =	vor.u32 s9, v1;
	v49 =	vld.idx.msk [tilespmem:v27+s4+$0x0], $0xffff;
	[tilespmem:v37+s25+$0x0] =	vst.idx.msk $0xffff, v33;
	v27 =	vmul.f32 v47, v11  }
0x4ff: {  	v37 =	vadd.s32 s9, v19;
	v40 =	vmul.f32 v40, v11;
	[tilespmem:v53+s25+$0x0] =	vst.idx.msk $0xffff, v41;
	v41 =	vor.u32 s2, v2;
	v47 =	vld.idx.msk [tilespmem:v50+s4+$0x0], $0xffff  }
0x500: {  	v45 =	vmul.f32 v45, v18;
	v42 =	vmul.f32 v42, v23;
	v50 =	vor.u32 s6, v1;
	[tilespmem:v35+s25+$0x0] =	vst.idx.msk $0xffff, v29  }
0x501: {  	v33 =	vmul.f32 v32, v23;
	v29 =	vadd.s32 s6, v19;
	v32 =	vor.u32 s1, v2;
	v36 =	vld.idx.msk [tilespmem:v36+s4+$0x0], $0xffff;
	[tilespmem:v38+s25+$0x0] =	vst.idx.msk $0xffff, v40  }
0x502: {  	v35 =	vadd.s32 s7, v14;
	v52 =	vmul.f32 v28, v18;
	v40 =	vor.u32 s0, v5;
	v43 =	vld.idx.msk [tilespmem:v43+s4+$0x0], $0xffff;
	[tilespmem:v46+s25+$0x0] =	vst.idx.msk $0xffff, v27  }
0x503: {  	v38 =	vmul.f32 v39, v23;
	v39 =	vadd.s32 s0, v12;
	[tilespmem:v44+s25+$0x0] =	vst.idx.msk $0xffff, v42;
	v42 =	vor.u32 s9, v7;
	v44 =	vld.idx.msk [tilespmem:v31+s4+$0x0], $0xffff  }
0x504: {  	v51 =	vadd.s32 s1, v17;
	v28 =	vmovc v34;
	v27 =	vmov v24;
	v31 =	vadd.s32 s3, v9;
	v37 =	vld.idx.msk [tilespmem:v37+s4+$0x0], $0xffff;
	[tilespmem:v41+s25+$0x0] =	vst.idx.msk $0xffff, v52  }
0x505: {  	v34 =	vmul.f32 v47, v11;
	v52 =	vadd.s32 s18, v9;
	[tilespmem:v50+s25+$0x0] =	vst.idx.msk $0xffff, v38;
	v41 =	vld.idx.msk [tilespmem:v48+s4+$0x0], $0xffff;
	v50 =	vor.u32 s18, v6;
	s18 =	smov.u32 s7;
	s7 =	smov.u32 s9  }
0x506: {  	v54 =	vor.u32 s3, v6;
	v55 =	vadd.s32 s20, v9;
	v24 =	vmovc v25;
	v53 =	vld.idx.msk [tilespmem:v29+s4+$0x0], $0xffff;
	[tilespmem:v32+s25+$0x0] =	vst.idx.msk $0xffff, v45;
	v32 =	vor.u32 s20, v6  }
0x507: {  	v25 =	vmov v42;
	v38 =	vadd.s32 s2, v16;
	v29 =	vld.idx.msk [tilespmem:v35+s4+$0x0], $0xffff;
	[tilespmem:v40+s25+$0x0] =	vst.idx.msk $0xffff, v34;
	v35 =	vor.u32 s0, v6  }
.Ltmp9:
0x508: {  	v45 =	vor.u32 s7, v2;
	v36 =	vmul.f32 v36, v10;
	v56 =	vmul.f32 v43, v10;
	v34 =	vld.idx.msk [tilespmem:v39+s4+$0x0], $0xffff;
	(pc) =	sbr.rel @p1 .LBB2_15-.Ltmp9, $4  }
0x509: {  	v46 =	vor.u32 s6, v2;
	v43 =	vadd.s32 s7, v17;
	v40 =	vld.idx.msk [tilespmem:v51+s4+$0x0], $0xffff;
	v51 =	vmul.f32 v44, v10  }
0x50a: {  	v47 =	vadd.s32 s6, v17;
	v42 =	vor.u32 s2, v3;
	v48 =	vmul.f32 v37, v18;
	[tilespmem:v50+s25+$0x0] =	vst.idx.msk $0xffff, v36  }
0x50b: {  	v36 =	vmul.f32 v49, v23;
	v44 =	vmul.f32 v41, v15;
	v39 =	vld.idx.msk [tilespmem:v52+s4+$0x0], $0xffff;
	[tilespmem:v32+s25+$0x0] =	vst.idx.msk $0xffff, v51  }
0x50c: {  	v41 =	vor.u32 s1, v3;
	v49 =	vmul.f32 v53, v18;
	v32 =	vadd.s32 s0, v9;
	[tilespmem:v54+s25+$0x0] =	vst.idx.msk $0xffff, v56;
	v37 =	vld.idx.msk [tilespmem:v55+s4+$0x0], $0xffff  }
.Ltmp10:
0x50d: {  	_ = 	snop;
	(pc) =	sbr.rel .LBB2_16-.Ltmp10, $1  }
0x50e: {  	_ =	sdelay $0x3  }
.LBB2_18:
0x50f: {  	_ =	sfence.sel $0x180000  }
0x510: {  	[bflag:$0x0] =	sbarrier.arrive $0xFFFF  }
0x511: {  	_ =	strace $0x90000047  }
0x512: {  	s0 =	stileid.u32;
	[bflag:$0x2] =	sbarrier.arrive $0xFFFF  }
0x513: {  	p0 =	sne.s32 s0, $0x0;
	s0 =	rddreg [dreg:$0x3]  }
0x514: {  	s0 =	sadd.s32 @!p0 $0x100000, s0  }
0x515: {  	[sflag:s0] =	ssyncadd.tile.s32 @!p0 $0x1;
	_ =	shalt  }
.Lfunc_end2:
_tile_overlayer_lowered:
.L_overlay_start_2:
0x516: {  	(tag) =	ssettag $0x2  }
0x517: {  	s0 =	rddreg [dreg:$0x0];
	s2 =	stileid.u32  }
0x518: {  	s1 =	rddreg [dreg:$0x1];
	p0 =	sne.s32 s2, $0x0  }
0x519: {  	s3 =	rddreg [dreg:$0x2];
	[bflag:$0x3] =	sbarrier.arrive $0xFFFF;
	s2 =	simm.s32 @!p0 $0x1C05  }
0x51a: {  	[timem:s3], [sflag:s2] =	dma.local @!p0 [hbm:s0], s1  }
0x51b: {  	s0 =	simm.s32 @!p0 $0x5  }
0x51c: {  	_ =	swait.ge @!p0 [sflag:s0], s1  }
0x51d: {  	s1 =	ssub.s32 @!p0 $0x0, s1;
	[sflag:s0] =	ssyncset.done @!p0 $0x0  }
0x51e: {  	[sflag:s0] =	ssyncadd.s32 @!p0 s1  }
0x51f: {  	[bflag:$0x3] =	sbarrier.arrive $0xFFFF  }
0x520: {  	_ =	shalt  }

</sc_bundles>
